<compile_context>
chip_gen: v7x
topology: tpu7x:2x2x1
jax: 0.10.2.dev20260603
libtpu: 0.0.44.dev20260713+nightly
codegen_flags: <defaults>
</compile_context>

<pallas_src>
import functools
import math

import jax
import jax.numpy as jnp
from jax import lax
from jax.experimental import pallas as pl
from jax.experimental.pallas import tpu as pltpu
from jax.experimental.pallas import tpu_sc as plsc

D = 64
SCALE = 8.0



@functools.cache
def _build(NI: int, NJ: int):
    info = plsc.get_sparse_core_info()
    NC, NS, L = info.num_cores, info.num_subcores, info.num_lanes
    NW = NC * NS
    B = NI * NJ
    assert B % NW == 0
    b_per_w = B // NW
    G = 128
    assert b_per_w % (2 * G) == 0
    ngrp = b_per_w // G
    NI128 = NI // 128
    mesh = plsc.VectorSubcoreMesh(core_axis_name="c", subcore_axis_name="s")

    @functools.partial(
        pl.kernel,
        out_type=jax.ShapeDtypeStruct((NJ, 8, NI128, 8, 128), jnp.float32),
        mesh=mesh,
        compiler_params=pltpu.CompilerParams(
            use_tc_tiling_on_sc=False, needs_layout_passes=False),
        scratch_types=[
            pltpu.VMEM((b_per_w,), jnp.int32),
            pltpu.VMEM((G, D), jnp.float32),
            pltpu.VMEM((G, D), jnp.float32),
            pltpu.VMEM((D, 129), jnp.float32),
            pltpu.VMEM((D, 129), jnp.float32),
            pltpu.SemaphoreType.DMA,
            pltpu.SemaphoreType.DMA,
            pltpu.SemaphoreType.DMA,
            pltpu.SemaphoreType.DMA,
        ],
    )
    def emb(table_hbm, idx_hbm, out_hbm, idx_v, rows0, rows1, tb0, tb1,
            gsem0, gsem1, osem0, osem1):
        wid = lax.axis_index("s") * NC + lax.axis_index("c")
        base = wid * b_per_w
        rows = (rows0, rows1)
        tb = (tb0, tb1)
        gsem = (gsem0, gsem1)
        osem = (osem0, osem1)
        pltpu.sync_copy(idx_hbm.at[pl.ds(base, b_per_w)], idx_v)
        iota16 = lax.iota(jnp.int32, 16)

        def gather_desc(g, b):
            return pltpu.make_async_copy(
                table_hbm.at[idx_v.at[pl.ds(g * G, G)]], rows[b], gsem[b])

        def out_descs(g, b):
            bb = wid * ngrp + g
            j = bb // NI128
            i128 = bb % NI128
            return [
                pltpu.make_async_copy(
                    tb[b].at[pl.ds(f8 * 8, 8), pl.ds(0, 128)],
                    out_hbm.at[j, f8, i128],
                    osem[b],
                )
                for f8 in range(8)
            ]

        fidx = [iota16 + (k * L) for k in range(D // L)]

        def transpose_scale(b):
            rows_b = rows[b]
            tb_b = tb[b]

            @plsc.parallel_loop(0, G, step=4, unroll=4)
            def row_body(ic4):
                for u in range(4):
                    ic = ic4 + u
                    cidx = jnp.full((16,), 0, jnp.int32) + ic
                    for k in range(D // L):
                        v = rows_b[ic, pl.ds(k * L, L)] * SCALE
                        plsc.store_scatter(tb_b, [fidx[k], cidx], v)

        gather_desc(0, 0).start()

        def body(t, carry):
            for b in range(2):
                g = 2 * t + b

                @pl.when(g + 1 < ngrp)
                def _():
                    gather_desc(g + 1, 1 - b).start()

                gather_desc(g, b).wait()

                @pl.when(g >= 2)
                def _():
                    for d in out_descs(g - 2, b):
                        d.wait()

                transpose_scale(b)
                for d in out_descs(g, b):
                    d.start()
            return carry

        lax.fori_loop(0, ngrp // 2, body, 0)
        for d in out_descs(ngrp - 2, 0):
            d.wait()
        for d in out_descs(ngrp - 1, 1):
            d.wait()

    return emb


def kernel(x, table):
    NI, NJ = x.shape
    xf = jnp.swapaxes(x, 0, 1).reshape(-1).astype(jnp.int32)
    L5 = _build(NI, NJ)(table, xf)
    return L5.transpose(2, 4, 0, 1, 3).reshape(NI, NJ, D)

# --- scband reference (transcript-rebuilt; emitter-appended) ---
"""Pipeline reference for scband-input-embedding-13254269076000 (READ-ONLY COPY).

The authoritative reference and input builder live on the scoring server;
editing this copy changes nothing except your own understanding.
"""

import jax, jax.numpy as jnp
import numpy as np
import math

D_MODEL = 64
VOCAB_SIZE = 1000000

def setup_inputs(seed: int = 0) -> dict:
    key = jax.random.key(seed)
    k1, k2 = jax.random.split(key)
    x = jax.random.randint(k1, (4096, 200), 0, VOCAB_SIZE, dtype=jnp.int64 if jax.config.jax_enable_x64 else jnp.int32)
    table = jax.random.normal(k2, (VOCAB_SIZE, D_MODEL), dtype=jnp.float32)
    return {"x": x, "table": table}

def reference(x, table):
    # torch.nn.Embedding lookup followed by sqrt(d_model) scaling
    emb = jnp.take(table, x, axis=0)
    return emb * math.sqrt(D_MODEL)

if __name__ == "__main__":
    import jax
    _d = setup_inputs()
    print(jax.jit(kernel)(*tuple(_d.values())))

</pallas_src>

<mosaic_0001>
#map = affine_map<(d0, d1) -> (0, 0)>
#map1 = affine_map<(d0, d1) -> (0)>
#map2 = affine_map<(d0, d1) -> (0, 0, 0, 0, 0)>
module attributes {stable_mosaic.version = 14 : i64} {
  func.func @emb(%arg0: i32, %arg1: i32, %arg2: memref<1000000x64xf32, #tpu.memory_space<hbm>>, %arg3: memref<819200xi32, #tpu.memory_space<hbm>>, %arg4: memref<200x8x32x8x128xf32, #tpu.memory_space<hbm>>, %arg5: memref<25600xi32, #tpu.memory_space<vmem>>, %arg6: memref<128x64xf32, #tpu.memory_space<vmem>>, %arg7: memref<128x64xf32, #tpu.memory_space<vmem>>, %arg8: memref<64x129xf32, #tpu.memory_space<vmem>>, %arg9: memref<64x129xf32, #tpu.memory_space<vmem>>, %arg10: memref<!tpu.dma_semaphore, #tpu.memory_space<semaphore_mem>>, %arg11: memref<!tpu.dma_semaphore, #tpu.memory_space<semaphore_mem>>, %arg12: memref<!tpu.dma_semaphore, #tpu.memory_space<semaphore_mem>>, %arg13: memref<!tpu.dma_semaphore, #tpu.memory_space<semaphore_mem>>) attributes {dimension_semantics = [#tpu.dimension_semantics<core_parallel>, #tpu.dimension_semantics<subcore_parallel>], iteration_bounds = array<i64: 2, 16>, scalar_prefetch = 0 : i64, scratch_operands = 9 : i64, tpu.core_type = #tpu.core_type<sc_vector_subcore>, window_params = [{transform_indices = #map}, {transform_indices = #map1}, {transform_indices = #map2}]} {
    %mul3A = arith.constant 2 : i32
    %mul3A_0 = arith.muli %arg1, %mul3A : i32
    %add3A = arith.addi %mul3A_0, %arg0 : i32
    %mul3A_1 = arith.constant 25600 : i32
    %mul3A_2 = arith.muli %add3A, %mul3A_1 : i32
    "tpu.region"() ({
      %run_scoped3A = tpu.sem_alloc : memref<!tpu.dma_semaphore, #tpu.memory_space<semaphore_mem>>
      %dma_start3A_341 = tpu.memref_slice %arg3[%mul3A_2] : memref<819200xi32, #tpu.memory_space<hbm>> -> memref<25600xi32, #tpu.memory_space<hbm>>
      %dma_start3A_342 = tpu.memref_slice %arg3[%mul3A_2] : memref<819200xi32, #tpu.memory_space<hbm>> -> memref<25600xi32, #tpu.memory_space<hbm>>
      tpu.enqueue_dma source(%dma_start3A_342 : memref<25600xi32, #tpu.memory_space<hbm>>) target(%arg5 : memref<25600xi32, #tpu.memory_space<vmem>>) target_semaphore(%run_scoped3A : memref<!tpu.dma_semaphore, #tpu.memory_space<semaphore_mem>>)
      %dma_wait3A_343 = tpu.memref_slice %arg3[%mul3A_2] : memref<819200xi32, #tpu.memory_space<hbm>> -> memref<25600xi32, #tpu.memory_space<hbm>>
      %dma_wait3A_344 = tpu.memref_slice %arg3[%mul3A_2] : memref<819200xi32, #tpu.memory_space<hbm>> -> memref<25600xi32, #tpu.memory_space<hbm>>
      tpu.wait_dma2 semaphore(%run_scoped3A : memref<!tpu.dma_semaphore, #tpu.memory_space<semaphore_mem>>) src(%dma_wait3A_344 : memref<25600xi32, #tpu.memory_space<hbm>>) dst(%arg5 : memref<25600xi32, #tpu.memory_space<vmem>>)
      tpu.yield
    }) : () -> ()
    %iota3A = tpu.iota {dimensions = array<i32: 0>} : vector<16xi32>
    %add3A_3 = arith.constant 0 : i32
    %add3A_4 = vector.broadcast %add3A_3 : i32 to vector<16xi32>
    %add3A_5 = arith.addi %iota3A, %add3A_4 : vector<16xi32>
    %add3A_6 = arith.constant 16 : i32
    %add3A_7 = vector.broadcast %add3A_6 : i32 to vector<16xi32>
    %add3A_8 = arith.addi %iota3A, %add3A_7 : vector<16xi32>
    %add3A_9 = arith.constant 32 : i32
    %add3A_10 = vector.broadcast %add3A_9 : i32 to vector<16xi32>
    %add3A_11 = arith.addi %iota3A, %add3A_10 : vector<16xi32>
    %add3A_12 = arith.constant 48 : i32
    %add3A_13 = vector.broadcast %add3A_12 : i32 to vector<16xi32>
    %add3A_14 = arith.addi %iota3A, %add3A_13 : vector<16xi32>
    %dma_start3A = arith.constant 0 : i32
    %dma_start3A_15 = tpu.memref_slice %arg5[%dma_start3A] : memref<25600xi32, #tpu.memory_space<vmem>> -> memref<128xi32, #tpu.memory_space<vmem>>
    %dma_start3A_16 = arith.constant 0 : i32
    %dma_start3A_17 = arith.constant 0 : i32
    %dma_start3A_18 = tpu.memref_slice %arg2[%dma_start3A_16, %dma_start3A_17] : memref<1000000x64xf32, #tpu.memory_space<hbm>> -> memref<1000000x64xf32, #tpu.memory_space<hbm>>
    tpu.enqueue_indirect_dma source(%dma_start3A_18 : memref<1000000x64xf32, #tpu.memory_space<hbm>>) target(%arg6 : memref<128x64xf32, #tpu.memory_space<vmem>>) offsets(%dma_start3A_15 : memref<128xi32, #tpu.memory_space<vmem>>) semaphore(%arg10 : memref<!tpu.dma_semaphore, #tpu.memory_space<semaphore_mem>>)
    %scan3A = arith.constant 0 : i32
    %scan3A_19 = arith.constant 0 : i32
    %scan3A_20 = arith.constant 100 : i32
    %scan3A_21 = arith.addi %scan3A_19, %scan3A_20 : i32
    %scan3A_22 = arith.constant 1 : i32
    scf.for %scan3A_341 = %scan3A_19 to %scan3A_21 step %scan3A_22  : i32 {
      %mul3A_342 = arith.constant 2 : i32
      %mul3A_343 = arith.muli %mul3A_342, %scan3A_341 : i32
      %add3A_344 = arith.constant 0 : i32
      %add3A_345 = arith.addi %mul3A_343, %add3A_344 : i32
      %add3A_346 = arith.constant 1 : i32
      %add3A_347 = arith.addi %add3A_345, %add3A_346 : i32
      %lt3A_348 = arith.constant 200 : i32
      %lt3A_349 = arith.cmpi slt, %add3A_347, %lt3A_348 : i32
      %convert_element_type3A = arith.extui %lt3A_349 : i1 to i32
      %cond3A = arith.constant 0 : i32
      %cond3A_350 = arith.cmpi ne, %convert_element_type3A, %cond3A : i32
      scf.if %cond3A_350 {
        %add3A_714 = arith.constant 1 : i32
        %add3A_715 = arith.addi %add3A_345, %add3A_714 : i32
        %mul3A_716 = arith.constant 128 : i32
        %mul3A_717 = arith.muli %add3A_715, %mul3A_716 : i32
        %dma_start3A_718 = tpu.memref_slice %arg5[%mul3A_717] : memref<25600xi32, #tpu.memory_space<vmem>> -> memref<128xi32, #tpu.memory_space<vmem>>
        %dma_start3A_719 = arith.constant 0 : i32
        %dma_start3A_720 = arith.constant 0 : i32
        %dma_start3A_721 = tpu.memref_slice %arg2[%dma_start3A_719, %dma_start3A_720] : memref<1000000x64xf32, #tpu.memory_space<hbm>> -> memref<1000000x64xf32, #tpu.memory_space<hbm>>
        tpu.enqueue_indirect_dma source(%dma_start3A_721 : memref<1000000x64xf32, #tpu.memory_space<hbm>>) target(%arg7 : memref<128x64xf32, #tpu.memory_space<vmem>>) offsets(%dma_start3A_718 : memref<128xi32, #tpu.memory_space<vmem>>) semaphore(%arg11 : memref<!tpu.dma_semaphore, #tpu.memory_space<semaphore_mem>>)
      } else {
      }
      %mul3A_351 = arith.constant 128 : i32
      %mul3A_352 = arith.muli %add3A_345, %mul3A_351 : i32
      %dma_wait3A_353 = tpu.memref_slice %arg5[%mul3A_352] : memref<25600xi32, #tpu.memory_space<vmem>> -> memref<128xi32, #tpu.memory_space<vmem>>
      %dma_wait3A_354 = arith.constant 0 : i32
      %dma_wait3A_355 = arith.constant 0 : i32
      %dma_wait3A_356 = tpu.memref_slice %arg2[%dma_wait3A_354, %dma_wait3A_355] : memref<1000000x64xf32, #tpu.memory_space<hbm>> -> memref<1000000x64xf32, #tpu.memory_space<hbm>>
      tpu.wait_indirect_dma semaphore(%arg10 : memref<!tpu.dma_semaphore, #tpu.memory_space<semaphore_mem>>) src(%dma_wait3A_356 : memref<1000000x64xf32, #tpu.memory_space<hbm>>) dst(%arg6 : memref<128x64xf32, #tpu.memory_space<vmem>>)
      %ge3A = arith.constant 2 : i32
      %ge3A_357 = arith.cmpi sge, %add3A_345, %ge3A : i32
      %convert_element_type3A_358 = arith.extui %ge3A_357 : i1 to i32
      %cond3A_359 = arith.constant 0 : i32
      %cond3A_360 = arith.cmpi ne, %convert_element_type3A_358, %cond3A_359 : i32
      scf.if %cond3A_360 {
        %sub3A_714 = arith.constant 2 : i32
        %sub3A_715 = arith.subi %add3A_345, %sub3A_714 : i32
        %mul3A_716 = arith.constant 200 : i32
        %mul3A_717 = arith.muli %add3A, %mul3A_716 : i32
        %add3A_718 = arith.addi %mul3A_717, %sub3A_715 : i32
        %jit3A_719 = arith.constant 32 : i32
        %div3A_720 = arith.divsi %add3A_718, %jit3A_719 : i32
        %sign3A_721 = arith.constant 0 : i32
        %sign3A_722 = arith.cmpi sgt, %add3A_718, %sign3A_721 : i32
        %sign3A_723 = arith.extui %sign3A_722 : i1 to i32
        %sign3A_724 = arith.constant 0 : i32
        %sign3A_725 = arith.cmpi slt, %add3A_718, %sign3A_724 : i32
        %sign3A_726 = arith.extui %sign3A_725 : i1 to i32
        %sign3A_727 = arith.subi %sign3A_723, %sign3A_726 : i32
        %sign3A_728 = arith.constant 0 : i32
        %sign3A_729 = arith.cmpi sgt, %jit3A_719, %sign3A_728 : i32
        %sign3A_730 = arith.extui %sign3A_729 : i1 to i32
        %sign3A_731 = arith.constant 0 : i32
        %sign3A_732 = arith.cmpi slt, %jit3A_719, %sign3A_731 : i32
        %sign3A_733 = arith.extui %sign3A_732 : i1 to i32
        %sign3A_734 = arith.subi %sign3A_730, %sign3A_733 : i32
        %ne3A_735 = arith.cmpi ne, %sign3A_727, %sign3A_734 : i32
        %rem3A_736 = arith.remsi %add3A_718, %jit3A_719 : i32
        %ne3A_737 = arith.constant 0 : i32
        %ne3A_738 = arith.cmpi ne, %rem3A_736, %ne3A_737 : i32
        %and3A_739 = arith.andi %ne3A_735, %ne3A_738 : i1
        %sub3A_740 = arith.constant 1 : i32
        %sub3A_741 = arith.subi %div3A_720, %sub3A_740 : i32
        %select_n3A_742 = arith.select %and3A_739, %sub3A_741, %div3A_720 : i32
        %jit3A_743 = arith.constant 32 : i32
        %eq3A_744 = arith.constant 0 : i32
        %eq3A_745 = arith.cmpi eq, %jit3A_743, %eq3A_744 : i32
        %jit3A_746 = arith.constant 1 : i32
        %select_n3A_747 = arith.select %eq3A_745, %jit3A_746, %jit3A_743 : i32
        %rem3A_748 = arith.remsi %add3A_718, %select_n3A_747 : i32
        %ne3A_749 = arith.constant 0 : i32
        %ne3A_750 = arith.cmpi ne, %rem3A_748, %ne3A_749 : i32
        %lt3A_751 = arith.constant 0 : i32
        %lt3A_752 = arith.cmpi slt, %rem3A_748, %lt3A_751 : i32
        %lt3A_753 = arith.constant 0 : i32
        %lt3A_754 = arith.cmpi slt, %select_n3A_747, %lt3A_753 : i32
        %ne3A_755 = arith.xori %lt3A_752, %lt3A_754 : i1
        %and3A_756 = arith.andi %ne3A_755, %ne3A_750 : i1
        %add3A_757 = arith.addi %rem3A_748, %select_n3A_747 : i32
        %select_n3A_758 = arith.select %and3A_756, %add3A_757, %rem3A_748 : i32
        %dma_wait3A_759 = arith.constant 0 : i32
        %dma_wait3A_760 = arith.constant 0 : i32
        %dma_wait3A_761 = arith.constant 0 : i32
        %dma_wait3A_762 = tpu.memref_slice %arg8[%dma_wait3A_760, %dma_wait3A_761] : memref<64x129xf32, #tpu.memory_space<vmem>> -> memref<8x128xf32, #tpu.memory_space<vmem>>
        %dma_wait3A_763 = arith.constant 0 : i32
        %dma_wait3A_764 = arith.constant 0 : i32
        %dma_wait3A_765 = tpu.memref_slice %arg4[%select_n3A_742, %dma_wait3A_759, %select_n3A_758, %dma_wait3A_763, %dma_wait3A_764] : memref<200x8x32x8x128xf32, #tpu.memory_space<hbm>> -> memref<1x1x1x8x128xf32, #tpu.memory_space<hbm>>
        %dma_wait3A_766 = tpu.memref_squeeze %dma_wait3A_765 : memref<1x1x1x8x128xf32, #tpu.memory_space<hbm>> -> memref<8x128xf32, #tpu.memory_space<hbm>>
        %dma_wait3A_767 = arith.constant 0 : i32
        %dma_wait3A_768 = arith.constant 0 : i32
        %dma_wait3A_769 = tpu.memref_slice %arg4[%select_n3A_742, %dma_wait3A_759, %select_n3A_758, %dma_wait3A_767, %dma_wait3A_768] : memref<200x8x32x8x128xf32, #tpu.memory_space<hbm>> -> memref<1x1x1x8x128xf32, #tpu.memory_space<hbm>>
        %dma_wait3A_770 = tpu.memref_squeeze %dma_wait3A_769 : memref<1x1x1x8x128xf32, #tpu.memory_space<hbm>> -> memref<8x128xf32, #tpu.memory_space<hbm>>
        %dma_wait3A_771 = arith.constant 0 : i32
        %dma_wait3A_772 = arith.constant 0 : i32
        %dma_wait3A_773 = tpu.memref_slice %arg8[%dma_wait3A_771, %dma_wait3A_772] : memref<64x129xf32, #tpu.memory_space<vmem>> -> memref<8x128xf32, #tpu.memory_space<vmem>>
        tpu.wait_dma2 semaphore(%arg12 : memref<!tpu.dma_semaphore, #tpu.memory_space<semaphore_mem>>) src(%dma_wait3A_773 : memref<8x128xf32, #tpu.memory_space<vmem>>) dst(%dma_wait3A_770 : memref<8x128xf32, #tpu.memory_space<hbm>>)
        %dma_wait3A_774 = arith.constant 1 : i32
        %dma_wait3A_775 = arith.constant 8 : i32
        %dma_wait3A_776 = arith.constant 0 : i32
        %dma_wait3A_777 = tpu.memref_slice %arg8[%dma_wait3A_775, %dma_wait3A_776] : memref<64x129xf32, #tpu.memory_space<vmem>> -> memref<8x128xf32, #tpu.memory_space<vmem>>
        %dma_wait3A_778 = arith.constant 0 : i32
        %dma_wait3A_779 = arith.constant 0 : i32
        %dma_wait3A_780 = tpu.memref_slice %arg4[%select_n3A_742, %dma_wait3A_774, %select_n3A_758, %dma_wait3A_778, %dma_wait3A_779] : memref<200x8x32x8x128xf32, #tpu.memory_space<hbm>> -> memref<1x1x1x8x128xf32, #tpu.memory_space<hbm>>
        %dma_wait3A_781 = tpu.memref_squeeze %dma_wait3A_780 : memref<1x1x1x8x128xf32, #tpu.memory_space<hbm>> -> memref<8x128xf32, #tpu.memory_space<hbm>>
        %dma_wait3A_782 = arith.constant 0 : i32
        %dma_wait3A_783 = arith.constant 0 : i32
        %dma_wait3A_784 = tpu.memref_slice %arg4[%select_n3A_742, %dma_wait3A_774, %select_n3A_758, %dma_wait3A_782, %dma_wait3A_783] : memref<200x8x32x8x128xf32, #tpu.memory_space<hbm>> -> memref<1x1x1x8x128xf32, #tpu.memory_space<hbm>>
        %dma_wait3A_785 = tpu.memref_squeeze %dma_wait3A_784 : memref<1x1x1x8x128xf32, #tpu.memory_space<hbm>> -> memref<8x128xf32, #tpu.memory_space<hbm>>
        %dma_wait3A_786 = arith.constant 8 : i32
        %dma_wait3A_787 = arith.constant 0 : i32
        %dma_wait3A_788 = tpu.memref_slice %arg8[%dma_wait3A_786, %dma_wait3A_787] : memref<64x129xf32, #tpu.memory_space<vmem>> -> memref<8x128xf32, #tpu.memory_space<vmem>>
        tpu.wait_dma2 semaphore(%arg12 : memref<!tpu.dma_semaphore, #tpu.memory_space<semaphore_mem>>) src(%dma_wait3A_788 : memref<8x128xf32, #tpu.memory_space<vmem>>) dst(%dma_wait3A_785 : memref<8x128xf32, #tpu.memory_space<hbm>>)
        %dma_wait3A_789 = arith.constant 2 : i32
        %dma_wait3A_790 = arith.constant 16 : i32
        %dma_wait3A_791 = arith.constant 0 : i32
        %dma_wait3A_792 = tpu.memref_slice %arg8[%dma_wait3A_790, %dma_wait3A_791] : memref<64x129xf32, #tpu.memory_space<vmem>> -> memref<8x128xf32, #tpu.memory_space<vmem>>
        %dma_wait3A_793 = arith.constant 0 : i32
        %dma_wait3A_794 = arith.constant 0 : i32
        %dma_wait3A_795 = tpu.memref_slice %arg4[%select_n3A_742, %dma_wait3A_789, %select_n3A_758, %dma_wait3A_793, %dma_wait3A_794] : memref<200x8x32x8x128xf32, #tpu.memory_space<hbm>> -> memref<1x1x1x8x128xf32, #tpu.memory_space<hbm>>
        %dma_wait3A_796 = tpu.memref_squeeze %dma_wait3A_795 : memref<1x1x1x8x128xf32, #tpu.memory_space<hbm>> -> memref<8x128xf32, #tpu.memory_space<hbm>>
        %dma_wait3A_797 = arith.constant 0 : i32
        %dma_wait3A_798 = arith.constant 0 : i32
        %dma_wait3A_799 = tpu.memref_slice %arg4[%select_n3A_742, %dma_wait3A_789, %select_n3A_758, %dma_wait3A_797, %dma_wait3A_798] : memref<200x8x32x8x128xf32, #tpu.memory_space<hbm>> -> memref<1x1x1x8x128xf32, #tpu.memory_space<hbm>>
        %dma_wait3A_800 = tpu.memref_squeeze %dma_wait3A_799 : memref<1x1x1x8x128xf32, #tpu.memory_space<hbm>> -> memref<8x128xf32, #tpu.memory_space<hbm>>
        %dma_wait3A_801 = arith.constant 16 : i32
        %dma_wait3A_802 = arith.constant 0 : i32
        %dma_wait3A_803 = tpu.memref_slice %arg8[%dma_wait3A_801, %dma_wait3A_802] : memref<64x129xf32, #tpu.memory_space<vmem>> -> memref<8x128xf32, #tpu.memory_space<vmem>>
        tpu.wait_dma2 semaphore(%arg12 : memref<!tpu.dma_semaphore, #tpu.memory_space<semaphore_mem>>) src(%dma_wait3A_803 : memref<8x128xf32, #tpu.memory_space<vmem>>) dst(%dma_wait3A_800 : memref<8x128xf32, #tpu.memory_space<hbm>>)
        %dma_wait3A_804 = arith.constant 3 : i32
        %dma_wait3A_805 = arith.constant 24 : i32
        %dma_wait3A_806 = arith.constant 0 : i32
        %dma_wait3A_807 = tpu.memref_slice %arg8[%dma_wait3A_805, %dma_wait3A_806] : memref<64x129xf32, #tpu.memory_space<vmem>> -> memref<8x128xf32, #tpu.memory_space<vmem>>
        %dma_wait3A_808 = arith.constant 0 : i32
        %dma_wait3A_809 = arith.constant 0 : i32
        %dma_wait3A_810 = tpu.memref_slice %arg4[%select_n3A_742, %dma_wait3A_804, %select_n3A_758, %dma_wait3A_808, %dma_wait3A_809] : memref<200x8x32x8x128xf32, #tpu.memory_space<hbm>> -> memref<1x1x1x8x128xf32, #tpu.memory_space<hbm>>
        %dma_wait3A_811 = tpu.memref_squeeze %dma_wait3A_810 : memref<1x1x1x8x128xf32, #tpu.memory_space<hbm>> -> memref<8x128xf32, #tpu.memory_space<hbm>>
        %dma_wait3A_812 = arith.constant 0 : i32
        %dma_wait3A_813 = arith.constant 0 : i32
        %dma_wait3A_814 = tpu.memref_slice %arg4[%select_n3A_742, %dma_wait3A_804, %select_n3A_758, %dma_wait3A_812, %dma_wait3A_813] : memref<200x8x32x8x128xf32, #tpu.memory_space<hbm>> -> memref<1x1x1x8x128xf32, #tpu.memory_space<hbm>>
        %dma_wait3A_815 = tpu.memref_squeeze %dma_wait3A_814 : memref<1x1x1x8x128xf32, #tpu.memory_space<hbm>> -> memref<8x128xf32, #tpu.memory_space<hbm>>
        %dma_wait3A_816 = arith.constant 24 : i32
        %dma_wait3A_817 = arith.constant 0 : i32
        %dma_wait3A_818 = tpu.memref_slice %arg8[%dma_wait3A_816, %dma_wait3A_817] : memref<64x129xf32, #tpu.memory_space<vmem>> -> memref<8x128xf32, #tpu.memory_space<vmem>>
        tpu.wait_dma2 semaphore(%arg12 : memref<!tpu.dma_semaphore, #tpu.memory_space<semaphore_mem>>) src(%dma_wait3A_818 : memref<8x128xf32, #tpu.memory_space<vmem>>) dst(%dma_wait3A_815 : memref<8x128xf32, #tpu.memory_space<hbm>>)
        %dma_wait3A_819 = arith.constant 4 : i32
        %dma_wait3A_820 = arith.constant 32 : i32
        %dma_wait3A_821 = arith.constant 0 : i32
        %dma_wait3A_822 = tpu.memref_slice %arg8[%dma_wait3A_820, %dma_wait3A_821] : memref<64x129xf32, #tpu.memory_space<vmem>> -> memref<8x128xf32, #tpu.memory_space<vmem>>
        %dma_wait3A_823 = arith.constant 0 : i32
        %dma_wait3A_824 = arith.constant 0 : i32
        %dma_wait3A_825 = tpu.memref_slice %arg4[%select_n3A_742, %dma_wait3A_819, %select_n3A_758, %dma_wait3A_823, %dma_wait3A_824] : memref<200x8x32x8x128xf32, #tpu.memory_space<hbm>> -> memref<1x1x1x8x128xf32, #tpu.memory_space<hbm>>
        %dma_wait3A_826 = tpu.memref_squeeze %dma_wait3A_825 : memref<1x1x1x8x128xf32, #tpu.memory_space<hbm>> -> memref<8x128xf32, #tpu.memory_space<hbm>>
        %dma_wait3A_827 = arith.constant 0 : i32
        %dma_wait3A_828 = arith.constant 0 : i32
        %dma_wait3A_829 = tpu.memref_slice %arg4[%select_n3A_742, %dma_wait3A_819, %select_n3A_758, %dma_wait3A_827, %dma_wait3A_828] : memref<200x8x32x8x128xf32, #tpu.memory_space<hbm>> -> memref<1x1x1x8x128xf32, #tpu.memory_space<hbm>>
        %dma_wait3A_830 = tpu.memref_squeeze %dma_wait3A_829 : memref<1x1x1x8x128xf32, #tpu.memory_space<hbm>> -> memref<8x128xf32, #tpu.memory_space<hbm>>
        %dma_wait3A_831 = arith.constant 32 : i32
        %dma_wait3A_832 = arith.constant 0 : i32
        %dma_wait3A_833 = tpu.memref_slice %arg8[%dma_wait3A_831, %dma_wait3A_832] : memref<64x129xf32, #tpu.memory_space<vmem>> -> memref<8x128xf32, #tpu.memory_space<vmem>>
        tpu.wait_dma2 semaphore(%arg12 : memref<!tpu.dma_semaphore, #tpu.memory_space<semaphore_mem>>) src(%dma_wait3A_833 : memref<8x128xf32, #tpu.memory_space<vmem>>) dst(%dma_wait3A_830 : memref<8x128xf32, #tpu.memory_space<hbm>>)
        %dma_wait3A_834 = arith.constant 5 : i32
        %dma_wait3A_835 = arith.constant 40 : i32
        %dma_wait3A_836 = arith.constant 0 : i32
        %dma_wait3A_837 = tpu.memref_slice %arg8[%dma_wait3A_835, %dma_wait3A_836] : memref<64x129xf32, #tpu.memory_space<vmem>> -> memref<8x128xf32, #tpu.memory_space<vmem>>
        %dma_wait3A_838 = arith.constant 0 : i32
        %dma_wait3A_839 = arith.constant 0 : i32
        %dma_wait3A_840 = tpu.memref_slice %arg4[%select_n3A_742, %dma_wait3A_834, %select_n3A_758, %dma_wait3A_838, %dma_wait3A_839] : memref<200x8x32x8x128xf32, #tpu.memory_space<hbm>> -> memref<1x1x1x8x128xf32, #tpu.memory_space<hbm>>
        %dma_wait3A_841 = tpu.memref_squeeze %dma_wait3A_840 : memref<1x1x1x8x128xf32, #tpu.memory_space<hbm>> -> memref<8x128xf32, #tpu.memory_space<hbm>>
        %dma_wait3A_842 = arith.constant 0 : i32
        %dma_wait3A_843 = arith.constant 0 : i32
        %dma_wait3A_844 = tpu.memref_slice %arg4[%select_n3A_742, %dma_wait3A_834, %select_n3A_758, %dma_wait3A_842, %dma_wait3A_843] : memref<200x8x32x8x128xf32, #tpu.memory_space<hbm>> -> memref<1x1x1x8x128xf32, #tpu.memory_space<hbm>>
        %dma_wait3A_845 = tpu.memref_squeeze %dma_wait3A_844 : memref<1x1x1x8x128xf32, #tpu.memory_space<hbm>> -> memref<8x128xf32, #tpu.memory_space<hbm>>
        %dma_wait3A_846 = arith.constant 40 : i32
        %dma_wait3A_847 = arith.constant 0 : i32
        %dma_wait3A_848 = tpu.memref_slice %arg8[%dma_wait3A_846, %dma_wait3A_847] : memref<64x129xf32, #tpu.memory_space<vmem>> -> memref<8x128xf32, #tpu.memory_space<vmem>>
        tpu.wait_dma2 semaphore(%arg12 : memref<!tpu.dma_semaphore, #tpu.memory_space<semaphore_mem>>) src(%dma_wait3A_848 : memref<8x128xf32, #tpu.memory_space<vmem>>) dst(%dma_wait3A_845 : memref<8x128xf32, #tpu.memory_space<hbm>>)
        %dma_wait3A_849 = arith.constant 6 : i32
        %dma_wait3A_850 = arith.constant 48 : i32
        %dma_wait3A_851 = arith.constant 0 : i32
        %dma_wait3A_852 = tpu.memref_slice %arg8[%dma_wait3A_850, %dma_wait3A_851] : memref<64x129xf32, #tpu.memory_space<vmem>> -> memref<8x128xf32, #tpu.memory_space<vmem>>
        %dma_wait3A_853 = arith.constant 0 : i32
        %dma_wait3A_854 = arith.constant 0 : i32
        %dma_wait3A_855 = tpu.memref_slice %arg4[%select_n3A_742, %dma_wait3A_849, %select_n3A_758, %dma_wait3A_853, %dma_wait3A_854] : memref<200x8x32x8x128xf32, #tpu.memory_space<hbm>> -> memref<1x1x1x8x128xf32, #tpu.memory_space<hbm>>
        %dma_wait3A_856 = tpu.memref_squeeze %dma_wait3A_855 : memref<1x1x1x8x128xf32, #tpu.memory_space<hbm>> -> memref<8x128xf32, #tpu.memory_space<hbm>>
        %dma_wait3A_857 = arith.constant 0 : i32
        %dma_wait3A_858 = arith.constant 0 : i32
        %dma_wait3A_859 = tpu.memref_slice %arg4[%select_n3A_742, %dma_wait3A_849, %select_n3A_758, %dma_wait3A_857, %dma_wait3A_858] : memref<200x8x32x8x128xf32, #tpu.memory_space<hbm>> -> memref<1x1x1x8x128xf32, #tpu.memory_space<hbm>>
        %dma_wait3A_860 = tpu.memref_squeeze %dma_wait3A_859 : memref<1x1x1x8x128xf32, #tpu.memory_space<hbm>> -> memref<8x128xf32, #tpu.memory_space<hbm>>
        %dma_wait3A_861 = arith.constant 48 : i32
        %dma_wait3A_862 = arith.constant 0 : i32
        %dma_wait3A_863 = tpu.memref_slice %arg8[%dma_wait3A_861, %dma_wait3A_862] : memref<64x129xf32, #tpu.memory_space<vmem>> -> memref<8x128xf32, #tpu.memory_space<vmem>>
        tpu.wait_dma2 semaphore(%arg12 : memref<!tpu.dma_semaphore, #tpu.memory_space<semaphore_mem>>) src(%dma_wait3A_863 : memref<8x128xf32, #tpu.memory_space<vmem>>) dst(%dma_wait3A_860 : memref<8x128xf32, #tpu.memory_space<hbm>>)
        %dma_wait3A_864 = arith.constant 7 : i32
        %dma_wait3A_865 = arith.constant 56 : i32
        %dma_wait3A_866 = arith.constant 0 : i32
        %dma_wait3A_867 = tpu.memref_slice %arg8[%dma_wait3A_865, %dma_wait3A_866] : memref<64x129xf32, #tpu.memory_space<vmem>> -> memref<8x128xf32, #tpu.memory_space<vmem>>
        %dma_wait3A_868 = arith.constant 0 : i32
        %dma_wait3A_869 = arith.constant 0 : i32
        %dma_wait3A_870 = tpu.memref_slice %arg4[%select_n3A_742, %dma_wait3A_864, %select_n3A_758, %dma_wait3A_868, %dma_wait3A_869] : memref<200x8x32x8x128xf32, #tpu.memory_space<hbm>> -> memref<1x1x1x8x128xf32, #tpu.memory_space<hbm>>
        %dma_wait3A_871 = tpu.memref_squeeze %dma_wait3A_870 : memref<1x1x1x8x128xf32, #tpu.memory_space<hbm>> -> memref<8x128xf32, #tpu.memory_space<hbm>>
        %dma_wait3A_872 = arith.constant 0 : i32
        %dma_wait3A_873 = arith.constant 0 : i32
        %dma_wait3A_874 = tpu.memref_slice %arg4[%select_n3A_742, %dma_wait3A_864, %select_n3A_758, %dma_wait3A_872, %dma_wait3A_873] : memref<200x8x32x8x128xf32, #tpu.memory_space<hbm>> -> memref<1x1x1x8x128xf32, #tpu.memory_space<hbm>>
        %dma_wait3A_875 = tpu.memref_squeeze %dma_wait3A_874 : memref<1x1x1x8x128xf32, #tpu.memory_space<hbm>> -> memref<8x128xf32, #tpu.memory_space<hbm>>
        %dma_wait3A_876 = arith.constant 56 : i32
        %dma_wait3A_877 = arith.constant 0 : i32
        %dma_wait3A_878 = tpu.memref_slice %arg8[%dma_wait3A_876, %dma_wait3A_877] : memref<64x129xf32, #tpu.memory_space<vmem>> -> memref<8x128xf32, #tpu.memory_space<vmem>>
        tpu.wait_dma2 semaphore(%arg12 : memref<!tpu.dma_semaphore, #tpu.memory_space<semaphore_mem>>) src(%dma_wait3A_878 : memref<8x128xf32, #tpu.memory_space<vmem>>) dst(%dma_wait3A_875 : memref<8x128xf32, #tpu.memory_space<hbm>>)
      } else {
      }
      %parallel_loop3A = arith.constant 0 : i32
      %parallel_loop3A_361 = arith.constant 128 : i32
      %parallel_loop3A_362 = arith.constant 4 : i32
      scf.for %parallel_loop3A_714 = %parallel_loop3A to %parallel_loop3A_361 step %parallel_loop3A_362  : i32 {
        %parallel_loop3A_715 = arith.constant 0 : i32
        %parallel_loop3A_716 = arith.addi %parallel_loop3A_714, %parallel_loop3A_715 : i32
        %parallel_loop3A_717 = arith.constant 0 : i32
        %parallel_loop3A_718 = vector.broadcast %parallel_loop3A_717 : i32 to vector<16xi32>
        %parallel_loop3A_719 = vector.broadcast %parallel_loop3A_716 : i32 to vector<16xi32>
        %parallel_loop3A_720 = arith.addi %parallel_loop3A_718, %parallel_loop3A_719 : vector<16xi32>
        %parallel_loop3A_721 = arith.index_cast %parallel_loop3A_716 : i32 to index
        %parallel_loop3A_722 = arith.constant 0 : index
        %parallel_loop3A_723 = tpu.vector_load %arg6[%parallel_loop3A_721, %parallel_loop3A_722] {strides = array<i32>} : memref<128x64xf32, #tpu.memory_space<vmem>>, vector<16xf32>,
        %parallel_loop3A_724 = arith.constant 8.000000e+00 : f32
        %parallel_loop3A_725 = vector.broadcast %parallel_loop3A_724 : f32 to vector<16xf32>
        %parallel_loop3A_726 = arith.mulf %parallel_loop3A_723, %parallel_loop3A_725 : vector<16xf32>
        tpu.vector_store_idx %arg8[%add3A_5, %parallel_loop3A_720], %parallel_loop3A_726 : memref<64x129xf32, #tpu.memory_space<vmem>>[vector<16xi32>, vector<16xi32>], vector<16xf32>,
        %parallel_loop3A_727 = arith.index_cast %parallel_loop3A_716 : i32 to index
        %parallel_loop3A_728 = arith.constant 16 : index
        %parallel_loop3A_729 = tpu.vector_load %arg6[%parallel_loop3A_727, %parallel_loop3A_728] {strides = array<i32>} : memref<128x64xf32, #tpu.memory_space<vmem>>, vector<16xf32>,
        %parallel_loop3A_730 = arith.constant 8.000000e+00 : f32
        %parallel_loop3A_731 = vector.broadcast %parallel_loop3A_730 : f32 to vector<16xf32>
        %parallel_loop3A_732 = arith.mulf %parallel_loop3A_729, %parallel_loop3A_731 : vector<16xf32>
        tpu.vector_store_idx %arg8[%add3A_8, %parallel_loop3A_720], %parallel_loop3A_732 : memref<64x129xf32, #tpu.memory_space<vmem>>[vector<16xi32>, vector<16xi32>], vector<16xf32>,
        %parallel_loop3A_733 = arith.index_cast %parallel_loop3A_716 : i32 to index
        %parallel_loop3A_734 = arith.constant 32 : index
        %parallel_loop3A_735 = tpu.vector_load %arg6[%parallel_loop3A_733, %parallel_loop3A_734] {strides = array<i32>} : memref<128x64xf32, #tpu.memory_space<vmem>>, vector<16xf32>,
        %parallel_loop3A_736 = arith.constant 8.000000e+00 : f32
        %parallel_loop3A_737 = vector.broadcast %parallel_loop3A_736 : f32 to vector<16xf32>
        %parallel_loop3A_738 = arith.mulf %parallel_loop3A_735, %parallel_loop3A_737 : vector<16xf32>
        tpu.vector_store_idx %arg8[%add3A_11, %parallel_loop3A_720], %parallel_loop3A_738 : memref<64x129xf32, #tpu.memory_space<vmem>>[vector<16xi32>, vector<16xi32>], vector<16xf32>,
        %parallel_loop3A_739 = arith.index_cast %parallel_loop3A_716 : i32 to index
        %parallel_loop3A_740 = arith.constant 48 : index
        %parallel_loop3A_741 = tpu.vector_load %arg6[%parallel_loop3A_739, %parallel_loop3A_740] {strides = array<i32>} : memref<128x64xf32, #tpu.memory_space<vmem>>, vector<16xf32>,
        %parallel_loop3A_742 = arith.constant 8.000000e+00 : f32
        %parallel_loop3A_743 = vector.broadcast %parallel_loop3A_742 : f32 to vector<16xf32>
        %parallel_loop3A_744 = arith.mulf %parallel_loop3A_741, %parallel_loop3A_743 : vector<16xf32>
        tpu.vector_store_idx %arg8[%add3A_14, %parallel_loop3A_720], %parallel_loop3A_744 : memref<64x129xf32, #tpu.memory_space<vmem>>[vector<16xi32>, vector<16xi32>], vector<16xf32>,
        %parallel_loop3A_745 = arith.constant 1 : i32
        %parallel_loop3A_746 = arith.addi %parallel_loop3A_714, %parallel_loop3A_745 : i32
        %parallel_loop3A_747 = arith.constant 0 : i32
        %parallel_loop3A_748 = vector.broadcast %parallel_loop3A_747 : i32 to vector<16xi32>
        %parallel_loop3A_749 = vector.broadcast %parallel_loop3A_746 : i32 to vector<16xi32>
        %parallel_loop3A_750 = arith.addi %parallel_loop3A_748, %parallel_loop3A_749 : vector<16xi32>
        %parallel_loop3A_751 = arith.index_cast %parallel_loop3A_746 : i32 to index
        %parallel_loop3A_752 = arith.constant 0 : index
        %parallel_loop3A_753 = tpu.vector_load %arg6[%parallel_loop3A_751, %parallel_loop3A_752] {strides = array<i32>} : memref<128x64xf32, #tpu.memory_space<vmem>>, vector<16xf32>,
        %parallel_loop3A_754 = arith.constant 8.000000e+00 : f32
        %parallel_loop3A_755 = vector.broadcast %parallel_loop3A_754 : f32 to vector<16xf32>
        %parallel_loop3A_756 = arith.mulf %parallel_loop3A_753, %parallel_loop3A_755 : vector<16xf32>
        tpu.vector_store_idx %arg8[%add3A_5, %parallel_loop3A_750], %parallel_loop3A_756 : memref<64x129xf32, #tpu.memory_space<vmem>>[vector<16xi32>, vector<16xi32>], vector<16xf32>,
        %parallel_loop3A_757 = arith.index_cast %parallel_loop3A_746 : i32 to index
        %parallel_loop3A_758 = arith.constant 16 : index
        %parallel_loop3A_759 = tpu.vector_load %arg6[%parallel_loop3A_757, %parallel_loop3A_758] {strides = array<i32>} : memref<128x64xf32, #tpu.memory_space<vmem>>, vector<16xf32>,
        %parallel_loop3A_760 = arith.constant 8.000000e+00 : f32
        %parallel_loop3A_761 = vector.broadcast %parallel_loop3A_760 : f32 to vector<16xf32>
        %parallel_loop3A_762 = arith.mulf %parallel_loop3A_759, %parallel_loop3A_761 : vector<16xf32>
        tpu.vector_store_idx %arg8[%add3A_8, %parallel_loop3A_750], %parallel_loop3A_762 : memref<64x129xf32, #tpu.memory_space<vmem>>[vector<16xi32>, vector<16xi32>], vector<16xf32>,
        %parallel_loop3A_763 = arith.index_cast %parallel_loop3A_746 : i32 to index
        %parallel_loop3A_764 = arith.constant 32 : index
        %parallel_loop3A_765 = tpu.vector_load %arg6[%parallel_loop3A_763, %parallel_loop3A_764] {strides = array<i32>} : memref<128x64xf32, #tpu.memory_space<vmem>>, vector<16xf32>,
        %parallel_loop3A_766 = arith.constant 8.000000e+00 : f32
        %parallel_loop3A_767 = vector.broadcast %parallel_loop3A_766 : f32 to vector<16xf32>
        %parallel_loop3A_768 = arith.mulf %parallel_loop3A_765, %parallel_loop3A_767 : vector<16xf32>
        tpu.vector_store_idx %arg8[%add3A_11, %parallel_loop3A_750], %parallel_loop3A_768 : memref<64x129xf32, #tpu.memory_space<vmem>>[vector<16xi32>, vector<16xi32>], vector<16xf32>,
        %parallel_loop3A_769 = arith.index_cast %parallel_loop3A_746 : i32 to index
        %parallel_loop3A_770 = arith.constant 48 : index
        %parallel_loop3A_771 = tpu.vector_load %arg6[%parallel_loop3A_769, %parallel_loop3A_770] {strides = array<i32>} : memref<128x64xf32, #tpu.memory_space<vmem>>, vector<16xf32>,
        %parallel_loop3A_772 = arith.constant 8.000000e+00 : f32
        %parallel_loop3A_773 = vector.broadcast %parallel_loop3A_772 : f32 to vector<16xf32>
        %parallel_loop3A_774 = arith.mulf %parallel_loop3A_771, %parallel_loop3A_773 : vector<16xf32>
        tpu.vector_store_idx %arg8[%add3A_14, %parallel_loop3A_750], %parallel_loop3A_774 : memref<64x129xf32, #tpu.memory_space<vmem>>[vector<16xi32>, vector<16xi32>], vector<16xf32>,
        %parallel_loop3A_775 = arith.constant 2 : i32
        %parallel_loop3A_776 = arith.addi %parallel_loop3A_714, %parallel_loop3A_775 : i32
        %parallel_loop3A_777 = arith.constant 0 : i32
        %parallel_loop3A_778 = vector.broadcast %parallel_loop3A_777 : i32 to vector<16xi32>
        %parallel_loop3A_779 = vector.broadcast %parallel_loop3A_776 : i32 to vector<16xi32>
        %parallel_loop3A_780 = arith.addi %parallel_loop3A_778, %parallel_loop3A_779 : vector<16xi32>
        %parallel_loop3A_781 = arith.index_cast %parallel_loop3A_776 : i32 to index
        %parallel_loop3A_782 = arith.constant 0 : index
        %parallel_loop3A_783 = tpu.vector_load %arg6[%parallel_loop3A_781, %parallel_loop3A_782] {strides = array<i32>} : memref<128x64xf32, #tpu.memory_space<vmem>>, vector<16xf32>,
        %parallel_loop3A_784 = arith.constant 8.000000e+00 : f32
        %parallel_loop3A_785 = vector.broadcast %parallel_loop3A_784 : f32 to vector<16xf32>
        %parallel_loop3A_786 = arith.mulf %parallel_loop3A_783, %parallel_loop3A_785 : vector<16xf32>
        tpu.vector_store_idx %arg8[%add3A_5, %parallel_loop3A_780], %parallel_loop3A_786 : memref<64x129xf32, #tpu.memory_space<vmem>>[vector<16xi32>, vector<16xi32>], vector<16xf32>,
        %parallel_loop3A_787 = arith.index_cast %parallel_loop3A_776 : i32 to index
        %parallel_loop3A_788 = arith.constant 16 : index
        %parallel_loop3A_789 = tpu.vector_load %arg6[%parallel_loop3A_787, %parallel_loop3A_788] {strides = array<i32>} : memref<128x64xf32, #tpu.memory_space<vmem>>, vector<16xf32>,
        %parallel_loop3A_790 = arith.constant 8.000000e+00 : f32
        %parallel_loop3A_791 = vector.broadcast %parallel_loop3A_790 : f32 to vector<16xf32>
        %parallel_loop3A_792 = arith.mulf %parallel_loop3A_789, %parallel_loop3A_791 : vector<16xf32>
        tpu.vector_store_idx %arg8[%add3A_8, %parallel_loop3A_780], %parallel_loop3A_792 : memref<64x129xf32, #tpu.memory_space<vmem>>[vector<16xi32>, vector<16xi32>], vector<16xf32>,
        %parallel_loop3A_793 = arith.index_cast %parallel_loop3A_776 : i32 to index
        %parallel_loop3A_794 = arith.constant 32 : index
        %parallel_loop3A_795 = tpu.vector_load %arg6[%parallel_loop3A_793, %parallel_loop3A_794] {strides = array<i32>} : memref<128x64xf32, #tpu.memory_space<vmem>>, vector<16xf32>,
        %parallel_loop3A_796 = arith.constant 8.000000e+00 : f32
        %parallel_loop3A_797 = vector.broadcast %parallel_loop3A_796 : f32 to vector<16xf32>
        %parallel_loop3A_798 = arith.mulf %parallel_loop3A_795, %parallel_loop3A_797 : vector<16xf32>
        tpu.vector_store_idx %arg8[%add3A_11, %parallel_loop3A_780], %parallel_loop3A_798 : memref<64x129xf32, #tpu.memory_space<vmem>>[vector<16xi32>, vector<16xi32>], vector<16xf32>,
        %parallel_loop3A_799 = arith.index_cast %parallel_loop3A_776 : i32 to index
        %parallel_loop3A_800 = arith.constant 48 : index
        %parallel_loop3A_801 = tpu.vector_load %arg6[%parallel_loop3A_799, %parallel_loop3A_800] {strides = array<i32>} : memref<128x64xf32, #tpu.memory_space<vmem>>, vector<16xf32>,
        %parallel_loop3A_802 = arith.constant 8.000000e+00 : f32
        %parallel_loop3A_803 = vector.broadcast %parallel_loop3A_802 : f32 to vector<16xf32>
        %parallel_loop3A_804 = arith.mulf %parallel_loop3A_801, %parallel_loop3A_803 : vector<16xf32>
        tpu.vector_store_idx %arg8[%add3A_14, %parallel_loop3A_780], %parallel_loop3A_804 : memref<64x129xf32, #tpu.memory_space<vmem>>[vector<16xi32>, vector<16xi32>], vector<16xf32>,
        %parallel_loop3A_805 = arith.constant 3 : i32
        %parallel_loop3A_806 = arith.addi %parallel_loop3A_714, %parallel_loop3A_805 : i32
        %parallel_loop3A_807 = arith.constant 0 : i32
        %parallel_loop3A_808 = vector.broadcast %parallel_loop3A_807 : i32 to vector<16xi32>
        %parallel_loop3A_809 = vector.broadcast %parallel_loop3A_806 : i32 to vector<16xi32>
        %parallel_loop3A_810 = arith.addi %parallel_loop3A_808, %parallel_loop3A_809 : vector<16xi32>
        %parallel_loop3A_811 = arith.index_cast %parallel_loop3A_806 : i32 to index
        %parallel_loop3A_812 = arith.constant 0 : index
        %parallel_loop3A_813 = tpu.vector_load %arg6[%parallel_loop3A_811, %parallel_loop3A_812] {strides = array<i32>} : memref<128x64xf32, #tpu.memory_space<vmem>>, vector<16xf32>,
        %parallel_loop3A_814 = arith.constant 8.000000e+00 : f32
        %parallel_loop3A_815 = vector.broadcast %parallel_loop3A_814 : f32 to vector<16xf32>
        %parallel_loop3A_816 = arith.mulf %parallel_loop3A_813, %parallel_loop3A_815 : vector<16xf32>
        tpu.vector_store_idx %arg8[%add3A_5, %parallel_loop3A_810], %parallel_loop3A_816 : memref<64x129xf32, #tpu.memory_space<vmem>>[vector<16xi32>, vector<16xi32>], vector<16xf32>,
        %parallel_loop3A_817 = arith.index_cast %parallel_loop3A_806 : i32 to index
        %parallel_loop3A_818 = arith.constant 16 : index
        %parallel_loop3A_819 = tpu.vector_load %arg6[%parallel_loop3A_817, %parallel_loop3A_818] {strides = array<i32>} : memref<128x64xf32, #tpu.memory_space<vmem>>, vector<16xf32>,
        %parallel_loop3A_820 = arith.constant 8.000000e+00 : f32
        %parallel_loop3A_821 = vector.broadcast %parallel_loop3A_820 : f32 to vector<16xf32>
        %parallel_loop3A_822 = arith.mulf %parallel_loop3A_819, %parallel_loop3A_821 : vector<16xf32>
        tpu.vector_store_idx %arg8[%add3A_8, %parallel_loop3A_810], %parallel_loop3A_822 : memref<64x129xf32, #tpu.memory_space<vmem>>[vector<16xi32>, vector<16xi32>], vector<16xf32>,
        %parallel_loop3A_823 = arith.index_cast %parallel_loop3A_806 : i32 to index
        %parallel_loop3A_824 = arith.constant 32 : index
        %parallel_loop3A_825 = tpu.vector_load %arg6[%parallel_loop3A_823, %parallel_loop3A_824] {strides = array<i32>} : memref<128x64xf32, #tpu.memory_space<vmem>>, vector<16xf32>,
        %parallel_loop3A_826 = arith.constant 8.000000e+00 : f32
        %parallel_loop3A_827 = vector.broadcast %parallel_loop3A_826 : f32 to vector<16xf32>
        %parallel_loop3A_828 = arith.mulf %parallel_loop3A_825, %parallel_loop3A_827 : vector<16xf32>
        tpu.vector_store_idx %arg8[%add3A_11, %parallel_loop3A_810], %parallel_loop3A_828 : memref<64x129xf32, #tpu.memory_space<vmem>>[vector<16xi32>, vector<16xi32>], vector<16xf32>,
        %parallel_loop3A_829 = arith.index_cast %parallel_loop3A_806 : i32 to index
        %parallel_loop3A_830 = arith.constant 48 : index
        %parallel_loop3A_831 = tpu.vector_load %arg6[%parallel_loop3A_829, %parallel_loop3A_830] {strides = array<i32>} : memref<128x64xf32, #tpu.memory_space<vmem>>, vector<16xf32>,
        %parallel_loop3A_832 = arith.constant 8.000000e+00 : f32
        %parallel_loop3A_833 = vector.broadcast %parallel_loop3A_832 : f32 to vector<16xf32>
        %parallel_loop3A_834 = arith.mulf %parallel_loop3A_831, %parallel_loop3A_833 : vector<16xf32>
        tpu.vector_store_idx %arg8[%add3A_14, %parallel_loop3A_810], %parallel_loop3A_834 : memref<64x129xf32, #tpu.memory_space<vmem>>[vector<16xi32>, vector<16xi32>], vector<16xf32>,
      } {sc.loop_unroll_factor = 4 : i64, sc.parallel_access}
      %mul3A_363 = arith.constant 200 : i32
      %mul3A_364 = arith.muli %add3A, %mul3A_363 : i32
      %add3A_365 = arith.addi %mul3A_364, %add3A_345 : i32
      %jit3A_366 = arith.constant 32 : i32
      %div3A_367 = arith.divsi %add3A_365, %jit3A_366 : i32
      %sign3A_368 = arith.constant 0 : i32
      %sign3A_369 = arith.cmpi sgt, %add3A_365, %sign3A_368 : i32
      %sign3A_370 = arith.extui %sign3A_369 : i1 to i32
      %sign3A_371 = arith.constant 0 : i32
      %sign3A_372 = arith.cmpi slt, %add3A_365, %sign3A_371 : i32
      %sign3A_373 = arith.extui %sign3A_372 : i1 to i32
      %sign3A_374 = arith.subi %sign3A_370, %sign3A_373 : i32
      %sign3A_375 = arith.constant 0 : i32
      %sign3A_376 = arith.cmpi sgt, %jit3A_366, %sign3A_375 : i32
      %sign3A_377 = arith.extui %sign3A_376 : i1 to i32
      %sign3A_378 = arith.constant 0 : i32
      %sign3A_379 = arith.cmpi slt, %jit3A_366, %sign3A_378 : i32
      %sign3A_380 = arith.extui %sign3A_379 : i1 to i32
      %sign3A_381 = arith.subi %sign3A_377, %sign3A_380 : i32
      %ne3A_382 = arith.cmpi ne, %sign3A_374, %sign3A_381 : i32
      %rem3A_383 = arith.remsi %add3A_365, %jit3A_366 : i32
      %ne3A_384 = arith.constant 0 : i32
      %ne3A_385 = arith.cmpi ne, %rem3A_383, %ne3A_384 : i32
      %and3A_386 = arith.andi %ne3A_382, %ne3A_385 : i1
      %sub3A_387 = arith.constant 1 : i32
      %sub3A_388 = arith.subi %div3A_367, %sub3A_387 : i32
      %select_n3A_389 = arith.select %and3A_386, %sub3A_388, %div3A_367 : i32
      %jit3A_390 = arith.constant 32 : i32
      %eq3A_391 = arith.constant 0 : i32
      %eq3A_392 = arith.cmpi eq, %jit3A_390, %eq3A_391 : i32
      %jit3A_393 = arith.constant 1 : i32
      %select_n3A_394 = arith.select %eq3A_392, %jit3A_393, %jit3A_390 : i32
      %rem3A_395 = arith.remsi %add3A_365, %select_n3A_394 : i32
      %ne3A_396 = arith.constant 0 : i32
      %ne3A_397 = arith.cmpi ne, %rem3A_395, %ne3A_396 : i32
      %lt3A_398 = arith.constant 0 : i32
      %lt3A_399 = arith.cmpi slt, %rem3A_395, %lt3A_398 : i32
      %lt3A_400 = arith.constant 0 : i32
      %lt3A_401 = arith.cmpi slt, %select_n3A_394, %lt3A_400 : i32
      %ne3A_402 = arith.xori %lt3A_399, %lt3A_401 : i1
      %and3A_403 = arith.andi %ne3A_402, %ne3A_397 : i1
      %add3A_404 = arith.addi %rem3A_395, %select_n3A_394 : i32
      %select_n3A_405 = arith.select %and3A_403, %add3A_404, %rem3A_395 : i32
      %dma_start3A_406 = arith.constant 0 : i32
      %dma_start3A_407 = arith.constant 0 : i32
      %dma_start3A_408 = arith.constant 0 : i32
      %dma_start3A_409 = tpu.memref_slice %arg8[%dma_start3A_407, %dma_start3A_408] : memref<64x129xf32, #tpu.memory_space<vmem>> -> memref<8x128xf32, #tpu.memory_space<vmem>>
      %dma_start3A_410 = arith.constant 0 : i32
      %dma_start3A_411 = arith.constant 0 : i32
      %dma_start3A_412 = tpu.memref_slice %arg4[%select_n3A_389, %dma_start3A_406, %select_n3A_405, %dma_start3A_410, %dma_start3A_411] : memref<200x8x32x8x128xf32, #tpu.memory_space<hbm>> -> memref<1x1x1x8x128xf32, #tpu.memory_space<hbm>>
      %dma_start3A_413 = tpu.memref_squeeze %dma_start3A_412 : memref<1x1x1x8x128xf32, #tpu.memory_space<hbm>> -> memref<8x128xf32, #tpu.memory_space<hbm>>
      %dma_start3A_414 = arith.constant 0 : i32
      %dma_start3A_415 = arith.constant 0 : i32
      %dma_start3A_416 = tpu.memref_slice %arg4[%select_n3A_389, %dma_start3A_406, %select_n3A_405, %dma_start3A_414, %dma_start3A_415] : memref<200x8x32x8x128xf32, #tpu.memory_space<hbm>> -> memref<1x1x1x8x128xf32, #tpu.memory_space<hbm>>
      %dma_start3A_417 = tpu.memref_squeeze %dma_start3A_416 : memref<1x1x1x8x128xf32, #tpu.memory_space<hbm>> -> memref<8x128xf32, #tpu.memory_space<hbm>>
      %dma_start3A_418 = arith.constant 0 : i32
      %dma_start3A_419 = arith.constant 0 : i32
      %dma_start3A_420 = tpu.memref_slice %arg8[%dma_start3A_418, %dma_start3A_419] : memref<64x129xf32, #tpu.memory_space<vmem>> -> memref<8x128xf32, #tpu.memory_space<vmem>>
      tpu.enqueue_dma source(%dma_start3A_420 : memref<8x128xf32, #tpu.memory_space<vmem>>) target(%dma_start3A_417 : memref<8x128xf32, #tpu.memory_space<hbm>>) target_semaphore(%arg12 : memref<!tpu.dma_semaphore, #tpu.memory_space<semaphore_mem>>)
      %dma_start3A_421 = arith.constant 1 : i32
      %dma_start3A_422 = arith.constant 8 : i32
      %dma_start3A_423 = arith.constant 0 : i32
      %dma_start3A_424 = tpu.memref_slice %arg8[%dma_start3A_422, %dma_start3A_423] : memref<64x129xf32, #tpu.memory_space<vmem>> -> memref<8x128xf32, #tpu.memory_space<vmem>>
      %dma_start3A_425 = arith.constant 0 : i32
      %dma_start3A_426 = arith.constant 0 : i32
      %dma_start3A_427 = tpu.memref_slice %arg4[%select_n3A_389, %dma_start3A_421, %select_n3A_405, %dma_start3A_425, %dma_start3A_426] : memref<200x8x32x8x128xf32, #tpu.memory_space<hbm>> -> memref<1x1x1x8x128xf32, #tpu.memory_space<hbm>>
      %dma_start3A_428 = tpu.memref_squeeze %dma_start3A_427 : memref<1x1x1x8x128xf32, #tpu.memory_space<hbm>> -> memref<8x128xf32, #tpu.memory_space<hbm>>
      %dma_start3A_429 = arith.constant 0 : i32
      %dma_start3A_430 = arith.constant 0 : i32
      %dma_start3A_431 = tpu.memref_slice %arg4[%select_n3A_389, %dma_start3A_421, %select_n3A_405, %dma_start3A_429, %dma_start3A_430] : memref<200x8x32x8x128xf32, #tpu.memory_space<hbm>> -> memref<1x1x1x8x128xf32, #tpu.memory_space<hbm>>
      %dma_start3A_432 = tpu.memref_squeeze %dma_start3A_431 : memref<1x1x1x8x128xf32, #tpu.memory_space<hbm>> -> memref<8x128xf32, #tpu.memory_space<hbm>>
      %dma_start3A_433 = arith.constant 8 : i32
      %dma_start3A_434 = arith.constant 0 : i32
      %dma_start3A_435 = tpu.memref_slice %arg8[%dma_start3A_433, %dma_start3A_434] : memref<64x129xf32, #tpu.memory_space<vmem>> -> memref<8x128xf32, #tpu.memory_space<vmem>>
      tpu.enqueue_dma source(%dma_start3A_435 : memref<8x128xf32, #tpu.memory_space<vmem>>) target(%dma_start3A_432 : memref<8x128xf32, #tpu.memory_space<hbm>>) target_semaphore(%arg12 : memref<!tpu.dma_semaphore, #tpu.memory_space<semaphore_mem>>)
      %dma_start3A_436 = arith.constant 2 : i32
      %dma_start3A_437 = arith.constant 16 : i32
      %dma_start3A_438 = arith.constant 0 : i32
      %dma_start3A_439 = tpu.memref_slice %arg8[%dma_start3A_437, %dma_start3A_438] : memref<64x129xf32, #tpu.memory_space<vmem>> -> memref<8x128xf32, #tpu.memory_space<vmem>>
      %dma_start3A_440 = arith.constant 0 : i32
      %dma_start3A_441 = arith.constant 0 : i32
      %dma_start3A_442 = tpu.memref_slice %arg4[%select_n3A_389, %dma_start3A_436, %select_n3A_405, %dma_start3A_440, %dma_start3A_441] : memref<200x8x32x8x128xf32, #tpu.memory_space<hbm>> -> memref<1x1x1x8x128xf32, #tpu.memory_space<hbm>>
      %dma_start3A_443 = tpu.memref_squeeze %dma_start3A_442 : memref<1x1x1x8x128xf32, #tpu.memory_space<hbm>> -> memref<8x128xf32, #tpu.memory_space<hbm>>
      %dma_start3A_444 = arith.constant 0 : i32
      %dma_start3A_445 = arith.constant 0 : i32
      %dma_start3A_446 = tpu.memref_slice %arg4[%select_n3A_389, %dma_start3A_436, %select_n3A_405, %dma_start3A_444, %dma_start3A_445] : memref<200x8x32x8x128xf32, #tpu.memory_space<hbm>> -> memref<1x1x1x8x128xf32, #tpu.memory_space<hbm>>
      %dma_start3A_447 = tpu.memref_squeeze %dma_start3A_446 : memref<1x1x1x8x128xf32, #tpu.memory_space<hbm>> -> memref<8x128xf32, #tpu.memory_space<hbm>>
      %dma_start3A_448 = arith.constant 16 : i32
      %dma_start3A_449 = arith.constant 0 : i32
      %dma_start3A_450 = tpu.memref_slice %arg8[%dma_start3A_448, %dma_start3A_449] : memref<64x129xf32, #tpu.memory_space<vmem>> -> memref<8x128xf32, #tpu.memory_space<vmem>>
      tpu.enqueue_dma source(%dma_start3A_450 : memref<8x128xf32, #tpu.memory_space<vmem>>) target(%dma_start3A_447 : memref<8x128xf32, #tpu.memory_space<hbm>>) target_semaphore(%arg12 : memref<!tpu.dma_semaphore, #tpu.memory_space<semaphore_mem>>)
      %dma_start3A_451 = arith.constant 3 : i32
      %dma_start3A_452 = arith.constant 24 : i32
      %dma_start3A_453 = arith.constant 0 : i32
      %dma_start3A_454 = tpu.memref_slice %arg8[%dma_start3A_452, %dma_start3A_453] : memref<64x129xf32, #tpu.memory_space<vmem>> -> memref<8x128xf32, #tpu.memory_space<vmem>>
      %dma_start3A_455 = arith.constant 0 : i32
      %dma_start3A_456 = arith.constant 0 : i32
      %dma_start3A_457 = tpu.memref_slice %arg4[%select_n3A_389, %dma_start3A_451, %select_n3A_405, %dma_start3A_455, %dma_start3A_456] : memref<200x8x32x8x128xf32, #tpu.memory_space<hbm>> -> memref<1x1x1x8x128xf32, #tpu.memory_space<hbm>>
      %dma_start3A_458 = tpu.memref_squeeze %dma_start3A_457 : memref<1x1x1x8x128xf32, #tpu.memory_space<hbm>> -> memref<8x128xf32, #tpu.memory_space<hbm>>
      %dma_start3A_459 = arith.constant 0 : i32
      %dma_start3A_460 = arith.constant 0 : i32
      %dma_start3A_461 = tpu.memref_slice %arg4[%select_n3A_389, %dma_start3A_451, %select_n3A_405, %dma_start3A_459, %dma_start3A_460] : memref<200x8x32x8x128xf32, #tpu.memory_space<hbm>> -> memref<1x1x1x8x128xf32, #tpu.memory_space<hbm>>
      %dma_start3A_462 = tpu.memref_squeeze %dma_start3A_461 : memref<1x1x1x8x128xf32, #tpu.memory_space<hbm>> -> memref<8x128xf32, #tpu.memory_space<hbm>>
      %dma_start3A_463 = arith.constant 24 : i32
      %dma_start3A_464 = arith.constant 0 : i32
      %dma_start3A_465 = tpu.memref_slice %arg8[%dma_start3A_463, %dma_start3A_464] : memref<64x129xf32, #tpu.memory_space<vmem>> -> memref<8x128xf32, #tpu.memory_space<vmem>>
      tpu.enqueue_dma source(%dma_start3A_465 : memref<8x128xf32, #tpu.memory_space<vmem>>) target(%dma_start3A_462 : memref<8x128xf32, #tpu.memory_space<hbm>>) target_semaphore(%arg12 : memref<!tpu.dma_semaphore, #tpu.memory_space<semaphore_mem>>)
      %dma_start3A_466 = arith.constant 4 : i32
      %dma_start3A_467 = arith.constant 32 : i32
      %dma_start3A_468 = arith.constant 0 : i32
      %dma_start3A_469 = tpu.memref_slice %arg8[%dma_start3A_467, %dma_start3A_468] : memref<64x129xf32, #tpu.memory_space<vmem>> -> memref<8x128xf32, #tpu.memory_space<vmem>>
      %dma_start3A_470 = arith.constant 0 : i32
      %dma_start3A_471 = arith.constant 0 : i32
      %dma_start3A_472 = tpu.memref_slice %arg4[%select_n3A_389, %dma_start3A_466, %select_n3A_405, %dma_start3A_470, %dma_start3A_471] : memref<200x8x32x8x128xf32, #tpu.memory_space<hbm>> -> memref<1x1x1x8x128xf32, #tpu.memory_space<hbm>>
      %dma_start3A_473 = tpu.memref_squeeze %dma_start3A_472 : memref<1x1x1x8x128xf32, #tpu.memory_space<hbm>> -> memref<8x128xf32, #tpu.memory_space<hbm>>
      %dma_start3A_474 = arith.constant 0 : i32
      %dma_start3A_475 = arith.constant 0 : i32
      %dma_start3A_476 = tpu.memref_slice %arg4[%select_n3A_389, %dma_start3A_466, %select_n3A_405, %dma_start3A_474, %dma_start3A_475] : memref<200x8x32x8x128xf32, #tpu.memory_space<hbm>> -> memref<1x1x1x8x128xf32, #tpu.memory_space<hbm>>
      %dma_start3A_477 = tpu.memref_squeeze %dma_start3A_476 : memref<1x1x1x8x128xf32, #tpu.memory_space<hbm>> -> memref<8x128xf32, #tpu.memory_space<hbm>>
      %dma_start3A_478 = arith.constant 32 : i32
      %dma_start3A_479 = arith.constant 0 : i32
      %dma_start3A_480 = tpu.memref_slice %arg8[%dma_start3A_478, %dma_start3A_479] : memref<64x129xf32, #tpu.memory_space<vmem>> -> memref<8x128xf32, #tpu.memory_space<vmem>>
      tpu.enqueue_dma source(%dma_start3A_480 : memref<8x128xf32, #tpu.memory_space<vmem>>) target(%dma_start3A_477 : memref<8x128xf32, #tpu.memory_space<hbm>>) target_semaphore(%arg12 : memref<!tpu.dma_semaphore, #tpu.memory_space<semaphore_mem>>)
      %dma_start3A_481 = arith.constant 5 : i32
      %dma_start3A_482 = arith.constant 40 : i32
      %dma_start3A_483 = arith.constant 0 : i32
      %dma_start3A_484 = tpu.memref_slice %arg8[%dma_start3A_482, %dma_start3A_483] : memref<64x129xf32, #tpu.memory_space<vmem>> -> memref<8x128xf32, #tpu.memory_space<vmem>>
      %dma_start3A_485 = arith.constant 0 : i32
      %dma_start3A_486 = arith.constant 0 : i32
      %dma_start3A_487 = tpu.memref_slice %arg4[%select_n3A_389, %dma_start3A_481, %select_n3A_405, %dma_start3A_485, %dma_start3A_486] : memref<200x8x32x8x128xf32, #tpu.memory_space<hbm>> -> memref<1x1x1x8x128xf32, #tpu.memory_space<hbm>>
      %dma_start3A_488 = tpu.memref_squeeze %dma_start3A_487 : memref<1x1x1x8x128xf32, #tpu.memory_space<hbm>> -> memref<8x128xf32, #tpu.memory_space<hbm>>
      %dma_start3A_489 = arith.constant 0 : i32
      %dma_start3A_490 = arith.constant 0 : i32
      %dma_start3A_491 = tpu.memref_slice %arg4[%select_n3A_389, %dma_start3A_481, %select_n3A_405, %dma_start3A_489, %dma_start3A_490] : memref<200x8x32x8x128xf32, #tpu.memory_space<hbm>> -> memref<1x1x1x8x128xf32, #tpu.memory_space<hbm>>
      %dma_start3A_492 = tpu.memref_squeeze %dma_start3A_491 : memref<1x1x1x8x128xf32, #tpu.memory_space<hbm>> -> memref<8x128xf32, #tpu.memory_space<hbm>>
      %dma_start3A_493 = arith.constant 40 : i32
      %dma_start3A_494 = arith.constant 0 : i32
      %dma_start3A_495 = tpu.memref_slice %arg8[%dma_start3A_493, %dma_start3A_494] : memref<64x129xf32, #tpu.memory_space<vmem>> -> memref<8x128xf32, #tpu.memory_space<vmem>>
      tpu.enqueue_dma source(%dma_start3A_495 : memref<8x128xf32, #tpu.memory_space<vmem>>) target(%dma_start3A_492 : memref<8x128xf32, #tpu.memory_space<hbm>>) target_semaphore(%arg12 : memref<!tpu.dma_semaphore, #tpu.memory_space<semaphore_mem>>)
      %dma_start3A_496 = arith.constant 6 : i32
      %dma_start3A_497 = arith.constant 48 : i32
      %dma_start3A_498 = arith.constant 0 : i32
      %dma_start3A_499 = tpu.memref_slice %arg8[%dma_start3A_497, %dma_start3A_498] : memref<64x129xf32, #tpu.memory_space<vmem>> -> memref<8x128xf32, #tpu.memory_space<vmem>>
      %dma_start3A_500 = arith.constant 0 : i32
      %dma_start3A_501 = arith.constant 0 : i32
      %dma_start3A_502 = tpu.memref_slice %arg4[%select_n3A_389, %dma_start3A_496, %select_n3A_405, %dma_start3A_500, %dma_start3A_501] : memref<200x8x32x8x128xf32, #tpu.memory_space<hbm>> -> memref<1x1x1x8x128xf32, #tpu.memory_space<hbm>>
      %dma_start3A_503 = tpu.memref_squeeze %dma_start3A_502 : memref<1x1x1x8x128xf32, #tpu.memory_space<hbm>> -> memref<8x128xf32, #tpu.memory_space<hbm>>
      %dma_start3A_504 = arith.constant 0 : i32
      %dma_start3A_505 = arith.constant 0 : i32
      %dma_start3A_506 = tpu.memref_slice %arg4[%select_n3A_389, %dma_start3A_496, %select_n3A_405, %dma_start3A_504, %dma_start3A_505] : memref<200x8x32x8x128xf32, #tpu.memory_space<hbm>> -> memref<1x1x1x8x128xf32, #tpu.memory_space<hbm>>
      %dma_start3A_507 = tpu.memref_squeeze %dma_start3A_506 : memref<1x1x1x8x128xf32, #tpu.memory_space<hbm>> -> memref<8x128xf32, #tpu.memory_space<hbm>>
      %dma_start3A_508 = arith.constant 48 : i32
      %dma_start3A_509 = arith.constant 0 : i32
      %dma_start3A_510 = tpu.memref_slice %arg8[%dma_start3A_508, %dma_start3A_509] : memref<64x129xf32, #tpu.memory_space<vmem>> -> memref<8x128xf32, #tpu.memory_space<vmem>>
      tpu.enqueue_dma source(%dma_start3A_510 : memref<8x128xf32, #tpu.memory_space<vmem>>) target(%dma_start3A_507 : memref<8x128xf32, #tpu.memory_space<hbm>>) target_semaphore(%arg12 : memref<!tpu.dma_semaphore, #tpu.memory_space<semaphore_mem>>)
      %dma_start3A_511 = arith.constant 7 : i32
      %dma_start3A_512 = arith.constant 56 : i32
      %dma_start3A_513 = arith.constant 0 : i32
      %dma_start3A_514 = tpu.memref_slice %arg8[%dma_start3A_512, %dma_start3A_513] : memref<64x129xf32, #tpu.memory_space<vmem>> -> memref<8x128xf32, #tpu.memory_space<vmem>>
      %dma_start3A_515 = arith.constant 0 : i32
      %dma_start3A_516 = arith.constant 0 : i32
      %dma_start3A_517 = tpu.memref_slice %arg4[%select_n3A_389, %dma_start3A_511, %select_n3A_405, %dma_start3A_515, %dma_start3A_516] : memref<200x8x32x8x128xf32, #tpu.memory_space<hbm>> -> memref<1x1x1x8x128xf32, #tpu.memory_space<hbm>>
      %dma_start3A_518 = tpu.memref_squeeze %dma_start3A_517 : memref<1x1x1x8x128xf32, #tpu.memory_space<hbm>> -> memref<8x128xf32, #tpu.memory_space<hbm>>
      %dma_start3A_519 = arith.constant 0 : i32
      %dma_start3A_520 = arith.constant 0 : i32
      %dma_start3A_521 = tpu.memref_slice %arg4[%select_n3A_389, %dma_start3A_511, %select_n3A_405, %dma_start3A_519, %dma_start3A_520] : memref<200x8x32x8x128xf32, #tpu.memory_space<hbm>> -> memref<1x1x1x8x128xf32, #tpu.memory_space<hbm>>
      %dma_start3A_522 = tpu.memref_squeeze %dma_start3A_521 : memref<1x1x1x8x128xf32, #tpu.memory_space<hbm>> -> memref<8x128xf32, #tpu.memory_space<hbm>>
      %dma_start3A_523 = arith.constant 56 : i32
      %dma_start3A_524 = arith.constant 0 : i32
      %dma_start3A_525 = tpu.memref_slice %arg8[%dma_start3A_523, %dma_start3A_524] : memref<64x129xf32, #tpu.memory_space<vmem>> -> memref<8x128xf32, #tpu.memory_space<vmem>>
      tpu.enqueue_dma source(%dma_start3A_525 : memref<8x128xf32, #tpu.memory_space<vmem>>) target(%dma_start3A_522 : memref<8x128xf32, #tpu.memory_space<hbm>>) target_semaphore(%arg12 : memref<!tpu.dma_semaphore, #tpu.memory_space<semaphore_mem>>)
      %mul3A_526 = arith.constant 2 : i32
      %mul3A_527 = arith.muli %mul3A_526, %scan3A_341 : i32
      %add3A_528 = arith.constant 1 : i32
      %add3A_529 = arith.addi %mul3A_527, %add3A_528 : i32
      %add3A_530 = arith.constant 1 : i32
      %add3A_531 = arith.addi %add3A_529, %add3A_530 : i32
      %lt3A_532 = arith.constant 200 : i32
      %lt3A_533 = arith.cmpi slt, %add3A_531, %lt3A_532 : i32
      %convert_element_type3A_534 = arith.extui %lt3A_533 : i1 to i32
      %cond3A_535 = arith.constant 0 : i32
      %cond3A_536 = arith.cmpi ne, %convert_element_type3A_534, %cond3A_535 : i32
      scf.if %cond3A_536 {
        %add3A_714 = arith.constant 1 : i32
        %add3A_715 = arith.addi %add3A_529, %add3A_714 : i32
        %mul3A_716 = arith.constant 128 : i32
        %mul3A_717 = arith.muli %add3A_715, %mul3A_716 : i32
        %dma_start3A_718 = tpu.memref_slice %arg5[%mul3A_717] : memref<25600xi32, #tpu.memory_space<vmem>> -> memref<128xi32, #tpu.memory_space<vmem>>
        %dma_start3A_719 = arith.constant 0 : i32
        %dma_start3A_720 = arith.constant 0 : i32
        %dma_start3A_721 = tpu.memref_slice %arg2[%dma_start3A_719, %dma_start3A_720] : memref<1000000x64xf32, #tpu.memory_space<hbm>> -> memref<1000000x64xf32, #tpu.memory_space<hbm>>
        tpu.enqueue_indirect_dma source(%dma_start3A_721 : memref<1000000x64xf32, #tpu.memory_space<hbm>>) target(%arg6 : memref<128x64xf32, #tpu.memory_space<vmem>>) offsets(%dma_start3A_718 : memref<128xi32, #tpu.memory_space<vmem>>) semaphore(%arg10 : memref<!tpu.dma_semaphore, #tpu.memory_space<semaphore_mem>>)
      } else {
      }
      %mul3A_537 = arith.constant 128 : i32
      %mul3A_538 = arith.muli %add3A_529, %mul3A_537 : i32
      %dma_wait3A_539 = tpu.memref_slice %arg5[%mul3A_538] : memref<25600xi32, #tpu.memory_space<vmem>> -> memref<128xi32, #tpu.memory_space<vmem>>
      %dma_wait3A_540 = arith.constant 0 : i32
      %dma_wait3A_541 = arith.constant 0 : i32
      %dma_wait3A_542 = tpu.memref_slice %arg2[%dma_wait3A_540, %dma_wait3A_541] : memref<1000000x64xf32, #tpu.memory_space<hbm>> -> memref<1000000x64xf32, #tpu.memory_space<hbm>>
      tpu.wait_indirect_dma semaphore(%arg11 : memref<!tpu.dma_semaphore, #tpu.memory_space<semaphore_mem>>) src(%dma_wait3A_542 : memref<1000000x64xf32, #tpu.memory_space<hbm>>) dst(%arg7 : memref<128x64xf32, #tpu.memory_space<vmem>>)
      %ge3A_543 = arith.constant 2 : i32
      %ge3A_544 = arith.cmpi sge, %add3A_529, %ge3A_543 : i32
      %convert_element_type3A_545 = arith.extui %ge3A_544 : i1 to i32
      %cond3A_546 = arith.constant 0 : i32
      %cond3A_547 = arith.cmpi ne, %convert_element_type3A_545, %cond3A_546 : i32
      scf.if %cond3A_547 {
        %sub3A_714 = arith.constant 2 : i32
        %sub3A_715 = arith.subi %add3A_529, %sub3A_714 : i32
        %mul3A_716 = arith.constant 200 : i32
        %mul3A_717 = arith.muli %add3A, %mul3A_716 : i32
        %add3A_718 = arith.addi %mul3A_717, %sub3A_715 : i32
        %jit3A_719 = arith.constant 32 : i32
        %div3A_720 = arith.divsi %add3A_718, %jit3A_719 : i32
        %sign3A_721 = arith.constant 0 : i32
        %sign3A_722 = arith.cmpi sgt, %add3A_718, %sign3A_721 : i32
        %sign3A_723 = arith.extui %sign3A_722 : i1 to i32
        %sign3A_724 = arith.constant 0 : i32
        %sign3A_725 = arith.cmpi slt, %add3A_718, %sign3A_724 : i32
        %sign3A_726 = arith.extui %sign3A_725 : i1 to i32
        %sign3A_727 = arith.subi %sign3A_723, %sign3A_726 : i32
        %sign3A_728 = arith.constant 0 : i32
        %sign3A_729 = arith.cmpi sgt, %jit3A_719, %sign3A_728 : i32
        %sign3A_730 = arith.extui %sign3A_729 : i1 to i32
        %sign3A_731 = arith.constant 0 : i32
        %sign3A_732 = arith.cmpi slt, %jit3A_719, %sign3A_731 : i32
        %sign3A_733 = arith.extui %sign3A_732 : i1 to i32
        %sign3A_734 = arith.subi %sign3A_730, %sign3A_733 : i32
        %ne3A_735 = arith.cmpi ne, %sign3A_727, %sign3A_734 : i32
        %rem3A_736 = arith.remsi %add3A_718, %jit3A_719 : i32
        %ne3A_737 = arith.constant 0 : i32
        %ne3A_738 = arith.cmpi ne, %rem3A_736, %ne3A_737 : i32
        %and3A_739 = arith.andi %ne3A_735, %ne3A_738 : i1
        %sub3A_740 = arith.constant 1 : i32
        %sub3A_741 = arith.subi %div3A_720, %sub3A_740 : i32
        %select_n3A_742 = arith.select %and3A_739, %sub3A_741, %div3A_720 : i32
        %jit3A_743 = arith.constant 32 : i32
        %eq3A_744 = arith.constant 0 : i32
        %eq3A_745 = arith.cmpi eq, %jit3A_743, %eq3A_744 : i32
        %jit3A_746 = arith.constant 1 : i32
        %select_n3A_747 = arith.select %eq3A_745, %jit3A_746, %jit3A_743 : i32
        %rem3A_748 = arith.remsi %add3A_718, %select_n3A_747 : i32
        %ne3A_749 = arith.constant 0 : i32
        %ne3A_750 = arith.cmpi ne, %rem3A_748, %ne3A_749 : i32
        %lt3A_751 = arith.constant 0 : i32
        %lt3A_752 = arith.cmpi slt, %rem3A_748, %lt3A_751 : i32
        %lt3A_753 = arith.constant 0 : i32
        %lt3A_754 = arith.cmpi slt, %select_n3A_747, %lt3A_753 : i32
        %ne3A_755 = arith.xori %lt3A_752, %lt3A_754 : i1
        %and3A_756 = arith.andi %ne3A_755, %ne3A_750 : i1
        %add3A_757 = arith.addi %rem3A_748, %select_n3A_747 : i32
        %select_n3A_758 = arith.select %and3A_756, %add3A_757, %rem3A_748 : i32
        %dma_wait3A_759 = arith.constant 0 : i32
        %dma_wait3A_760 = arith.constant 0 : i32
        %dma_wait3A_761 = arith.constant 0 : i32
        %dma_wait3A_762 = tpu.memref_slice %arg9[%dma_wait3A_760, %dma_wait3A_761] : memref<64x129xf32, #tpu.memory_space<vmem>> -> memref<8x128xf32, #tpu.memory_space<vmem>>
        %dma_wait3A_763 = arith.constant 0 : i32
        %dma_wait3A_764 = arith.constant 0 : i32
        %dma_wait3A_765 = tpu.memref_slice %arg4[%select_n3A_742, %dma_wait3A_759, %select_n3A_758, %dma_wait3A_763, %dma_wait3A_764] : memref<200x8x32x8x128xf32, #tpu.memory_space<hbm>> -> memref<1x1x1x8x128xf32, #tpu.memory_space<hbm>>
        %dma_wait3A_766 = tpu.memref_squeeze %dma_wait3A_765 : memref<1x1x1x8x128xf32, #tpu.memory_space<hbm>> -> memref<8x128xf32, #tpu.memory_space<hbm>>
        %dma_wait3A_767 = arith.constant 0 : i32
        %dma_wait3A_768 = arith.constant 0 : i32
        %dma_wait3A_769 = tpu.memref_slice %arg4[%select_n3A_742, %dma_wait3A_759, %select_n3A_758, %dma_wait3A_767, %dma_wait3A_768] : memref<200x8x32x8x128xf32, #tpu.memory_space<hbm>> -> memref<1x1x1x8x128xf32, #tpu.memory_space<hbm>>
        %dma_wait3A_770 = tpu.memref_squeeze %dma_wait3A_769 : memref<1x1x1x8x128xf32, #tpu.memory_space<hbm>> -> memref<8x128xf32, #tpu.memory_space<hbm>>
        %dma_wait3A_771 = arith.constant 0 : i32
        %dma_wait3A_772 = arith.constant 0 : i32
        %dma_wait3A_773 = tpu.memref_slice %arg9[%dma_wait3A_771, %dma_wait3A_772] : memref<64x129xf32, #tpu.memory_space<vmem>> -> memref<8x128xf32, #tpu.memory_space<vmem>>
        tpu.wait_dma2 semaphore(%arg13 : memref<!tpu.dma_semaphore, #tpu.memory_space<semaphore_mem>>) src(%dma_wait3A_773 : memref<8x128xf32, #tpu.memory_space<vmem>>) dst(%dma_wait3A_770 : memref<8x128xf32, #tpu.memory_space<hbm>>)
        %dma_wait3A_774 = arith.constant 1 : i32
        %dma_wait3A_775 = arith.constant 8 : i32
        %dma_wait3A_776 = arith.constant 0 : i32
        %dma_wait3A_777 = tpu.memref_slice %arg9[%dma_wait3A_775, %dma_wait3A_776] : memref<64x129xf32, #tpu.memory_space<vmem>> -> memref<8x128xf32, #tpu.memory_space<vmem>>
        %dma_wait3A_778 = arith.constant 0 : i32
        %dma_wait3A_779 = arith.constant 0 : i32
        %dma_wait3A_780 = tpu.memref_slice %arg4[%select_n3A_742, %dma_wait3A_774, %select_n3A_758, %dma_wait3A_778, %dma_wait3A_779] : memref<200x8x32x8x128xf32, #tpu.memory_space<hbm>> -> memref<1x1x1x8x128xf32, #tpu.memory_space<hbm>>
        %dma_wait3A_781 = tpu.memref_squeeze %dma_wait3A_780 : memref<1x1x1x8x128xf32, #tpu.memory_space<hbm>> -> memref<8x128xf32, #tpu.memory_space<hbm>>
        %dma_wait3A_782 = arith.constant 0 : i32
        %dma_wait3A_783 = arith.constant 0 : i32
        %dma_wait3A_784 = tpu.memref_slice %arg4[%select_n3A_742, %dma_wait3A_774, %select_n3A_758, %dma_wait3A_782, %dma_wait3A_783] : memref<200x8x32x8x128xf32, #tpu.memory_space<hbm>> -> memref<1x1x1x8x128xf32, #tpu.memory_space<hbm>>
        %dma_wait3A_785 = tpu.memref_squeeze %dma_wait3A_784 : memref<1x1x1x8x128xf32, #tpu.memory_space<hbm>> -> memref<8x128xf32, #tpu.memory_space<hbm>>
        %dma_wait3A_786 = arith.constant 8 : i32
        %dma_wait3A_787 = arith.constant 0 : i32
        %dma_wait3A_788 = tpu.memref_slice %arg9[%dma_wait3A_786, %dma_wait3A_787] : memref<64x129xf32, #tpu.memory_space<vmem>> -> memref<8x128xf32, #tpu.memory_space<vmem>>
        tpu.wait_dma2 semaphore(%arg13 : memref<!tpu.dma_semaphore, #tpu.memory_space<semaphore_mem>>) src(%dma_wait3A_788 : memref<8x128xf32, #tpu.memory_space<vmem>>) dst(%dma_wait3A_785 : memref<8x128xf32, #tpu.memory_space<hbm>>)
        %dma_wait3A_789 = arith.constant 2 : i32
        %dma_wait3A_790 = arith.constant 16 : i32
        %dma_wait3A_791 = arith.constant 0 : i32
        %dma_wait3A_792 = tpu.memref_slice %arg9[%dma_wait3A_790, %dma_wait3A_791] : memref<64x129xf32, #tpu.memory_space<vmem>> -> memref<8x128xf32, #tpu.memory_space<vmem>>
        %dma_wait3A_793 = arith.constant 0 : i32
        %dma_wait3A_794 = arith.constant 0 : i32
        %dma_wait3A_795 = tpu.memref_slice %arg4[%select_n3A_742, %dma_wait3A_789, %select_n3A_758, %dma_wait3A_793, %dma_wait3A_794] : memref<200x8x32x8x128xf32, #tpu.memory_space<hbm>> -> memref<1x1x1x8x128xf32, #tpu.memory_space<hbm>>
        %dma_wait3A_796 = tpu.memref_squeeze %dma_wait3A_795 : memref<1x1x1x8x128xf32, #tpu.memory_space<hbm>> -> memref<8x128xf32, #tpu.memory_space<hbm>>
        %dma_wait3A_797 = arith.constant 0 : i32
        %dma_wait3A_798 = arith.constant 0 : i32
        %dma_wait3A_799 = tpu.memref_slice %arg4[%select_n3A_742, %dma_wait3A_789, %select_n3A_758, %dma_wait3A_797, %dma_wait3A_798] : memref<200x8x32x8x128xf32, #tpu.memory_space<hbm>> -> memref<1x1x1x8x128xf32, #tpu.memory_space<hbm>>
        %dma_wait3A_800 = tpu.memref_squeeze %dma_wait3A_799 : memref<1x1x1x8x128xf32, #tpu.memory_space<hbm>> -> memref<8x128xf32, #tpu.memory_space<hbm>>
        %dma_wait3A_801 = arith.constant 16 : i32
        %dma_wait3A_802 = arith.constant 0 : i32
        %dma_wait3A_803 = tpu.memref_slice %arg9[%dma_wait3A_801, %dma_wait3A_802] : memref<64x129xf32, #tpu.memory_space<vmem>> -> memref<8x128xf32, #tpu.memory_space<vmem>>
        tpu.wait_dma2 semaphore(%arg13 : memref<!tpu.dma_semaphore, #tpu.memory_space<semaphore_mem>>) src(%dma_wait3A_803 : memref<8x128xf32, #tpu.memory_space<vmem>>) dst(%dma_wait3A_800 : memref<8x128xf32, #tpu.memory_space<hbm>>)
        %dma_wait3A_804 = arith.constant 3 : i32
        %dma_wait3A_805 = arith.constant 24 : i32
        %dma_wait3A_806 = arith.constant 0 : i32
        %dma_wait3A_807 = tpu.memref_slice %arg9[%dma_wait3A_805, %dma_wait3A_806] : memref<64x129xf32, #tpu.memory_space<vmem>> -> memref<8x128xf32, #tpu.memory_space<vmem>>
        %dma_wait3A_808 = arith.constant 0 : i32
        %dma_wait3A_809 = arith.constant 0 : i32
        %dma_wait3A_810 = tpu.memref_slice %arg4[%select_n3A_742, %dma_wait3A_804, %select_n3A_758, %dma_wait3A_808, %dma_wait3A_809] : memref<200x8x32x8x128xf32, #tpu.memory_space<hbm>> -> memref<1x1x1x8x128xf32, #tpu.memory_space<hbm>>
        %dma_wait3A_811 = tpu.memref_squeeze %dma_wait3A_810 : memref<1x1x1x8x128xf32, #tpu.memory_space<hbm>> -> memref<8x128xf32, #tpu.memory_space<hbm>>
        %dma_wait3A_812 = arith.constant 0 : i32
        %dma_wait3A_813 = arith.constant 0 : i32
        %dma_wait3A_814 = tpu.memref_slice %arg4[%select_n3A_742, %dma_wait3A_804, %select_n3A_758, %dma_wait3A_812, %dma_wait3A_813] : memref<200x8x32x8x128xf32, #tpu.memory_space<hbm>> -> memref<1x1x1x8x128xf32, #tpu.memory_space<hbm>>
        %dma_wait3A_815 = tpu.memref_squeeze %dma_wait3A_814 : memref<1x1x1x8x128xf32, #tpu.memory_space<hbm>> -> memref<8x128xf32, #tpu.memory_space<hbm>>
        %dma_wait3A_816 = arith.constant 24 : i32
        %dma_wait3A_817 = arith.constant 0 : i32
        %dma_wait3A_818 = tpu.memref_slice %arg9[%dma_wait3A_816, %dma_wait3A_817] : memref<64x129xf32, #tpu.memory_space<vmem>> -> memref<8x128xf32, #tpu.memory_space<vmem>>
        tpu.wait_dma2 semaphore(%arg13 : memref<!tpu.dma_semaphore, #tpu.memory_space<semaphore_mem>>) src(%dma_wait3A_818 : memref<8x128xf32, #tpu.memory_space<vmem>>) dst(%dma_wait3A_815 : memref<8x128xf32, #tpu.memory_space<hbm>>)
        %dma_wait3A_819 = arith.constant 4 : i32
        %dma_wait3A_820 = arith.constant 32 : i32
        %dma_wait3A_821 = arith.constant 0 : i32
        %dma_wait3A_822 = tpu.memref_slice %arg9[%dma_wait3A_820, %dma_wait3A_821] : memref<64x129xf32, #tpu.memory_space<vmem>> -> memref<8x128xf32, #tpu.memory_space<vmem>>
        %dma_wait3A_823 = arith.constant 0 : i32
        %dma_wait3A_824 = arith.constant 0 : i32
        %dma_wait3A_825 = tpu.memref_slice %arg4[%select_n3A_742, %dma_wait3A_819, %select_n3A_758, %dma_wait3A_823, %dma_wait3A_824] : memref<200x8x32x8x128xf32, #tpu.memory_space<hbm>> -> memref<1x1x1x8x128xf32, #tpu.memory_space<hbm>>
        %dma_wait3A_826 = tpu.memref_squeeze %dma_wait3A_825 : memref<1x1x1x8x128xf32, #tpu.memory_space<hbm>> -> memref<8x128xf32, #tpu.memory_space<hbm>>
        %dma_wait3A_827 = arith.constant 0 : i32
        %dma_wait3A_828 = arith.constant 0 : i32
        %dma_wait3A_829 = tpu.memref_slice %arg4[%select_n3A_742, %dma_wait3A_819, %select_n3A_758, %dma_wait3A_827, %dma_wait3A_828] : memref<200x8x32x8x128xf32, #tpu.memory_space<hbm>> -> memref<1x1x1x8x128xf32, #tpu.memory_space<hbm>>
        %dma_wait3A_830 = tpu.memref_squeeze %dma_wait3A_829 : memref<1x1x1x8x128xf32, #tpu.memory_space<hbm>> -> memref<8x128xf32, #tpu.memory_space<hbm>>
        %dma_wait3A_831 = arith.constant 32 : i32
        %dma_wait3A_832 = arith.constant 0 : i32
        %dma_wait3A_833 = tpu.memref_slice %arg9[%dma_wait3A_831, %dma_wait3A_832] : memref<64x129xf32, #tpu.memory_space<vmem>> -> memref<8x128xf32, #tpu.memory_space<vmem>>
        tpu.wait_dma2 semaphore(%arg13 : memref<!tpu.dma_semaphore, #tpu.memory_space<semaphore_mem>>) src(%dma_wait3A_833 : memref<8x128xf32, #tpu.memory_space<vmem>>) dst(%dma_wait3A_830 : memref<8x128xf32, #tpu.memory_space<hbm>>)
        %dma_wait3A_834 = arith.constant 5 : i32
        %dma_wait3A_835 = arith.constant 40 : i32
        %dma_wait3A_836 = arith.constant 0 : i32
        %dma_wait3A_837 = tpu.memref_slice %arg9[%dma_wait3A_835, %dma_wait3A_836] : memref<64x129xf32, #tpu.memory_space<vmem>> -> memref<8x128xf32, #tpu.memory_space<vmem>>
        %dma_wait3A_838 = arith.constant 0 : i32
        %dma_wait3A_839 = arith.constant 0 : i32
        %dma_wait3A_840 = tpu.memref_slice %arg4[%select_n3A_742, %dma_wait3A_834, %select_n3A_758, %dma_wait3A_838, %dma_wait3A_839] : memref<200x8x32x8x128xf32, #tpu.memory_space<hbm>> -> memref<1x1x1x8x128xf32, #tpu.memory_space<hbm>>
        %dma_wait3A_841 = tpu.memref_squeeze %dma_wait3A_840 : memref<1x1x1x8x128xf32, #tpu.memory_space<hbm>> -> memref<8x128xf32, #tpu.memory_space<hbm>>
        %dma_wait3A_842 = arith.constant 0 : i32
        %dma_wait3A_843 = arith.constant 0 : i32
        %dma_wait3A_844 = tpu.memref_slice %arg4[%select_n3A_742, %dma_wait3A_834, %select_n3A_758, %dma_wait3A_842, %dma_wait3A_843] : memref<200x8x32x8x128xf32, #tpu.memory_space<hbm>> -> memref<1x1x1x8x128xf32, #tpu.memory_space<hbm>>
        %dma_wait3A_845 = tpu.memref_squeeze %dma_wait3A_844 : memref<1x1x1x8x128xf32, #tpu.memory_space<hbm>> -> memref<8x128xf32, #tpu.memory_space<hbm>>
        %dma_wait3A_846 = arith.constant 40 : i32
        %dma_wait3A_847 = arith.constant 0 : i32
        %dma_wait3A_848 = tpu.memref_slice %arg9[%dma_wait3A_846, %dma_wait3A_847] : memref<64x129xf32, #tpu.memory_space<vmem>> -> memref<8x128xf32, #tpu.memory_space<vmem>>
        tpu.wait_dma2 semaphore(%arg13 : memref<!tpu.dma_semaphore, #tpu.memory_space<semaphore_mem>>) src(%dma_wait3A_848 : memref<8x128xf32, #tpu.memory_space<vmem>>) dst(%dma_wait3A_845 : memref<8x128xf32, #tpu.memory_space<hbm>>)
        %dma_wait3A_849 = arith.constant 6 : i32
        %dma_wait3A_850 = arith.constant 48 : i32
        %dma_wait3A_851 = arith.constant 0 : i32
        %dma_wait3A_852 = tpu.memref_slice %arg9[%dma_wait3A_850, %dma_wait3A_851] : memref<64x129xf32, #tpu.memory_space<vmem>> -> memref<8x128xf32, #tpu.memory_space<vmem>>
        %dma_wait3A_853 = arith.constant 0 : i32
        %dma_wait3A_854 = arith.constant 0 : i32
        %dma_wait3A_855 = tpu.memref_slice %arg4[%select_n3A_742, %dma_wait3A_849, %select_n3A_758, %dma_wait3A_853, %dma_wait3A_854] : memref<200x8x32x8x128xf32, #tpu.memory_space<hbm>> -> memref<1x1x1x8x128xf32, #tpu.memory_space<hbm>>
        %dma_wait3A_856 = tpu.memref_squeeze %dma_wait3A_855 : memref<1x1x1x8x128xf32, #tpu.memory_space<hbm>> -> memref<8x128xf32, #tpu.memory_space<hbm>>
        %dma_wait3A_857 = arith.constant 0 : i32
        %dma_wait3A_858 = arith.constant 0 : i32
        %dma_wait3A_859 = tpu.memref_slice %arg4[%select_n3A_742, %dma_wait3A_849, %select_n3A_758, %dma_wait3A_857, %dma_wait3A_858] : memref<200x8x32x8x128xf32, #tpu.memory_space<hbm>> -> memref<1x1x1x8x128xf32, #tpu.memory_space<hbm>>
        %dma_wait3A_860 = tpu.memref_squeeze %dma_wait3A_859 : memref<1x1x1x8x128xf32, #tpu.memory_space<hbm>> -> memref<8x128xf32, #tpu.memory_space<hbm>>
        %dma_wait3A_861 = arith.constant 48 : i32
        %dma_wait3A_862 = arith.constant 0 : i32
        %dma_wait3A_863 = tpu.memref_slice %arg9[%dma_wait3A_861, %dma_wait3A_862] : memref<64x129xf32, #tpu.memory_space<vmem>> -> memref<8x128xf32, #tpu.memory_space<vmem>>
        tpu.wait_dma2 semaphore(%arg13 : memref<!tpu.dma_semaphore, #tpu.memory_space<semaphore_mem>>) src(%dma_wait3A_863 : memref<8x128xf32, #tpu.memory_space<vmem>>) dst(%dma_wait3A_860 : memref<8x128xf32, #tpu.memory_space<hbm>>)
        %dma_wait3A_864 = arith.constant 7 : i32
        %dma_wait3A_865 = arith.constant 56 : i32
        %dma_wait3A_866 = arith.constant 0 : i32
        %dma_wait3A_867 = tpu.memref_slice %arg9[%dma_wait3A_865, %dma_wait3A_866] : memref<64x129xf32, #tpu.memory_space<vmem>> -> memref<8x128xf32, #tpu.memory_space<vmem>>
        %dma_wait3A_868 = arith.constant 0 : i32
        %dma_wait3A_869 = arith.constant 0 : i32
        %dma_wait3A_870 = tpu.memref_slice %arg4[%select_n3A_742, %dma_wait3A_864, %select_n3A_758, %dma_wait3A_868, %dma_wait3A_869] : memref<200x8x32x8x128xf32, #tpu.memory_space<hbm>> -> memref<1x1x1x8x128xf32, #tpu.memory_space<hbm>>
        %dma_wait3A_871 = tpu.memref_squeeze %dma_wait3A_870 : memref<1x1x1x8x128xf32, #tpu.memory_space<hbm>> -> memref<8x128xf32, #tpu.memory_space<hbm>>
        %dma_wait3A_872 = arith.constant 0 : i32
        %dma_wait3A_873 = arith.constant 0 : i32
        %dma_wait3A_874 = tpu.memref_slice %arg4[%select_n3A_742, %dma_wait3A_864, %select_n3A_758, %dma_wait3A_872, %dma_wait3A_873] : memref<200x8x32x8x128xf32, #tpu.memory_space<hbm>> -> memref<1x1x1x8x128xf32, #tpu.memory_space<hbm>>
        %dma_wait3A_875 = tpu.memref_squeeze %dma_wait3A_874 : memref<1x1x1x8x128xf32, #tpu.memory_space<hbm>> -> memref<8x128xf32, #tpu.memory_space<hbm>>
        %dma_wait3A_876 = arith.constant 56 : i32
        %dma_wait3A_877 = arith.constant 0 : i32
        %dma_wait3A_878 = tpu.memref_slice %arg9[%dma_wait3A_876, %dma_wait3A_877] : memref<64x129xf32, #tpu.memory_space<vmem>> -> memref<8x128xf32, #tpu.memory_space<vmem>>
        tpu.wait_dma2 semaphore(%arg13 : memref<!tpu.dma_semaphore, #tpu.memory_space<semaphore_mem>>) src(%dma_wait3A_878 : memref<8x128xf32, #tpu.memory_space<vmem>>) dst(%dma_wait3A_875 : memref<8x128xf32, #tpu.memory_space<hbm>>)
      } else {
      }
      %parallel_loop3A_548 = arith.constant 0 : i32
      %parallel_loop3A_549 = arith.constant 128 : i32
      %parallel_loop3A_550 = arith.constant 4 : i32
      scf.for %parallel_loop3A_714 = %parallel_loop3A_548 to %parallel_loop3A_549 step %parallel_loop3A_550  : i32 {
        %parallel_loop3A_715 = arith.constant 0 : i32
        %parallel_loop3A_716 = arith.addi %parallel_loop3A_714, %parallel_loop3A_715 : i32
        %parallel_loop3A_717 = arith.constant 0 : i32
        %parallel_loop3A_718 = vector.broadcast %parallel_loop3A_717 : i32 to vector<16xi32>
        %parallel_loop3A_719 = vector.broadcast %parallel_loop3A_716 : i32 to vector<16xi32>
        %parallel_loop3A_720 = arith.addi %parallel_loop3A_718, %parallel_loop3A_719 : vector<16xi32>
        %parallel_loop3A_721 = arith.index_cast %parallel_loop3A_716 : i32 to index
        %parallel_loop3A_722 = arith.constant 0 : index
        %parallel_loop3A_723 = tpu.vector_load %arg7[%parallel_loop3A_721, %parallel_loop3A_722] {strides = array<i32>} : memref<128x64xf32, #tpu.memory_space<vmem>>, vector<16xf32>,
        %parallel_loop3A_724 = arith.constant 8.000000e+00 : f32
        %parallel_loop3A_725 = vector.broadcast %parallel_loop3A_724 : f32 to vector<16xf32>
        %parallel_loop3A_726 = arith.mulf %parallel_loop3A_723, %parallel_loop3A_725 : vector<16xf32>
        tpu.vector_store_idx %arg9[%add3A_5, %parallel_loop3A_720], %parallel_loop3A_726 : memref<64x129xf32, #tpu.memory_space<vmem>>[vector<16xi32>, vector<16xi32>], vector<16xf32>,
        %parallel_loop3A_727 = arith.index_cast %parallel_loop3A_716 : i32 to index
        %parallel_loop3A_728 = arith.constant 16 : index
        %parallel_loop3A_729 = tpu.vector_load %arg7[%parallel_loop3A_727, %parallel_loop3A_728] {strides = array<i32>} : memref<128x64xf32, #tpu.memory_space<vmem>>, vector<16xf32>,
        %parallel_loop3A_730 = arith.constant 8.000000e+00 : f32
        %parallel_loop3A_731 = vector.broadcast %parallel_loop3A_730 : f32 to vector<16xf32>
        %parallel_loop3A_732 = arith.mulf %parallel_loop3A_729, %parallel_loop3A_731 : vector<16xf32>
        tpu.vector_store_idx %arg9[%add3A_8, %parallel_loop3A_720], %parallel_loop3A_732 : memref<64x129xf32, #tpu.memory_space<vmem>>[vector<16xi32>, vector<16xi32>], vector<16xf32>,
        %parallel_loop3A_733 = arith.index_cast %parallel_loop3A_716 : i32 to index
        %parallel_loop3A_734 = arith.constant 32 : index
        %parallel_loop3A_735 = tpu.vector_load %arg7[%parallel_loop3A_733, %parallel_loop3A_734] {strides = array<i32>} : memref<128x64xf32, #tpu.memory_space<vmem>>, vector<16xf32>,
        %parallel_loop3A_736 = arith.constant 8.000000e+00 : f32
        %parallel_loop3A_737 = vector.broadcast %parallel_loop3A_736 : f32 to vector<16xf32>
        %parallel_loop3A_738 = arith.mulf %parallel_loop3A_735, %parallel_loop3A_737 : vector<16xf32>
        tpu.vector_store_idx %arg9[%add3A_11, %parallel_loop3A_720], %parallel_loop3A_738 : memref<64x129xf32, #tpu.memory_space<vmem>>[vector<16xi32>, vector<16xi32>], vector<16xf32>,
        %parallel_loop3A_739 = arith.index_cast %parallel_loop3A_716 : i32 to index
        %parallel_loop3A_740 = arith.constant 48 : index
        %parallel_loop3A_741 = tpu.vector_load %arg7[%parallel_loop3A_739, %parallel_loop3A_740] {strides = array<i32>} : memref<128x64xf32, #tpu.memory_space<vmem>>, vector<16xf32>,
        %parallel_loop3A_742 = arith.constant 8.000000e+00 : f32
        %parallel_loop3A_743 = vector.broadcast %parallel_loop3A_742 : f32 to vector<16xf32>
        %parallel_loop3A_744 = arith.mulf %parallel_loop3A_741, %parallel_loop3A_743 : vector<16xf32>
        tpu.vector_store_idx %arg9[%add3A_14, %parallel_loop3A_720], %parallel_loop3A_744 : memref<64x129xf32, #tpu.memory_space<vmem>>[vector<16xi32>, vector<16xi32>], vector<16xf32>,
        %parallel_loop3A_745 = arith.constant 1 : i32
        %parallel_loop3A_746 = arith.addi %parallel_loop3A_714, %parallel_loop3A_745 : i32
        %parallel_loop3A_747 = arith.constant 0 : i32
        %parallel_loop3A_748 = vector.broadcast %parallel_loop3A_747 : i32 to vector<16xi32>
        %parallel_loop3A_749 = vector.broadcast %parallel_loop3A_746 : i32 to vector<16xi32>
        %parallel_loop3A_750 = arith.addi %parallel_loop3A_748, %parallel_loop3A_749 : vector<16xi32>
        %parallel_loop3A_751 = arith.index_cast %parallel_loop3A_746 : i32 to index
        %parallel_loop3A_752 = arith.constant 0 : index
        %parallel_loop3A_753 = tpu.vector_load %arg7[%parallel_loop3A_751, %parallel_loop3A_752] {strides = array<i32>} : memref<128x64xf32, #tpu.memory_space<vmem>>, vector<16xf32>,
        %parallel_loop3A_754 = arith.constant 8.000000e+00 : f32
        %parallel_loop3A_755 = vector.broadcast %parallel_loop3A_754 : f32 to vector<16xf32>
        %parallel_loop3A_756 = arith.mulf %parallel_loop3A_753, %parallel_loop3A_755 : vector<16xf32>
        tpu.vector_store_idx %arg9[%add3A_5, %parallel_loop3A_750], %parallel_loop3A_756 : memref<64x129xf32, #tpu.memory_space<vmem>>[vector<16xi32>, vector<16xi32>], vector<16xf32>,
        %parallel_loop3A_757 = arith.index_cast %parallel_loop3A_746 : i32 to index
        %parallel_loop3A_758 = arith.constant 16 : index
        %parallel_loop3A_759 = tpu.vector_load %arg7[%parallel_loop3A_757, %parallel_loop3A_758] {strides = array<i32>} : memref<128x64xf32, #tpu.memory_space<vmem>>, vector<16xf32>,
        %parallel_loop3A_760 = arith.constant 8.000000e+00 : f32
        %parallel_loop3A_761 = vector.broadcast %parallel_loop3A_760 : f32 to vector<16xf32>
        %parallel_loop3A_762 = arith.mulf %parallel_loop3A_759, %parallel_loop3A_761 : vector<16xf32>
        tpu.vector_store_idx %arg9[%add3A_8, %parallel_loop3A_750], %parallel_loop3A_762 : memref<64x129xf32, #tpu.memory_space<vmem>>[vector<16xi32>, vector<16xi32>], vector<16xf32>,
        %parallel_loop3A_763 = arith.index_cast %parallel_loop3A_746 : i32 to index
        %parallel_loop3A_764 = arith.constant 32 : index
        %parallel_loop3A_765 = tpu.vector_load %arg7[%parallel_loop3A_763, %parallel_loop3A_764] {strides = array<i32>} : memref<128x64xf32, #tpu.memory_space<vmem>>, vector<16xf32>,
        %parallel_loop3A_766 = arith.constant 8.000000e+00 : f32
        %parallel_loop3A_767 = vector.broadcast %parallel_loop3A_766 : f32 to vector<16xf32>
        %parallel_loop3A_768 = arith.mulf %parallel_loop3A_765, %parallel_loop3A_767 : vector<16xf32>
        tpu.vector_store_idx %arg9[%add3A_11, %parallel_loop3A_750], %parallel_loop3A_768 : memref<64x129xf32, #tpu.memory_space<vmem>>[vector<16xi32>, vector<16xi32>], vector<16xf32>,
        %parallel_loop3A_769 = arith.index_cast %parallel_loop3A_746 : i32 to index
        %parallel_loop3A_770 = arith.constant 48 : index
        %parallel_loop3A_771 = tpu.vector_load %arg7[%parallel_loop3A_769, %parallel_loop3A_770] {strides = array<i32>} : memref<128x64xf32, #tpu.memory_space<vmem>>, vector<16xf32>,
        %parallel_loop3A_772 = arith.constant 8.000000e+00 : f32
        %parallel_loop3A_773 = vector.broadcast %parallel_loop3A_772 : f32 to vector<16xf32>
        %parallel_loop3A_774 = arith.mulf %parallel_loop3A_771, %parallel_loop3A_773 : vector<16xf32>
        tpu.vector_store_idx %arg9[%add3A_14, %parallel_loop3A_750], %parallel_loop3A_774 : memref<64x129xf32, #tpu.memory_space<vmem>>[vector<16xi32>, vector<16xi32>], vector<16xf32>,
        %parallel_loop3A_775 = arith.constant 2 : i32
        %parallel_loop3A_776 = arith.addi %parallel_loop3A_714, %parallel_loop3A_775 : i32
        %parallel_loop3A_777 = arith.constant 0 : i32
        %parallel_loop3A_778 = vector.broadcast %parallel_loop3A_777 : i32 to vector<16xi32>
        %parallel_loop3A_779 = vector.broadcast %parallel_loop3A_776 : i32 to vector<16xi32>
        %parallel_loop3A_780 = arith.addi %parallel_loop3A_778, %parallel_loop3A_779 : vector<16xi32>
        %parallel_loop3A_781 = arith.index_cast %parallel_loop3A_776 : i32 to index
        %parallel_loop3A_782 = arith.constant 0 : index
        %parallel_loop3A_783 = tpu.vector_load %arg7[%parallel_loop3A_781, %parallel_loop3A_782] {strides = array<i32>} : memref<128x64xf32, #tpu.memory_space<vmem>>, vector<16xf32>,
        %parallel_loop3A_784 = arith.constant 8.000000e+00 : f32
        %parallel_loop3A_785 = vector.broadcast %parallel_loop3A_784 : f32 to vector<16xf32>
        %parallel_loop3A_786 = arith.mulf %parallel_loop3A_783, %parallel_loop3A_785 : vector<16xf32>
        tpu.vector_store_idx %arg9[%add3A_5, %parallel_loop3A_780], %parallel_loop3A_786 : memref<64x129xf32, #tpu.memory_space<vmem>>[vector<16xi32>, vector<16xi32>], vector<16xf32>,
        %parallel_loop3A_787 = arith.index_cast %parallel_loop3A_776 : i32 to index
        %parallel_loop3A_788 = arith.constant 16 : index
        %parallel_loop3A_789 = tpu.vector_load %arg7[%parallel_loop3A_787, %parallel_loop3A_788] {strides = array<i32>} : memref<128x64xf32, #tpu.memory_space<vmem>>, vector<16xf32>,
        %parallel_loop3A_790 = arith.constant 8.000000e+00 : f32
        %parallel_loop3A_791 = vector.broadcast %parallel_loop3A_790 : f32 to vector<16xf32>
        %parallel_loop3A_792 = arith.mulf %parallel_loop3A_789, %parallel_loop3A_791 : vector<16xf32>
        tpu.vector_store_idx %arg9[%add3A_8, %parallel_loop3A_780], %parallel_loop3A_792 : memref<64x129xf32, #tpu.memory_space<vmem>>[vector<16xi32>, vector<16xi32>], vector<16xf32>,
        %parallel_loop3A_793 = arith.index_cast %parallel_loop3A_776 : i32 to index
        %parallel_loop3A_794 = arith.constant 32 : index
        %parallel_loop3A_795 = tpu.vector_load %arg7[%parallel_loop3A_793, %parallel_loop3A_794] {strides = array<i32>} : memref<128x64xf32, #tpu.memory_space<vmem>>, vector<16xf32>,
        %parallel_loop3A_796 = arith.constant 8.000000e+00 : f32
        %parallel_loop3A_797 = vector.broadcast %parallel_loop3A_796 : f32 to vector<16xf32>
        %parallel_loop3A_798 = arith.mulf %parallel_loop3A_795, %parallel_loop3A_797 : vector<16xf32>
        tpu.vector_store_idx %arg9[%add3A_11, %parallel_loop3A_780], %parallel_loop3A_798 : memref<64x129xf32, #tpu.memory_space<vmem>>[vector<16xi32>, vector<16xi32>], vector<16xf32>,
        %parallel_loop3A_799 = arith.index_cast %parallel_loop3A_776 : i32 to index
        %parallel_loop3A_800 = arith.constant 48 : index
        %parallel_loop3A_801 = tpu.vector_load %arg7[%parallel_loop3A_799, %parallel_loop3A_800] {strides = array<i32>} : memref<128x64xf32, #tpu.memory_space<vmem>>, vector<16xf32>,
        %parallel_loop3A_802 = arith.constant 8.000000e+00 : f32
        %parallel_loop3A_803 = vector.broadcast %parallel_loop3A_802 : f32 to vector<16xf32>
        %parallel_loop3A_804 = arith.mulf %parallel_loop3A_801, %parallel_loop3A_803 : vector<16xf32>
        tpu.vector_store_idx %arg9[%add3A_14, %parallel_loop3A_780], %parallel_loop3A_804 : memref<64x129xf32, #tpu.memory_space<vmem>>[vector<16xi32>, vector<16xi32>], vector<16xf32>,
        %parallel_loop3A_805 = arith.constant 3 : i32
        %parallel_loop3A_806 = arith.addi %parallel_loop3A_714, %parallel_loop3A_805 : i32
        %parallel_loop3A_807 = arith.constant 0 : i32
        %parallel_loop3A_808 = vector.broadcast %parallel_loop3A_807 : i32 to vector<16xi32>
        %parallel_loop3A_809 = vector.broadcast %parallel_loop3A_806 : i32 to vector<16xi32>
        %parallel_loop3A_810 = arith.addi %parallel_loop3A_808, %parallel_loop3A_809 : vector<16xi32>
        %parallel_loop3A_811 = arith.index_cast %parallel_loop3A_806 : i32 to index
        %parallel_loop3A_812 = arith.constant 0 : index
        %parallel_loop3A_813 = tpu.vector_load %arg7[%parallel_loop3A_811, %parallel_loop3A_812] {strides = array<i32>} : memref<128x64xf32, #tpu.memory_space<vmem>>, vector<16xf32>,
        %parallel_loop3A_814 = arith.constant 8.000000e+00 : f32
        %parallel_loop3A_815 = vector.broadcast %parallel_loop3A_814 : f32 to vector<16xf32>
        %parallel_loop3A_816 = arith.mulf %parallel_loop3A_813, %parallel_loop3A_815 : vector<16xf32>
        tpu.vector_store_idx %arg9[%add3A_5, %parallel_loop3A_810], %parallel_loop3A_816 : memref<64x129xf32, #tpu.memory_space<vmem>>[vector<16xi32>, vector<16xi32>], vector<16xf32>,
        %parallel_loop3A_817 = arith.index_cast %parallel_loop3A_806 : i32 to index
        %parallel_loop3A_818 = arith.constant 16 : index
        %parallel_loop3A_819 = tpu.vector_load %arg7[%parallel_loop3A_817, %parallel_loop3A_818] {strides = array<i32>} : memref<128x64xf32, #tpu.memory_space<vmem>>, vector<16xf32>,
        %parallel_loop3A_820 = arith.constant 8.000000e+00 : f32
        %parallel_loop3A_821 = vector.broadcast %parallel_loop3A_820 : f32 to vector<16xf32>
        %parallel_loop3A_822 = arith.mulf %parallel_loop3A_819, %parallel_loop3A_821 : vector<16xf32>
        tpu.vector_store_idx %arg9[%add3A_8, %parallel_loop3A_810], %parallel_loop3A_822 : memref<64x129xf32, #tpu.memory_space<vmem>>[vector<16xi32>, vector<16xi32>], vector<16xf32>,
        %parallel_loop3A_823 = arith.index_cast %parallel_loop3A_806 : i32 to index
        %parallel_loop3A_824 = arith.constant 32 : index
        %parallel_loop3A_825 = tpu.vector_load %arg7[%parallel_loop3A_823, %parallel_loop3A_824] {strides = array<i32>} : memref<128x64xf32, #tpu.memory_space<vmem>>, vector<16xf32>,
        %parallel_loop3A_826 = arith.constant 8.000000e+00 : f32
        %parallel_loop3A_827 = vector.broadcast %parallel_loop3A_826 : f32 to vector<16xf32>
        %parallel_loop3A_828 = arith.mulf %parallel_loop3A_825, %parallel_loop3A_827 : vector<16xf32>
        tpu.vector_store_idx %arg9[%add3A_11, %parallel_loop3A_810], %parallel_loop3A_828 : memref<64x129xf32, #tpu.memory_space<vmem>>[vector<16xi32>, vector<16xi32>], vector<16xf32>,
        %parallel_loop3A_829 = arith.index_cast %parallel_loop3A_806 : i32 to index
        %parallel_loop3A_830 = arith.constant 48 : index
        %parallel_loop3A_831 = tpu.vector_load %arg7[%parallel_loop3A_829, %parallel_loop3A_830] {strides = array<i32>} : memref<128x64xf32, #tpu.memory_space<vmem>>, vector<16xf32>,
        %parallel_loop3A_832 = arith.constant 8.000000e+00 : f32
        %parallel_loop3A_833 = vector.broadcast %parallel_loop3A_832 : f32 to vector<16xf32>
        %parallel_loop3A_834 = arith.mulf %parallel_loop3A_831, %parallel_loop3A_833 : vector<16xf32>
        tpu.vector_store_idx %arg9[%add3A_14, %parallel_loop3A_810], %parallel_loop3A_834 : memref<64x129xf32, #tpu.memory_space<vmem>>[vector<16xi32>, vector<16xi32>], vector<16xf32>,
      } {sc.loop_unroll_factor = 4 : i64, sc.parallel_access}
      %mul3A_551 = arith.constant 200 : i32
      %mul3A_552 = arith.muli %add3A, %mul3A_551 : i32
      %add3A_553 = arith.addi %mul3A_552, %add3A_529 : i32
      %jit3A_554 = arith.constant 32 : i32
      %div3A_555 = arith.divsi %add3A_553, %jit3A_554 : i32
      %sign3A_556 = arith.constant 0 : i32
      %sign3A_557 = arith.cmpi sgt, %add3A_553, %sign3A_556 : i32
      %sign3A_558 = arith.extui %sign3A_557 : i1 to i32
      %sign3A_559 = arith.constant 0 : i32
      %sign3A_560 = arith.cmpi slt, %add3A_553, %sign3A_559 : i32
      %sign3A_561 = arith.extui %sign3A_560 : i1 to i32
      %sign3A_562 = arith.subi %sign3A_558, %sign3A_561 : i32
      %sign3A_563 = arith.constant 0 : i32
      %sign3A_564 = arith.cmpi sgt, %jit3A_554, %sign3A_563 : i32
      %sign3A_565 = arith.extui %sign3A_564 : i1 to i32
      %sign3A_566 = arith.constant 0 : i32
      %sign3A_567 = arith.cmpi slt, %jit3A_554, %sign3A_566 : i32
      %sign3A_568 = arith.extui %sign3A_567 : i1 to i32
      %sign3A_569 = arith.subi %sign3A_565, %sign3A_568 : i32
      %ne3A_570 = arith.cmpi ne, %sign3A_562, %sign3A_569 : i32
      %rem3A_571 = arith.remsi %add3A_553, %jit3A_554 : i32
      %ne3A_572 = arith.constant 0 : i32
      %ne3A_573 = arith.cmpi ne, %rem3A_571, %ne3A_572 : i32
      %and3A_574 = arith.andi %ne3A_570, %ne3A_573 : i1
      %sub3A_575 = arith.constant 1 : i32
      %sub3A_576 = arith.subi %div3A_555, %sub3A_575 : i32
      %select_n3A_577 = arith.select %and3A_574, %sub3A_576, %div3A_555 : i32
      %jit3A_578 = arith.constant 32 : i32
      %eq3A_579 = arith.constant 0 : i32
      %eq3A_580 = arith.cmpi eq, %jit3A_578, %eq3A_579 : i32
      %jit3A_581 = arith.constant 1 : i32
      %select_n3A_582 = arith.select %eq3A_580, %jit3A_581, %jit3A_578 : i32
      %rem3A_583 = arith.remsi %add3A_553, %select_n3A_582 : i32
      %ne3A_584 = arith.constant 0 : i32
      %ne3A_585 = arith.cmpi ne, %rem3A_583, %ne3A_584 : i32
      %lt3A_586 = arith.constant 0 : i32
      %lt3A_587 = arith.cmpi slt, %rem3A_583, %lt3A_586 : i32
      %lt3A_588 = arith.constant 0 : i32
      %lt3A_589 = arith.cmpi slt, %select_n3A_582, %lt3A_588 : i32
      %ne3A_590 = arith.xori %lt3A_587, %lt3A_589 : i1
      %and3A_591 = arith.andi %ne3A_590, %ne3A_585 : i1
      %add3A_592 = arith.addi %rem3A_583, %select_n3A_582 : i32
      %select_n3A_593 = arith.select %and3A_591, %add3A_592, %rem3A_583 : i32
      %dma_start3A_594 = arith.constant 0 : i32
      %dma_start3A_595 = arith.constant 0 : i32
      %dma_start3A_596 = arith.constant 0 : i32
      %dma_start3A_597 = tpu.memref_slice %arg9[%dma_start3A_595, %dma_start3A_596] : memref<64x129xf32, #tpu.memory_space<vmem>> -> memref<8x128xf32, #tpu.memory_space<vmem>>
      %dma_start3A_598 = arith.constant 0 : i32
      %dma_start3A_599 = arith.constant 0 : i32
      %dma_start3A_600 = tpu.memref_slice %arg4[%select_n3A_577, %dma_start3A_594, %select_n3A_593, %dma_start3A_598, %dma_start3A_599] : memref<200x8x32x8x128xf32, #tpu.memory_space<hbm>> -> memref<1x1x1x8x128xf32, #tpu.memory_space<hbm>>
      %dma_start3A_601 = tpu.memref_squeeze %dma_start3A_600 : memref<1x1x1x8x128xf32, #tpu.memory_space<hbm>> -> memref<8x128xf32, #tpu.memory_space<hbm>>
      %dma_start3A_602 = arith.constant 0 : i32
      %dma_start3A_603 = arith.constant 0 : i32
      %dma_start3A_604 = tpu.memref_slice %arg4[%select_n3A_577, %dma_start3A_594, %select_n3A_593, %dma_start3A_602, %dma_start3A_603] : memref<200x8x32x8x128xf32, #tpu.memory_space<hbm>> -> memref<1x1x1x8x128xf32, #tpu.memory_space<hbm>>
      %dma_start3A_605 = tpu.memref_squeeze %dma_start3A_604 : memref<1x1x1x8x128xf32, #tpu.memory_space<hbm>> -> memref<8x128xf32, #tpu.memory_space<hbm>>
      %dma_start3A_606 = arith.constant 0 : i32
      %dma_start3A_607 = arith.constant 0 : i32
      %dma_start3A_608 = tpu.memref_slice %arg9[%dma_start3A_606, %dma_start3A_607] : memref<64x129xf32, #tpu.memory_space<vmem>> -> memref<8x128xf32, #tpu.memory_space<vmem>>
      tpu.enqueue_dma source(%dma_start3A_608 : memref<8x128xf32, #tpu.memory_space<vmem>>) target(%dma_start3A_605 : memref<8x128xf32, #tpu.memory_space<hbm>>) target_semaphore(%arg13 : memref<!tpu.dma_semaphore, #tpu.memory_space<semaphore_mem>>)
      %dma_start3A_609 = arith.constant 1 : i32
      %dma_start3A_610 = arith.constant 8 : i32
      %dma_start3A_611 = arith.constant 0 : i32
      %dma_start3A_612 = tpu.memref_slice %arg9[%dma_start3A_610, %dma_start3A_611] : memref<64x129xf32, #tpu.memory_space<vmem>> -> memref<8x128xf32, #tpu.memory_space<vmem>>
      %dma_start3A_613 = arith.constant 0 : i32
      %dma_start3A_614 = arith.constant 0 : i32
      %dma_start3A_615 = tpu.memref_slice %arg4[%select_n3A_577, %dma_start3A_609, %select_n3A_593, %dma_start3A_613, %dma_start3A_614] : memref<200x8x32x8x128xf32, #tpu.memory_space<hbm>> -> memref<1x1x1x8x128xf32, #tpu.memory_space<hbm>>
      %dma_start3A_616 = tpu.memref_squeeze %dma_start3A_615 : memref<1x1x1x8x128xf32, #tpu.memory_space<hbm>> -> memref<8x128xf32, #tpu.memory_space<hbm>>
      %dma_start3A_617 = arith.constant 0 : i32
      %dma_start3A_618 = arith.constant 0 : i32
      %dma_start3A_619 = tpu.memref_slice %arg4[%select_n3A_577, %dma_start3A_609, %select_n3A_593, %dma_start3A_617, %dma_start3A_618] : memref<200x8x32x8x128xf32, #tpu.memory_space<hbm>> -> memref<1x1x1x8x128xf32, #tpu.memory_space<hbm>>
      %dma_start3A_620 = tpu.memref_squeeze %dma_start3A_619 : memref<1x1x1x8x128xf32, #tpu.memory_space<hbm>> -> memref<8x128xf32, #tpu.memory_space<hbm>>
      %dma_start3A_621 = arith.constant 8 : i32
      %dma_start3A_622 = arith.constant 0 : i32
      %dma_start3A_623 = tpu.memref_slice %arg9[%dma_start3A_621, %dma_start3A_622] : memref<64x129xf32, #tpu.memory_space<vmem>> -> memref<8x128xf32, #tpu.memory_space<vmem>>
      tpu.enqueue_dma source(%dma_start3A_623 : memref<8x128xf32, #tpu.memory_space<vmem>>) target(%dma_start3A_620 : memref<8x128xf32, #tpu.memory_space<hbm>>) target_semaphore(%arg13 : memref<!tpu.dma_semaphore, #tpu.memory_space<semaphore_mem>>)
      %dma_start3A_624 = arith.constant 2 : i32
      %dma_start3A_625 = arith.constant 16 : i32
      %dma_start3A_626 = arith.constant 0 : i32
      %dma_start3A_627 = tpu.memref_slice %arg9[%dma_start3A_625, %dma_start3A_626] : memref<64x129xf32, #tpu.memory_space<vmem>> -> memref<8x128xf32, #tpu.memory_space<vmem>>
      %dma_start3A_628 = arith.constant 0 : i32
      %dma_start3A_629 = arith.constant 0 : i32
      %dma_start3A_630 = tpu.memref_slice %arg4[%select_n3A_577, %dma_start3A_624, %select_n3A_593, %dma_start3A_628, %dma_start3A_629] : memref<200x8x32x8x128xf32, #tpu.memory_space<hbm>> -> memref<1x1x1x8x128xf32, #tpu.memory_space<hbm>>
      %dma_start3A_631 = tpu.memref_squeeze %dma_start3A_630 : memref<1x1x1x8x128xf32, #tpu.memory_space<hbm>> -> memref<8x128xf32, #tpu.memory_space<hbm>>
      %dma_start3A_632 = arith.constant 0 : i32
      %dma_start3A_633 = arith.constant 0 : i32
      %dma_start3A_634 = tpu.memref_slice %arg4[%select_n3A_577, %dma_start3A_624, %select_n3A_593, %dma_start3A_632, %dma_start3A_633] : memref<200x8x32x8x128xf32, #tpu.memory_space<hbm>> -> memref<1x1x1x8x128xf32, #tpu.memory_space<hbm>>
      %dma_start3A_635 = tpu.memref_squeeze %dma_start3A_634 : memref<1x1x1x8x128xf32, #tpu.memory_space<hbm>> -> memref<8x128xf32, #tpu.memory_space<hbm>>
      %dma_start3A_636 = arith.constant 16 : i32
      %dma_start3A_637 = arith.constant 0 : i32
      %dma_start3A_638 = tpu.memref_slice %arg9[%dma_start3A_636, %dma_start3A_637] : memref<64x129xf32, #tpu.memory_space<vmem>> -> memref<8x128xf32, #tpu.memory_space<vmem>>
      tpu.enqueue_dma source(%dma_start3A_638 : memref<8x128xf32, #tpu.memory_space<vmem>>) target(%dma_start3A_635 : memref<8x128xf32, #tpu.memory_space<hbm>>) target_semaphore(%arg13 : memref<!tpu.dma_semaphore, #tpu.memory_space<semaphore_mem>>)
      %dma_start3A_639 = arith.constant 3 : i32
      %dma_start3A_640 = arith.constant 24 : i32
      %dma_start3A_641 = arith.constant 0 : i32
      %dma_start3A_642 = tpu.memref_slice %arg9[%dma_start3A_640, %dma_start3A_641] : memref<64x129xf32, #tpu.memory_space<vmem>> -> memref<8x128xf32, #tpu.memory_space<vmem>>
      %dma_start3A_643 = arith.constant 0 : i32
      %dma_start3A_644 = arith.constant 0 : i32
      %dma_start3A_645 = tpu.memref_slice %arg4[%select_n3A_577, %dma_start3A_639, %select_n3A_593, %dma_start3A_643, %dma_start3A_644] : memref<200x8x32x8x128xf32, #tpu.memory_space<hbm>> -> memref<1x1x1x8x128xf32, #tpu.memory_space<hbm>>
      %dma_start3A_646 = tpu.memref_squeeze %dma_start3A_645 : memref<1x1x1x8x128xf32, #tpu.memory_space<hbm>> -> memref<8x128xf32, #tpu.memory_space<hbm>>
      %dma_start3A_647 = arith.constant 0 : i32
      %dma_start3A_648 = arith.constant 0 : i32
      %dma_start3A_649 = tpu.memref_slice %arg4[%select_n3A_577, %dma_start3A_639, %select_n3A_593, %dma_start3A_647, %dma_start3A_648] : memref<200x8x32x8x128xf32, #tpu.memory_space<hbm>> -> memref<1x1x1x8x128xf32, #tpu.memory_space<hbm>>
      %dma_start3A_650 = tpu.memref_squeeze %dma_start3A_649 : memref<1x1x1x8x128xf32, #tpu.memory_space<hbm>> -> memref<8x128xf32, #tpu.memory_space<hbm>>
      %dma_start3A_651 = arith.constant 24 : i32
      %dma_start3A_652 = arith.constant 0 : i32
      %dma_start3A_653 = tpu.memref_slice %arg9[%dma_start3A_651, %dma_start3A_652] : memref<64x129xf32, #tpu.memory_space<vmem>> -> memref<8x128xf32, #tpu.memory_space<vmem>>
      tpu.enqueue_dma source(%dma_start3A_653 : memref<8x128xf32, #tpu.memory_space<vmem>>) target(%dma_start3A_650 : memref<8x128xf32, #tpu.memory_space<hbm>>) target_semaphore(%arg13 : memref<!tpu.dma_semaphore, #tpu.memory_space<semaphore_mem>>)
      %dma_start3A_654 = arith.constant 4 : i32
      %dma_start3A_655 = arith.constant 32 : i32
      %dma_start3A_656 = arith.constant 0 : i32
      %dma_start3A_657 = tpu.memref_slice %arg9[%dma_start3A_655, %dma_start3A_656] : memref<64x129xf32, #tpu.memory_space<vmem>> -> memref<8x128xf32, #tpu.memory_space<vmem>>
      %dma_start3A_658 = arith.constant 0 : i32
      %dma_start3A_659 = arith.constant 0 : i32
      %dma_start3A_660 = tpu.memref_slice %arg4[%select_n3A_577, %dma_start3A_654, %select_n3A_593, %dma_start3A_658, %dma_start3A_659] : memref<200x8x32x8x128xf32, #tpu.memory_space<hbm>> -> memref<1x1x1x8x128xf32, #tpu.memory_space<hbm>>
      %dma_start3A_661 = tpu.memref_squeeze %dma_start3A_660 : memref<1x1x1x8x128xf32, #tpu.memory_space<hbm>> -> memref<8x128xf32, #tpu.memory_space<hbm>>
      %dma_start3A_662 = arith.constant 0 : i32
      %dma_start3A_663 = arith.constant 0 : i32
      %dma_start3A_664 = tpu.memref_slice %arg4[%select_n3A_577, %dma_start3A_654, %select_n3A_593, %dma_start3A_662, %dma_start3A_663] : memref<200x8x32x8x128xf32, #tpu.memory_space<hbm>> -> memref<1x1x1x8x128xf32, #tpu.memory_space<hbm>>
      %dma_start3A_665 = tpu.memref_squeeze %dma_start3A_664 : memref<1x1x1x8x128xf32, #tpu.memory_space<hbm>> -> memref<8x128xf32, #tpu.memory_space<hbm>>
      %dma_start3A_666 = arith.constant 32 : i32
      %dma_start3A_667 = arith.constant 0 : i32
      %dma_start3A_668 = tpu.memref_slice %arg9[%dma_start3A_666, %dma_start3A_667] : memref<64x129xf32, #tpu.memory_space<vmem>> -> memref<8x128xf32, #tpu.memory_space<vmem>>
      tpu.enqueue_dma source(%dma_start3A_668 : memref<8x128xf32, #tpu.memory_space<vmem>>) target(%dma_start3A_665 : memref<8x128xf32, #tpu.memory_space<hbm>>) target_semaphore(%arg13 : memref<!tpu.dma_semaphore, #tpu.memory_space<semaphore_mem>>)
      %dma_start3A_669 = arith.constant 5 : i32
      %dma_start3A_670 = arith.constant 40 : i32
      %dma_start3A_671 = arith.constant 0 : i32
      %dma_start3A_672 = tpu.memref_slice %arg9[%dma_start3A_670, %dma_start3A_671] : memref<64x129xf32, #tpu.memory_space<vmem>> -> memref<8x128xf32, #tpu.memory_space<vmem>>
      %dma_start3A_673 = arith.constant 0 : i32
      %dma_start3A_674 = arith.constant 0 : i32
      %dma_start3A_675 = tpu.memref_slice %arg4[%select_n3A_577, %dma_start3A_669, %select_n3A_593, %dma_start3A_673, %dma_start3A_674] : memref<200x8x32x8x128xf32, #tpu.memory_space<hbm>> -> memref<1x1x1x8x128xf32, #tpu.memory_space<hbm>>
      %dma_start3A_676 = tpu.memref_squeeze %dma_start3A_675 : memref<1x1x1x8x128xf32, #tpu.memory_space<hbm>> -> memref<8x128xf32, #tpu.memory_space<hbm>>
      %dma_start3A_677 = arith.constant 0 : i32
      %dma_start3A_678 = arith.constant 0 : i32
      %dma_start3A_679 = tpu.memref_slice %arg4[%select_n3A_577, %dma_start3A_669, %select_n3A_593, %dma_start3A_677, %dma_start3A_678] : memref<200x8x32x8x128xf32, #tpu.memory_space<hbm>> -> memref<1x1x1x8x128xf32, #tpu.memory_space<hbm>>
      %dma_start3A_680 = tpu.memref_squeeze %dma_start3A_679 : memref<1x1x1x8x128xf32, #tpu.memory_space<hbm>> -> memref<8x128xf32, #tpu.memory_space<hbm>>
      %dma_start3A_681 = arith.constant 40 : i32
      %dma_start3A_682 = arith.constant 0 : i32
      %dma_start3A_683 = tpu.memref_slice %arg9[%dma_start3A_681, %dma_start3A_682] : memref<64x129xf32, #tpu.memory_space<vmem>> -> memref<8x128xf32, #tpu.memory_space<vmem>>
      tpu.enqueue_dma source(%dma_start3A_683 : memref<8x128xf32, #tpu.memory_space<vmem>>) target(%dma_start3A_680 : memref<8x128xf32, #tpu.memory_space<hbm>>) target_semaphore(%arg13 : memref<!tpu.dma_semaphore, #tpu.memory_space<semaphore_mem>>)
      %dma_start3A_684 = arith.constant 6 : i32
      %dma_start3A_685 = arith.constant 48 : i32
      %dma_start3A_686 = arith.constant 0 : i32
      %dma_start3A_687 = tpu.memref_slice %arg9[%dma_start3A_685, %dma_start3A_686] : memref<64x129xf32, #tpu.memory_space<vmem>> -> memref<8x128xf32, #tpu.memory_space<vmem>>
      %dma_start3A_688 = arith.constant 0 : i32
      %dma_start3A_689 = arith.constant 0 : i32
      %dma_start3A_690 = tpu.memref_slice %arg4[%select_n3A_577, %dma_start3A_684, %select_n3A_593, %dma_start3A_688, %dma_start3A_689] : memref<200x8x32x8x128xf32, #tpu.memory_space<hbm>> -> memref<1x1x1x8x128xf32, #tpu.memory_space<hbm>>
      %dma_start3A_691 = tpu.memref_squeeze %dma_start3A_690 : memref<1x1x1x8x128xf32, #tpu.memory_space<hbm>> -> memref<8x128xf32, #tpu.memory_space<hbm>>
      %dma_start3A_692 = arith.constant 0 : i32
      %dma_start3A_693 = arith.constant 0 : i32
      %dma_start3A_694 = tpu.memref_slice %arg4[%select_n3A_577, %dma_start3A_684, %select_n3A_593, %dma_start3A_692, %dma_start3A_693] : memref<200x8x32x8x128xf32, #tpu.memory_space<hbm>> -> memref<1x1x1x8x128xf32, #tpu.memory_space<hbm>>
      %dma_start3A_695 = tpu.memref_squeeze %dma_start3A_694 : memref<1x1x1x8x128xf32, #tpu.memory_space<hbm>> -> memref<8x128xf32, #tpu.memory_space<hbm>>
      %dma_start3A_696 = arith.constant 48 : i32
      %dma_start3A_697 = arith.constant 0 : i32
      %dma_start3A_698 = tpu.memref_slice %arg9[%dma_start3A_696, %dma_start3A_697] : memref<64x129xf32, #tpu.memory_space<vmem>> -> memref<8x128xf32, #tpu.memory_space<vmem>>
      tpu.enqueue_dma source(%dma_start3A_698 : memref<8x128xf32, #tpu.memory_space<vmem>>) target(%dma_start3A_695 : memref<8x128xf32, #tpu.memory_space<hbm>>) target_semaphore(%arg13 : memref<!tpu.dma_semaphore, #tpu.memory_space<semaphore_mem>>)
      %dma_start3A_699 = arith.constant 7 : i32
      %dma_start3A_700 = arith.constant 56 : i32
      %dma_start3A_701 = arith.constant 0 : i32
      %dma_start3A_702 = tpu.memref_slice %arg9[%dma_start3A_700, %dma_start3A_701] : memref<64x129xf32, #tpu.memory_space<vmem>> -> memref<8x128xf32, #tpu.memory_space<vmem>>
      %dma_start3A_703 = arith.constant 0 : i32
      %dma_start3A_704 = arith.constant 0 : i32
      %dma_start3A_705 = tpu.memref_slice %arg4[%select_n3A_577, %dma_start3A_699, %select_n3A_593, %dma_start3A_703, %dma_start3A_704] : memref<200x8x32x8x128xf32, #tpu.memory_space<hbm>> -> memref<1x1x1x8x128xf32, #tpu.memory_space<hbm>>
      %dma_start3A_706 = tpu.memref_squeeze %dma_start3A_705 : memref<1x1x1x8x128xf32, #tpu.memory_space<hbm>> -> memref<8x128xf32, #tpu.memory_space<hbm>>
      %dma_start3A_707 = arith.constant 0 : i32
      %dma_start3A_708 = arith.constant 0 : i32
      %dma_start3A_709 = tpu.memref_slice %arg4[%select_n3A_577, %dma_start3A_699, %select_n3A_593, %dma_start3A_707, %dma_start3A_708] : memref<200x8x32x8x128xf32, #tpu.memory_space<hbm>> -> memref<1x1x1x8x128xf32, #tpu.memory_space<hbm>>
      %dma_start3A_710 = tpu.memref_squeeze %dma_start3A_709 : memref<1x1x1x8x128xf32, #tpu.memory_space<hbm>> -> memref<8x128xf32, #tpu.memory_space<hbm>>
      %dma_start3A_711 = arith.constant 56 : i32
      %dma_start3A_712 = arith.constant 0 : i32
      %dma_start3A_713 = tpu.memref_slice %arg9[%dma_start3A_711, %dma_start3A_712] : memref<64x129xf32, #tpu.memory_space<vmem>> -> memref<8x128xf32, #tpu.memory_space<vmem>>
      tpu.enqueue_dma source(%dma_start3A_713 : memref<8x128xf32, #tpu.memory_space<vmem>>) target(%dma_start3A_710 : memref<8x128xf32, #tpu.memory_space<hbm>>) target_semaphore(%arg13 : memref<!tpu.dma_semaphore, #tpu.memory_space<semaphore_mem>>)
    }
    %scan3A_23 = arith.constant 100 : i32
    %mul3A_24 = arith.constant 200 : i32
    %mul3A_25 = arith.muli %add3A, %mul3A_24 : i32
    %add3A_26 = arith.constant 198 : i32
    %add3A_27 = arith.addi %mul3A_25, %add3A_26 : i32
    %jit3A = arith.constant 32 : i32
    %div3A = arith.divsi %add3A_27, %jit3A : i32
    %sign3A = arith.constant 0 : i32
    %sign3A_28 = arith.cmpi sgt, %add3A_27, %sign3A : i32
    %sign3A_29 = arith.extui %sign3A_28 : i1 to i32
    %sign3A_30 = arith.constant 0 : i32
    %sign3A_31 = arith.cmpi slt, %add3A_27, %sign3A_30 : i32
    %sign3A_32 = arith.extui %sign3A_31 : i1 to i32
    %sign3A_33 = arith.subi %sign3A_29, %sign3A_32 : i32
    %sign3A_34 = arith.constant 0 : i32
    %sign3A_35 = arith.cmpi sgt, %jit3A, %sign3A_34 : i32
    %sign3A_36 = arith.extui %sign3A_35 : i1 to i32
    %sign3A_37 = arith.constant 0 : i32
    %sign3A_38 = arith.cmpi slt, %jit3A, %sign3A_37 : i32
    %sign3A_39 = arith.extui %sign3A_38 : i1 to i32
    %sign3A_40 = arith.subi %sign3A_36, %sign3A_39 : i32
    %ne3A = arith.cmpi ne, %sign3A_33, %sign3A_40 : i32
    %rem3A = arith.remsi %add3A_27, %jit3A : i32
    %ne3A_41 = arith.constant 0 : i32
    %ne3A_42 = arith.cmpi ne, %rem3A, %ne3A_41 : i32
    %and3A = arith.andi %ne3A, %ne3A_42 : i1
    %sub3A = arith.constant 1 : i32
    %sub3A_43 = arith.subi %div3A, %sub3A : i32
    %select_n3A = arith.select %and3A, %sub3A_43, %div3A : i32
    %jit3A_44 = arith.constant 32 : i32
    %eq3A = arith.constant 0 : i32
    %eq3A_45 = arith.cmpi eq, %jit3A_44, %eq3A : i32
    %jit3A_46 = arith.constant 1 : i32
    %select_n3A_47 = arith.select %eq3A_45, %jit3A_46, %jit3A_44 : i32
    %rem3A_48 = arith.remsi %add3A_27, %select_n3A_47 : i32
    %ne3A_49 = arith.constant 0 : i32
    %ne3A_50 = arith.cmpi ne, %rem3A_48, %ne3A_49 : i32
    %lt3A = arith.constant 0 : i32
    %lt3A_51 = arith.cmpi slt, %rem3A_48, %lt3A : i32
    %lt3A_52 = arith.constant 0 : i32
    %lt3A_53 = arith.cmpi slt, %select_n3A_47, %lt3A_52 : i32
    %ne3A_54 = arith.xori %lt3A_51, %lt3A_53 : i1
    %and3A_55 = arith.andi %ne3A_54, %ne3A_50 : i1
    %add3A_56 = arith.addi %rem3A_48, %select_n3A_47 : i32
    %select_n3A_57 = arith.select %and3A_55, %add3A_56, %rem3A_48 : i32
    %dma_wait3A = arith.constant 0 : i32
    %dma_wait3A_58 = arith.constant 0 : i32
    %dma_wait3A_59 = arith.constant 0 : i32
    %dma_wait3A_60 = tpu.memref_slice %arg8[%dma_wait3A_58, %dma_wait3A_59] : memref<64x129xf32, #tpu.memory_space<vmem>> -> memref<8x128xf32, #tpu.memory_space<vmem>>
    %dma_wait3A_61 = arith.constant 0 : i32
    %dma_wait3A_62 = arith.constant 0 : i32
    %dma_wait3A_63 = tpu.memref_slice %arg4[%select_n3A, %dma_wait3A, %select_n3A_57, %dma_wait3A_61, %dma_wait3A_62] : memref<200x8x32x8x128xf32, #tpu.memory_space<hbm>> -> memref<1x1x1x8x128xf32, #tpu.memory_space<hbm>>
    %dma_wait3A_64 = tpu.memref_squeeze %dma_wait3A_63 : memref<1x1x1x8x128xf32, #tpu.memory_space<hbm>> -> memref<8x128xf32, #tpu.memory_space<hbm>>
    %dma_wait3A_65 = arith.constant 0 : i32
    %dma_wait3A_66 = arith.constant 0 : i32
    %dma_wait3A_67 = tpu.memref_slice %arg4[%select_n3A, %dma_wait3A, %select_n3A_57, %dma_wait3A_65, %dma_wait3A_66] : memref<200x8x32x8x128xf32, #tpu.memory_space<hbm>> -> memref<1x1x1x8x128xf32, #tpu.memory_space<hbm>>
    %dma_wait3A_68 = tpu.memref_squeeze %dma_wait3A_67 : memref<1x1x1x8x128xf32, #tpu.memory_space<hbm>> -> memref<8x128xf32, #tpu.memory_space<hbm>>
    %dma_wait3A_69 = arith.constant 0 : i32
    %dma_wait3A_70 = arith.constant 0 : i32
    %dma_wait3A_71 = tpu.memref_slice %arg8[%dma_wait3A_69, %dma_wait3A_70] : memref<64x129xf32, #tpu.memory_space<vmem>> -> memref<8x128xf32, #tpu.memory_space<vmem>>
    tpu.wait_dma2 semaphore(%arg12 : memref<!tpu.dma_semaphore, #tpu.memory_space<semaphore_mem>>) src(%dma_wait3A_71 : memref<8x128xf32, #tpu.memory_space<vmem>>) dst(%dma_wait3A_68 : memref<8x128xf32, #tpu.memory_space<hbm>>)
    %dma_wait3A_72 = arith.constant 1 : i32
    %dma_wait3A_73 = arith.constant 8 : i32
    %dma_wait3A_74 = arith.constant 0 : i32
    %dma_wait3A_75 = tpu.memref_slice %arg8[%dma_wait3A_73, %dma_wait3A_74] : memref<64x129xf32, #tpu.memory_space<vmem>> -> memref<8x128xf32, #tpu.memory_space<vmem>>
    %dma_wait3A_76 = arith.constant 0 : i32
    %dma_wait3A_77 = arith.constant 0 : i32
    %dma_wait3A_78 = tpu.memref_slice %arg4[%select_n3A, %dma_wait3A_72, %select_n3A_57, %dma_wait3A_76, %dma_wait3A_77] : memref<200x8x32x8x128xf32, #tpu.memory_space<hbm>> -> memref<1x1x1x8x128xf32, #tpu.memory_space<hbm>>
    %dma_wait3A_79 = tpu.memref_squeeze %dma_wait3A_78 : memref<1x1x1x8x128xf32, #tpu.memory_space<hbm>> -> memref<8x128xf32, #tpu.memory_space<hbm>>
    %dma_wait3A_80 = arith.constant 0 : i32
    %dma_wait3A_81 = arith.constant 0 : i32
    %dma_wait3A_82 = tpu.memref_slice %arg4[%select_n3A, %dma_wait3A_72, %select_n3A_57, %dma_wait3A_80, %dma_wait3A_81] : memref<200x8x32x8x128xf32, #tpu.memory_space<hbm>> -> memref<1x1x1x8x128xf32, #tpu.memory_space<hbm>>
    %dma_wait3A_83 = tpu.memref_squeeze %dma_wait3A_82 : memref<1x1x1x8x128xf32, #tpu.memory_space<hbm>> -> memref<8x128xf32, #tpu.memory_space<hbm>>
    %dma_wait3A_84 = arith.constant 8 : i32
    %dma_wait3A_85 = arith.constant 0 : i32
    %dma_wait3A_86 = tpu.memref_slice %arg8[%dma_wait3A_84, %dma_wait3A_85] : memref<64x129xf32, #tpu.memory_space<vmem>> -> memref<8x128xf32, #tpu.memory_space<vmem>>
    tpu.wait_dma2 semaphore(%arg12 : memref<!tpu.dma_semaphore, #tpu.memory_space<semaphore_mem>>) src(%dma_wait3A_86 : memref<8x128xf32, #tpu.memory_space<vmem>>) dst(%dma_wait3A_83 : memref<8x128xf32, #tpu.memory_space<hbm>>)
    %dma_wait3A_87 = arith.constant 2 : i32
    %dma_wait3A_88 = arith.constant 16 : i32
    %dma_wait3A_89 = arith.constant 0 : i32
    %dma_wait3A_90 = tpu.memref_slice %arg8[%dma_wait3A_88, %dma_wait3A_89] : memref<64x129xf32, #tpu.memory_space<vmem>> -> memref<8x128xf32, #tpu.memory_space<vmem>>
    %dma_wait3A_91 = arith.constant 0 : i32
    %dma_wait3A_92 = arith.constant 0 : i32
    %dma_wait3A_93 = tpu.memref_slice %arg4[%select_n3A, %dma_wait3A_87, %select_n3A_57, %dma_wait3A_91, %dma_wait3A_92] : memref<200x8x32x8x128xf32, #tpu.memory_space<hbm>> -> memref<1x1x1x8x128xf32, #tpu.memory_space<hbm>>
    %dma_wait3A_94 = tpu.memref_squeeze %dma_wait3A_93 : memref<1x1x1x8x128xf32, #tpu.memory_space<hbm>> -> memref<8x128xf32, #tpu.memory_space<hbm>>
    %dma_wait3A_95 = arith.constant 0 : i32
    %dma_wait3A_96 = arith.constant 0 : i32
    %dma_wait3A_97 = tpu.memref_slice %arg4[%select_n3A, %dma_wait3A_87, %select_n3A_57, %dma_wait3A_95, %dma_wait3A_96] : memref<200x8x32x8x128xf32, #tpu.memory_space<hbm>> -> memref<1x1x1x8x128xf32, #tpu.memory_space<hbm>>
    %dma_wait3A_98 = tpu.memref_squeeze %dma_wait3A_97 : memref<1x1x1x8x128xf32, #tpu.memory_space<hbm>> -> memref<8x128xf32, #tpu.memory_space<hbm>>
    %dma_wait3A_99 = arith.constant 16 : i32
    %dma_wait3A_100 = arith.constant 0 : i32
    %dma_wait3A_101 = tpu.memref_slice %arg8[%dma_wait3A_99, %dma_wait3A_100] : memref<64x129xf32, #tpu.memory_space<vmem>> -> memref<8x128xf32, #tpu.memory_space<vmem>>
    tpu.wait_dma2 semaphore(%arg12 : memref<!tpu.dma_semaphore, #tpu.memory_space<semaphore_mem>>) src(%dma_wait3A_101 : memref<8x128xf32, #tpu.memory_space<vmem>>) dst(%dma_wait3A_98 : memref<8x128xf32, #tpu.memory_space<hbm>>)
    %dma_wait3A_102 = arith.constant 3 : i32
    %dma_wait3A_103 = arith.constant 24 : i32
    %dma_wait3A_104 = arith.constant 0 : i32
    %dma_wait3A_105 = tpu.memref_slice %arg8[%dma_wait3A_103, %dma_wait3A_104] : memref<64x129xf32, #tpu.memory_space<vmem>> -> memref<8x128xf32, #tpu.memory_space<vmem>>
    %dma_wait3A_106 = arith.constant 0 : i32
    %dma_wait3A_107 = arith.constant 0 : i32
    %dma_wait3A_108 = tpu.memref_slice %arg4[%select_n3A, %dma_wait3A_102, %select_n3A_57, %dma_wait3A_106, %dma_wait3A_107] : memref<200x8x32x8x128xf32, #tpu.memory_space<hbm>> -> memref<1x1x1x8x128xf32, #tpu.memory_space<hbm>>
    %dma_wait3A_109 = tpu.memref_squeeze %dma_wait3A_108 : memref<1x1x1x8x128xf32, #tpu.memory_space<hbm>> -> memref<8x128xf32, #tpu.memory_space<hbm>>
    %dma_wait3A_110 = arith.constant 0 : i32
    %dma_wait3A_111 = arith.constant 0 : i32
    %dma_wait3A_112 = tpu.memref_slice %arg4[%select_n3A, %dma_wait3A_102, %select_n3A_57, %dma_wait3A_110, %dma_wait3A_111] : memref<200x8x32x8x128xf32, #tpu.memory_space<hbm>> -> memref<1x1x1x8x128xf32, #tpu.memory_space<hbm>>
    %dma_wait3A_113 = tpu.memref_squeeze %dma_wait3A_112 : memref<1x1x1x8x128xf32, #tpu.memory_space<hbm>> -> memref<8x128xf32, #tpu.memory_space<hbm>>
    %dma_wait3A_114 = arith.constant 24 : i32
    %dma_wait3A_115 = arith.constant 0 : i32
    %dma_wait3A_116 = tpu.memref_slice %arg8[%dma_wait3A_114, %dma_wait3A_115] : memref<64x129xf32, #tpu.memory_space<vmem>> -> memref<8x128xf32, #tpu.memory_space<vmem>>
    tpu.wait_dma2 semaphore(%arg12 : memref<!tpu.dma_semaphore, #tpu.memory_space<semaphore_mem>>) src(%dma_wait3A_116 : memref<8x128xf32, #tpu.memory_space<vmem>>) dst(%dma_wait3A_113 : memref<8x128xf32, #tpu.memory_space<hbm>>)
    %dma_wait3A_117 = arith.constant 4 : i32
    %dma_wait3A_118 = arith.constant 32 : i32
    %dma_wait3A_119 = arith.constant 0 : i32
    %dma_wait3A_120 = tpu.memref_slice %arg8[%dma_wait3A_118, %dma_wait3A_119] : memref<64x129xf32, #tpu.memory_space<vmem>> -> memref<8x128xf32, #tpu.memory_space<vmem>>
    %dma_wait3A_121 = arith.constant 0 : i32
    %dma_wait3A_122 = arith.constant 0 : i32
    %dma_wait3A_123 = tpu.memref_slice %arg4[%select_n3A, %dma_wait3A_117, %select_n3A_57, %dma_wait3A_121, %dma_wait3A_122] : memref<200x8x32x8x128xf32, #tpu.memory_space<hbm>> -> memref<1x1x1x8x128xf32, #tpu.memory_space<hbm>>
    %dma_wait3A_124 = tpu.memref_squeeze %dma_wait3A_123 : memref<1x1x1x8x128xf32, #tpu.memory_space<hbm>> -> memref<8x128xf32, #tpu.memory_space<hbm>>
    %dma_wait3A_125 = arith.constant 0 : i32
    %dma_wait3A_126 = arith.constant 0 : i32
    %dma_wait3A_127 = tpu.memref_slice %arg4[%select_n3A, %dma_wait3A_117, %select_n3A_57, %dma_wait3A_125, %dma_wait3A_126] : memref<200x8x32x8x128xf32, #tpu.memory_space<hbm>> -> memref<1x1x1x8x128xf32, #tpu.memory_space<hbm>>
    %dma_wait3A_128 = tpu.memref_squeeze %dma_wait3A_127 : memref<1x1x1x8x128xf32, #tpu.memory_space<hbm>> -> memref<8x128xf32, #tpu.memory_space<hbm>>
    %dma_wait3A_129 = arith.constant 32 : i32
    %dma_wait3A_130 = arith.constant 0 : i32
    %dma_wait3A_131 = tpu.memref_slice %arg8[%dma_wait3A_129, %dma_wait3A_130] : memref<64x129xf32, #tpu.memory_space<vmem>> -> memref<8x128xf32, #tpu.memory_space<vmem>>
    tpu.wait_dma2 semaphore(%arg12 : memref<!tpu.dma_semaphore, #tpu.memory_space<semaphore_mem>>) src(%dma_wait3A_131 : memref<8x128xf32, #tpu.memory_space<vmem>>) dst(%dma_wait3A_128 : memref<8x128xf32, #tpu.memory_space<hbm>>)
    %dma_wait3A_132 = arith.constant 5 : i32
    %dma_wait3A_133 = arith.constant 40 : i32
    %dma_wait3A_134 = arith.constant 0 : i32
    %dma_wait3A_135 = tpu.memref_slice %arg8[%dma_wait3A_133, %dma_wait3A_134] : memref<64x129xf32, #tpu.memory_space<vmem>> -> memref<8x128xf32, #tpu.memory_space<vmem>>
    %dma_wait3A_136 = arith.constant 0 : i32
    %dma_wait3A_137 = arith.constant 0 : i32
    %dma_wait3A_138 = tpu.memref_slice %arg4[%select_n3A, %dma_wait3A_132, %select_n3A_57, %dma_wait3A_136, %dma_wait3A_137] : memref<200x8x32x8x128xf32, #tpu.memory_space<hbm>> -> memref<1x1x1x8x128xf32, #tpu.memory_space<hbm>>
    %dma_wait3A_139 = tpu.memref_squeeze %dma_wait3A_138 : memref<1x1x1x8x128xf32, #tpu.memory_space<hbm>> -> memref<8x128xf32, #tpu.memory_space<hbm>>
    %dma_wait3A_140 = arith.constant 0 : i32
    %dma_wait3A_141 = arith.constant 0 : i32
    %dma_wait3A_142 = tpu.memref_slice %arg4[%select_n3A, %dma_wait3A_132, %select_n3A_57, %dma_wait3A_140, %dma_wait3A_141] : memref<200x8x32x8x128xf32, #tpu.memory_space<hbm>> -> memref<1x1x1x8x128xf32, #tpu.memory_space<hbm>>
    %dma_wait3A_143 = tpu.memref_squeeze %dma_wait3A_142 : memref<1x1x1x8x128xf32, #tpu.memory_space<hbm>> -> memref<8x128xf32, #tpu.memory_space<hbm>>
    %dma_wait3A_144 = arith.constant 40 : i32
    %dma_wait3A_145 = arith.constant 0 : i32
    %dma_wait3A_146 = tpu.memref_slice %arg8[%dma_wait3A_144, %dma_wait3A_145] : memref<64x129xf32, #tpu.memory_space<vmem>> -> memref<8x128xf32, #tpu.memory_space<vmem>>
    tpu.wait_dma2 semaphore(%arg12 : memref<!tpu.dma_semaphore, #tpu.memory_space<semaphore_mem>>) src(%dma_wait3A_146 : memref<8x128xf32, #tpu.memory_space<vmem>>) dst(%dma_wait3A_143 : memref<8x128xf32, #tpu.memory_space<hbm>>)
    %dma_wait3A_147 = arith.constant 6 : i32
    %dma_wait3A_148 = arith.constant 48 : i32
    %dma_wait3A_149 = arith.constant 0 : i32
    %dma_wait3A_150 = tpu.memref_slice %arg8[%dma_wait3A_148, %dma_wait3A_149] : memref<64x129xf32, #tpu.memory_space<vmem>> -> memref<8x128xf32, #tpu.memory_space<vmem>>
    %dma_wait3A_151 = arith.constant 0 : i32
    %dma_wait3A_152 = arith.constant 0 : i32
    %dma_wait3A_153 = tpu.memref_slice %arg4[%select_n3A, %dma_wait3A_147, %select_n3A_57, %dma_wait3A_151, %dma_wait3A_152] : memref<200x8x32x8x128xf32, #tpu.memory_space<hbm>> -> memref<1x1x1x8x128xf32, #tpu.memory_space<hbm>>
    %dma_wait3A_154 = tpu.memref_squeeze %dma_wait3A_153 : memref<1x1x1x8x128xf32, #tpu.memory_space<hbm>> -> memref<8x128xf32, #tpu.memory_space<hbm>>
    %dma_wait3A_155 = arith.constant 0 : i32
    %dma_wait3A_156 = arith.constant 0 : i32
    %dma_wait3A_157 = tpu.memref_slice %arg4[%select_n3A, %dma_wait3A_147, %select_n3A_57, %dma_wait3A_155, %dma_wait3A_156] : memref<200x8x32x8x128xf32, #tpu.memory_space<hbm>> -> memref<1x1x1x8x128xf32, #tpu.memory_space<hbm>>
    %dma_wait3A_158 = tpu.memref_squeeze %dma_wait3A_157 : memref<1x1x1x8x128xf32, #tpu.memory_space<hbm>> -> memref<8x128xf32, #tpu.memory_space<hbm>>
    %dma_wait3A_159 = arith.constant 48 : i32
    %dma_wait3A_160 = arith.constant 0 : i32
    %dma_wait3A_161 = tpu.memref_slice %arg8[%dma_wait3A_159, %dma_wait3A_160] : memref<64x129xf32, #tpu.memory_space<vmem>> -> memref<8x128xf32, #tpu.memory_space<vmem>>
    tpu.wait_dma2 semaphore(%arg12 : memref<!tpu.dma_semaphore, #tpu.memory_space<semaphore_mem>>) src(%dma_wait3A_161 : memref<8x128xf32, #tpu.memory_space<vmem>>) dst(%dma_wait3A_158 : memref<8x128xf32, #tpu.memory_space<hbm>>)
    %dma_wait3A_162 = arith.constant 7 : i32
    %dma_wait3A_163 = arith.constant 56 : i32
    %dma_wait3A_164 = arith.constant 0 : i32
    %dma_wait3A_165 = tpu.memref_slice %arg8[%dma_wait3A_163, %dma_wait3A_164] : memref<64x129xf32, #tpu.memory_space<vmem>> -> memref<8x128xf32, #tpu.memory_space<vmem>>
    %dma_wait3A_166 = arith.constant 0 : i32
    %dma_wait3A_167 = arith.constant 0 : i32
    %dma_wait3A_168 = tpu.memref_slice %arg4[%select_n3A, %dma_wait3A_162, %select_n3A_57, %dma_wait3A_166, %dma_wait3A_167] : memref<200x8x32x8x128xf32, #tpu.memory_space<hbm>> -> memref<1x1x1x8x128xf32, #tpu.memory_space<hbm>>
    %dma_wait3A_169 = tpu.memref_squeeze %dma_wait3A_168 : memref<1x1x1x8x128xf32, #tpu.memory_space<hbm>> -> memref<8x128xf32, #tpu.memory_space<hbm>>
    %dma_wait3A_170 = arith.constant 0 : i32
    %dma_wait3A_171 = arith.constant 0 : i32
    %dma_wait3A_172 = tpu.memref_slice %arg4[%select_n3A, %dma_wait3A_162, %select_n3A_57, %dma_wait3A_170, %dma_wait3A_171] : memref<200x8x32x8x128xf32, #tpu.memory_space<hbm>> -> memref<1x1x1x8x128xf32, #tpu.memory_space<hbm>>
    %dma_wait3A_173 = tpu.memref_squeeze %dma_wait3A_172 : memref<1x1x1x8x128xf32, #tpu.memory_space<hbm>> -> memref<8x128xf32, #tpu.memory_space<hbm>>
    %dma_wait3A_174 = arith.constant 56 : i32
    %dma_wait3A_175 = arith.constant 0 : i32
    %dma_wait3A_176 = tpu.memref_slice %arg8[%dma_wait3A_174, %dma_wait3A_175] : memref<64x129xf32, #tpu.memory_space<vmem>> -> memref<8x128xf32, #tpu.memory_space<vmem>>
    tpu.wait_dma2 semaphore(%arg12 : memref<!tpu.dma_semaphore, #tpu.memory_space<semaphore_mem>>) src(%dma_wait3A_176 : memref<8x128xf32, #tpu.memory_space<vmem>>) dst(%dma_wait3A_173 : memref<8x128xf32, #tpu.memory_space<hbm>>)
    %mul3A_177 = arith.constant 200 : i32
    %mul3A_178 = arith.muli %add3A, %mul3A_177 : i32
    %add3A_179 = arith.constant 199 : i32
    %add3A_180 = arith.addi %mul3A_178, %add3A_179 : i32
    %jit3A_181 = arith.constant 32 : i32
    %div3A_182 = arith.divsi %add3A_180, %jit3A_181 : i32
    %sign3A_183 = arith.constant 0 : i32
    %sign3A_184 = arith.cmpi sgt, %add3A_180, %sign3A_183 : i32
    %sign3A_185 = arith.extui %sign3A_184 : i1 to i32
    %sign3A_186 = arith.constant 0 : i32
    %sign3A_187 = arith.cmpi slt, %add3A_180, %sign3A_186 : i32
    %sign3A_188 = arith.extui %sign3A_187 : i1 to i32
    %sign3A_189 = arith.subi %sign3A_185, %sign3A_188 : i32
    %sign3A_190 = arith.constant 0 : i32
    %sign3A_191 = arith.cmpi sgt, %jit3A_181, %sign3A_190 : i32
    %sign3A_192 = arith.extui %sign3A_191 : i1 to i32
    %sign3A_193 = arith.constant 0 : i32
    %sign3A_194 = arith.cmpi slt, %jit3A_181, %sign3A_193 : i32
    %sign3A_195 = arith.extui %sign3A_194 : i1 to i32
    %sign3A_196 = arith.subi %sign3A_192, %sign3A_195 : i32
    %ne3A_197 = arith.cmpi ne, %sign3A_189, %sign3A_196 : i32
    %rem3A_198 = arith.remsi %add3A_180, %jit3A_181 : i32
    %ne3A_199 = arith.constant 0 : i32
    %ne3A_200 = arith.cmpi ne, %rem3A_198, %ne3A_199 : i32
    %and3A_201 = arith.andi %ne3A_197, %ne3A_200 : i1
    %sub3A_202 = arith.constant 1 : i32
    %sub3A_203 = arith.subi %div3A_182, %sub3A_202 : i32
    %select_n3A_204 = arith.select %and3A_201, %sub3A_203, %div3A_182 : i32
    %jit3A_205 = arith.constant 32 : i32
    %eq3A_206 = arith.constant 0 : i32
    %eq3A_207 = arith.cmpi eq, %jit3A_205, %eq3A_206 : i32
    %jit3A_208 = arith.constant 1 : i32
    %select_n3A_209 = arith.select %eq3A_207, %jit3A_208, %jit3A_205 : i32
    %rem3A_210 = arith.remsi %add3A_180, %select_n3A_209 : i32
    %ne3A_211 = arith.constant 0 : i32
    %ne3A_212 = arith.cmpi ne, %rem3A_210, %ne3A_211 : i32
    %lt3A_213 = arith.constant 0 : i32
    %lt3A_214 = arith.cmpi slt, %rem3A_210, %lt3A_213 : i32
    %lt3A_215 = arith.constant 0 : i32
    %lt3A_216 = arith.cmpi slt, %select_n3A_209, %lt3A_215 : i32
    %ne3A_217 = arith.xori %lt3A_214, %lt3A_216 : i1
    %and3A_218 = arith.andi %ne3A_217, %ne3A_212 : i1
    %add3A_219 = arith.addi %rem3A_210, %select_n3A_209 : i32
    %select_n3A_220 = arith.select %and3A_218, %add3A_219, %rem3A_210 : i32
    %dma_wait3A_221 = arith.constant 0 : i32
    %dma_wait3A_222 = arith.constant 0 : i32
    %dma_wait3A_223 = arith.constant 0 : i32
    %dma_wait3A_224 = tpu.memref_slice %arg9[%dma_wait3A_222, %dma_wait3A_223] : memref<64x129xf32, #tpu.memory_space<vmem>> -> memref<8x128xf32, #tpu.memory_space<vmem>>
    %dma_wait3A_225 = arith.constant 0 : i32
    %dma_wait3A_226 = arith.constant 0 : i32
    %dma_wait3A_227 = tpu.memref_slice %arg4[%select_n3A_204, %dma_wait3A_221, %select_n3A_220, %dma_wait3A_225, %dma_wait3A_226] : memref<200x8x32x8x128xf32, #tpu.memory_space<hbm>> -> memref<1x1x1x8x128xf32, #tpu.memory_space<hbm>>
    %dma_wait3A_228 = tpu.memref_squeeze %dma_wait3A_227 : memref<1x1x1x8x128xf32, #tpu.memory_space<hbm>> -> memref<8x128xf32, #tpu.memory_space<hbm>>
    %dma_wait3A_229 = arith.constant 0 : i32
    %dma_wait3A_230 = arith.constant 0 : i32
    %dma_wait3A_231 = tpu.memref_slice %arg4[%select_n3A_204, %dma_wait3A_221, %select_n3A_220, %dma_wait3A_229, %dma_wait3A_230] : memref<200x8x32x8x128xf32, #tpu.memory_space<hbm>> -> memref<1x1x1x8x128xf32, #tpu.memory_space<hbm>>
    %dma_wait3A_232 = tpu.memref_squeeze %dma_wait3A_231 : memref<1x1x1x8x128xf32, #tpu.memory_space<hbm>> -> memref<8x128xf32, #tpu.memory_space<hbm>>
    %dma_wait3A_233 = arith.constant 0 : i32
    %dma_wait3A_234 = arith.constant 0 : i32
    %dma_wait3A_235 = tpu.memref_slice %arg9[%dma_wait3A_233, %dma_wait3A_234] : memref<64x129xf32, #tpu.memory_space<vmem>> -> memref<8x128xf32, #tpu.memory_space<vmem>>
    tpu.wait_dma2 semaphore(%arg13 : memref<!tpu.dma_semaphore, #tpu.memory_space<semaphore_mem>>) src(%dma_wait3A_235 : memref<8x128xf32, #tpu.memory_space<vmem>>) dst(%dma_wait3A_232 : memref<8x128xf32, #tpu.memory_space<hbm>>)
    %dma_wait3A_236 = arith.constant 1 : i32
    %dma_wait3A_237 = arith.constant 8 : i32
    %dma_wait3A_238 = arith.constant 0 : i32
    %dma_wait3A_239 = tpu.memref_slice %arg9[%dma_wait3A_237, %dma_wait3A_238] : memref<64x129xf32, #tpu.memory_space<vmem>> -> memref<8x128xf32, #tpu.memory_space<vmem>>
    %dma_wait3A_240 = arith.constant 0 : i32
    %dma_wait3A_241 = arith.constant 0 : i32
    %dma_wait3A_242 = tpu.memref_slice %arg4[%select_n3A_204, %dma_wait3A_236, %select_n3A_220, %dma_wait3A_240, %dma_wait3A_241] : memref<200x8x32x8x128xf32, #tpu.memory_space<hbm>> -> memref<1x1x1x8x128xf32, #tpu.memory_space<hbm>>
    %dma_wait3A_243 = tpu.memref_squeeze %dma_wait3A_242 : memref<1x1x1x8x128xf32, #tpu.memory_space<hbm>> -> memref<8x128xf32, #tpu.memory_space<hbm>>
    %dma_wait3A_244 = arith.constant 0 : i32
    %dma_wait3A_245 = arith.constant 0 : i32
    %dma_wait3A_246 = tpu.memref_slice %arg4[%select_n3A_204, %dma_wait3A_236, %select_n3A_220, %dma_wait3A_244, %dma_wait3A_245] : memref<200x8x32x8x128xf32, #tpu.memory_space<hbm>> -> memref<1x1x1x8x128xf32, #tpu.memory_space<hbm>>
    %dma_wait3A_247 = tpu.memref_squeeze %dma_wait3A_246 : memref<1x1x1x8x128xf32, #tpu.memory_space<hbm>> -> memref<8x128xf32, #tpu.memory_space<hbm>>
    %dma_wait3A_248 = arith.constant 8 : i32
    %dma_wait3A_249 = arith.constant 0 : i32
    %dma_wait3A_250 = tpu.memref_slice %arg9[%dma_wait3A_248, %dma_wait3A_249] : memref<64x129xf32, #tpu.memory_space<vmem>> -> memref<8x128xf32, #tpu.memory_space<vmem>>
    tpu.wait_dma2 semaphore(%arg13 : memref<!tpu.dma_semaphore, #tpu.memory_space<semaphore_mem>>) src(%dma_wait3A_250 : memref<8x128xf32, #tpu.memory_space<vmem>>) dst(%dma_wait3A_247 : memref<8x128xf32, #tpu.memory_space<hbm>>)
    %dma_wait3A_251 = arith.constant 2 : i32
    %dma_wait3A_252 = arith.constant 16 : i32
    %dma_wait3A_253 = arith.constant 0 : i32
    %dma_wait3A_254 = tpu.memref_slice %arg9[%dma_wait3A_252, %dma_wait3A_253] : memref<64x129xf32, #tpu.memory_space<vmem>> -> memref<8x128xf32, #tpu.memory_space<vmem>>
    %dma_wait3A_255 = arith.constant 0 : i32
    %dma_wait3A_256 = arith.constant 0 : i32
    %dma_wait3A_257 = tpu.memref_slice %arg4[%select_n3A_204, %dma_wait3A_251, %select_n3A_220, %dma_wait3A_255, %dma_wait3A_256] : memref<200x8x32x8x128xf32, #tpu.memory_space<hbm>> -> memref<1x1x1x8x128xf32, #tpu.memory_space<hbm>>
    %dma_wait3A_258 = tpu.memref_squeeze %dma_wait3A_257 : memref<1x1x1x8x128xf32, #tpu.memory_space<hbm>> -> memref<8x128xf32, #tpu.memory_space<hbm>>
    %dma_wait3A_259 = arith.constant 0 : i32
    %dma_wait3A_260 = arith.constant 0 : i32
    %dma_wait3A_261 = tpu.memref_slice %arg4[%select_n3A_204, %dma_wait3A_251, %select_n3A_220, %dma_wait3A_259, %dma_wait3A_260] : memref<200x8x32x8x128xf32, #tpu.memory_space<hbm>> -> memref<1x1x1x8x128xf32, #tpu.memory_space<hbm>>
    %dma_wait3A_262 = tpu.memref_squeeze %dma_wait3A_261 : memref<1x1x1x8x128xf32, #tpu.memory_space<hbm>> -> memref<8x128xf32, #tpu.memory_space<hbm>>
    %dma_wait3A_263 = arith.constant 16 : i32
    %dma_wait3A_264 = arith.constant 0 : i32
    %dma_wait3A_265 = tpu.memref_slice %arg9[%dma_wait3A_263, %dma_wait3A_264] : memref<64x129xf32, #tpu.memory_space<vmem>> -> memref<8x128xf32, #tpu.memory_space<vmem>>
    tpu.wait_dma2 semaphore(%arg13 : memref<!tpu.dma_semaphore, #tpu.memory_space<semaphore_mem>>) src(%dma_wait3A_265 : memref<8x128xf32, #tpu.memory_space<vmem>>) dst(%dma_wait3A_262 : memref<8x128xf32, #tpu.memory_space<hbm>>)
    %dma_wait3A_266 = arith.constant 3 : i32
    %dma_wait3A_267 = arith.constant 24 : i32
    %dma_wait3A_268 = arith.constant 0 : i32
    %dma_wait3A_269 = tpu.memref_slice %arg9[%dma_wait3A_267, %dma_wait3A_268] : memref<64x129xf32, #tpu.memory_space<vmem>> -> memref<8x128xf32, #tpu.memory_space<vmem>>
    %dma_wait3A_270 = arith.constant 0 : i32
    %dma_wait3A_271 = arith.constant 0 : i32
    %dma_wait3A_272 = tpu.memref_slice %arg4[%select_n3A_204, %dma_wait3A_266, %select_n3A_220, %dma_wait3A_270, %dma_wait3A_271] : memref<200x8x32x8x128xf32, #tpu.memory_space<hbm>> -> memref<1x1x1x8x128xf32, #tpu.memory_space<hbm>>
    %dma_wait3A_273 = tpu.memref_squeeze %dma_wait3A_272 : memref<1x1x1x8x128xf32, #tpu.memory_space<hbm>> -> memref<8x128xf32, #tpu.memory_space<hbm>>
    %dma_wait3A_274 = arith.constant 0 : i32
    %dma_wait3A_275 = arith.constant 0 : i32
    %dma_wait3A_276 = tpu.memref_slice %arg4[%select_n3A_204, %dma_wait3A_266, %select_n3A_220, %dma_wait3A_274, %dma_wait3A_275] : memref<200x8x32x8x128xf32, #tpu.memory_space<hbm>> -> memref<1x1x1x8x128xf32, #tpu.memory_space<hbm>>
    %dma_wait3A_277 = tpu.memref_squeeze %dma_wait3A_276 : memref<1x1x1x8x128xf32, #tpu.memory_space<hbm>> -> memref<8x128xf32, #tpu.memory_space<hbm>>
    %dma_wait3A_278 = arith.constant 24 : i32
    %dma_wait3A_279 = arith.constant 0 : i32
    %dma_wait3A_280 = tpu.memref_slice %arg9[%dma_wait3A_278, %dma_wait3A_279] : memref<64x129xf32, #tpu.memory_space<vmem>> -> memref<8x128xf32, #tpu.memory_space<vmem>>
    tpu.wait_dma2 semaphore(%arg13 : memref<!tpu.dma_semaphore, #tpu.memory_space<semaphore_mem>>) src(%dma_wait3A_280 : memref<8x128xf32, #tpu.memory_space<vmem>>) dst(%dma_wait3A_277 : memref<8x128xf32, #tpu.memory_space<hbm>>)
    %dma_wait3A_281 = arith.constant 4 : i32
    %dma_wait3A_282 = arith.constant 32 : i32
    %dma_wait3A_283 = arith.constant 0 : i32
    %dma_wait3A_284 = tpu.memref_slice %arg9[%dma_wait3A_282, %dma_wait3A_283] : memref<64x129xf32, #tpu.memory_space<vmem>> -> memref<8x128xf32, #tpu.memory_space<vmem>>
    %dma_wait3A_285 = arith.constant 0 : i32
    %dma_wait3A_286 = arith.constant 0 : i32
    %dma_wait3A_287 = tpu.memref_slice %arg4[%select_n3A_204, %dma_wait3A_281, %select_n3A_220, %dma_wait3A_285, %dma_wait3A_286] : memref<200x8x32x8x128xf32, #tpu.memory_space<hbm>> -> memref<1x1x1x8x128xf32, #tpu.memory_space<hbm>>
    %dma_wait3A_288 = tpu.memref_squeeze %dma_wait3A_287 : memref<1x1x1x8x128xf32, #tpu.memory_space<hbm>> -> memref<8x128xf32, #tpu.memory_space<hbm>>
    %dma_wait3A_289 = arith.constant 0 : i32
    %dma_wait3A_290 = arith.constant 0 : i32
    %dma_wait3A_291 = tpu.memref_slice %arg4[%select_n3A_204, %dma_wait3A_281, %select_n3A_220, %dma_wait3A_289, %dma_wait3A_290] : memref<200x8x32x8x128xf32, #tpu.memory_space<hbm>> -> memref<1x1x1x8x128xf32, #tpu.memory_space<hbm>>
    %dma_wait3A_292 = tpu.memref_squeeze %dma_wait3A_291 : memref<1x1x1x8x128xf32, #tpu.memory_space<hbm>> -> memref<8x128xf32, #tpu.memory_space<hbm>>
    %dma_wait3A_293 = arith.constant 32 : i32
    %dma_wait3A_294 = arith.constant 0 : i32
    %dma_wait3A_295 = tpu.memref_slice %arg9[%dma_wait3A_293, %dma_wait3A_294] : memref<64x129xf32, #tpu.memory_space<vmem>> -> memref<8x128xf32, #tpu.memory_space<vmem>>
    tpu.wait_dma2 semaphore(%arg13 : memref<!tpu.dma_semaphore, #tpu.memory_space<semaphore_mem>>) src(%dma_wait3A_295 : memref<8x128xf32, #tpu.memory_space<vmem>>) dst(%dma_wait3A_292 : memref<8x128xf32, #tpu.memory_space<hbm>>)
    %dma_wait3A_296 = arith.constant 5 : i32
    %dma_wait3A_297 = arith.constant 40 : i32
    %dma_wait3A_298 = arith.constant 0 : i32
    %dma_wait3A_299 = tpu.memref_slice %arg9[%dma_wait3A_297, %dma_wait3A_298] : memref<64x129xf32, #tpu.memory_space<vmem>> -> memref<8x128xf32, #tpu.memory_space<vmem>>
    %dma_wait3A_300 = arith.constant 0 : i32
    %dma_wait3A_301 = arith.constant 0 : i32
    %dma_wait3A_302 = tpu.memref_slice %arg4[%select_n3A_204, %dma_wait3A_296, %select_n3A_220, %dma_wait3A_300, %dma_wait3A_301] : memref<200x8x32x8x128xf32, #tpu.memory_space<hbm>> -> memref<1x1x1x8x128xf32, #tpu.memory_space<hbm>>
    %dma_wait3A_303 = tpu.memref_squeeze %dma_wait3A_302 : memref<1x1x1x8x128xf32, #tpu.memory_space<hbm>> -> memref<8x128xf32, #tpu.memory_space<hbm>>
    %dma_wait3A_304 = arith.constant 0 : i32
    %dma_wait3A_305 = arith.constant 0 : i32
    %dma_wait3A_306 = tpu.memref_slice %arg4[%select_n3A_204, %dma_wait3A_296, %select_n3A_220, %dma_wait3A_304, %dma_wait3A_305] : memref<200x8x32x8x128xf32, #tpu.memory_space<hbm>> -> memref<1x1x1x8x128xf32, #tpu.memory_space<hbm>>
    %dma_wait3A_307 = tpu.memref_squeeze %dma_wait3A_306 : memref<1x1x1x8x128xf32, #tpu.memory_space<hbm>> -> memref<8x128xf32, #tpu.memory_space<hbm>>
    %dma_wait3A_308 = arith.constant 40 : i32
    %dma_wait3A_309 = arith.constant 0 : i32
    %dma_wait3A_310 = tpu.memref_slice %arg9[%dma_wait3A_308, %dma_wait3A_309] : memref<64x129xf32, #tpu.memory_space<vmem>> -> memref<8x128xf32, #tpu.memory_space<vmem>>
    tpu.wait_dma2 semaphore(%arg13 : memref<!tpu.dma_semaphore, #tpu.memory_space<semaphore_mem>>) src(%dma_wait3A_310 : memref<8x128xf32, #tpu.memory_space<vmem>>) dst(%dma_wait3A_307 : memref<8x128xf32, #tpu.memory_space<hbm>>)
    %dma_wait3A_311 = arith.constant 6 : i32
    %dma_wait3A_312 = arith.constant 48 : i32
    %dma_wait3A_313 = arith.constant 0 : i32
    %dma_wait3A_314 = tpu.memref_slice %arg9[%dma_wait3A_312, %dma_wait3A_313] : memref<64x129xf32, #tpu.memory_space<vmem>> -> memref<8x128xf32, #tpu.memory_space<vmem>>
    %dma_wait3A_315 = arith.constant 0 : i32
    %dma_wait3A_316 = arith.constant 0 : i32
    %dma_wait3A_317 = tpu.memref_slice %arg4[%select_n3A_204, %dma_wait3A_311, %select_n3A_220, %dma_wait3A_315, %dma_wait3A_316] : memref<200x8x32x8x128xf32, #tpu.memory_space<hbm>> -> memref<1x1x1x8x128xf32, #tpu.memory_space<hbm>>
    %dma_wait3A_318 = tpu.memref_squeeze %dma_wait3A_317 : memref<1x1x1x8x128xf32, #tpu.memory_space<hbm>> -> memref<8x128xf32, #tpu.memory_space<hbm>>
    %dma_wait3A_319 = arith.constant 0 : i32
    %dma_wait3A_320 = arith.constant 0 : i32
    %dma_wait3A_321 = tpu.memref_slice %arg4[%select_n3A_204, %dma_wait3A_311, %select_n3A_220, %dma_wait3A_319, %dma_wait3A_320] : memref<200x8x32x8x128xf32, #tpu.memory_space<hbm>> -> memref<1x1x1x8x128xf32, #tpu.memory_space<hbm>>
    %dma_wait3A_322 = tpu.memref_squeeze %dma_wait3A_321 : memref<1x1x1x8x128xf32, #tpu.memory_space<hbm>> -> memref<8x128xf32, #tpu.memory_space<hbm>>
    %dma_wait3A_323 = arith.constant 48 : i32
    %dma_wait3A_324 = arith.constant 0 : i32
    %dma_wait3A_325 = tpu.memref_slice %arg9[%dma_wait3A_323, %dma_wait3A_324] : memref<64x129xf32, #tpu.memory_space<vmem>> -> memref<8x128xf32, #tpu.memory_space<vmem>>
    tpu.wait_dma2 semaphore(%arg13 : memref<!tpu.dma_semaphore, #tpu.memory_space<semaphore_mem>>) src(%dma_wait3A_325 : memref<8x128xf32, #tpu.memory_space<vmem>>) dst(%dma_wait3A_322 : memref<8x128xf32, #tpu.memory_space<hbm>>)
    %dma_wait3A_326 = arith.constant 7 : i32
    %dma_wait3A_327 = arith.constant 56 : i32
    %dma_wait3A_328 = arith.constant 0 : i32
    %dma_wait3A_329 = tpu.memref_slice %arg9[%dma_wait3A_327, %dma_wait3A_328] : memref<64x129xf32, #tpu.memory_space<vmem>> -> memref<8x128xf32, #tpu.memory_space<vmem>>
    %dma_wait3A_330 = arith.constant 0 : i32
    %dma_wait3A_331 = arith.constant 0 : i32
    %dma_wait3A_332 = tpu.memref_slice %arg4[%select_n3A_204, %dma_wait3A_326, %select_n3A_220, %dma_wait3A_330, %dma_wait3A_331] : memref<200x8x32x8x128xf32, #tpu.memory_space<hbm>> -> memref<1x1x1x8x128xf32, #tpu.memory_space<hbm>>
    %dma_wait3A_333 = tpu.memref_squeeze %dma_wait3A_332 : memref<1x1x1x8x128xf32, #tpu.memory_space<hbm>> -> memref<8x128xf32, #tpu.memory_space<hbm>>
    %dma_wait3A_334 = arith.constant 0 : i32
    %dma_wait3A_335 = arith.constant 0 : i32
    %dma_wait3A_336 = tpu.memref_slice %arg4[%select_n3A_204, %dma_wait3A_326, %select_n3A_220, %dma_wait3A_334, %dma_wait3A_335] : memref<200x8x32x8x128xf32, #tpu.memory_space<hbm>> -> memref<1x1x1x8x128xf32, #tpu.memory_space<hbm>>
    %dma_wait3A_337 = tpu.memref_squeeze %dma_wait3A_336 : memref<1x1x1x8x128xf32, #tpu.memory_space<hbm>> -> memref<8x128xf32, #tpu.memory_space<hbm>>
    %dma_wait3A_338 = arith.constant 56 : i32
    %dma_wait3A_339 = arith.constant 0 : i32
    %dma_wait3A_340 = tpu.memref_slice %arg9[%dma_wait3A_338, %dma_wait3A_339] : memref<64x129xf32, #tpu.memory_space<vmem>> -> memref<8x128xf32, #tpu.memory_space<vmem>>
    tpu.wait_dma2 semaphore(%arg13 : memref<!tpu.dma_semaphore, #tpu.memory_space<semaphore_mem>>) src(%dma_wait3A_340 : memref<8x128xf32, #tpu.memory_space<vmem>>) dst(%dma_wait3A_337 : memref<8x128xf32, #tpu.memory_space<hbm>>)
    return
  }
}

</mosaic_0001>

<sc_bundles>
// kernel: kernel.3.cloned.1.call-start
scs
__scs_entry_jumppad:
0x0: {  	(pc) =	sbr.rel $0x88, $3  }
0x1: {  	(tag) =	ssettag $0x0;
	lr =	simm.s32 $0x1  }
0x2: {  	[smem:$0x3F9F] =	sst lr;
	_ =	strace $0xD0000000  }
0x3: {  	_ = 	snop  }
0x4: {  	_ = 	snop  }
0x5: {  	_ = 	snop  }
0x6: {  	_ = 	snop  }
0x7: {  	_ = 	snop  }
__scs_overlays_trampoline_lowered:
0x8: {  	[smem:$0x3FAE] =	sst s0  }
0x9: {  	[smem:$0x3FAF] =	sst s1  }
0xa: {  	[smem:$0x3FB0] =	sst s2  }
0xb: {  	[smem:$0x3FB1] =	sst s3  }
0xc: {  	[smem:$0x3FB2] =	sst s4  }
0xd: {  	[smem:$0x3FB3] =	sst s5  }
0xe: {  	[smem:$0x3FB4] =	sst s6  }
0xf: {  	[smem:$0x3FB5] =	sst s7  }
0x10: {  	[smem:$0x3FB6] =	sst s8  }
0x11: {  	[smem:$0x3FB7] =	sst s9;
	s0 =	simm.s32 @!p0 $0x0  }
0x12: {  	s1 =	sld [smem:$0x3F9D];
	s0 =	simm.s32 @p0 $0x1  }
0x13: {  	[smem:$0x3FB8] =	sst s0;
	s0 =	simm.s32 @!p1 $0x0  }
0x14: {  	s2 =	sld [smem:$0x3F9C];
	s0 =	simm.s32 @p1 $0x1  }
0x15: {  	[smem:$0x3FB9] =	sst s0;
	s0 =	simm.s32 @!p2 $0x0  }
0x16: {  	s3 =	sld [smem:$0x3FDB];
	s0 =	simm.s32 @p2 $0x1  }
0x17: {  	s4 =	simm.s32 $0x1BF5;
	[smem:$0x3FBB] =	sst s0  }
0x18: {  	s0 =	sld [smem:$0x3F9E];
	_ =	swait.ge [sflag:s4], $0x0  }
0x19: {  	s7 =	sld [smem:$0x3F9F]  }
0x1a: {  	s8 =	sadd.s32 $0xFFFFE003, lr  }
0x1b: {  	s9 =	sadd.s32 $0xFFFFFEF7, lr;
	s5 =	simm.s32 $0xFFFFFFFF;
	p2 =	slt.u32 s8, $0xFFFFF086  }
0x1c: {  	p1 =	slt.u32 s9, $0xF7A;
	s5 =	simm.s32 @!p2 $0x0  }
0x1d: {  	s5 =	simm.s32 @p1 $0x1;
	p0 =	seq.s32 s7, s2  }
0x1e: {  	s7 =	smul.u32 @!p0 $0xF7A, s2;
	p2 =	seq.s32 @!p0 s5, $0x0  }
0x1f: {  	s9 =	smul.u32 $0xF7A, s1;
	s8 =	simm.s32 @!p0 $0x1BF5;
	p2 =	por !p2, p0  }
0x20: {  	[sflag:s8] =	ssyncset.s32 @!p0 $0xFFFFF086;
	s6 =	sadd.s32 @!p0 s3, s7;
	s7 =	simm.s32 @!p0 $0x108  }
0x21: {  	s3 =	sadd.s32 s3, s9;
	s6 =	sadd.s32 @!p0 $0x88, s6;
	s7 =	simm.s32 @p2 $0x1082  }
0x22: {  	[simem:s7], [sflag:s8] =	dma.local @!p0 [hbm:s6], $0xF7A  }
0x23: {  	s9 =	sor.u32 $0xD0000000, s2;
	s6 =	simm.s32 $0x108;
	_ =	swait.ge @!p0 [sflag:s8], $0x0  }
0x24: {  	s3 =	sadd.s32 $0x88, s3;
	s6 =	simm.s32 @!p1 $0x1082;
	[sflag:s4] =	ssyncset.s32 $0xFFFFF086  }
0x25: {  	[simem:s6], [sflag:s4] =	dma.local [hbm:s3], $0xF7A  }
0x26: {  	[smem:$0x3F9F] =	sst s1;
	(tag) =	ssettag s2;
	_ =	strace s9  }
0x27: {  	s1 =	sld [smem:$0x3FAF]  }
0x28: {  	s2 =	sld [smem:$0x3FB0]  }
0x29: {  	s4 =	sld [smem:$0x3FB2]  }
0x2a: {  	p0 =	seq.s32 s5, $0x0;
	s5 =	sld [smem:$0x3FB3]  }
0x2b: {  	s6 =	sld [smem:$0x3FB4]  }
0x2c: {  	s7 =	sld [smem:$0x3FB5]  }
0x2d: {  	s3 =	simm.s32 $0x108;
	s8 =	sld [smem:$0x3FB6]  }
0x2e: {  	s3 =	simm.s32 @!p0 $0x1082;
	s9 =	sld [smem:$0x3FB7]  }
0x2f: {  	lr =	sadd.s32 s0, s3;
	s0 =	sld [smem:$0x3FAE]  }
0x30: {  	s3 =	sld [smem:$0x3FB1]  }
0x31: {  	[smem:$0x3FBA] =	sst s10  }
0x32: {  	s10 =	sld [smem:$0x3FB8];
	_ =	sdelay $0x3  }
0x33: {  	p0 =	seq.s32 s10, $0x1;
	s10 =	sld [smem:$0x3FBA];
	_ =	sdelay $0x3  }
0x34: {  	[smem:$0x3FBA] =	sst s10  }
0x35: {  	s10 =	sld [smem:$0x3FB9];
	_ =	sdelay $0x3  }
0x36: {  	p1 =	seq.s32 s10, $0x1;
	s10 =	sld [smem:$0x3FBA];
	_ =	sdelay $0x3  }
0x37: {  	[smem:$0x3FBA] =	sst s10  }
0x38: {  	s10 =	sld [smem:$0x3FBB]  }
0x39: {  	_ = 	snop;
	(pc) =	sbr.ind lr, $3  }
0x3a: {  	_ = 	snop  }
0x3b: {  	_ = 	snop  }
0x3c: {  	p2 =	seq.s32 s10, $0x1;
	s10 =	sld [smem:$0x3FBA]  }
0x3d: {  	_ =	shalt  }
0x3e: {  	_ =	shalt  }
0x3f: {  	_ =	shalt  }
0x40: {  	_ =	shalt  }
0x41: {  	_ =	shalt  }
0x42: {  	_ =	shalt  }
0x43: {  	_ =	shalt  }
0x44: {  	_ =	shalt  }
0x45: {  	_ =	shalt  }
0x46: {  	_ =	shalt  }
0x47: {  	_ =	shalt  }
0x48: {  	_ =	shalt  }
0x49: {  	_ =	shalt  }
0x4a: {  	_ =	shalt  }
0x4b: {  	_ =	shalt  }
0x4c: {  	_ =	shalt  }
0x4d: {  	_ =	shalt  }
0x4e: {  	_ =	shalt  }
0x4f: {  	_ =	shalt  }
0x50: {  	_ =	shalt  }
0x51: {  	_ =	shalt  }
0x52: {  	_ =	shalt  }
0x53: {  	_ =	shalt  }
0x54: {  	_ =	shalt  }
0x55: {  	_ =	shalt  }
0x56: {  	_ =	shalt  }
0x57: {  	_ =	shalt  }
0x58: {  	_ =	shalt  }
0x59: {  	_ =	shalt  }
0x5a: {  	_ =	shalt  }
0x5b: {  	_ =	shalt  }
0x5c: {  	_ =	shalt  }
0x5d: {  	_ =	shalt  }
0x5e: {  	_ =	shalt  }
0x5f: {  	_ =	shalt  }
0x60: {  	_ =	shalt  }
0x61: {  	_ =	shalt  }
0x62: {  	_ =	shalt  }
0x63: {  	_ =	shalt  }
0x64: {  	_ =	shalt  }
0x65: {  	_ =	shalt  }
0x66: {  	_ =	shalt  }
0x67: {  	_ =	shalt  }
0x68: {  	_ =	shalt  }
0x69: {  	_ =	shalt  }
0x6a: {  	_ =	shalt  }
0x6b: {  	_ =	shalt  }
0x6c: {  	_ =	shalt  }
0x6d: {  	_ =	shalt  }
0x6e: {  	_ =	shalt  }
0x6f: {  	_ =	shalt  }
0x70: {  	_ =	shalt  }
0x71: {  	_ =	shalt  }
0x72: {  	_ =	shalt  }
0x73: {  	_ =	shalt  }
0x74: {  	_ =	shalt  }
0x75: {  	_ =	shalt  }
0x76: {  	_ =	shalt  }
0x77: {  	_ =	shalt  }
0x78: {  	_ =	shalt  }
0x79: {  	_ =	shalt  }
0x7a: {  	_ =	shalt  }
0x7b: {  	_ =	shalt  }
0x7c: {  	_ =	shalt  }
0x7d: {  	_ =	shalt  }
0x7e: {  	_ =	shalt  }
0x7f: {  	_ =	shalt  }
0x80: {  	_ =	shalt  }
0x81: {  	_ =	shalt  }
0x82: {  	_ =	shalt  }
0x83: {  	_ =	shalt  }
0x84: {  	_ =	shalt  }
0x85: {  	_ =	shalt  }
0x86: {  	_ =	shalt  }
0x87: {  	_ =	shalt  }
.Lfunc_end0:
.L_simem_size_0:
called_computation_lowered:
.L_overlay_start_0:
0x88: {  	s2 =	sld [smem:$0x3FD9]  }
0x89: {  	s3 =	sld [smem:$0x3FFE];
	_ =	sdelay $0x1  }
0x8a: {  	s1 =	srdreg.scid  }
0x8b: {  	s0 =	sand.u32 $0x1, s1  }
0x8c: {  	s17 =	sshll.u32 s0, $0xA;
	s2 =	sadd.s32 s3, s2  }
0x8d: {  	s2 =	sadd.s32 s2, s17  }
0x8e: {  	[smem:$0x3FC6] =	sst s2  }
0x8f: {  	_ = 	snop  }
0x90: {  	s2 =	sld [smem:$0x3FD0];
	(tm) =	ssettm $0x1  }
0x91: {  	s18 =	sld [smem:$0x3FFB];
	_ =	sdelay $0x3  }
0x92: {  	_ =	strace s18  }
0x93: {  	s3 =	sld [smem:$0x3FFC];
	_ =	sdelay $0x3  }
0x94: {  	_ =	strace s3  }
0x95: {  	s3 =	sld [smem:$0x3FFD];
	_ =	sdelay $0x3  }
0x96: {  	_ =	strace s3  }
0x97: {  	_ =	strace $0x8FFFFFFF  }
0x98: {  	s19 =	sld [smem:$0x3FDB];
	_ =	sdelay $0x1  }
0x99: {  	s4 =	simm.s32 $_scs_section_size  }
0x9a: {  	s5 =	simm.s32 $_size__tile_overlayer_lowered;
	s6 =	simm.s32 $_tile_overlayer_lowered  }
0x9b: {  	s22 =	simm.s32 $0x1BFF;
	s21 =	sshll.u32 s6, $0x1;
	s3 =	sadd.s32 s4, s19  }
0x9c: {  	s7 =	simm.s32 $0x0;
	s20 =	sshll.u32 s5, $0x1;
	s5 =	sadd.s32 s21, s3  }
0x9d: {  	[timem:s7], [sflag:s22] =	dma.local [hbm:s5], s20  }
0x9e: {  	_ =	swait.ge [sflag:s22], s20  }
0x9f: {  	s4 =	ssub.s32 $0x0, s20;
	[sflag:s22] =	ssyncset.done $0x0  }
0xa0: {  	[sflag:s22] =	ssyncadd.s32 s4;
	_ =	sdelay $0x1  }
0xa1: {  	s23 =	simm.s32 $0x1B8B  }
0xa2: {  	_ =	swait.ge [sflag:s23], $0x1  }
0xa3: {  	[sflag:s23] =	ssyncset.done $0x0  }
0xa4: {  	s25 =	simm.s32 $0x1B8E;
	s24 =	sld [smem:$0x3FFE];
	[sflag:s23] =	ssyncadd.s32 $0xFFFFFFFF  }
0xa5: {  	s26 =	simm.s32 $execute0_lowered;
	[smem:$0x3FD2] =	sst s25  }
0xa6: {  	s5 =	sshll.u32 s26, $0x1;
	_ =	strace $0x80000046;
	[dreg:$0x1] =	wrdreg $0xFFFFFFFF  }
0xa7: {  	s28 =	simm.s32 $_size_execute0_lowered;
	s3 =	sadd.s32 s3, s5;
	[dreg:$0x0] =	wrdreg $0x0  }
0xa8: {  	s5 =	sshll.u32 s28, $0x1;
	[dreg:$0x2] =	wrdreg s3  }
0xa9: {  	[dreg:$0x3] =	wrdreg s5  }
0xaa: {  	[dreg:$0x4] =	wrdreg $0xC0  }
0xab: {  	_ =	task [dreg:s7], $0x5FFFF  }
0xac: {  	[dreg:$0x1] =	wrdreg $0xFFFFFFFF  }
0xad: {  	[dreg:$0x0] =	wrdreg $0x60  }
0xae: {  	[dreg:$0x2] =	wrdreg s24  }
0xaf: {  	[dreg:$0x3] =	wrdreg s2  }
0xb0: {  	[dreg:$0x4] =	wrdreg $0x9  }
0xb1: {  	_ =	task.clear_ibuf [dreg:s7], $0x5FFFF;
	_ =	strace $0x90000046  }
0xb2: {  	s29 =	simm.s32 $0x9;
	_ =	strace $0x80000048  }
0xb3: {  	_ =	swait.ge [sflag:s29], $0x1  }
0xb4: {  	[sflag:s29] =	ssyncadd.s32 $0xFFFFFFFF  }
0xb5: {  	_ =	strace $0x90000048  }
0xb6: {  	_ =	sfence  }
0xb7: {  	s30 =	sld [smem:$0x0];
	_ =	sdelay $0x2  }
0xb8: {  	s31 =	sshll.u32 s1, $0xD;
	s1 =	sshrl.u32 s1, $0x2  }
0xb9: {  	s3 =	sand.u32 $0x4000, s31;
	s1 =	sadd.s32 s1, s30  }
0xba: {  	s0 =	sor.u32 s3, s0;
	s1 =	sshll.u32 s1, $0x11  }
0xbb: {  	s0 =	sor.u32 s1, s0  }
0xbc: {  	s0 =	sadd.s32 $0x8F2B, s0  }
0xbd: {  	[sflag:s0] =	ssyncadd.remote.s32 $0x1  }
0xbe: {  	_ =	sfence.sel $0xFFFF  }
0xbf: {  	[dreg:$0x0] =	wrdreg $0xFFFFFFFF;
	(pc) =	sbr.abs _section_cstart, $3  }
0xc0: {  	[dreg:$0x1] =	wrdreg $0xFFFFFFFF  }
0xc1: {  	_ =	task.clear_ibuf [dreg:s7], $0x2FFFF;
	_ =	strace $0x9FFFFFFF  }
0xc2: {  	(tm) =	ssettm $0x7FFFFFFF  }
0xc3: {  	_ =	shalt  }
tec
execute0_lowered:
.L_overlay_start_1:
0x0: {  	(tag) =	ssettag $0x1  }
0x1: {  	v0 =	vlaneseq.u32  }
0x2: {  	s0 =	rddreg [dreg:$0x0];
	s1 =	srdreg.scid;
	v0 =	vmul.u32 $0x88, v0  }
0x3: {  	s3 =	stileid.u32;
	s2 =	rddreg [dreg:$0x1];
	s16 =	simm.s32 $0x80;
	v1 =	vimm.s32 $0x0;
	vm0 =	vcmask $0x300  }
0x4: {  	s19 =	simm.s32 $0x1;
	s20 =	simm.s32 $0xA400;
	s14 =	simm.s32 $0x4;
	v1 =	vsel vm0, $0x3, v1;
	v2 =	vadd.s32 $0x880, v0  }
0x5: {  	s15 =	simm.s32 $0xC600;
	s23 =	simm.s32 $0xE668;
	s24 =	simm.s32 $0xE6F0;
	v3 =	vadd.s32 $0x1100, v0;
	v4 =	vadd.s32 $0x1980, v0;
	v5 =	vor.u32 $0x1, v0  }
0x6: {  	s25 =	simm.s32 $0xE778;
	s1 =	sand.u32 $0x1, s1;
	s4 =	sshll.u32 s3, $0x1;
	v6 =	vadd.s32 $0x881, v0;
	v7 =	vadd.s32 $0x1101, v0;
	v8 =	vadd.s32 $0x1981, v0  }
0x7: {  	s3 =	simm.s32 $0x0;
	s8 =	sadd.s32 $0x2000, s2;
	s9 =	sadd.s32 $0x3000, s2;
	v9 =	vor.u32 $0x2, v0;
	v10 =	vadd.s32 $0x882, v0;
	v11 =	vadd.s32 $0x1102, v0  }
0x8: {  	s10 =	sadd.s32 $0x4000, s2;
	s11 =	sadd.s32 $0x5000, s2;
	s12 =	sadd.s32 $0x6000, s2;
	v12 =	vadd.s32 $0x1982, v0;
	v13 =	vor.u32 $0x3, v0;
	v14 =	vadd.s32 $0x883, v0  }
0x9: {  	s13 =	sadd.s32 $0x7000, s2;
	s5 =	sor.u32 s1, s4;
	s1 =	ssub.s32 $0x2, s1;
	v15 =	vadd.s32 $0x1103, v0;
	v16 =	vadd.s32 $0x1983, v0;
	v17 =	vor.u32 $0x4, v0  }
0xa: {  	[smem:$0x7FF] =	sst s3;
	s6 =	smul.u32 $0xC80, s5;
	s7 =	sshrl.u32 s1, $0x1;
	v18 =	vadd.s32 $0x884, v0;
	v19 =	vadd.s32 $0x1104, v0;
	v20 =	vadd.s32 $0x1984, v0  }
0xb: {  	s4 =	sadd.s32 $0xF42A00, s0;
	_ =	strace $0x80000047;
	v21 =	vor.u32 $0x5, v0;
	v22 =	vadd.s32 $0x885, v0;
	v23 =	vadd.s32 $0x1105, v0;
	s1 =	ssub.s32 s1, s7  }
0xc: {  	v24 =	vadd.s32 $0x1985, v0;
	v25 =	vor.u32 $0x6, v0;
	v26 =	vadd.s32 $0x886, v0;
	s7 =	sadd.s32 $0x1000, s2;
	s0 =	sadd.s32 s6, s0;
	s31 =	smax.u32 s1, $0x1  }
0xd: {  	v27 =	vadd.s32 $0x1106, v0;
	v28 =	vadd.s32 $0x1986, v0;
	v29 =	vor.u32 $0x7, v0;
	s6 =	smul.u32 $0xC8, s5;
	s0 =	sadd.s32 $0x600, s0;
	[dreg:$0x4] =	wrdreg s31  }
0xe: {  	v30 =	vadd.s32 $0x887, v0;
	v31 =	vadd.s32 $0x1107, v0;
	v32 =	vadd.s32 $0x1987, v0;
	s5 =	simm.s32 $0x2;
	s1 =	simm.s32 $0x0;
	[dreg:$0x3] =	wrdreg s0  }
.LBB2_1:
0xf: {  	[dreg:$0x5] =	wrdreg s1  }
0x10: {  	s0 =	rddreg [dreg:$0x3];
	s30 =	simm.s32 $0x5  }
0x11: {  	[tilespmem:s3], [sflag:$0x5] =	stream.linear.gather [hbm4b:s0+s3], $0x6400, $0x38;
	[tilespmem:$0xE800] =	vst v63  }
0x12: {  	_ =	swait.ge [sflag:s30], $0x6400  }
0x13: {  	[sflag:s30] =	ssyncset.done $0x0  }
0x14: {  	s31 =	simm.s32 $0x6400;
	s26 =	simm.s32 $0x0;
	[sflag:s30] =	ssyncadd.s32 $0xFFFF9C00  }
0x15: {  	[tilespmem:s31], [sflag:$0x1] =	stream.indirect.gather [hbm4b:s4+s16], $0x40, s3, s16, $0xb8;
	[tilespmem:$0xE800] =	vst v63  }
.LBB2_2:
0x16: {  	s28 =	sshllo.u32 s26, $0x1  }
0x17: {  	s0 =	sshll.u32 s28, $0x7  }
0x18: {  	s1 =	simm.s32 $0x8400;
	s0 =	sand.u32 $0x3FFFFF80, s0  }
0x19: {  	[tilespmem:s1], [sflag:$0x2] =	stream.indirect.gather [hbm4b:s4+s16], $0x40, s0, s16, $0xb8;
	[tilespmem:$0xE800] =	vst v63  }
0x1a: {  	_ =	swait.ge [sflag:s19], $0x2000  }
0x1b: {  	p0 =	seq.s32 s26, $0x0;
	[sflag:s19] =	ssyncset.done $0x0  }
0x1c: {  	s0 =	simm.s32 @!p0 $0x3;
	[sflag:s19] =	ssyncadd.s32 $0xFFFFE000  }
0x1d: {  	_ =	swait.ge @!p0 [sflag:s0], $0x400  }
0x1e: {  	[sflag:s0] =	ssyncset.done @!p0 $0x0  }
0x1f: {  	[sflag:s0] =	ssyncadd.s32 @!p0 $0xFFFFFC00  }
0x20: {  	_ =	swait.ge @!p0 [sflag:s0], $0x400  }
0x21: {  	[sflag:s0] =	ssyncset.done @!p0 $0x0  }
0x22: {  	[sflag:s0] =	ssyncadd.s32 @!p0 $0xFFFFFC00  }
0x23: {  	_ =	swait.ge @!p0 [sflag:s0], $0x400  }
0x24: {  	[sflag:s0] =	ssyncset.done @!p0 $0x0  }
0x25: {  	[sflag:s0] =	ssyncadd.s32 @!p0 $0xFFFFFC00  }
0x26: {  	_ =	swait.ge @!p0 [sflag:s0], $0x400  }
0x27: {  	[sflag:s0] =	ssyncset.done @!p0 $0x0  }
0x28: {  	[sflag:s0] =	ssyncadd.s32 @!p0 $0xFFFFFC00  }
0x29: {  	_ =	swait.ge @!p0 [sflag:s0], $0x400  }
0x2a: {  	[sflag:s0] =	ssyncset.done @!p0 $0x0  }
0x2b: {  	[sflag:s0] =	ssyncadd.s32 @!p0 $0xFFFFFC00  }
0x2c: {  	_ =	swait.ge @!p0 [sflag:s0], $0x400  }
0x2d: {  	[sflag:s0] =	ssyncset.done @!p0 $0x0  }
0x2e: {  	[sflag:s0] =	ssyncadd.s32 @!p0 $0xFFFFFC00  }
0x2f: {  	_ =	swait.ge @!p0 [sflag:s0], $0x400  }
0x30: {  	[sflag:s0] =	ssyncset.done @!p0 $0x0  }
0x31: {  	s17 =	simm.s32 $0xC;
	[sflag:s0] =	ssyncadd.s32 @!p0 $0xFFFFFC00  }
0x32: {  	v33 =	vmov s17;
	_ =	swait.ge @!p0 [sflag:s0], $0x400  }
0x33: {  	v33 =	vshrl.u32 v33, $0x3;
	[sflag:s0] =	ssyncset.done @!p0 $0x0  }
0x34: {  	s30 =	simm.s32 $0x6600;
	v33 =	vshll.u32 v33, v1;
	[sflag:s0] =	ssyncadd.s32 @!p0 $0xFFFFFC00  }
0x35: {  	s18 =	simm.s32 $0x4;
	v33 =	vbroadcast v33, $0x0;
	v35 =	vld [tilespmem:s30+$0x100]  }
0x36: {  	s21 =	simm.s32 $0x8;
	v34 =	vmov s18  }
0x37: {  	s22 =	simm.s32 $0x0;
	v36 =	vmov s21;
	v34 =	vshrl.u32 v34, $0x3;
	v37 =	vadd.s32 v17, v33  }
0x38: {  	v38 =	vmov s22;
	v36 =	vshrl.u32 v36, $0x3;
	v34 =	vshll.u32 v34, v1  }
0x39: {  	v38 =	vshrl.u32 v38, $0x3;
	v36 =	vshll.u32 v36, v1;
	v34 =	vbroadcast v34, $0x0;
	v39 =	vld [tilespmem:s30+$0xFFFFFF00]  }
0x3a: {  	v38 =	vshll.u32 v38, v1;
	v36 =	vbroadcast v36, $0x0;
	v40 =	vld [tilespmem:s30+$0x0];
	v35 =	vmul.f32 $8.000000000e+00, v35  }
0x3b: {  	v38 =	vbroadcast v38, $0x0;
	v41 =	vadd.s32 v17, v34;
	v42 =	vld [tilespmem:s30+$0xFFFFFE00]  }
0x3c: {  	v43 =	vadd.s32 v0, v36;
	[tilespmem:v37+s20+$0x0] =	vst.idx.msk $0xffff, v35  }
0x3d: {  	v63 =	vadd.s32 v0, v38;
	v46 =	vld [tilespmem:s30+$0x110]  }
0x3e: {  	v45 =	vmul.f32 $8.000000000e+00, v39  }
0x3f: {  	v47 =	vadd.s32 v18, v33;
	v40 =	vmul.f32 $8.000000000e+00, v40  }
0x40: {  	v48 =	vmul.f32 $8.000000000e+00, v42;
	[tilespmem:v41+s20+$0x0] =	vst.idx.msk $0xffff, v45  }
0x41: {  	[tilespmem:v43+s20+$0x0] =	vst.idx.msk $0xffff, v40;
	v49 =	vld [tilespmem:s30+$0xFFFFFF10]  }
0x42: {  	[tilespmem:v63+s20+$0x0] =	vst.idx.msk $0xffff, v48;
	v40 =	vld [tilespmem:s30+$0x10];
	v39 =	vmul.f32 $8.000000000e+00, v46  }
0x43: {  	v50 =	vadd.s32 v18, v34;
	v41 =	vld [tilespmem:s30+$0xFFFFFE10]  }
0x44: {  	v51 =	vadd.s32 v2, v36;
	[tilespmem:v47+s20+$0x0] =	vst.idx.msk $0xffff, v39  }
0x45: {  	v52 =	vadd.s32 v2, v38;
	v54 =	vld [tilespmem:s30+$0x120]  }
0x46: {  	v53 =	vmul.f32 $8.000000000e+00, v49  }
0x47: {  	v55 =	vadd.s32 v19, v33;
	v40 =	vmul.f32 $8.000000000e+00, v40  }
0x48: {  	v56 =	vmul.f32 $8.000000000e+00, v41;
	[tilespmem:v50+s20+$0x0] =	vst.idx.msk $0xffff, v53  }
0x49: {  	[tilespmem:v51+s20+$0x0] =	vst.idx.msk $0xffff, v40;
	v57 =	vld [tilespmem:s30+$0xFFFFFF20]  }
0x4a: {  	[tilespmem:v52+s20+$0x0] =	vst.idx.msk $0xffff, v56;
	v40 =	vld [tilespmem:s30+$0x20];
	v59 =	vmul.f32 $8.000000000e+00, v54  }
0x4b: {  	v58 =	vadd.s32 v19, v34;
	v60 =	vld [tilespmem:s30+$0xFFFFFE20]  }
0x4c: {  	v61 =	vadd.s32 v3, v36;
	[tilespmem:v55+s20+$0x0] =	vst.idx.msk $0xffff, v59  }
0x4d: {  	v62 =	vadd.s32 v3, v38;
	v44 =	vld [tilespmem:s30+$0x130]  }
0x4e: {  	v63 =	vmul.f32 $8.000000000e+00, v57  }
0x4f: {  	v33 =	vadd.s32 v20, v33;
	v40 =	vmul.f32 $8.000000000e+00, v40  }
0x50: {  	v45 =	vmul.f32 $8.000000000e+00, v60;
	[tilespmem:v58+s20+$0x0] =	vst.idx.msk $0xffff, v63  }
0x51: {  	s1 =	simm.s32 $0xD;
	[tilespmem:v61+s20+$0x0] =	vst.idx.msk $0xffff, v40;
	v39 =	vld [tilespmem:s30+$0xFFFFFF30]  }
0x52: {  	v47 =	vmov s1;
	[tilespmem:v62+s20+$0x0] =	vst.idx.msk $0xffff, v45;
	v40 =	vld [tilespmem:s30+$0x30];
	v46 =	vmul.f32 $8.000000000e+00, v44  }
0x53: {  	v34 =	vadd.s32 v20, v34;
	v37 =	vshrl.u32 v47, $0x3;
	v48 =	vld [tilespmem:s30+$0xFFFFFE30]  }
0x54: {  	s18 =	simm.s32 $0x5;
	v36 =	vadd.s32 v4, v36;
	v51 =	vshll.u32 v37, v1;
	[tilespmem:v33+s20+$0x0] =	vst.idx.msk $0xffff, v46  }
0x55: {  	s17 =	simm.s32 $0x1;
	v50 =	vmov s18;
	v52 =	vadd.s32 v4, v38;
	v33 =	vbroadcast v51, $0x0;
	v54 =	vld [tilespmem:s30+$0x140]  }
0x56: {  	s21 =	simm.s32 $0x9;
	v49 =	vmov s17;
	v43 =	vshrl.u32 v50, $0x3;
	v53 =	vmul.f32 $8.000000000e+00, v39  }
0x57: {  	v55 =	vmov s21;
	v40 =	vmul.f32 $8.000000000e+00, v40;
	v56 =	vadd.s32 v21, v33  }
0x58: {  	v43 =	vshll.u32 v43, v1;
	v39 =	vshrl.u32 v55, $0x3;
	v58 =	vmul.f32 $8.000000000e+00, v48;
	[tilespmem:v34+s20+$0x0] =	vst.idx.msk $0xffff, v53  }
0x59: {  	v43 =	vbroadcast v43, $0x0;
	v60 =	vshrl.u32 v49, $0x3;
	v57 =	vshll.u32 v39, v1;
	[tilespmem:v36+s20+$0x0] =	vst.idx.msk $0xffff, v40;
	v59 =	vld [tilespmem:s30+$0xFFFFFF40]  }
0x5a: {  	v37 =	vbroadcast v57, $0x0;
	v36 =	vshll.u32 v60, v1;
	[tilespmem:v52+s20+$0x0] =	vst.idx.msk $0xffff, v58;
	v40 =	vld [tilespmem:s30+$0x40];
	v38 =	vmul.f32 $8.000000000e+00, v54  }
0x5b: {  	v61 =	vadd.s32 v21, v43;
	v39 =	vld [tilespmem:s30+$0xFFFFFE40];
	v42 =	vbroadcast v36, $0x0  }
0x5c: {  	v62 =	vadd.s32 v5, v37;
	[tilespmem:v56+s20+$0x0] =	vst.idx.msk $0xffff, v38  }
0x5d: {  	v63 =	vadd.s32 v5, v42;
	v45 =	vld [tilespmem:s30+$0x150]  }
0x5e: {  	v44 =	vmul.f32 $8.000000000e+00, v59  }
0x5f: {  	v46 =	vadd.s32 v22, v33;
	v40 =	vmul.f32 $8.000000000e+00, v40  }
0x60: {  	v47 =	vmul.f32 $8.000000000e+00, v39;
	[tilespmem:v61+s20+$0x0] =	vst.idx.msk $0xffff, v44  }
0x61: {  	[tilespmem:v62+s20+$0x0] =	vst.idx.msk $0xffff, v40;
	v48 =	vld [tilespmem:s30+$0xFFFFFF50]  }
0x62: {  	[tilespmem:v63+s20+$0x0] =	vst.idx.msk $0xffff, v47;
	v36 =	vld [tilespmem:s30+$0x50];
	v50 =	vmul.f32 $8.000000000e+00, v45  }
0x63: {  	v49 =	vadd.s32 v22, v43;
	v51 =	vld [tilespmem:s30+$0xFFFFFE50]  }
0x64: {  	v52 =	vadd.s32 v6, v37;
	[tilespmem:v46+s20+$0x0] =	vst.idx.msk $0xffff, v50  }
0x65: {  	v53 =	vadd.s32 v6, v42;
	v55 =	vld [tilespmem:s30+$0x160]  }
0x66: {  	v54 =	vmul.f32 $8.000000000e+00, v48  }
0x67: {  	s22 =	simm.s32 $0x2;
	v56 =	vadd.s32 v23, v33;
	v36 =	vmul.f32 $8.000000000e+00, v36  }
0x68: {  	v60 =	vmov s22;
	v57 =	vmul.f32 $8.000000000e+00, v51;
	[tilespmem:v49+s20+$0x0] =	vst.idx.msk $0xffff, v54  }
0x69: {  	s31 =	simm.s32 $0x10;
	s22 =	simm.s32 $0x1C;
	v41 =	vshrl.u32 v60, $0x3;
	[tilespmem:v52+s20+$0x0] =	vst.idx.msk $0xffff, v36;
	v58 =	vld [tilespmem:s30+$0xFFFFFF60]  }
0x6a: {  	s17 =	simm.s32 $0xA;
	v60 =	vmov s22;
	v59 =	vmov s31;
	[tilespmem:v53+s20+$0x0] =	vst.idx.msk $0xffff, v57;
	v44 =	vld [tilespmem:s30+$0x60];
	v62 =	vmul.f32 $8.000000000e+00, v55  }
0x6b: {  	v61 =	vadd.s32 v23, v43;
	v63 =	vmov s17;
	v47 =	vadd.s32 v7, v37;
	v46 =	vld [tilespmem:s30+$0xFFFFFE60]  }
0x6c: {  	s18 =	simm.s32 $0x14;
	v43 =	vadd.s32 v24, v43;
	v37 =	vadd.s32 v8, v37;
	v39 =	vshrl.u32 v63, $0x3;
	[tilespmem:v56+s20+$0x0] =	vst.idx.msk $0xffff, v62  }
0x6d: {  	s1 =	simm.s32 $0x6;
	v39 =	vshll.u32 v39, v1;
	v48 =	vmov s18;
	v53 =	vadd.s32 v7, v42;
	v54 =	vld [tilespmem:s30+$0x170]  }
0x6e: {  	v45 =	vmov s1;
	v48 =	vshrl.u32 v48, $0x3;
	v40 =	vmul.f32 $8.000000000e+00, v58  }
0x6f: {  	s21 =	simm.s32 $0x18;
	v36 =	vshrl.u32 v59, $0x3;
	v44 =	vmul.f32 $8.000000000e+00, v44;
	v55 =	vadd.s32 v24, v33  }
0x70: {  	v49 =	vmov s21;
	v36 =	vshll.u32 v36, v1;
	[tilespmem:v61+s20+$0x0] =	vst.idx.msk $0xffff, v40;
	v56 =	vmul.f32 $8.000000000e+00, v46  }
0x71: {  	s1 =	simm.s32 $0xE;
	v52 =	vshrl.u32 v45, $0x3;
	v59 =	vshll.u32 v48, v1;
	v33 =	vbroadcast v36, $0x0;
	[tilespmem:v47+s20+$0x0] =	vst.idx.msk $0xffff, v44;
	v57 =	vld [tilespmem:s30+$0xFFFFFF70]  }
0x72: {  	v36 =	vshrl.u32 v60, $0x3;
	v62 =	vmov s1;
	v44 =	vld [tilespmem:s30+$0x70];
	[tilespmem:v53+s20+$0x0] =	vst.idx.msk $0xffff, v56;
	v61 =	vmul.f32 $8.000000000e+00, v54  }
0x73: {  	s29 =	simm.s32 $0x6A00;
	v36 =	vshll.u32 v36, v1;
	v40 =	vshll.u32 v41, v1;
	v41 =	vshrl.u32 v62, $0x3;
	v63 =	vld [tilespmem:s30+$0xFFFFFE70]  }
0x74: {  	v42 =	vadd.s32 v8, v42;
	v36 =	vbroadcast v36, $0x0;
	v56 =	vld [tilespmem:s29+$0x100];
	v58 =	vshll.u32 v41, v1;
	[tilespmem:v55+s20+$0x0] =	vst.idx.msk $0xffff, v61  }
0x75: {  	v49 =	vshrl.u32 v49, $0x3;
	v34 =	vshll.u32 v52, v1;
	v35 =	vbroadcast v58, $0x0;
	v60 =	vld [tilespmem:s30+$0x180]  }
0x76: {  	v49 =	vshll.u32 v49, v1;
	v50 =	vadd.s32 v17, v36;
	v46 =	vmul.f32 $8.000000000e+00, v57;
	v61 =	vld [tilespmem:s29+$0xFFFFFE00]  }
0x77: {  	v51 =	vld [tilespmem:s29+$0xFFFFFF00];
	v41 =	vbroadcast v59, $0x0;
	v52 =	vadd.s32 v25, v35;
	v44 =	vmul.f32 $8.000000000e+00, v44  }
0x78: {  	v49 =	vbroadcast v49, $0x0;
	v62 =	vadd.s32 v0, v33;
	v57 =	vld [tilespmem:s29+$0x0];
	v45 =	vmul.f32 $8.000000000e+00, v63;
	[tilespmem:v43+s20+$0x0] =	vst.idx.msk $0xffff, v46  }
0x79: {  	v53 =	vbroadcast v34, $0x0;
	v58 =	vadd.s32 v17, v41;
	v38 =	vmul.f32 $8.000000000e+00, v56;
	[tilespmem:v37+s20+$0x0] =	vst.idx.msk $0xffff, v44;
	v59 =	vld [tilespmem:s30+$0xFFFFFF80]  }
0x7a: {  	v39 =	vbroadcast v39, $0x0;
	[tilespmem:v42+s20+$0x0] =	vst.idx.msk $0xffff, v45;
	v42 =	vadd.s32 v0, v49;
	v45 =	vld [tilespmem:s30+$0x80];
	v47 =	vmul.f32 $8.000000000e+00, v60  }
0x7b: {  	v34 =	vbroadcast v40, $0x0;
	v63 =	vadd.s32 v25, v53;
	[tilespmem:v50+s20+$0x0] =	vst.idx.msk $0xffff, v38;
	v38 =	vld [tilespmem:s30+$0xFFFFFE80];
	v48 =	vmul.f32 $8.000000000e+00, v61  }
0x7c: {  	s17 =	simm.s32 $0x3;
	v40 =	vadd.s32 v18, v41;
	v55 =	vadd.s32 v9, v39;
	v61 =	vld [tilespmem:s29+$0x110];
	v60 =	vmul.f32 $8.000000000e+00, v51;
	[tilespmem:v52+s20+$0x0] =	vst.idx.msk $0xffff, v47  }
0x7d: {  	s22 =	simm.s32 $0x11;
	v54 =	vmov s17;
	v46 =	vadd.s32 v9, v34;
	[tilespmem:v62+s20+$0x0] =	vst.idx.msk $0xffff, v48;
	v62 =	vmul.f32 $8.000000000e+00, v57;
	v48 =	vld [tilespmem:s30+$0x190]  }
0x7e: {  	s21 =	simm.s32 $0xB;
	v56 =	vmov s22;
	v37 =	vadd.s32 v18, v36;
	v44 =	vmul.f32 $8.000000000e+00, v59;
	v52 =	vld [tilespmem:s29+$0xFFFFFE10];
	[tilespmem:v58+s20+$0x0] =	vst.idx.msk $0xffff, v60  }
0x7f: {  	v43 =	vadd.s32 v26, v35;
	v50 =	vmov s21;
	v57 =	vld [tilespmem:s29+$0xFFFFFF10];
	[tilespmem:v42+s20+$0x0] =	vst.idx.msk $0xffff, v62;
	v42 =	vmul.f32 $8.000000000e+00, v45  }
0x80: {  	s18 =	simm.s32 $0x7;
	s1 =	simm.s32 $0x15;
	v50 =	vshrl.u32 v50, $0x3;
	v38 =	vmul.f32 $8.000000000e+00, v38;
	[tilespmem:v63+s20+$0x0] =	vst.idx.msk $0xffff, v44;
	v45 =	vadd.s32 v2, v33;
	v59 =	vld [tilespmem:s29+$0x10]  }
0x81: {  	s17 =	simm.s32 $0x19;
	v47 =	vmov s18;
	v58 =	vmov s1;
	v60 =	vld [tilespmem:s30+$0xFFFFFF90];
	v51 =	vmul.f32 $8.000000000e+00, v61;
	[tilespmem:v55+s20+$0x0] =	vst.idx.msk $0xffff, v42  }
0x82: {  	v44 =	vmov s17;
	[tilespmem:v46+s20+$0x0] =	vst.idx.msk $0xffff, v38;
	v42 =	vadd.s32 v2, v49;
	v63 =	vld [tilespmem:s30+$0x90];
	v48 =	vmul.f32 $8.000000000e+00, v48  }
0x83: {  	v47 =	vshrl.u32 v47, $0x3;
	[tilespmem:v37+s20+$0x0] =	vst.idx.msk $0xffff, v51;
	v37 =	vld [tilespmem:s30+$0xFFFFFE90];
	v51 =	vadd.s32 v26, v53;
	v52 =	vmul.f32 $8.000000000e+00, v52  }
0x84: {  	v38 =	vshrl.u32 v54, $0x3;
	v55 =	vld [tilespmem:s29+$0x120];
	v61 =	vmul.f32 $8.000000000e+00, v57;
	v57 =	vadd.s32 v10, v39;
	[tilespmem:v43+s20+$0x0] =	vst.idx.msk $0xffff, v48  }
0x85: {  	v54 =	vadd.s32 v19, v36;
	[tilespmem:v45+s20+$0x0] =	vst.idx.msk $0xffff, v52;
	v62 =	vmul.f32 $8.000000000e+00, v59;
	v48 =	vadd.s32 v10, v34;
	v52 =	vld [tilespmem:s30+$0x1A0]  }
0x86: {  	v43 =	vshrl.u32 v56, $0x3;
	v56 =	vld [tilespmem:s29+$0xFFFFFE20];
	[tilespmem:v40+s20+$0x0] =	vst.idx.msk $0xffff, v61;
	v40 =	vshrl.u32 v58, $0x3;
	v58 =	vmul.f32 $8.000000000e+00, v60  }
0x87: {  	v45 =	vadd.s32 v27, v35;
	v59 =	vld [tilespmem:s29+$0xFFFFFF20];
	[tilespmem:v42+s20+$0x0] =	vst.idx.msk $0xffff, v62;
	v42 =	vshrl.u32 v44, $0x3;
	v44 =	vmul.f32 $8.000000000e+00, v63  }
0x88: {  	v46 =	vadd.s32 v3, v33;
	v47 =	vshll.u32 v47, v1;
	v37 =	vmul.f32 $8.000000000e+00, v37;
	v60 =	vld [tilespmem:s29+$0x20];
	[tilespmem:v51+s20+$0x0] =	vst.idx.msk $0xffff, v58  }
0x89: {  	v33 =	vadd.s32 v4, v33;
	v51 =	vadd.s32 v19, v41;
	v55 =	vmul.f32 $8.000000000e+00, v55;
	v58 =	vld [tilespmem:s30+$0xFFFFFFA0];
	[tilespmem:v57+s20+$0x0] =	vst.idx.msk $0xffff, v44  }
0x8a: {  	v44 =	vadd.s32 v3, v49;
	[tilespmem:v48+s20+$0x0] =	vst.idx.msk $0xffff, v37;
	v37 =	vld [tilespmem:s30+$0xA0];
	v48 =	vshll.u32 v50, v1;
	v50 =	vmul.f32 $8.000000000e+00, v52  }
0x8b: {  	v36 =	vadd.s32 v20, v36;
	[tilespmem:v54+s20+$0x0] =	vst.idx.msk $0xffff, v55;
	v55 =	vadd.s32 v27, v53;
	v63 =	vmul.f32 $8.000000000e+00, v56;
	v54 =	vld [tilespmem:s30+$0xFFFFFEA0]  }
0x8c: {  	v38 =	vshll.u32 v38, v1;
	v62 =	vld [tilespmem:s29+$0x130];
	v61 =	vmul.f32 $8.000000000e+00, v59;
	v59 =	vadd.s32 v11, v39;
	[tilespmem:v45+s20+$0x0] =	vst.idx.msk $0xffff, v50  }
0x8d: {  	v35 =	vadd.s32 v28, v35;
	[tilespmem:v46+s20+$0x0] =	vst.idx.msk $0xffff, v63;
	v63 =	vmul.f32 $8.000000000e+00, v60;
	v46 =	vadd.s32 v11, v34;
	v50 =	vld [tilespmem:s30+$0x1B0]  }
0x8e: {  	v43 =	vshll.u32 v43, v1;
	v42 =	vshll.u32 v42, v1;
	v52 =	vld [tilespmem:s29+$0xFFFFFE30];
	[tilespmem:v51+s20+$0x0] =	vst.idx.msk $0xffff, v61;
	v60 =	vmul.f32 $8.000000000e+00, v58  }
0x8f: {  	v41 =	vadd.s32 v20, v41;
	v57 =	vshll.u32 v40, v1;
	v56 =	vld [tilespmem:s29+$0xFFFFFF30];
	[tilespmem:v44+s20+$0x0] =	vst.idx.msk $0xffff, v63;
	v37 =	vmul.f32 $8.000000000e+00, v37  }
0x90: {  	s18 =	simm.s32 $0x1D;
	v49 =	vadd.s32 v4, v49;
	v53 =	vadd.s32 v28, v53;
	v44 =	vld [tilespmem:s29+$0x30];
	[tilespmem:v55+s20+$0x0] =	vst.idx.msk $0xffff, v60;
	v61 =	vmul.f32 $8.000000000e+00, v54  }
0x91: {  	s21 =	simm.s32 $0xF;
	v51 =	vadd.s32 v12, v39;
	v63 =	vmov s18;
	v62 =	vmul.f32 $8.000000000e+00, v62;
	v54 =	vld [tilespmem:s30+$0xFFFFFFB0];
	[tilespmem:v59+s20+$0x0] =	vst.idx.msk $0xffff, v37  }
0x92: {  	v58 =	vshrl.u32 v63, $0x3;
	v60 =	vmov s21;
	[tilespmem:v46+s20+$0x0] =	vst.idx.msk $0xffff, v61;
	v45 =	vld [tilespmem:s30+$0xB0];
	v59 =	vmul.f32 $8.000000000e+00, v50  }
0x93: {  	[tilespmem:v36+s20+$0x0] =	vst.idx.msk $0xffff, v62;
	v62 =	vshll.u32 v58, v1;
	v61 =	vmul.f32 $8.000000000e+00, v52;
	v46 =	vshrl.u32 v60, $0x3;
	v37 =	vld [tilespmem:s30+$0xFFFFFEB0]  }
0x94: {  	v55 =	vld [tilespmem:s29+$0x140];
	v39 =	vbroadcast v62, $0x0;
	v63 =	vmul.f32 $8.000000000e+00, v56;
	v46 =	vshll.u32 v46, v1;
	[tilespmem:v35+s20+$0x0] =	vst.idx.msk $0xffff, v59  }
0x95: {  	v34 =	vadd.s32 v12, v34;
	[tilespmem:v33+s20+$0x0] =	vst.idx.msk $0xffff, v61;
	v56 =	vmul.f32 $8.000000000e+00, v44;
	v40 =	vbroadcast v46, $0x0;
	v36 =	vld [tilespmem:s30+$0x1C0]  }
0x96: {  	v44 =	vbroadcast v43, $0x0;
	v35 =	vld [tilespmem:s29+$0xFFFFFE40];
	[tilespmem:v41+s20+$0x0] =	vst.idx.msk $0xffff, v63;
	v41 =	vadd.s32 v21, v39;
	v58 =	vmul.f32 $8.000000000e+00, v54  }
0x97: {  	v46 =	vbroadcast v57, $0x0;
	v59 =	vld [tilespmem:s29+$0xFFFFFF40];
	[tilespmem:v49+s20+$0x0] =	vst.idx.msk $0xffff, v56;
	v61 =	vadd.s32 v29, v40;
	v60 =	vmul.f32 $8.000000000e+00, v45  }
0x98: {  	v62 =	vadd.s32 v5, v44;
	v63 =	vld [tilespmem:s29+$0x40];
	v45 =	vbroadcast v42, $0x0;
	[tilespmem:v53+s20+$0x0] =	vst.idx.msk $0xffff, v58;
	v37 =	vmul.f32 $8.000000000e+00, v37  }
0x99: {  	v47 =	vbroadcast v47, $0x0;
	v57 =	vadd.s32 v21, v46;
	v58 =	vmul.f32 $8.000000000e+00, v55;
	v53 =	vld [tilespmem:s30+$0xFFFFFFC0];
	[tilespmem:v51+s20+$0x0] =	vst.idx.msk $0xffff, v60  }
0x9a: {  	v55 =	vbroadcast v48, $0x0;
	v51 =	vadd.s32 v5, v45;
	[tilespmem:v34+s20+$0x0] =	vst.idx.msk $0xffff, v37;
	v34 =	vld [tilespmem:s30+$0xC0];
	v36 =	vmul.f32 $8.000000000e+00, v36  }
0x9b: {  	s0 =	simm.s32 $0x20;
	v33 =	vbroadcast v38, $0x0;
	v38 =	vadd.s32 v29, v47;
	v35 =	vmul.f32 $8.000000000e+00, v35;
	[tilespmem:v41+s20+$0x0] =	vst.idx.msk $0xffff, v58;
	v37 =	vld [tilespmem:s30+$0xFFFFFEC0]  }
0x9c: {  	v50 =	vadd.s32 v13, v55;
	v41 =	vmov s0;
	v59 =	vmul.f32 $8.000000000e+00, v59;
	v48 =	vld [tilespmem:s29+$0x150];
	[tilespmem:v61+s20+$0x0] =	vst.idx.msk $0xffff, v36  }
0x9d: {  	s22 =	simm.s32 $0x12;
	v49 =	vadd.s32 v13, v33;
	v41 =	vshrl.u32 v41, $0x3;
	[tilespmem:v62+s20+$0x0] =	vst.idx.msk $0xffff, v35;
	v36 =	vmul.f32 $8.000000000e+00, v63;
	v52 =	vld [tilespmem:s30+$0x1D0]  }
0x9e: {  	v35 =	vmov s22;
	v62 =	vadd.s32 v22, v39;
	v60 =	vld [tilespmem:s29+$0xFFFFFE50];
	[tilespmem:v57+s20+$0x0] =	vst.idx.msk $0xffff, v59;
	v53 =	vmul.f32 $8.000000000e+00, v53  }
0x9f: {  	s17 =	simm.s32 $0x16;
	v41 =	vshll.u32 v41, v1;
	v63 =	vld [tilespmem:s29+$0xFFFFFF50];
	[tilespmem:v51+s20+$0x0] =	vst.idx.msk $0xffff, v36;
	v34 =	vmul.f32 $8.000000000e+00, v34;
	v51 =	vadd.s32 v30, v40  }
0xa0: {  	v61 =	vmov s17;
	v57 =	vadd.s32 v6, v44;
	[tilespmem:v38+s20+$0x0] =	vst.idx.msk $0xffff, v53;
	v58 =	vld [tilespmem:s29+$0x50];
	v37 =	vmul.f32 $8.000000000e+00, v37  }
0xa1: {  	v35 =	vshrl.u32 v35, $0x3;
	v53 =	vadd.s32 v22, v46;
	v48 =	vmul.f32 $8.000000000e+00, v48;
	v59 =	vld [tilespmem:s30+$0xFFFFFFD0];
	[tilespmem:v50+s20+$0x0] =	vst.idx.msk $0xffff, v34  }
0xa2: {  	v42 =	vshrl.u32 v61, $0x3;
	v50 =	vadd.s32 v6, v45;
	[tilespmem:v49+s20+$0x0] =	vst.idx.msk $0xffff, v37;
	v37 =	vld [tilespmem:s30+$0xD0];
	v49 =	vmul.f32 $8.000000000e+00, v52  }
0xa3: {  	s18 =	simm.s32 $0x1A;
	v35 =	vshll.u32 v35, v1;
	[tilespmem:v62+s20+$0x0] =	vst.idx.msk $0xffff, v48;
	v48 =	vadd.s32 v30, v47;
	v52 =	vmul.f32 $8.000000000e+00, v60;
	v43 =	vld [tilespmem:s30+$0xFFFFFED0]  }
0xa4: {  	s21 =	simm.s32 $0x24;
	v36 =	vmov s18;
	v54 =	vmul.f32 $8.000000000e+00, v63;
	v56 =	vld [tilespmem:s29+$0x160];
	v60 =	vadd.s32 v14, v55;
	[tilespmem:v51+s20+$0x0] =	vst.idx.msk $0xffff, v49  }
0xa5: {  	s22 =	simm.s32 $0x28;
	v38 =	vmov s21;
	[tilespmem:v57+s20+$0x0] =	vst.idx.msk $0xffff, v52;
	v49 =	vmul.f32 $8.000000000e+00, v58;
	v51 =	vadd.s32 v14, v33;
	v57 =	vld [tilespmem:s30+$0x1E0]  }
0xa6: {  	v34 =	vmov s22;
	[tilespmem:v53+s20+$0x0] =	vst.idx.msk $0xffff, v54;
	v53 =	vadd.s32 v23, v39;
	v54 =	vmul.f32 $8.000000000e+00, v59;
	v58 =	vld [tilespmem:s29+$0xFFFFFE60]  }
0xa7: {  	v59 =	vshrl.u32 v38, $0x3;
	v61 =	vld [tilespmem:s29+$0xFFFFFF60];
	[tilespmem:v50+s20+$0x0] =	vst.idx.msk $0xffff, v49;
	v37 =	vmul.f32 $8.000000000e+00, v37;
	v49 =	vadd.s32 v31, v40  }
0xa8: {  	v52 =	vshrl.u32 v34, $0x3;
	v34 =	vadd.s32 v7, v44;
	[tilespmem:v48+s20+$0x0] =	vst.idx.msk $0xffff, v54;
	v50 =	vld [tilespmem:s29+$0x60];
	v38 =	vmul.f32 $8.000000000e+00, v43  }
0xa9: {  	v36 =	vshrl.u32 v36, $0x3;
	v48 =	vadd.s32 v23, v46;
	v43 =	vmul.f32 $8.000000000e+00, v56;
	v56 =	vld [tilespmem:s30+$0xFFFFFFE0];
	[tilespmem:v60+s20+$0x0] =	vst.idx.msk $0xffff, v37  }
0xaa: {  	v37 =	vshll.u32 v42, v1;
	v60 =	vadd.s32 v7, v45;
	[tilespmem:v51+s20+$0x0] =	vst.idx.msk $0xffff, v38;
	v51 =	vld [tilespmem:s30+$0xE0];
	v42 =	vmul.f32 $8.000000000e+00, v57  }
0xab: {  	v63 =	vadd.s32 v15, v55;
	[tilespmem:v53+s20+$0x0] =	vst.idx.msk $0xffff, v43;
	v57 =	vmul.f32 $8.000000000e+00, v58;
	v53 =	vld [tilespmem:s30+$0xFFFFFEE0];
	v58 =	vadd.s32 v31, v47  }
0xac: {  	v54 =	vshll.u32 v59, v1;
	v38 =	vshll.u32 v36, v1;
	v61 =	vmul.f32 $8.000000000e+00, v61;
	v62 =	vld [tilespmem:s29+$0x170];
	[tilespmem:v49+s20+$0x0] =	vst.idx.msk $0xffff, v42  }
0xad: {  	v36 =	vbroadcast v41, $0x0;
	v41 =	vadd.s32 v15, v33;
	[tilespmem:v34+s20+$0x0] =	vst.idx.msk $0xffff, v57;
	v59 =	vmul.f32 $8.000000000e+00, v50;
	v42 =	vld [tilespmem:s30+$0x1F0]  }
0xae: {  	v44 =	vadd.s32 v8, v44;
	[tilespmem:v48+s20+$0x0] =	vst.idx.msk $0xffff, v61;
	v48 =	vadd.s32 v24, v39;
	v49 =	vmul.f32 $8.000000000e+00, v56;
	v43 =	vld [tilespmem:s29+$0xFFFFFE70]  }
0xaf: {  	v40 =	vadd.s32 v32, v40;
	v39 =	vadd.s32 v32, v47;
	v50 =	vld [tilespmem:s29+$0xFFFFFF70];
	[tilespmem:v60+s20+$0x0] =	vst.idx.msk $0xffff, v59;
	v61 =	vmul.f32 $8.000000000e+00, v51  }
0xb0: {  	s17 =	simm.s32 $0x2C;
	v34 =	vadd.s32 v16, v55;
	v47 =	vadd.s32 v24, v46;
	v51 =	vld [tilespmem:s29+$0x70];
	v46 =	vmul.f32 $8.000000000e+00, v53;
	[tilespmem:v58+s20+$0x0] =	vst.idx.msk $0xffff, v49  }
0xb1: {  	s1 =	sshll.u32 s26, $0x1;
	s18 =	simm.s32 $0x1E;
	v55 =	vmov s17;
	s17 =	simm.s32 $0x30;
	v49 =	vadd.s32 v8, v45;
	v53 =	vmul.f32 $8.000000000e+00, v62;
	v45 =	vld [tilespmem:s30+$0xFFFFFFF0];
	[tilespmem:v63+s20+$0x0] =	vst.idx.msk $0xffff, v61  }
.LBB2_3:
0xb2: {  	p1 =	slt.u32 s17, $0x70;
	v55 =	vshrl.u32 v55, $0x3;
	v56 =	vmov s18;
	[tilespmem:v41+s20+$0x0] =	vst.idx.msk $0xffff, v46;
	v46 =	vld [tilespmem:s30+$0xF0];
	v42 =	vmul.f32 $8.000000000e+00, v42  }
0xb3: {  	v41 =	vshll.u32 v55, v1;
	v43 =	vmul.f32 $8.000000000e+00, v43;
	[tilespmem:v48+s20+$0x0] =	vst.idx.msk $0xffff, v53;
	v48 =	vshrl.u32 v56, $0x3;
	v53 =	vld [tilespmem:s30+$0xFFFFFEF0];
	s30 =	smov.u32 s29;
	s29 =	sadd.s32 $0x400, s29  }
0xb4: {  	v55 =	vld [tilespmem:s29+$0x100];
	v41 =	vbroadcast v41, $0x0;
	v50 =	vmul.f32 $8.000000000e+00, v50;
	v48 =	vshll.u32 v48, v1;
	[tilespmem:v40+s20+$0x0] =	vst.idx.msk $0xffff, v42  }
0xb5: {  	v33 =	vadd.s32 v16, v33;
	[tilespmem:v44+s20+$0x0] =	vst.idx.msk $0xffff, v43;
	v43 =	vmul.f32 $8.000000000e+00, v51;
	v44 =	vld [tilespmem:s30+$0x180];
	v40 =	vbroadcast v48, $0x0  }
0xb6: {  	v51 =	vshll.u32 v52, v1;
	v48 =	vld [tilespmem:s29+$0xFFFFFE00];
	v52 =	vadd.s32 v17, v41;
	[tilespmem:v47+s20+$0x0] =	vst.idx.msk $0xffff, v50;
	v45 =	vmul.f32 $8.000000000e+00, v45  }
0xb7: {  	v42 =	vbroadcast v54, $0x0;
	v47 =	vld [tilespmem:s29+$0xFFFFFF00];
	[tilespmem:v49+s20+$0x0] =	vst.idx.msk $0xffff, v43;
	v49 =	vadd.s32 v25, v40;
	v46 =	vmul.f32 $8.000000000e+00, v46  }
0xb8: {  	v50 =	vadd.s32 v0, v36;
	v43 =	vbroadcast v51, $0x0;
	v54 =	vld [tilespmem:s29+$0x0];
	v51 =	vmul.f32 $8.000000000e+00, v53;
	[tilespmem:v39+s20+$0x0] =	vst.idx.msk $0xffff, v45  }
0xb9: {  	v37 =	vbroadcast v37, $0x0;
	v39 =	vadd.s32 v17, v42;
	v45 =	vmul.f32 $8.000000000e+00, v55;
	v53 =	vld [tilespmem:s30+$0xFFFFFF80];
	[tilespmem:v34+s20+$0x0] =	vst.idx.msk $0xffff, v46  }
0xba: {  	v46 =	vadd.s32 v0, v43;
	v34 =	vbroadcast v38, $0x0;
	v55 =	vld [tilespmem:s30+$0x80];
	v38 =	vmul.f32 $8.000000000e+00, v44;
	[tilespmem:v33+s20+$0x0] =	vst.idx.msk $0xffff, v51  }
0xbb: {  	s18 =	sadd.s32 $0x3, s31;
	v33 =	vbroadcast v35, $0x0;
	v35 =	vadd.s32 v25, v37;
	v44 =	vmul.f32 $8.000000000e+00, v48;
	[tilespmem:v52+s20+$0x0] =	vst.idx.msk $0xffff, v45;
	v45 =	vld [tilespmem:s30+$0xFFFFFE80]  }
0xbc: {  	v51 =	vmov s18;
	s18 =	sadd.s32 $0x7, s31;
	v52 =	vadd.s32 v9, v34;
	v47 =	vmul.f32 $8.000000000e+00, v47;
	v48 =	vld [tilespmem:s29+$0x110];
	[tilespmem:v49+s20+$0x0] =	vst.idx.msk $0xffff, v38  }
0xbd: {  	v49 =	vmov s18;
	s18 =	sadd.s32 $0xB, s31;
	[tilespmem:v50+s20+$0x0] =	vst.idx.msk $0xffff, v44;
	v38 =	vmul.f32 $8.000000000e+00, v54;
	v44 =	vadd.s32 v9, v33;
	v50 =	vld [tilespmem:s30+$0x190]  }
0xbe: {  	s21 =	sadd.s32 $0x1, s0;
	v54 =	vld [tilespmem:s29+$0xFFFFFE10];
	[tilespmem:v39+s20+$0x0] =	vst.idx.msk $0xffff, v47;
	v39 =	vadd.s32 v18, v41;
	v47 =	vmul.f32 $8.000000000e+00, v53;
	v53 =	vmov s18  }
0xbf: {  	v56 =	vmov s21;
	s18 =	sadd.s32 $0x5, s0;
	v57 =	vld [tilespmem:s29+$0xFFFFFF10];
	[tilespmem:v46+s20+$0x0] =	vst.idx.msk $0xffff, v38;
	v38 =	vmul.f32 $8.000000000e+00, v55;
	v46 =	vadd.s32 v26, v40  }
0xc0: {  	v55 =	vadd.s32 v2, v36;
	v58 =	vmov s18;
	s18 =	sadd.s32 $0x9, s0;
	v59 =	vld [tilespmem:s29+$0x10];
	v45 =	vmul.f32 $8.000000000e+00, v45;
	[tilespmem:v35+s20+$0x0] =	vst.idx.msk $0xffff, v47  }
0xc1: {  	v35 =	vadd.s32 v18, v42;
	v47 =	vmov s18;
	v48 =	vmul.f32 $8.000000000e+00, v48;
	v60 =	vld [tilespmem:s30+$0xFFFFFF90];
	[tilespmem:v52+s20+$0x0] =	vst.idx.msk $0xffff, v38  }
0xc2: {  	v38 =	vadd.s32 v2, v43;
	[tilespmem:v44+s20+$0x0] =	vst.idx.msk $0xffff, v45;
	v44 =	vshrl.u32 v51, $0x3;
	v45 =	vld [tilespmem:s30+$0x90];
	v50 =	vmul.f32 $8.000000000e+00, v50  }
0xc3: {  	v49 =	vshrl.u32 v49, $0x3;
	v51 =	vmul.f32 $8.000000000e+00, v54;
	[tilespmem:v39+s20+$0x0] =	vst.idx.msk $0xffff, v48;
	v39 =	vld [tilespmem:s30+$0xFFFFFE90];
	v48 =	vadd.s32 v26, v37  }
0xc4: {  	v53 =	vshrl.u32 v53, $0x3;
	v52 =	vmul.f32 $8.000000000e+00, v57;
	v54 =	vld [tilespmem:s29+$0x120];
	v57 =	vadd.s32 v10, v34;
	[tilespmem:v46+s20+$0x0] =	vst.idx.msk $0xffff, v50  }
0xc5: {  	v46 =	vshrl.u32 v56, $0x3;
	[tilespmem:v55+s20+$0x0] =	vst.idx.msk $0xffff, v51;
	v50 =	vmul.f32 $8.000000000e+00, v59;
	v51 =	vadd.s32 v10, v33;
	v55 =	vld [tilespmem:s30+$0x1A0]  }
0xc6: {  	v56 =	vld [tilespmem:s29+$0xFFFFFE20];
	[tilespmem:v35+s20+$0x0] =	vst.idx.msk $0xffff, v52;
	v35 =	vshrl.u32 v58, $0x3;
	v52 =	vadd.s32 v19, v41;
	v58 =	vmul.f32 $8.000000000e+00, v60  }
0xc7: {  	v59 =	vld [tilespmem:s29+$0xFFFFFF20];
	[tilespmem:v38+s20+$0x0] =	vst.idx.msk $0xffff, v50;
	v38 =	vshrl.u32 v47, $0x3;
	v45 =	vmul.f32 $8.000000000e+00, v45;
	v47 =	vadd.s32 v27, v40  }
0xc8: {  	v61 =	vshll.u32 v44, v1;
	v50 =	vadd.s32 v3, v36;
	v60 =	vld [tilespmem:s29+$0x20];
	v39 =	vmul.f32 $8.000000000e+00, v39;
	[tilespmem:v48+s20+$0x0] =	vst.idx.msk $0xffff, v58  }
0xc9: {  	v44 =	vadd.s32 v19, v42;
	v58 =	vshll.u32 v49, v1;
	v48 =	vmul.f32 $8.000000000e+00, v54;
	v54 =	vld [tilespmem:s30+$0xFFFFFFA0];
	[tilespmem:v57+s20+$0x0] =	vst.idx.msk $0xffff, v45  }
0xca: {  	v45 =	vadd.s32 v3, v43;
	[tilespmem:v51+s20+$0x0] =	vst.idx.msk $0xffff, v39;
	v39 =	vld [tilespmem:s30+$0xA0];
	v51 =	vshll.u32 v53, v1;
	v49 =	vmul.f32 $8.000000000e+00, v55  }
0xcb: {  	v46 =	vshll.u32 v46, v1;
	v53 =	vmul.f32 $8.000000000e+00, v56;
	[tilespmem:v52+s20+$0x0] =	vst.idx.msk $0xffff, v48;
	v48 =	vld [tilespmem:s30+$0xFFFFFEA0];
	v52 =	vadd.s32 v27, v37  }
0xcc: {  	v35 =	vshll.u32 v35, v1;
	v57 =	vadd.s32 v11, v34;
	v55 =	vmul.f32 $8.000000000e+00, v59;
	v56 =	vld [tilespmem:s29+$0x130];
	[tilespmem:v47+s20+$0x0] =	vst.idx.msk $0xffff, v49  }
0xcd: {  	v38 =	vshll.u32 v38, v1;
	v49 =	vadd.s32 v11, v33;
	[tilespmem:v50+s20+$0x0] =	vst.idx.msk $0xffff, v53;
	v47 =	vmul.f32 $8.000000000e+00, v60;
	v50 =	vld [tilespmem:s30+$0x1B0]  }
0xce: {  	v41 =	vadd.s32 v20, v41;
	v36 =	vadd.s32 v4, v36;
	v53 =	vld [tilespmem:s29+$0xFFFFFE30];
	[tilespmem:v44+s20+$0x0] =	vst.idx.msk $0xffff, v55;
	v44 =	vmul.f32 $8.000000000e+00, v54  }
0xcf: {  	v40 =	vadd.s32 v28, v40;
	v37 =	vadd.s32 v28, v37;
	v54 =	vld [tilespmem:s29+$0xFFFFFF30];
	[tilespmem:v45+s20+$0x0] =	vst.idx.msk $0xffff, v47;
	v39 =	vmul.f32 $8.000000000e+00, v39  }
0xd0: {  	s18 =	sadd.s32 $0xD, s0;
	v42 =	vadd.s32 v20, v42;
	v45 =	vld [tilespmem:s29+$0x30];
	v47 =	vmul.f32 $8.000000000e+00, v48;
	[tilespmem:v52+s20+$0x0] =	vst.idx.msk $0xffff, v44;
	v48 =	vadd.s32 v12, v34  }
0xd1: {  	v43 =	vadd.s32 v4, v43;
	v44 =	vmov s18;
	s18 =	sadd.s32 $0xF, s31;
	s31 =	smov.u32 s0;
	s0 =	smov.u32 s17;
	v34 =	vmul.f32 $8.000000000e+00, v56;
	v52 =	vld [tilespmem:s30+$0xFFFFFFB0];
	[tilespmem:v57+s20+$0x0] =	vst.idx.msk $0xffff, v39  }
0xd2: {  	v39 =	vshrl.u32 v44, $0x3;
	[tilespmem:v49+s20+$0x0] =	vst.idx.msk $0xffff, v47;
	v47 =	vld [tilespmem:s30+$0xB0];
	v44 =	vmul.f32 $8.000000000e+00, v50;
	v49 =	vmov s18  }
0xd3: {  	v50 =	vmul.f32 $8.000000000e+00, v53;
	[tilespmem:v41+s20+$0x0] =	vst.idx.msk $0xffff, v34;
	v34 =	vshll.u32 v39, v1;
	v39 =	vld [tilespmem:s30+$0xFFFFFEB0];
	v41 =	vshrl.u32 v49, $0x3  }
0xd4: {  	v49 =	vmul.f32 $8.000000000e+00, v54;
	v53 =	vld [tilespmem:s29+$0x140];
	v34 =	vbroadcast v34, $0x0;
	[tilespmem:v40+s20+$0x0] =	vst.idx.msk $0xffff, v44;
	v40 =	vshll.u32 v41, v1  }
0xd5: {  	v33 =	vadd.s32 v12, v33;
	[tilespmem:v36+s20+$0x0] =	vst.idx.msk $0xffff, v50;
	v36 =	vmul.f32 $8.000000000e+00, v45;
	v41 =	vld [tilespmem:s30+$0x1C0];
	v40 =	vbroadcast v40, $0x0  }
0xd6: {  	v44 =	vbroadcast v46, $0x0;
	v50 =	vld [tilespmem:s29+$0xFFFFFE40];
	[tilespmem:v42+s20+$0x0] =	vst.idx.msk $0xffff, v49;
	v42 =	vadd.s32 v21, v34;
	v46 =	vmul.f32 $8.000000000e+00, v52  }
0xd7: {  	v45 =	vbroadcast v35, $0x0;
	v52 =	vld [tilespmem:s29+$0xFFFFFF40];
	[tilespmem:v43+s20+$0x0] =	vst.idx.msk $0xffff, v36;
	v35 =	vmul.f32 $8.000000000e+00, v47;
	v36 =	vadd.s32 v29, v40  }
0xd8: {  	v49 =	vbroadcast v38, $0x0;
	v43 =	vadd.s32 v5, v44;
	v47 =	vld [tilespmem:s29+$0x40];
	v38 =	vmul.f32 $8.000000000e+00, v39;
	[tilespmem:v37+s20+$0x0] =	vst.idx.msk $0xffff, v46  }
0xd9: {  	v37 =	vadd.s32 v21, v45;
	v39 =	vbroadcast v58, $0x0;
	v53 =	vmul.f32 $8.000000000e+00, v53;
	v54 =	vld [tilespmem:s30+$0xFFFFFFC0];
	[tilespmem:v48+s20+$0x0] =	vst.idx.msk $0xffff, v35  }
0xda: {  	v46 =	vbroadcast v51, $0x0;
	v35 =	vadd.s32 v5, v49;
	[tilespmem:v33+s20+$0x0] =	vst.idx.msk $0xffff, v38;
	v38 =	vld [tilespmem:s30+$0xC0];
	v41 =	vmul.f32 $8.000000000e+00, v41  }
0xdb: {  	v33 =	vbroadcast v61, $0x0;
	v48 =	vmul.f32 $8.000000000e+00, v50;
	[tilespmem:v42+s20+$0x0] =	vst.idx.msk $0xffff, v53;
	v42 =	vld [tilespmem:s30+$0xFFFFFEC0];
	v50 =	vadd.s32 v29, v39  }
0xdc: {  	s18 =	sadd.s32 $0x2, s31;
	v51 =	vmov s17;
	v55 =	vadd.s32 v13, v46;
	v52 =	vmul.f32 $8.000000000e+00, v52;
	v53 =	vld [tilespmem:s29+$0x150];
	[tilespmem:v36+s20+$0x0] =	vst.idx.msk $0xffff, v41  }
0xdd: {  	v36 =	vmov s18;
	s18 =	sadd.s32 $0x6, s31;
	[tilespmem:v43+s20+$0x0] =	vst.idx.msk $0xffff, v48;
	v41 =	vmul.f32 $8.000000000e+00, v47;
	v43 =	vadd.s32 v13, v33;
	v47 =	vld [tilespmem:s30+$0x1D0]  }
0xde: {  	v48 =	vld [tilespmem:s29+$0xFFFFFE50];
	[tilespmem:v37+s20+$0x0] =	vst.idx.msk $0xffff, v52;
	v37 =	vmov s18;
	s18 =	sadd.s32 $0xA, s31;
	v52 =	vadd.s32 v22, v34;
	v54 =	vmul.f32 $8.000000000e+00, v54  }
0xdf: {  	v56 =	vld [tilespmem:s29+$0xFFFFFF50];
	[tilespmem:v35+s20+$0x0] =	vst.idx.msk $0xffff, v41;
	v35 =	vmov s18;
	v38 =	vmul.f32 $8.000000000e+00, v38;
	v41 =	vadd.s32 v30, v40  }
0xe0: {  	v57 =	vadd.s32 v6, v44;
	v51 =	vshrl.u32 v51, $0x3;
	s18 =	sadd.s32 $0x4, s17;
	v58 =	vld [tilespmem:s29+$0x50];
	v42 =	vmul.f32 $8.000000000e+00, v42;
	[tilespmem:v50+s20+$0x0] =	vst.idx.msk $0xffff, v54  }
0xe1: {  	v50 =	vmov s18;
	s18 =	sadd.s32 $0x8, s17;
	v54 =	vadd.s32 v22, v45;
	v53 =	vmul.f32 $8.000000000e+00, v53;
	v59 =	vld [tilespmem:s30+$0xFFFFFFD0];
	[tilespmem:v55+s20+$0x0] =	vst.idx.msk $0xffff, v38  }
0xe2: {  	v38 =	vmov s18;
	v55 =	vadd.s32 v6, v49;
	[tilespmem:v43+s20+$0x0] =	vst.idx.msk $0xffff, v42;
	v42 =	vld [tilespmem:s30+$0xD0];
	v43 =	vmul.f32 $8.000000000e+00, v47  }
0xe3: {  	v36 =	vshrl.u32 v36, $0x3;
	v47 =	vmul.f32 $8.000000000e+00, v48;
	[tilespmem:v52+s20+$0x0] =	vst.idx.msk $0xffff, v53;
	v48 =	vld [tilespmem:s30+$0xFFFFFED0];
	v53 =	vadd.s32 v30, v39  }
0xe4: {  	v60 =	vadd.s32 v14, v46;
	v37 =	vshrl.u32 v37, $0x3;
	v52 =	vmul.f32 $8.000000000e+00, v56;
	v56 =	vld [tilespmem:s29+$0x160];
	[tilespmem:v41+s20+$0x0] =	vst.idx.msk $0xffff, v43  }
0xe5: {  	v43 =	vshrl.u32 v35, $0x3;
	[tilespmem:v57+s20+$0x0] =	vst.idx.msk $0xffff, v47;
	v41 =	vmul.f32 $8.000000000e+00, v58;
	v47 =	vadd.s32 v14, v33;
	v57 =	vld [tilespmem:s30+$0x1E0]  }
0xe6: {  	v51 =	vshll.u32 v51, v1;
	v58 =	vld [tilespmem:s29+$0xFFFFFE60];
	[tilespmem:v54+s20+$0x0] =	vst.idx.msk $0xffff, v52;
	v54 =	vadd.s32 v23, v34;
	v35 =	vmul.f32 $8.000000000e+00, v59  }
0xe7: {  	v50 =	vshrl.u32 v50, $0x3;
	v59 =	vld [tilespmem:s29+$0xFFFFFF60];
	[tilespmem:v55+s20+$0x0] =	vst.idx.msk $0xffff, v41;
	v41 =	vmul.f32 $8.000000000e+00, v42;
	v42 =	vadd.s32 v31, v40  }
0xe8: {  	v52 =	vshrl.u32 v38, $0x3;
	v55 =	vadd.s32 v7, v44;
	v61 =	vld [tilespmem:s29+$0x60];
	v38 =	vmul.f32 $8.000000000e+00, v48;
	[tilespmem:v53+s20+$0x0] =	vst.idx.msk $0xffff, v35  }
0xe9: {  	v35 =	vshll.u32 v36, v1;
	v48 =	vadd.s32 v23, v45;
	v36 =	vmul.f32 $8.000000000e+00, v56;
	v53 =	vld [tilespmem:s30+$0xFFFFFFE0];
	[tilespmem:v60+s20+$0x0] =	vst.idx.msk $0xffff, v41  }
0xea: {  	v37 =	vshll.u32 v37, v1;
	v56 =	vadd.s32 v7, v49;
	[tilespmem:v47+s20+$0x0] =	vst.idx.msk $0xffff, v38;
	v47 =	vld [tilespmem:s30+$0xE0];
	v41 =	vmul.f32 $8.000000000e+00, v57  }
0xeb: {  	v60 =	vadd.s32 v31, v39;
	v38 =	vshll.u32 v43, v1;
	v57 =	vmul.f32 $8.000000000e+00, v58;
	[tilespmem:v54+s20+$0x0] =	vst.idx.msk $0xffff, v36;
	v58 =	vld [tilespmem:s30+$0xFFFFFEE0]  }
0xec: {  	v62 =	vadd.s32 v15, v46;
	v36 =	vbroadcast v51, $0x0;
	v51 =	vmul.f32 $8.000000000e+00, v59;
	v59 =	vld [tilespmem:s29+$0x170];
	[tilespmem:v42+s20+$0x0] =	vst.idx.msk $0xffff, v41  }
.Ltmp0:
0xed: {  	v54 =	vshll.u32 v50, v1;
	v41 =	vadd.s32 v15, v33;
	[tilespmem:v55+s20+$0x0] =	vst.idx.msk $0xffff, v57;
	v55 =	vmul.f32 $8.000000000e+00, v61;
	v42 =	vld [tilespmem:s30+$0x1F0];
	(pc) =	sbr.rel @p1 .LBB2_3-.Ltmp0, $4  }
0xee: {  	v39 =	vadd.s32 v32, v39;
	v43 =	vld [tilespmem:s29+$0xFFFFFE70];
	[tilespmem:v48+s20+$0x0] =	vst.idx.msk $0xffff, v51;
	v48 =	vadd.s32 v24, v34;
	v53 =	vmul.f32 $8.000000000e+00, v53  }
0xef: {  	v40 =	vadd.s32 v32, v40;
	v34 =	vadd.s32 v16, v46;
	v50 =	vld [tilespmem:s29+$0xFFFFFF70];
	[tilespmem:v56+s20+$0x0] =	vst.idx.msk $0xffff, v55;
	v56 =	vmul.f32 $8.000000000e+00, v47  }
0xf0: {  	s18 =	sadd.s32 $0xC, s17;
	v44 =	vadd.s32 v8, v44;
	v47 =	vadd.s32 v24, v45;
	v51 =	vld [tilespmem:s29+$0x70];
	v46 =	vmul.f32 $8.000000000e+00, v58;
	[tilespmem:v60+s20+$0x0] =	vst.idx.msk $0xffff, v53  }
0xf1: {  	s17 =	sadd.s32 $0x10, s17;
	v49 =	vadd.s32 v8, v49;
	v55 =	vmov s18;
	s18 =	sadd.s32 $0xE, s31;
	v53 =	vmul.f32 $8.000000000e+00, v59;
	v45 =	vld [tilespmem:s30+$0xFFFFFFF0];
	[tilespmem:v62+s20+$0x0] =	vst.idx.msk $0xffff, v56  }
0xf2: {  	v55 =	vshrl.u32 v55, $0x3  }
0xf3: {  	s17 =	sadd.s32 $0x400, s29;
	v55 =	vshll.u32 v55, v1  }
0xf4: {  	v56 =	vld [tilespmem:s17+$0x100];
	v55 =	vbroadcast v55, $0x0  }
0xf5: {  	v52 =	vshll.u32 v52, v1;
	v54 =	vbroadcast v54, $0x0;
	v57 =	vld [tilespmem:s17+$0xFFFFFF00]  }
0xf6: {  	v59 =	vld [tilespmem:s17+$0x0];
	v52 =	vbroadcast v52, $0x0;
	v58 =	vadd.s32 v17, v55  }
0xf7: {  	v60 =	vld [tilespmem:s17+$0xFFFFFE00];
	v61 =	vadd.s32 v17, v54  }
0xf8: {  	v62 =	vadd.s32 v0, v52  }
0xf9: {  	v63 =	vadd.s32 v0, v36;
	v56 =	vmul.f32 $8.000000000e+00, v56  }
0xfa: {  	v57 =	vmul.f32 $8.000000000e+00, v57  }
0xfb: {  	[tilespmem:v58+s20+$0x0] =	vst.idx.msk $0xffff, v56;
	v56 =	vmul.f32 $8.000000000e+00, v59  }
0xfc: {  	v60 =	vmul.f32 $8.000000000e+00, v60;
	[tilespmem:v61+s20+$0x0] =	vst.idx.msk $0xffff, v57;
	v59 =	vld [tilespmem:s17+$0x110]  }
0xfd: {  	v57 =	vld [tilespmem:s17+$0xFFFFFF10];
	[tilespmem:v62+s20+$0x0] =	vst.idx.msk $0xffff, v56  }
0xfe: {  	[tilespmem:v63+s20+$0x0] =	vst.idx.msk $0xffff, v60;
	v56 =	vadd.s32 v18, v55;
	v58 =	vld [tilespmem:s17+$0x10]  }
0xff: {  	v61 =	vadd.s32 v18, v54;
	v60 =	vld [tilespmem:s17+$0xFFFFFE10]  }
0x100: {  	v62 =	vadd.s32 v2, v52  }
0x101: {  	v63 =	vadd.s32 v2, v36;
	v59 =	vmul.f32 $8.000000000e+00, v59  }
0x102: {  	v57 =	vmul.f32 $8.000000000e+00, v57  }
0x103: {  	[tilespmem:v56+s20+$0x0] =	vst.idx.msk $0xffff, v59;
	v56 =	vmul.f32 $8.000000000e+00, v58  }
0x104: {  	v60 =	vmul.f32 $8.000000000e+00, v60;
	[tilespmem:v61+s20+$0x0] =	vst.idx.msk $0xffff, v57;
	v59 =	vld [tilespmem:s17+$0x120]  }
0x105: {  	v57 =	vld [tilespmem:s17+$0xFFFFFF20];
	[tilespmem:v62+s20+$0x0] =	vst.idx.msk $0xffff, v56  }
0x106: {  	[tilespmem:v63+s20+$0x0] =	vst.idx.msk $0xffff, v60;
	v56 =	vadd.s32 v19, v55;
	v58 =	vld [tilespmem:s17+$0x20]  }
0x107: {  	v61 =	vadd.s32 v19, v54;
	v60 =	vld [tilespmem:s17+$0xFFFFFE20]  }
0x108: {  	v62 =	vadd.s32 v3, v52  }
0x109: {  	v63 =	vadd.s32 v3, v36;
	v59 =	vmul.f32 $8.000000000e+00, v59  }
0x10a: {  	v57 =	vmul.f32 $8.000000000e+00, v57  }
0x10b: {  	[tilespmem:v56+s20+$0x0] =	vst.idx.msk $0xffff, v59;
	v56 =	vmul.f32 $8.000000000e+00, v58  }
0x10c: {  	v60 =	vmul.f32 $8.000000000e+00, v60;
	[tilespmem:v61+s20+$0x0] =	vst.idx.msk $0xffff, v57;
	v59 =	vld [tilespmem:s17+$0x130]  }
0x10d: {  	v57 =	vld [tilespmem:s17+$0xFFFFFF30];
	[tilespmem:v62+s20+$0x0] =	vst.idx.msk $0xffff, v56  }
0x10e: {  	v55 =	vadd.s32 v20, v55;
	[tilespmem:v63+s20+$0x0] =	vst.idx.msk $0xffff, v60;
	v56 =	vld [tilespmem:s17+$0x30]  }
0x10f: {  	s21 =	sadd.s32 $0x1, s0;
	s22 =	sadd.s32 $0x9, s0;
	v54 =	vadd.s32 v20, v54;
	v36 =	vadd.s32 v4, v36;
	v60 =	vld [tilespmem:s17+$0xFFFFFE30]  }
0x110: {  	v52 =	vadd.s32 v4, v52;
	v58 =	vmov s21;
	s21 =	sadd.s32 $0x5, s0;
	v62 =	vmov s22;
	s22 =	sadd.s32 $0xD, s0  }
0x111: {  	v61 =	vmov s21;
	v63 =	vmov s22;
	v59 =	vmul.f32 $8.000000000e+00, v59  }
0x112: {  	v61 =	vshrl.u32 v61, $0x3;
	v63 =	vshrl.u32 v63, $0x3;
	v57 =	vmul.f32 $8.000000000e+00, v57  }
0x113: {  	v62 =	vshrl.u32 v62, $0x3;
	[tilespmem:v55+s20+$0x0] =	vst.idx.msk $0xffff, v59;
	v55 =	vshll.u32 v63, v1;
	v56 =	vmul.f32 $8.000000000e+00, v56  }
0x114: {  	v60 =	vmul.f32 $8.000000000e+00, v60;
	[tilespmem:v54+s20+$0x0] =	vst.idx.msk $0xffff, v57;
	v59 =	vshll.u32 v61, v1;
	v61 =	vld [tilespmem:s17+$0x140];
	v55 =	vbroadcast v55, $0x0  }
0x115: {  	v62 =	vshll.u32 v62, v1;
	[tilespmem:v52+s20+$0x0] =	vst.idx.msk $0xffff, v56  }
0x116: {  	[tilespmem:v36+s20+$0x0] =	vst.idx.msk $0xffff, v60;
	v56 =	vbroadcast v62, $0x0;
	v36 =	vadd.s32 v21, v55;
	v54 =	vld [tilespmem:s17+$0x40]  }
0x117: {  	v63 =	vshrl.u32 v58, $0x3;
	v58 =	vld [tilespmem:s17+$0xFFFFFF40];
	v59 =	vbroadcast v59, $0x0  }
0x118: {  	v57 =	vld [tilespmem:s17+$0xFFFFFE40];
	v63 =	vshll.u32 v63, v1;
	v62 =	vadd.s32 v5, v56  }
0x119: {  	v52 =	vbroadcast v63, $0x0;
	v60 =	vadd.s32 v21, v59;
	v61 =	vmul.f32 $8.000000000e+00, v61;
	_ =	sdelay $0x1  }
0x11a: {  	v63 =	vadd.s32 v5, v52;
	[tilespmem:v36+s20+$0x0] =	vst.idx.msk $0xffff, v61;
	v36 =	vmul.f32 $8.000000000e+00, v54  }
0x11b: {  	v58 =	vmul.f32 $8.000000000e+00, v58  }
0x11c: {  	v61 =	vmul.f32 $8.000000000e+00, v57;
	v57 =	vld [tilespmem:s17+$0x150];
	[tilespmem:v62+s20+$0x0] =	vst.idx.msk $0xffff, v36;
	v36 =	vmov s18  }
0x11d: {  	[tilespmem:v60+s20+$0x0] =	vst.idx.msk $0xffff, v58;
	v60 =	vld [tilespmem:s17+$0x50];
	v36 =	vshrl.u32 v36, $0x3  }
0x11e: {  	[tilespmem:v48+s20+$0x0] =	vst.idx.msk $0xffff, v53;
	v50 =	vmul.f32 $8.000000000e+00, v50;
	v54 =	vadd.s32 v22, v55;
	v58 =	vld [tilespmem:s17+$0xFFFFFF50];
	v36 =	vshll.u32 v36, v1  }
0x11f: {  	v51 =	vmul.f32 $8.000000000e+00, v51;
	v53 =	vadd.s32 v6, v56;
	[tilespmem:v63+s20+$0x0] =	vst.idx.msk $0xffff, v61;
	v63 =	vld [tilespmem:s29+$0x180];
	v48 =	vbroadcast v36, $0x0  }
0x120: {  	[tilespmem:v47+s20+$0x0] =	vst.idx.msk $0xffff, v50;
	v62 =	vadd.s32 v22, v59;
	v61 =	vld [tilespmem:s17+$0xFFFFFE50]  }
0x121: {  	[tilespmem:v49+s20+$0x0] =	vst.idx.msk $0xffff, v51;
	v47 =	vmul.f32 $8.000000000e+00, v57;
	v51 =	vadd.s32 v25, v48  }
0x122: {  	v36 =	vadd.s32 v6, v52;
	v60 =	vmul.f32 $8.000000000e+00, v60  }
0x123: {  	v50 =	vmul.f32 $8.000000000e+00, v58;
	[tilespmem:v54+s20+$0x0] =	vst.idx.msk $0xffff, v47  }
0x124: {  	v47 =	vmul.f32 $8.000000000e+00, v63;
	v58 =	vld [tilespmem:s17+$0x160];
	[tilespmem:v53+s20+$0x0] =	vst.idx.msk $0xffff, v60  }
0x125: {  	v61 =	vmul.f32 $8.000000000e+00, v61;
	[tilespmem:v62+s20+$0x0] =	vst.idx.msk $0xffff, v50;
	v54 =	vld [tilespmem:s17+$0x60]  }
0x126: {  	v50 =	vld [tilespmem:s17+$0xFFFFFF60];
	[tilespmem:v51+s20+$0x0] =	vst.idx.msk $0xffff, v47  }
0x127: {  	v43 =	vmul.f32 $8.000000000e+00, v43;
	[tilespmem:v36+s20+$0x0] =	vst.idx.msk $0xffff, v61;
	v36 =	vbroadcast v38, $0x0;
	v47 =	vadd.s32 v7, v56;
	v38 =	vld [tilespmem:s29+$0x190]  }
0x128: {  	v57 =	vld [tilespmem:s29+$0x80];
	v53 =	vadd.s32 v23, v55  }
0x129: {  	v42 =	vmul.f32 $8.000000000e+00, v42;
	v37 =	vbroadcast v37, $0x0;
	[tilespmem:v44+s20+$0x0] =	vst.idx.msk $0xffff, v43;
	v44 =	vadd.s32 v23, v59;
	v43 =	vld [tilespmem:s17+$0xFFFFFE60]  }
0x12a: {  	[tilespmem:v41+s20+$0x0] =	vst.idx.msk $0xffff, v46;
	v60 =	vld [tilespmem:s29+$0xFFFFFE80];
	v61 =	vbroadcast v35, $0x0;
	v35 =	vmul.f32 $8.000000000e+00, v54  }
0x12b: {  	[tilespmem:v40+s20+$0x0] =	vst.idx.msk $0xffff, v42;
	v49 =	vld [tilespmem:s29+$0xFFFFFF80];
	v51 =	vadd.s32 v7, v52;
	v58 =	vmul.f32 $8.000000000e+00, v58;
	v63 =	vmul.f32 $8.000000000e+00, v50  }
0x12c: {  	[tilespmem:v47+s20+$0x0] =	vst.idx.msk $0xffff, v35;
	v47 =	vmul.f32 $8.000000000e+00, v38;
	v38 =	vadd.s32 v24, v55;
	v55 =	vadd.s32 v24, v59;
	v59 =	vld [tilespmem:s30+$0xF0]  }
0x12d: {  	s21 =	sadd.s32 $0x6, s0;
	[tilespmem:v53+s20+$0x0] =	vst.idx.msk $0xffff, v58  }
0x12e: {  	v46 =	vadd.s32 v25, v37;
	v40 =	vmov s21;
	v43 =	vmul.f32 $8.000000000e+00, v43;
	[tilespmem:v44+s20+$0x0] =	vst.idx.msk $0xffff, v63;
	v58 =	vld [tilespmem:s17+$0x170]  }
0x12f: {  	v41 =	vmul.f32 $8.000000000e+00, v57;
	v50 =	vadd.s32 v9, v36;
	v57 =	vmul.f32 $8.000000000e+00, v60;
	v60 =	vld [tilespmem:s17+$0xFFFFFF70]  }
0x130: {  	v42 =	vadd.s32 v26, v37;
	v45 =	vmul.f32 $8.000000000e+00, v45;
	v40 =	vshrl.u32 v40, $0x3;
	[tilespmem:v51+s20+$0x0] =	vst.idx.msk $0xffff, v43;
	v43 =	vld [tilespmem:s17+$0x70]  }
0x131: {  	v49 =	vmul.f32 $8.000000000e+00, v49;
	v40 =	vshll.u32 v40, v1;
	v56 =	vadd.s32 v8, v56;
	v51 =	vld [tilespmem:s17+$0xFFFFFE70];
	[tilespmem:$0x1FFF0] =	vst v59  }
0x132: {  	s21 =	sadd.s32 $0xE, s0;
	s22 =	sadd.s32 $0x2, s0;
	v54 =	vadd.s32 v9, v61;
	v44 =	vadd.s32 v26, v48;
	[tilespmem:v39+s20+$0x0] =	vst.idx.msk $0xffff, v45  }
0x133: {  	v53 =	vmov s22;
	v63 =	vmov s21;
	v62 =	vmul.f32 $8.000000000e+00, v58;
	[tilespmem:v46+s20+$0x0] =	vst.idx.msk $0xffff, v49  }
0x134: {  	s22 =	sadd.s32 $0xA, s0;
	v35 =	vshrl.u32 v63, $0x3;
	v60 =	vmul.f32 $8.000000000e+00, v60;
	v45 =	vadd.s32 v10, v36;
	[tilespmem:v50+s20+$0x0] =	vst.idx.msk $0xffff, v41;
	v58 =	vld [tilespmem:s29+$0xFFFFFF90]  }
0x135: {  	v39 =	vmov s22;
	v46 =	vadd.s32 v8, v52;
	[tilespmem:v38+s20+$0x0] =	vst.idx.msk $0xffff, v62;
	v62 =	vshll.u32 v35, v1;
	v52 =	vld [tilespmem:s29+$0x90]  }
0x136: {  	v63 =	vmul.f32 $8.000000000e+00, v43;
	[tilespmem:v55+s20+$0x0] =	vst.idx.msk $0xffff, v60;
	v39 =	vshrl.u32 v39, $0x3;
	v49 =	vld [tilespmem:s17+$0x180];
	v38 =	vbroadcast v62, $0x0  }
0x137: {  	v60 =	vshrl.u32 v53, $0x3;
	[tilespmem:v54+s20+$0x0] =	vst.idx.msk $0xffff, v57;
	v53 =	vld [tilespmem:s17+$0xFFFFFF80];
	v62 =	vshll.u32 v39, v1;
	v39 =	vbroadcast v40, $0x0  }
0x138: {  	v35 =	vmul.f32 $8.000000000e+00, v51;
	[tilespmem:v44+s20+$0x0] =	vst.idx.msk $0xffff, v47;
	v43 =	vadd.s32 v25, v38  }
0x139: {  	v55 =	vld [tilespmem:s29+$0xFFFFFE90];
	[tilespmem:v56+s20+$0x0] =	vst.idx.msk $0xffff, v63;
	v54 =	vadd.s32 v25, v39;
	v58 =	vmul.f32 $8.000000000e+00, v58  }
0x13a: {  	v63 =	vshll.u32 v60, v1;
	v40 =	vbroadcast v62, $0x0;
	[tilespmem:v46+s20+$0x0] =	vst.idx.msk $0xffff, v35;
	v35 =	vld [tilespmem:s17+$0x80];
	v60 =	vmul.f32 $8.000000000e+00, v52  }
0x13b: {  	v50 =	vadd.s32 v10, v61;
	v41 =	vbroadcast v63, $0x0;
	v51 =	vld [tilespmem:s17+$0xFFFFFE80];
	v62 =	vmul.f32 $8.000000000e+00, v49;
	[tilespmem:v42+s20+$0x0] =	vst.idx.msk $0xffff, v58  }
0x13c: {  	v47 =	vadd.s32 v9, v40;
	v52 =	vld [tilespmem:s29+$0x1A0];
	v63 =	vmul.f32 $8.000000000e+00, v53;
	[tilespmem:v45+s20+$0x0] =	vst.idx.msk $0xffff, v60  }
0x13d: {  	v49 =	vadd.s32 v9, v41;
	[tilespmem:v43+s20+$0x0] =	vst.idx.msk $0xffff, v62;
	v56 =	vld [tilespmem:s29+$0xFFFFFFA0]  }
0x13e: {  	v53 =	vadd.s32 v27, v48;
	v57 =	vld [tilespmem:s29+$0xA0];
	[tilespmem:v54+s20+$0x0] =	vst.idx.msk $0xffff, v63;
	v54 =	vmul.f32 $8.000000000e+00, v55  }
0x13f: {  	v46 =	vadd.s32 v27, v37;
	v58 =	vld [tilespmem:s17+$0x190];
	v35 =	vmul.f32 $8.000000000e+00, v35  }
0x140: {  	v59 =	vld [tilespmem:s30+$0xFFFFFEF0];
	v55 =	vadd.s32 v11, v36;
	v51 =	vmul.f32 $8.000000000e+00, v51;
	[tilespmem:v50+s20+$0x0] =	vst.idx.msk $0xffff, v54  }
0x141: {  	v60 =	vld [tilespmem:s17+$0xFFFFFF90];
	[tilespmem:v47+s20+$0x0] =	vst.idx.msk $0xffff, v35;
	v35 =	vmul.f32 $8.000000000e+00, v52;
	v52 =	vadd.s32 v26, v38  }
0x142: {  	s21 =	sadd.s32 $0xB, s31;
	[tilespmem:v49+s20+$0x0] =	vst.idx.msk $0xffff, v51;
	v49 =	vld [tilespmem:s17+$0x90];
	v50 =	vmul.f32 $8.000000000e+00, v56  }
0x143: {  	v44 =	vmov s21;
	v54 =	vld [tilespmem:s17+$0xFFFFFE90];
	v56 =	vadd.s32 v26, v39;
	[tilespmem:v53+s20+$0x0] =	vst.idx.msk $0xffff, v35;
	v42 =	vmul.f32 $8.000000000e+00, v57  }
0x144: {  	v44 =	vshrl.u32 v44, $0x3;
	v57 =	vadd.s32 v10, v40;
	[tilespmem:v46+s20+$0x0] =	vst.idx.msk $0xffff, v50;
	v46 =	vmul.f32 $8.000000000e+00, v58  }
0x145: {  	v44 =	vshll.u32 v44, v1;
	v62 =	vld [tilespmem:s29+$0xFFFFFEA0];
	v50 =	vadd.s32 v10, v41;
	[tilespmem:v55+s20+$0x0] =	vst.idx.msk $0xffff, v42  }
0x146: {  	v44 =	vbroadcast v44, $0x0;
	v35 =	vld [tilespmem:s29+$0x1B0];
	v60 =	vmul.f32 $8.000000000e+00, v60;
	[tilespmem:v52+s20+$0x0] =	vst.idx.msk $0xffff, v46  }
0x147: {  	s22 =	sadd.s32 $0x3, s31;
	v48 =	vadd.s32 v28, v48;
	v42 =	vadd.s32 v11, v61;
	v49 =	vmul.f32 $8.000000000e+00, v49;
	v52 =	vld [tilespmem:$0x1FFF0]  }
0x148: {  	s30 =	sadd.s32 $0x7, s31;
	s21 =	sadd.s32 $0xB, s0;
	v45 =	vmov s22;
	[tilespmem:v56+s20+$0x0] =	vst.idx.msk $0xffff, v60;
	v56 =	vmul.f32 $8.000000000e+00, v59;
	v59 =	vld [tilespmem:s17+$0x1A0];
	v54 =	vmul.f32 $8.000000000e+00, v54  }
0x149: {  	v37 =	vadd.s32 v28, v37;
	v43 =	vmov s30;
	v63 =	vmov s21;
	[tilespmem:v57+s20+$0x0] =	vst.idx.msk $0xffff, v49;
	v57 =	vld [tilespmem:s17+$0xFFFFFFA0]  }
0x14a: {  	v45 =	vshrl.u32 v45, $0x3;
	v55 =	vld [tilespmem:s29+$0xFFFFFFB0];
	v60 =	vmul.f32 $8.000000000e+00, v62;
	[tilespmem:v50+s20+$0x0] =	vst.idx.msk $0xffff, v54;
	v50 =	vadd.s32 v27, v38  }
0x14b: {  	v43 =	vshrl.u32 v43, $0x3;
	v35 =	vmul.f32 $8.000000000e+00, v35;
	v49 =	vadd.s32 v27, v39  }
0x14c: {  	s22 =	sadd.s32 $0xF, s31;
	v36 =	vadd.s32 v12, v36;
	v46 =	vadd.s32 v16, v33;
	[tilespmem:v42+s20+$0x0] =	vst.idx.msk $0xffff, v60;
	v42 =	vld [tilespmem:s17+$0xFFFFFEA0];
	v33 =	vmul.f32 $8.000000000e+00, v52  }
0x14d: {  	v45 =	vshll.u32 v45, v1;
	v47 =	vmov s22;
	v54 =	vld [tilespmem:s17+$0xA0];
	[tilespmem:v48+s20+$0x0] =	vst.idx.msk $0xffff, v35;
	v60 =	vmul.f32 $8.000000000e+00, v59  }
0x14e: {  	v62 =	vshrl.u32 v47, $0x3;
	v48 =	vadd.s32 v11, v41;
	v52 =	vld [tilespmem:s29+$0xB0];
	v57 =	vmul.f32 $8.000000000e+00, v57;
	[tilespmem:v34+s20+$0x0] =	vst.idx.msk $0xffff, v33  }
0x14f: {  	s30 =	sadd.s32 $0x3, s0;
	s31 =	sadd.s32 $0x7, s0;
	v34 =	vshll.u32 v43, v1;
	v43 =	vld [tilespmem:s29+$0xFFFFFEB0];
	v33 =	vmul.f32 $8.000000000e+00, v55;
	v55 =	vadd.s32 v11, v40;
	[tilespmem:v50+s20+$0x0] =	vst.idx.msk $0xffff, v60  }
0x150: {  	s22 =	sadd.s32 $0xF, s0;
	v51 =	vmov s30;
	v53 =	vmov s31;
	v35 =	vshll.u32 v62, v1;
	v62 =	vld [tilespmem:s17+$0x1B0];
	[tilespmem:v49+s20+$0x0] =	vst.idx.msk $0xffff, v57  }
0x151: {  	v58 =	vmov s22;
	v39 =	vadd.s32 v28, v39;
	v42 =	vmul.f32 $8.000000000e+00, v42;
	[tilespmem:v37+s20+$0x0] =	vst.idx.msk $0xffff, v33;
	v37 =	vld [tilespmem:s29+$0x1C0]  }
0x152: {  	v38 =	vadd.s32 v28, v38;
	[tilespmem:v46+s20+$0x0] =	vst.idx.msk $0xffff, v56;
	v47 =	vmul.f32 $8.000000000e+00, v54;
	v50 =	vadd.s32 v12, v61;
	v60 =	vld [tilespmem:s17+$0xFFFFFFB0]  }
0x153: {  	v41 =	vadd.s32 v12, v41;
	v57 =	vbroadcast v34, $0x0;
	v33 =	vbroadcast v35, $0x0;
	v35 =	vld [tilespmem:s29+$0xFFFFFFC0];
	[tilespmem:v48+s20+$0x0] =	vst.idx.msk $0xffff, v42  }
0x154: {  	v56 =	vshrl.u32 v51, $0x3;
	v34 =	vbroadcast v45, $0x0;
	v52 =	vmul.f32 $8.000000000e+00, v52;
	v46 =	vld [tilespmem:s17+$0xFFFFFEB0];
	[tilespmem:v55+s20+$0x0] =	vst.idx.msk $0xffff, v47  }
0x155: {  	v40 =	vadd.s32 v12, v40;
	v45 =	vadd.s32 v29, v57;
	v43 =	vmul.f32 $8.000000000e+00, v43;
	v42 =	vld [tilespmem:s17+$0xB0]  }
0x156: {  	v59 =	vshrl.u32 v63, $0x3;
	v48 =	vadd.s32 v13, v34;
	v49 =	vadd.s32 v29, v33;
	[tilespmem:v36+s20+$0x0] =	vst.idx.msk $0xffff, v52  }
0x157: {  	v47 =	vadd.s32 v13, v44;
	v61 =	vmul.f32 $8.000000000e+00, v62;
	v62 =	vshrl.u32 v58, $0x3;
	[tilespmem:v50+s20+$0x0] =	vst.idx.msk $0xffff, v43;
	v43 =	vld [tilespmem:s29+$0xC0]  }
0x158: {  	v37 =	vmul.f32 $8.000000000e+00, v37;
	v50 =	vshrl.u32 v53, $0x3;
	v58 =	vmul.f32 $8.000000000e+00, v60  }
0x159: {  	v60 =	vshll.u32 v62, v1;
	v35 =	vmul.f32 $8.000000000e+00, v35;
	v54 =	vld [tilespmem:s29+$0xFFFFFEC0];
	[tilespmem:v38+s20+$0x0] =	vst.idx.msk $0xffff, v61;
	v46 =	vmul.f32 $8.000000000e+00, v46  }
0x15a: {  	v62 =	vshll.u32 v50, v1;
	v36 =	vbroadcast v60, $0x0;
	v63 =	vld [tilespmem:s17+$0x1C0];
	[tilespmem:v39+s20+$0x0] =	vst.idx.msk $0xffff, v58;
	v61 =	vmul.f32 $8.000000000e+00, v42  }
0x15b: {  	v58 =	vshll.u32 v59, v1;
	v59 =	vshll.u32 v56, v1;
	v52 =	vld [tilespmem:s17+$0xFFFFFFC0];
	v42 =	vbroadcast v62, $0x0;
	[tilespmem:v41+s20+$0x0] =	vst.idx.msk $0xffff, v46  }
0x15c: {  	v60 =	vadd.s32 v29, v36;
	v38 =	vbroadcast v59, $0x0;
	[tilespmem:v40+s20+$0x0] =	vst.idx.msk $0xffff, v61;
	v61 =	vmul.f32 $8.000000000e+00, v43;
	v43 =	vld [tilespmem:s17+$0xFFFFFEC0]  }
0x15d: {  	[tilespmem:v49+s20+$0x0] =	vst.idx.msk $0xffff, v37;
	v41 =	vbroadcast v58, $0x0;
	v46 =	vadd.s32 v29, v42;
	v40 =	vld [tilespmem:s17+$0xC0]  }
0x15e: {  	v49 =	vld [tilespmem:s29+$0x1D0];
	[tilespmem:v45+s20+$0x0] =	vst.idx.msk $0xffff, v35;
	v56 =	vadd.s32 v13, v38;
	v62 =	vmul.f32 $8.000000000e+00, v54  }
0x15f: {  	v45 =	vld [tilespmem:s29+$0xFFFFFFD0];
	v35 =	vadd.s32 v13, v41;
	v63 =	vmul.f32 $8.000000000e+00, v63;
	[tilespmem:v47+s20+$0x0] =	vst.idx.msk $0xffff, v61  }
0x160: {  	v50 =	vadd.s32 v30, v33;
	[tilespmem:v48+s20+$0x0] =	vst.idx.msk $0xffff, v62;
	v59 =	vmul.f32 $8.000000000e+00, v52;
	v58 =	vld [tilespmem:s29+$0xD0]  }
0x161: {  	v53 =	vadd.s32 v30, v57;
	v52 =	vld [tilespmem:s29+$0xFFFFFED0];
	[tilespmem:v60+s20+$0x0] =	vst.idx.msk $0xffff, v63;
	v43 =	vmul.f32 $8.000000000e+00, v43  }
0x162: {  	v39 =	vadd.s32 v14, v44;
	v61 =	vld [tilespmem:s17+$0x1D0];
	[tilespmem:v46+s20+$0x0] =	vst.idx.msk $0xffff, v59;
	v60 =	vmul.f32 $8.000000000e+00, v40  }
0x163: {  	v62 =	vmul.f32 $8.000000000e+00, v49;
	v63 =	vadd.s32 v14, v34;
	v51 =	vld [tilespmem:s17+$0xFFFFFFD0];
	[tilespmem:v56+s20+$0x0] =	vst.idx.msk $0xffff, v43  }
0x164: {  	v37 =	vadd.s32 v30, v36;
	v55 =	vmul.f32 $8.000000000e+00, v45;
	[tilespmem:v35+s20+$0x0] =	vst.idx.msk $0xffff, v60;
	v46 =	vld [tilespmem:s17+$0xFFFFFED0]  }
0x165: {  	v47 =	vadd.s32 v30, v42;
	[tilespmem:v50+s20+$0x0] =	vst.idx.msk $0xffff, v62;
	v58 =	vmul.f32 $8.000000000e+00, v58;
	v56 =	vld [tilespmem:s17+$0xD0]  }
0x166: {  	v62 =	vadd.s32 v14, v38;
	v59 =	vld [tilespmem:s29+$0x1E0];
	[tilespmem:v53+s20+$0x0] =	vst.idx.msk $0xffff, v55;
	v60 =	vmul.f32 $8.000000000e+00, v52  }
0x167: {  	v35 =	vadd.s32 v14, v41;
	v52 =	vld [tilespmem:s29+$0xFFFFFFE0];
	v61 =	vmul.f32 $8.000000000e+00, v61;
	[tilespmem:v39+s20+$0x0] =	vst.idx.msk $0xffff, v58  }
0x168: {  	v45 =	vadd.s32 v31, v33;
	[tilespmem:v63+s20+$0x0] =	vst.idx.msk $0xffff, v60;
	v49 =	vld [tilespmem:s29+$0xE0];
	v63 =	vmul.f32 $8.000000000e+00, v51  }
0x169: {  	v53 =	vadd.s32 v31, v57;
	v51 =	vld [tilespmem:s29+$0xFFFFFEE0];
	[tilespmem:v37+s20+$0x0] =	vst.idx.msk $0xffff, v61;
	v46 =	vmul.f32 $8.000000000e+00, v46  }
0x16a: {  	v39 =	vadd.s32 v15, v44;
	v58 =	vld [tilespmem:s17+$0x1E0];
	[tilespmem:v47+s20+$0x0] =	vst.idx.msk $0xffff, v63;
	v56 =	vmul.f32 $8.000000000e+00, v56  }
0x16b: {  	v59 =	vmul.f32 $8.000000000e+00, v59;
	v60 =	vadd.s32 v15, v34;
	v50 =	vld [tilespmem:s17+$0xFFFFFFE0];
	[tilespmem:v62+s20+$0x0] =	vst.idx.msk $0xffff, v46  }
0x16c: {  	v37 =	vadd.s32 v31, v36;
	v61 =	vmul.f32 $8.000000000e+00, v52;
	[tilespmem:v35+s20+$0x0] =	vst.idx.msk $0xffff, v56;
	v46 =	vld [tilespmem:s17+$0xFFFFFEE0]  }
0x16d: {  	[tilespmem:v45+s20+$0x0] =	vst.idx.msk $0xffff, v59;
	v47 =	vadd.s32 v31, v42;
	v63 =	vmul.f32 $8.000000000e+00, v49;
	v62 =	vld [tilespmem:s17+$0xE0]  }
0x16e: {  	v59 =	vadd.s32 v15, v38;
	[tilespmem:v53+s20+$0x0] =	vst.idx.msk $0xffff, v61;
	v49 =	vld [tilespmem:s29+$0x1F0];
	v51 =	vmul.f32 $8.000000000e+00, v51  }
0x16f: {  	v35 =	vadd.s32 v15, v41;
	v56 =	vld [tilespmem:s29+$0xFFFFFFF0];
	v58 =	vmul.f32 $8.000000000e+00, v58;
	[tilespmem:v39+s20+$0x0] =	vst.idx.msk $0xffff, v63  }
0x170: {  	v33 =	vadd.s32 v32, v33;
	[tilespmem:v60+s20+$0x0] =	vst.idx.msk $0xffff, v51;
	v45 =	vld [tilespmem:s29+$0xF0];
	v60 =	vmul.f32 $8.000000000e+00, v50  }
0x171: {  	v61 =	vadd.s32 v32, v57;
	v51 =	vld [tilespmem:s29+$0xFFFFFEF0];
	[tilespmem:v37+s20+$0x0] =	vst.idx.msk $0xffff, v58;
	v54 =	vmul.f32 $8.000000000e+00, v46  }
0x172: {  	v63 =	vadd.s32 v16, v44;
	v53 =	vld [tilespmem:s17+$0x1F0];
	[tilespmem:v47+s20+$0x0] =	vst.idx.msk $0xffff, v60;
	v62 =	vmul.f32 $8.000000000e+00, v62  }
0x173: {  	v34 =	vadd.s32 v16, v34;
	v55 =	vmul.f32 $8.000000000e+00, v49;
	v47 =	vld [tilespmem:s17+$0xFFFFFFF0];
	[tilespmem:v59+s20+$0x0] =	vst.idx.msk $0xffff, v54  }
0x174: {  	v36 =	vadd.s32 v32, v36;
	v56 =	vmul.f32 $8.000000000e+00, v56;
	[tilespmem:v35+s20+$0x0] =	vst.idx.msk $0xffff, v62;
	v43 =	vld [tilespmem:s17+$0xFFFFFEF0]  }
0x175: {  	v42 =	vadd.s32 v32, v42;
	[tilespmem:v33+s20+$0x0] =	vst.idx.msk $0xffff, v55;
	v57 =	vmul.f32 $8.000000000e+00, v45;
	v37 =	vld [tilespmem:s17+$0xF0]  }
0x176: {  	v38 =	vadd.s32 v16, v38;
	[tilespmem:v61+s20+$0x0] =	vst.idx.msk $0xffff, v56;
	v58 =	vmul.f32 $8.000000000e+00, v51  }
0x177: {  	v59 =	vadd.s32 v16, v41;
	v60 =	vmul.f32 $8.000000000e+00, v53;
	[tilespmem:v63+s20+$0x0] =	vst.idx.msk $0xffff, v57  }
0x178: {  	s29 =	sadd.s32 s6, s1;
	[tilespmem:v34+s20+$0x0] =	vst.idx.msk $0xffff, v58;
	v61 =	vmul.f32 $8.000000000e+00, v47  }
0x179: {  	s1 =	sshll.u32 s29, $0xA;
	s0 =	sshll.u32 s29, $0x7;
	[tilespmem:v36+s20+$0x0] =	vst.idx.msk $0xffff, v60;
	v63 =	vmul.f32 $8.000000000e+00, v43  }
0x17a: {  	s1 =	sand.u32 $0xFFF8000, s1;
	s0 =	sand.u32 $0xF00, s0;
	[tilespmem:v42+s20+$0x0] =	vst.idx.msk $0xffff, v61;
	v62 =	vmul.f32 $8.000000000e+00, v37  }
0x17b: {  	s0 =	sor.u32 s0, s1;
	[tilespmem:v38+s20+$0x0] =	vst.idx.msk $0xffff, v63  }
0x17c: {  	s1 =	sadd.s32 s2, s0;
	[tilespmem:v59+s20+$0x0] =	vst.idx.msk $0xffff, v62  }
0x17d: {  	[hbm4b:s1+s3] =	stream.linear.scatter [tilespmem:s20], [sflag:$0x3], $0x80, $0x38;
	[tilespmem:$0xE800] =	vst v63  }
0x17e: {  	s31 =	simm.s32 $0xA488;
	s30 =	sadd.s32 $0x10, s1  }
0x17f: {  	[hbm4b:s30+s3] =	stream.linear.scatter [tilespmem:s31], [sflag:$0x3], $0x80, $0x38;
	[tilespmem:$0xE800] =	vst v63  }
0x180: {  	s21 =	simm.s32 $0xA510;
	s18 =	sadd.s32 $0x20, s1  }
0x181: {  	[hbm4b:s18+s3] =	stream.linear.scatter [tilespmem:s21], [sflag:$0x3], $0x80, $0x38;
	[tilespmem:$0xE800] =	vst v63  }
0x182: {  	s29 =	simm.s32 $0xA598;
	s22 =	sadd.s32 $0x30, s1  }
0x183: {  	[hbm4b:s22+s3] =	stream.linear.scatter [tilespmem:s29], [sflag:$0x3], $0x80, $0x38;
	[tilespmem:$0xE800] =	vst v63  }
0x184: {  	s30 =	sadd.s32 $0x40, s1;
	s31 =	simm.s32 $0xA620  }
0x185: {  	[hbm4b:s30+s3] =	stream.linear.scatter [tilespmem:s31], [sflag:$0x3], $0x80, $0x38;
	[tilespmem:$0xE800] =	vst v63  }
0x186: {  	s18 =	sadd.s32 $0x50, s1;
	s21 =	simm.s32 $0xA6A8  }
0x187: {  	[hbm4b:s18+s3] =	stream.linear.scatter [tilespmem:s21], [sflag:$0x3], $0x80, $0x38;
	[tilespmem:$0xE800] =	vst v63  }
0x188: {  	s22 =	sadd.s32 $0x60, s1;
	s29 =	simm.s32 $0xA730  }
0x189: {  	[hbm4b:s22+s3] =	stream.linear.scatter [tilespmem:s29], [sflag:$0x3], $0x80, $0x38;
	[tilespmem:$0xE800] =	vst v63  }
0x18a: {  	s1 =	sadd.s32 $0x70, s1;
	s30 =	simm.s32 $0xA7B8  }
0x18b: {  	[hbm4b:s1+s3] =	stream.linear.scatter [tilespmem:s30], [sflag:$0x3], $0x80, $0x38;
	[tilespmem:$0xE800] =	vst v63  }
0x18c: {  	s31 =	simm.s32 $0xA840;
	s1 =	sadd.s32 s0, s7  }
0x18d: {  	[hbm4b:s1+s3] =	stream.linear.scatter [tilespmem:s31], [sflag:$0x3], $0x80, $0x38;
	[tilespmem:$0xE800] =	vst v63  }
0x18e: {  	s21 =	simm.s32 $0xA8C8;
	s18 =	sadd.s32 $0x10, s1  }
0x18f: {  	[hbm4b:s18+s3] =	stream.linear.scatter [tilespmem:s21], [sflag:$0x3], $0x80, $0x38;
	[tilespmem:$0xE800] =	vst v63  }
0x190: {  	s29 =	simm.s32 $0xA950;
	s22 =	sadd.s32 $0x20, s1  }
0x191: {  	[hbm4b:s22+s3] =	stream.linear.scatter [tilespmem:s29], [sflag:$0x3], $0x80, $0x38;
	[tilespmem:$0xE800] =	vst v63  }
0x192: {  	s30 =	sadd.s32 $0x30, s1;
	s31 =	simm.s32 $0xA9D8  }
0x193: {  	[hbm4b:s30+s3] =	stream.linear.scatter [tilespmem:s31], [sflag:$0x3], $0x80, $0x38;
	[tilespmem:$0xE800] =	vst v63  }
0x194: {  	s18 =	sadd.s32 $0x40, s1;
	s21 =	simm.s32 $0xAA60  }
0x195: {  	[hbm4b:s18+s3] =	stream.linear.scatter [tilespmem:s21], [sflag:$0x3], $0x80, $0x38;
	[tilespmem:$0xE800] =	vst v63  }
0x196: {  	s22 =	sadd.s32 $0x50, s1;
	s29 =	simm.s32 $0xAAE8  }
0x197: {  	[hbm4b:s22+s3] =	stream.linear.scatter [tilespmem:s29], [sflag:$0x3], $0x80, $0x38;
	[tilespmem:$0xE800] =	vst v63  }
0x198: {  	s30 =	sadd.s32 $0x60, s1;
	s31 =	simm.s32 $0xAB70  }
0x199: {  	[hbm4b:s30+s3] =	stream.linear.scatter [tilespmem:s31], [sflag:$0x3], $0x80, $0x38;
	[tilespmem:$0xE800] =	vst v63  }
0x19a: {  	s1 =	sadd.s32 $0x70, s1;
	s18 =	simm.s32 $0xABF8  }
0x19b: {  	[hbm4b:s1+s3] =	stream.linear.scatter [tilespmem:s18], [sflag:$0x3], $0x80, $0x38;
	[tilespmem:$0xE800] =	vst v63  }
0x19c: {  	s21 =	simm.s32 $0xAC80;
	s1 =	sadd.s32 s0, s8  }
0x19d: {  	[hbm4b:s1+s3] =	stream.linear.scatter [tilespmem:s21], [sflag:$0x3], $0x80, $0x38;
	[tilespmem:$0xE800] =	vst v63  }
0x19e: {  	s29 =	simm.s32 $0xAD08;
	s22 =	sadd.s32 $0x10, s1  }
0x19f: {  	[hbm4b:s22+s3] =	stream.linear.scatter [tilespmem:s29], [sflag:$0x3], $0x80, $0x38;
	[tilespmem:$0xE800] =	vst v63  }
0x1a0: {  	s31 =	simm.s32 $0xAD90;
	s30 =	sadd.s32 $0x20, s1  }
0x1a1: {  	[hbm4b:s30+s3] =	stream.linear.scatter [tilespmem:s31], [sflag:$0x3], $0x80, $0x38;
	[tilespmem:$0xE800] =	vst v63  }
0x1a2: {  	s18 =	sadd.s32 $0x30, s1;
	s21 =	simm.s32 $0xAE18  }
0x1a3: {  	[hbm4b:s18+s3] =	stream.linear.scatter [tilespmem:s21], [sflag:$0x3], $0x80, $0x38;
	[tilespmem:$0xE800] =	vst v63  }
0x1a4: {  	s22 =	sadd.s32 $0x40, s1;
	s29 =	simm.s32 $0xAEA0  }
0x1a5: {  	[hbm4b:s22+s3] =	stream.linear.scatter [tilespmem:s29], [sflag:$0x3], $0x80, $0x38;
	[tilespmem:$0xE800] =	vst v63  }
0x1a6: {  	s30 =	sadd.s32 $0x50, s1;
	s31 =	simm.s32 $0xAF28  }
0x1a7: {  	[hbm4b:s30+s3] =	stream.linear.scatter [tilespmem:s31], [sflag:$0x3], $0x80, $0x38;
	[tilespmem:$0xE800] =	vst v63  }
0x1a8: {  	s18 =	sadd.s32 $0x60, s1;
	s21 =	simm.s32 $0xAFB0  }
0x1a9: {  	[hbm4b:s18+s3] =	stream.linear.scatter [tilespmem:s21], [sflag:$0x3], $0x80, $0x38;
	[tilespmem:$0xE800] =	vst v63  }
0x1aa: {  	s1 =	sadd.s32 $0x70, s1;
	s22 =	simm.s32 $0xB038  }
0x1ab: {  	[hbm4b:s1+s3] =	stream.linear.scatter [tilespmem:s22], [sflag:$0x3], $0x80, $0x38;
	[tilespmem:$0xE800] =	vst v63  }
0x1ac: {  	s29 =	simm.s32 $0xB0C0;
	s1 =	sadd.s32 s0, s9  }
0x1ad: {  	[hbm4b:s1+s3] =	stream.linear.scatter [tilespmem:s29], [sflag:$0x3], $0x80, $0x38;
	[tilespmem:$0xE800] =	vst v63  }
0x1ae: {  	s31 =	simm.s32 $0xB148;
	s30 =	sadd.s32 $0x10, s1  }
0x1af: {  	[hbm4b:s30+s3] =	stream.linear.scatter [tilespmem:s31], [sflag:$0x3], $0x80, $0x38;
	[tilespmem:$0xE800] =	vst v63  }
0x1b0: {  	s21 =	simm.s32 $0xB1D0;
	s18 =	sadd.s32 $0x20, s1  }
0x1b1: {  	[hbm4b:s18+s3] =	stream.linear.scatter [tilespmem:s21], [sflag:$0x3], $0x80, $0x38;
	[tilespmem:$0xE800] =	vst v63  }
0x1b2: {  	s22 =	sadd.s32 $0x30, s1;
	s29 =	simm.s32 $0xB258  }
0x1b3: {  	[hbm4b:s22+s3] =	stream.linear.scatter [tilespmem:s29], [sflag:$0x3], $0x80, $0x38;
	[tilespmem:$0xE800] =	vst v63  }
0x1b4: {  	s30 =	sadd.s32 $0x40, s1;
	s31 =	simm.s32 $0xB2E0  }
0x1b5: {  	[hbm4b:s30+s3] =	stream.linear.scatter [tilespmem:s31], [sflag:$0x3], $0x80, $0x38;
	[tilespmem:$0xE800] =	vst v63  }
0x1b6: {  	s18 =	sadd.s32 $0x50, s1;
	s21 =	simm.s32 $0xB368  }
0x1b7: {  	[hbm4b:s18+s3] =	stream.linear.scatter [tilespmem:s21], [sflag:$0x3], $0x80, $0x38;
	[tilespmem:$0xE800] =	vst v63  }
0x1b8: {  	s22 =	sadd.s32 $0x60, s1;
	s29 =	simm.s32 $0xB3F0  }
0x1b9: {  	[hbm4b:s22+s3] =	stream.linear.scatter [tilespmem:s29], [sflag:$0x3], $0x80, $0x38;
	[tilespmem:$0xE800] =	vst v63  }
0x1ba: {  	s1 =	sadd.s32 $0x70, s1;
	s30 =	simm.s32 $0xB478  }
0x1bb: {  	[hbm4b:s1+s3] =	stream.linear.scatter [tilespmem:s30], [sflag:$0x3], $0x80, $0x38;
	[tilespmem:$0xE800] =	vst v63  }
0x1bc: {  	s31 =	simm.s32 $0xB500;
	s1 =	sadd.s32 s0, s10  }
0x1bd: {  	[hbm4b:s1+s3] =	stream.linear.scatter [tilespmem:s31], [sflag:$0x3], $0x80, $0x38;
	[tilespmem:$0xE800] =	vst v63  }
0x1be: {  	s21 =	simm.s32 $0xB588;
	s18 =	sadd.s32 $0x10, s1  }
0x1bf: {  	[hbm4b:s18+s3] =	stream.linear.scatter [tilespmem:s21], [sflag:$0x3], $0x80, $0x38;
	[tilespmem:$0xE800] =	vst v63  }
0x1c0: {  	s29 =	simm.s32 $0xB610;
	s22 =	sadd.s32 $0x20, s1  }
0x1c1: {  	[hbm4b:s22+s3] =	stream.linear.scatter [tilespmem:s29], [sflag:$0x3], $0x80, $0x38;
	[tilespmem:$0xE800] =	vst v63  }
0x1c2: {  	s30 =	sadd.s32 $0x30, s1;
	s31 =	simm.s32 $0xB698  }
0x1c3: {  	[hbm4b:s30+s3] =	stream.linear.scatter [tilespmem:s31], [sflag:$0x3], $0x80, $0x38;
	[tilespmem:$0xE800] =	vst v63  }
0x1c4: {  	s18 =	sadd.s32 $0x40, s1;
	s21 =	simm.s32 $0xB720  }
0x1c5: {  	[hbm4b:s18+s3] =	stream.linear.scatter [tilespmem:s21], [sflag:$0x3], $0x80, $0x38;
	[tilespmem:$0xE800] =	vst v63  }
0x1c6: {  	s22 =	sadd.s32 $0x50, s1;
	s29 =	simm.s32 $0xB7A8  }
0x1c7: {  	[hbm4b:s22+s3] =	stream.linear.scatter [tilespmem:s29], [sflag:$0x3], $0x80, $0x38;
	[tilespmem:$0xE800] =	vst v63  }
0x1c8: {  	s30 =	sadd.s32 $0x60, s1;
	s31 =	simm.s32 $0xB830  }
0x1c9: {  	[hbm4b:s30+s3] =	stream.linear.scatter [tilespmem:s31], [sflag:$0x3], $0x80, $0x38;
	[tilespmem:$0xE800] =	vst v63  }
0x1ca: {  	s1 =	sadd.s32 $0x70, s1;
	s18 =	simm.s32 $0xB8B8  }
0x1cb: {  	[hbm4b:s1+s3] =	stream.linear.scatter [tilespmem:s18], [sflag:$0x3], $0x80, $0x38;
	[tilespmem:$0xE800] =	vst v63  }
0x1cc: {  	s21 =	simm.s32 $0xB940;
	s1 =	sadd.s32 s0, s11  }
0x1cd: {  	[hbm4b:s1+s3] =	stream.linear.scatter [tilespmem:s21], [sflag:$0x3], $0x80, $0x38;
	[tilespmem:$0xE800] =	vst v63  }
0x1ce: {  	s29 =	simm.s32 $0xB9C8;
	s22 =	sadd.s32 $0x10, s1  }
0x1cf: {  	[hbm4b:s22+s3] =	stream.linear.scatter [tilespmem:s29], [sflag:$0x3], $0x80, $0x38;
	[tilespmem:$0xE800] =	vst v63  }
0x1d0: {  	s31 =	simm.s32 $0xBA50;
	s30 =	sadd.s32 $0x20, s1  }
0x1d1: {  	[hbm4b:s30+s3] =	stream.linear.scatter [tilespmem:s31], [sflag:$0x3], $0x80, $0x38;
	[tilespmem:$0xE800] =	vst v63  }
0x1d2: {  	s18 =	sadd.s32 $0x30, s1;
	s21 =	simm.s32 $0xBAD8  }
0x1d3: {  	[hbm4b:s18+s3] =	stream.linear.scatter [tilespmem:s21], [sflag:$0x3], $0x80, $0x38;
	[tilespmem:$0xE800] =	vst v63  }
0x1d4: {  	s22 =	sadd.s32 $0x40, s1;
	s29 =	simm.s32 $0xBB60  }
0x1d5: {  	[hbm4b:s22+s3] =	stream.linear.scatter [tilespmem:s29], [sflag:$0x3], $0x80, $0x38;
	[tilespmem:$0xE800] =	vst v63  }
0x1d6: {  	s30 =	sadd.s32 $0x50, s1;
	s31 =	simm.s32 $0xBBE8  }
0x1d7: {  	[hbm4b:s30+s3] =	stream.linear.scatter [tilespmem:s31], [sflag:$0x3], $0x80, $0x38;
	[tilespmem:$0xE800] =	vst v63  }
0x1d8: {  	s18 =	sadd.s32 $0x60, s1;
	s21 =	simm.s32 $0xBC70  }
0x1d9: {  	[hbm4b:s18+s3] =	stream.linear.scatter [tilespmem:s21], [sflag:$0x3], $0x80, $0x38;
	[tilespmem:$0xE800] =	vst v63  }
0x1da: {  	s1 =	sadd.s32 $0x70, s1;
	s22 =	simm.s32 $0xBCF8  }
0x1db: {  	[hbm4b:s1+s3] =	stream.linear.scatter [tilespmem:s22], [sflag:$0x3], $0x80, $0x38;
	[tilespmem:$0xE800] =	vst v63  }
0x1dc: {  	s29 =	simm.s32 $0xBD80;
	s1 =	sadd.s32 s0, s12  }
0x1dd: {  	[hbm4b:s1+s3] =	stream.linear.scatter [tilespmem:s29], [sflag:$0x3], $0x80, $0x38;
	[tilespmem:$0xE800] =	vst v63  }
0x1de: {  	s31 =	simm.s32 $0xBE08;
	s30 =	sadd.s32 $0x10, s1  }
0x1df: {  	[hbm4b:s30+s3] =	stream.linear.scatter [tilespmem:s31], [sflag:$0x3], $0x80, $0x38;
	[tilespmem:$0xE800] =	vst v63  }
0x1e0: {  	s21 =	simm.s32 $0xBE90;
	s18 =	sadd.s32 $0x20, s1  }
0x1e1: {  	[hbm4b:s18+s3] =	stream.linear.scatter [tilespmem:s21], [sflag:$0x3], $0x80, $0x38;
	[tilespmem:$0xE800] =	vst v63  }
0x1e2: {  	s22 =	sadd.s32 $0x30, s1;
	s29 =	simm.s32 $0xBF18  }
0x1e3: {  	[hbm4b:s22+s3] =	stream.linear.scatter [tilespmem:s29], [sflag:$0x3], $0x80, $0x38;
	[tilespmem:$0xE800] =	vst v63  }
0x1e4: {  	s30 =	sadd.s32 $0x40, s1;
	s31 =	simm.s32 $0xBFA0  }
0x1e5: {  	[hbm4b:s30+s3] =	stream.linear.scatter [tilespmem:s31], [sflag:$0x3], $0x80, $0x38;
	[tilespmem:$0xE800] =	vst v63  }
0x1e6: {  	s21 =	sadd.s32 $0x50, s1;
	s22 =	simm.s32 $0xC028  }
0x1e7: {  	[hbm4b:s21+s3] =	stream.linear.scatter [tilespmem:s22], [sflag:$0x3], $0x80, $0x38;
	[tilespmem:$0xE800] =	vst v63  }
0x1e8: {  	s29 =	sadd.s32 $0x60, s1;
	s30 =	simm.s32 $0xC0B0  }
0x1e9: {  	[hbm4b:s29+s3] =	stream.linear.scatter [tilespmem:s30], [sflag:$0x3], $0x80, $0x38;
	[tilespmem:$0xE800] =	vst v63  }
0x1ea: {  	s1 =	sadd.s32 $0x70, s1;
	s31 =	simm.s32 $0xC138  }
0x1eb: {  	[hbm4b:s1+s3] =	stream.linear.scatter [tilespmem:s31], [sflag:$0x3], $0x80, $0x38;
	[tilespmem:$0xE800] =	vst v63  }
0x1ec: {  	s17 =	simm.s32 $0xC1C0;
	s0 =	sadd.s32 s0, s13  }
0x1ed: {  	[hbm4b:s0+s3] =	stream.linear.scatter [tilespmem:s17], [sflag:$0x3], $0x80, $0x38;
	[tilespmem:$0xE800] =	vst v63  }
0x1ee: {  	s18 =	sadd.s32 $0x10, s0;
	s21 =	simm.s32 $0xC248  }
0x1ef: {  	[hbm4b:s18+s3] =	stream.linear.scatter [tilespmem:s21], [sflag:$0x3], $0x80, $0x38;
	[tilespmem:$0xE800] =	vst v63  }
0x1f0: {  	s22 =	sadd.s32 $0x20, s0;
	s29 =	simm.s32 $0xC2D0  }
0x1f1: {  	[hbm4b:s22+s3] =	stream.linear.scatter [tilespmem:s29], [sflag:$0x3], $0x80, $0x38;
	[tilespmem:$0xE800] =	vst v63  }
0x1f2: {  	s30 =	sadd.s32 $0x30, s0;
	s31 =	simm.s32 $0xC358  }
0x1f3: {  	[hbm4b:s30+s3] =	stream.linear.scatter [tilespmem:s31], [sflag:$0x3], $0x80, $0x38;
	[tilespmem:$0xE800] =	vst v63  }
0x1f4: {  	s17 =	sadd.s32 $0x40, s0;
	s18 =	simm.s32 $0xC3E0  }
0x1f5: {  	[hbm4b:s17+s3] =	stream.linear.scatter [tilespmem:s18], [sflag:$0x3], $0x80, $0x38;
	[tilespmem:$0xE800] =	vst v63  }
0x1f6: {  	p1 =	sne.s32 s26, $0x63;
	s21 =	sadd.s32 $0x50, s0;
	s22 =	simm.s32 $0xC468  }
0x1f7: {  	[hbm4b:s21+s3] =	stream.linear.scatter [tilespmem:s22], [sflag:$0x3], $0x80, $0x38;
	[tilespmem:$0xE800] =	vst v63  }
.Ltmp1:
0x1f8: {  	_ = 	snop;
	(pc) =	sbr.rel @p1 .LBB2_6-.Ltmp1, $4  }
0x1f9: {  	s29 =	sadd.s32 $0x60, s0;
	s30 =	simm.s32 $0xC4F0  }
0x1fa: {  	[hbm4b:s29+s3] =	stream.linear.scatter [tilespmem:s30], [sflag:$0x3], $0x80, $0x38;
	[tilespmem:$0xE800] =	vst v63  }
0x1fb: {  	s0 =	sadd.s32 $0x70, s0;
	s31 =	simm.s32 $0xC578  }
0x1fc: {  	[hbm4b:s0+s3] =	stream.linear.scatter [tilespmem:s31], [sflag:$0x3], $0x80, $0x38;
	[tilespmem:$0xE800] =	vst v63  }
.Ltmp2:
0x1fd: {  	(pc) =	sbr.rel .LBB2_7-.Ltmp2, $4  }
0x1fe: {  	_ = 	snop  }
0x1ff: {  	_ =	swait.ge [sflag:s5], $0x2000  }
0x200: {  	[sflag:s5] =	ssyncset.done $0x0  }
0x201: {  	[sflag:s5] =	ssyncadd.s32 $0xFFFFE000  }
.LBB2_6:
0x202: {  	s0 =	sshll.u32 s26, $0x8  }
0x203: {  	s0 =	sand.u32 $0x3FFFFF00, s0  }
.Ltmp3:
0x204: {  	s1 =	simm.s32 $0x6400;
	s0 =	sadd.s32 $0x100, s0;
	(pc) =	sbr.rel @p0 .LBB2_8-.Ltmp3, $4  }
0x205: {  	[tilespmem:s1], [sflag:$0x1] =	stream.indirect.gather [hbm4b:s4+s16], $0x40, s0, s16, $0xb8;
	[tilespmem:$0xE800] =	vst v63  }
0x206: {  	_ =	swait.ge [sflag:s5], $0x2000  }
0x207: {  	[sflag:s5] =	ssyncset.done $0x0  }
0x208: {  	[sflag:s5] =	ssyncadd.s32 $0xFFFFE000  }
.LBB2_7:
0x209: {  	_ =	swait.ge [sflag:s14], $0x400  }
0x20a: {  	[sflag:s14] =	ssyncset.done $0x0  }
0x20b: {  	[sflag:s14] =	ssyncadd.s32 $0xFFFFFC00  }
0x20c: {  	_ =	swait.ge [sflag:s14], $0x400  }
0x20d: {  	[sflag:s14] =	ssyncset.done $0x0  }
0x20e: {  	[sflag:s14] =	ssyncadd.s32 $0xFFFFFC00  }
0x20f: {  	_ =	swait.ge [sflag:s14], $0x400  }
0x210: {  	[sflag:s14] =	ssyncset.done $0x0  }
0x211: {  	[sflag:s14] =	ssyncadd.s32 $0xFFFFFC00  }
0x212: {  	_ =	swait.ge [sflag:s14], $0x400  }
0x213: {  	[sflag:s14] =	ssyncset.done $0x0  }
0x214: {  	[sflag:s14] =	ssyncadd.s32 $0xFFFFFC00  }
0x215: {  	_ =	swait.ge [sflag:s14], $0x400  }
0x216: {  	[sflag:s14] =	ssyncset.done $0x0  }
0x217: {  	[sflag:s14] =	ssyncadd.s32 $0xFFFFFC00  }
0x218: {  	_ =	swait.ge [sflag:s14], $0x400  }
0x219: {  	[sflag:s14] =	ssyncset.done $0x0  }
0x21a: {  	[sflag:s14] =	ssyncadd.s32 $0xFFFFFC00  }
0x21b: {  	_ =	swait.ge [sflag:s14], $0x400  }
0x21c: {  	[sflag:s14] =	ssyncset.done $0x0  }
0x21d: {  	[sflag:s14] =	ssyncadd.s32 $0xFFFFFC00  }
0x21e: {  	_ =	swait.ge [sflag:s14], $0x400  }
0x21f: {  	[sflag:s14] =	ssyncset.done $0x0  }
0x220: {  	[sflag:s14] =	ssyncadd.s32 $0xFFFFFC00  }
.LBB2_8:
0x221: {  	s0 =	simm.s32 $0xC  }
0x222: {  	v33 =	vmov s0  }
0x223: {  	v33 =	vshrl.u32 v33, $0x3  }
0x224: {  	s30 =	simm.s32 $0x8600;
	v33 =	vshll.u32 v33, v1  }
0x225: {  	s18 =	simm.s32 $0x4;
	v35 =	vld [tilespmem:s30+$0x100];
	v33 =	vbroadcast v33, $0x0  }
0x226: {  	s21 =	simm.s32 $0x8;
	v34 =	vmov s18  }
0x227: {  	s22 =	simm.s32 $0x0;
	v36 =	vmov s21;
	v34 =	vshrl.u32 v34, $0x3;
	v37 =	vadd.s32 v17, v33  }
0x228: {  	v38 =	vmov s22;
	v36 =	vshrl.u32 v36, $0x3;
	v34 =	vshll.u32 v34, v1  }
0x229: {  	v39 =	vld [tilespmem:s30+$0xFFFFFF00];
	v38 =	vshrl.u32 v38, $0x3;
	v36 =	vshll.u32 v36, v1;
	v34 =	vbroadcast v34, $0x0  }
0x22a: {  	v40 =	vld [tilespmem:s30+$0x0];
	v38 =	vshll.u32 v38, v1;
	v36 =	vbroadcast v36, $0x0;
	v35 =	vmul.f32 $8.000000000e+00, v35  }
0x22b: {  	v42 =	vld [tilespmem:s30+$0xFFFFFE00];
	v38 =	vbroadcast v38, $0x0;
	v41 =	vadd.s32 v17, v34  }
0x22c: {  	v43 =	vadd.s32 v0, v36;
	[tilespmem:v37+s15+$0x0] =	vst.idx.msk $0xffff, v35  }
0x22d: {  	v63 =	vadd.s32 v0, v38;
	v46 =	vld [tilespmem:s30+$0x110]  }
0x22e: {  	v45 =	vmul.f32 $8.000000000e+00, v39  }
0x22f: {  	v40 =	vmul.f32 $8.000000000e+00, v40;
	v47 =	vadd.s32 v18, v33  }
0x230: {  	v48 =	vmul.f32 $8.000000000e+00, v42;
	[tilespmem:v41+s15+$0x0] =	vst.idx.msk $0xffff, v45  }
0x231: {  	[tilespmem:v43+s15+$0x0] =	vst.idx.msk $0xffff, v40;
	v49 =	vld [tilespmem:s30+$0xFFFFFF10]  }
0x232: {  	[tilespmem:v63+s15+$0x0] =	vst.idx.msk $0xffff, v48;
	v40 =	vld [tilespmem:s30+$0x10];
	v39 =	vmul.f32 $8.000000000e+00, v46  }
0x233: {  	v50 =	vadd.s32 v18, v34;
	v41 =	vld [tilespmem:s30+$0xFFFFFE10]  }
0x234: {  	v51 =	vadd.s32 v2, v36;
	[tilespmem:v47+s15+$0x0] =	vst.idx.msk $0xffff, v39  }
0x235: {  	v52 =	vadd.s32 v2, v38;
	v54 =	vld [tilespmem:s30+$0x120]  }
0x236: {  	v53 =	vmul.f32 $8.000000000e+00, v49  }
0x237: {  	v55 =	vadd.s32 v19, v33;
	v40 =	vmul.f32 $8.000000000e+00, v40  }
0x238: {  	v56 =	vmul.f32 $8.000000000e+00, v41;
	[tilespmem:v50+s15+$0x0] =	vst.idx.msk $0xffff, v53  }
0x239: {  	[tilespmem:v51+s15+$0x0] =	vst.idx.msk $0xffff, v40;
	v57 =	vld [tilespmem:s30+$0xFFFFFF20]  }
0x23a: {  	[tilespmem:v52+s15+$0x0] =	vst.idx.msk $0xffff, v56;
	v40 =	vld [tilespmem:s30+$0x20];
	v59 =	vmul.f32 $8.000000000e+00, v54  }
0x23b: {  	v58 =	vadd.s32 v19, v34;
	v60 =	vld [tilespmem:s30+$0xFFFFFE20]  }
0x23c: {  	v61 =	vadd.s32 v3, v36;
	[tilespmem:v55+s15+$0x0] =	vst.idx.msk $0xffff, v59  }
0x23d: {  	v62 =	vadd.s32 v3, v38;
	v44 =	vld [tilespmem:s30+$0x130]  }
0x23e: {  	v63 =	vmul.f32 $8.000000000e+00, v57  }
0x23f: {  	v33 =	vadd.s32 v20, v33;
	v40 =	vmul.f32 $8.000000000e+00, v40  }
0x240: {  	v45 =	vmul.f32 $8.000000000e+00, v60;
	[tilespmem:v58+s15+$0x0] =	vst.idx.msk $0xffff, v63  }
0x241: {  	s1 =	simm.s32 $0xD;
	[tilespmem:v61+s15+$0x0] =	vst.idx.msk $0xffff, v40;
	v39 =	vld [tilespmem:s30+$0xFFFFFF30]  }
0x242: {  	v47 =	vmov s1;
	[tilespmem:v62+s15+$0x0] =	vst.idx.msk $0xffff, v45;
	v40 =	vld [tilespmem:s30+$0x30];
	v46 =	vmul.f32 $8.000000000e+00, v44  }
0x243: {  	v34 =	vadd.s32 v20, v34;
	v37 =	vshrl.u32 v47, $0x3;
	v48 =	vld [tilespmem:s30+$0xFFFFFE30]  }
0x244: {  	v36 =	vadd.s32 v4, v36;
	s1 =	simm.s32 $0x5;
	v51 =	vshll.u32 v37, v1;
	[tilespmem:v33+s15+$0x0] =	vst.idx.msk $0xffff, v46  }
0x245: {  	s17 =	simm.s32 $0x1;
	v52 =	vadd.s32 v4, v38;
	v50 =	vmov s1;
	v33 =	vbroadcast v51, $0x0;
	v54 =	vld [tilespmem:s30+$0x140]  }
0x246: {  	s18 =	simm.s32 $0x9;
	v49 =	vmov s17;
	v43 =	vshrl.u32 v50, $0x3;
	v53 =	vmul.f32 $8.000000000e+00, v39  }
0x247: {  	v55 =	vmov s18;
	v40 =	vmul.f32 $8.000000000e+00, v40;
	v56 =	vadd.s32 v21, v33  }
0x248: {  	v43 =	vshll.u32 v43, v1;
	v39 =	vshrl.u32 v55, $0x3;
	v58 =	vmul.f32 $8.000000000e+00, v48;
	[tilespmem:v34+s15+$0x0] =	vst.idx.msk $0xffff, v53  }
0x249: {  	v43 =	vbroadcast v43, $0x0;
	v60 =	vshrl.u32 v49, $0x3;
	v57 =	vshll.u32 v39, v1;
	[tilespmem:v36+s15+$0x0] =	vst.idx.msk $0xffff, v40;
	v59 =	vld [tilespmem:s30+$0xFFFFFF40]  }
0x24a: {  	v37 =	vbroadcast v57, $0x0;
	v36 =	vshll.u32 v60, v1;
	[tilespmem:v52+s15+$0x0] =	vst.idx.msk $0xffff, v58;
	v40 =	vld [tilespmem:s30+$0x40];
	v38 =	vmul.f32 $8.000000000e+00, v54  }
0x24b: {  	v61 =	vadd.s32 v21, v43;
	v39 =	vld [tilespmem:s30+$0xFFFFFE40];
	v42 =	vbroadcast v36, $0x0  }
0x24c: {  	v62 =	vadd.s32 v5, v37;
	[tilespmem:v56+s15+$0x0] =	vst.idx.msk $0xffff, v38  }
0x24d: {  	v63 =	vadd.s32 v5, v42;
	v45 =	vld [tilespmem:s30+$0x150]  }
0x24e: {  	v44 =	vmul.f32 $8.000000000e+00, v59  }
0x24f: {  	v46 =	vadd.s32 v22, v33;
	v40 =	vmul.f32 $8.000000000e+00, v40  }
0x250: {  	v47 =	vmul.f32 $8.000000000e+00, v39;
	[tilespmem:v61+s15+$0x0] =	vst.idx.msk $0xffff, v44  }
0x251: {  	[tilespmem:v62+s15+$0x0] =	vst.idx.msk $0xffff, v40;
	v48 =	vld [tilespmem:s30+$0xFFFFFF50]  }
0x252: {  	[tilespmem:v63+s15+$0x0] =	vst.idx.msk $0xffff, v47;
	v36 =	vld [tilespmem:s30+$0x50];
	v50 =	vmul.f32 $8.000000000e+00, v45  }
0x253: {  	v49 =	vadd.s32 v22, v43;
	v51 =	vld [tilespmem:s30+$0xFFFFFE50]  }
0x254: {  	v52 =	vadd.s32 v6, v37;
	[tilespmem:v46+s15+$0x0] =	vst.idx.msk $0xffff, v50  }
0x255: {  	v53 =	vadd.s32 v6, v42;
	v55 =	vld [tilespmem:s30+$0x160]  }
0x256: {  	v54 =	vmul.f32 $8.000000000e+00, v48  }
0x257: {  	s21 =	simm.s32 $0x2;
	v56 =	vadd.s32 v23, v33;
	v36 =	vmul.f32 $8.000000000e+00, v36  }
0x258: {  	v60 =	vmov s21;
	v57 =	vmul.f32 $8.000000000e+00, v51;
	[tilespmem:v49+s15+$0x0] =	vst.idx.msk $0xffff, v54  }
0x259: {  	s31 =	simm.s32 $0x10;
	s21 =	simm.s32 $0x1C;
	v41 =	vshrl.u32 v60, $0x3;
	[tilespmem:v52+s15+$0x0] =	vst.idx.msk $0xffff, v36;
	v58 =	vld [tilespmem:s30+$0xFFFFFF60]  }
0x25a: {  	s1 =	simm.s32 $0xA;
	v60 =	vmov s21;
	v59 =	vmov s31;
	[tilespmem:v53+s15+$0x0] =	vst.idx.msk $0xffff, v57;
	v44 =	vld [tilespmem:s30+$0x60];
	v62 =	vmul.f32 $8.000000000e+00, v55  }
0x25b: {  	v61 =	vadd.s32 v23, v43;
	v63 =	vmov s1;
	v47 =	vadd.s32 v7, v37;
	v46 =	vld [tilespmem:s30+$0xFFFFFE60]  }
0x25c: {  	s17 =	simm.s32 $0x14;
	v43 =	vadd.s32 v24, v43;
	v37 =	vadd.s32 v8, v37;
	v39 =	vshrl.u32 v63, $0x3;
	[tilespmem:v56+s15+$0x0] =	vst.idx.msk $0xffff, v62  }
0x25d: {  	s22 =	simm.s32 $0x6;
	v39 =	vshll.u32 v39, v1;
	v48 =	vmov s17;
	v53 =	vadd.s32 v7, v42;
	v54 =	vld [tilespmem:s30+$0x170]  }
0x25e: {  	v45 =	vmov s22;
	v48 =	vshrl.u32 v48, $0x3;
	v40 =	vmul.f32 $8.000000000e+00, v58  }
0x25f: {  	s18 =	simm.s32 $0x18;
	v36 =	vshrl.u32 v59, $0x3;
	v44 =	vmul.f32 $8.000000000e+00, v44;
	v55 =	vadd.s32 v24, v33  }
0x260: {  	v49 =	vmov s18;
	v36 =	vshll.u32 v36, v1;
	[tilespmem:v61+s15+$0x0] =	vst.idx.msk $0xffff, v40;
	v56 =	vmul.f32 $8.000000000e+00, v46  }
0x261: {  	s22 =	simm.s32 $0xE;
	v52 =	vshrl.u32 v45, $0x3;
	v59 =	vshll.u32 v48, v1;
	v33 =	vbroadcast v36, $0x0;
	[tilespmem:v47+s15+$0x0] =	vst.idx.msk $0xffff, v44;
	v57 =	vld [tilespmem:s30+$0xFFFFFF70]  }
0x262: {  	v36 =	vshrl.u32 v60, $0x3;
	v62 =	vmov s22;
	v44 =	vld [tilespmem:s30+$0x70];
	[tilespmem:v53+s15+$0x0] =	vst.idx.msk $0xffff, v56;
	v61 =	vmul.f32 $8.000000000e+00, v54  }
0x263: {  	s29 =	simm.s32 $0x8A00;
	v36 =	vshll.u32 v36, v1;
	v40 =	vshll.u32 v41, v1;
	v41 =	vshrl.u32 v62, $0x3;
	v63 =	vld [tilespmem:s30+$0xFFFFFE70]  }
0x264: {  	v42 =	vadd.s32 v8, v42;
	v36 =	vbroadcast v36, $0x0;
	v56 =	vld [tilespmem:s29+$0x100];
	v58 =	vshll.u32 v41, v1;
	[tilespmem:v55+s15+$0x0] =	vst.idx.msk $0xffff, v61  }
0x265: {  	v49 =	vshrl.u32 v49, $0x3;
	v34 =	vshll.u32 v52, v1;
	v35 =	vbroadcast v58, $0x0;
	v60 =	vld [tilespmem:s30+$0x180]  }
0x266: {  	v49 =	vshll.u32 v49, v1;
	v50 =	vadd.s32 v17, v36;
	v46 =	vmul.f32 $8.000000000e+00, v57;
	v61 =	vld [tilespmem:s29+$0xFFFFFE00]  }
0x267: {  	v51 =	vld [tilespmem:s29+$0xFFFFFF00];
	v41 =	vbroadcast v59, $0x0;
	v52 =	vadd.s32 v25, v35;
	v44 =	vmul.f32 $8.000000000e+00, v44  }
0x268: {  	v49 =	vbroadcast v49, $0x0;
	v62 =	vadd.s32 v0, v33;
	v57 =	vld [tilespmem:s29+$0x0];
	v45 =	vmul.f32 $8.000000000e+00, v63;
	[tilespmem:v43+s15+$0x0] =	vst.idx.msk $0xffff, v46  }
0x269: {  	v53 =	vbroadcast v34, $0x0;
	v58 =	vadd.s32 v17, v41;
	v38 =	vmul.f32 $8.000000000e+00, v56;
	[tilespmem:v37+s15+$0x0] =	vst.idx.msk $0xffff, v44;
	v59 =	vld [tilespmem:s30+$0xFFFFFF80]  }
0x26a: {  	v39 =	vbroadcast v39, $0x0;
	[tilespmem:v42+s15+$0x0] =	vst.idx.msk $0xffff, v45;
	v42 =	vadd.s32 v0, v49;
	v45 =	vld [tilespmem:s30+$0x80];
	v47 =	vmul.f32 $8.000000000e+00, v60  }
0x26b: {  	v34 =	vbroadcast v40, $0x0;
	v63 =	vadd.s32 v25, v53;
	[tilespmem:v50+s15+$0x0] =	vst.idx.msk $0xffff, v38;
	v38 =	vld [tilespmem:s30+$0xFFFFFE80];
	v48 =	vmul.f32 $8.000000000e+00, v61  }
0x26c: {  	s1 =	simm.s32 $0x3;
	v40 =	vadd.s32 v18, v41;
	v55 =	vadd.s32 v9, v39;
	v61 =	vld [tilespmem:s29+$0x110];
	v60 =	vmul.f32 $8.000000000e+00, v51;
	[tilespmem:v52+s15+$0x0] =	vst.idx.msk $0xffff, v47  }
0x26d: {  	s21 =	simm.s32 $0x11;
	v54 =	vmov s1;
	v46 =	vadd.s32 v9, v34;
	[tilespmem:v62+s15+$0x0] =	vst.idx.msk $0xffff, v48;
	v62 =	vmul.f32 $8.000000000e+00, v57;
	v48 =	vld [tilespmem:s30+$0x190]  }
0x26e: {  	s18 =	simm.s32 $0xB;
	v56 =	vmov s21;
	v37 =	vadd.s32 v18, v36;
	v44 =	vmul.f32 $8.000000000e+00, v59;
	v52 =	vld [tilespmem:s29+$0xFFFFFE10];
	[tilespmem:v58+s15+$0x0] =	vst.idx.msk $0xffff, v60  }
0x26f: {  	v43 =	vadd.s32 v26, v35;
	v50 =	vmov s18;
	v57 =	vld [tilespmem:s29+$0xFFFFFF10];
	[tilespmem:v42+s15+$0x0] =	vst.idx.msk $0xffff, v62;
	v42 =	vmul.f32 $8.000000000e+00, v45  }
0x270: {  	s17 =	simm.s32 $0x7;
	s22 =	simm.s32 $0x15;
	v50 =	vshrl.u32 v50, $0x3;
	v38 =	vmul.f32 $8.000000000e+00, v38;
	[tilespmem:v63+s15+$0x0] =	vst.idx.msk $0xffff, v44;
	v45 =	vadd.s32 v2, v33;
	v59 =	vld [tilespmem:s29+$0x10]  }
0x271: {  	s1 =	simm.s32 $0x19;
	v47 =	vmov s17;
	v58 =	vmov s22;
	v60 =	vld [tilespmem:s30+$0xFFFFFF90];
	v51 =	vmul.f32 $8.000000000e+00, v61;
	[tilespmem:v55+s15+$0x0] =	vst.idx.msk $0xffff, v42  }
0x272: {  	v44 =	vmov s1;
	[tilespmem:v46+s15+$0x0] =	vst.idx.msk $0xffff, v38;
	v42 =	vadd.s32 v2, v49;
	v63 =	vld [tilespmem:s30+$0x90];
	v48 =	vmul.f32 $8.000000000e+00, v48  }
0x273: {  	v47 =	vshrl.u32 v47, $0x3;
	[tilespmem:v37+s15+$0x0] =	vst.idx.msk $0xffff, v51;
	v37 =	vld [tilespmem:s30+$0xFFFFFE90];
	v51 =	vadd.s32 v26, v53;
	v52 =	vmul.f32 $8.000000000e+00, v52  }
0x274: {  	v38 =	vshrl.u32 v54, $0x3;
	v55 =	vld [tilespmem:s29+$0x120];
	v61 =	vmul.f32 $8.000000000e+00, v57;
	v57 =	vadd.s32 v10, v39;
	[tilespmem:v43+s15+$0x0] =	vst.idx.msk $0xffff, v48  }
0x275: {  	v54 =	vadd.s32 v19, v36;
	[tilespmem:v45+s15+$0x0] =	vst.idx.msk $0xffff, v52;
	v62 =	vmul.f32 $8.000000000e+00, v59;
	v48 =	vadd.s32 v10, v34;
	v52 =	vld [tilespmem:s30+$0x1A0]  }
0x276: {  	v43 =	vshrl.u32 v56, $0x3;
	v56 =	vld [tilespmem:s29+$0xFFFFFE20];
	[tilespmem:v40+s15+$0x0] =	vst.idx.msk $0xffff, v61;
	v40 =	vshrl.u32 v58, $0x3;
	v58 =	vmul.f32 $8.000000000e+00, v60  }
0x277: {  	v45 =	vadd.s32 v27, v35;
	v59 =	vld [tilespmem:s29+$0xFFFFFF20];
	[tilespmem:v42+s15+$0x0] =	vst.idx.msk $0xffff, v62;
	v42 =	vshrl.u32 v44, $0x3;
	v44 =	vmul.f32 $8.000000000e+00, v63  }
0x278: {  	v46 =	vadd.s32 v3, v33;
	v47 =	vshll.u32 v47, v1;
	v37 =	vmul.f32 $8.000000000e+00, v37;
	v60 =	vld [tilespmem:s29+$0x20];
	[tilespmem:v51+s15+$0x0] =	vst.idx.msk $0xffff, v58  }
0x279: {  	v33 =	vadd.s32 v4, v33;
	v51 =	vadd.s32 v19, v41;
	v55 =	vmul.f32 $8.000000000e+00, v55;
	v58 =	vld [tilespmem:s30+$0xFFFFFFA0];
	[tilespmem:v57+s15+$0x0] =	vst.idx.msk $0xffff, v44  }
0x27a: {  	v44 =	vadd.s32 v3, v49;
	[tilespmem:v48+s15+$0x0] =	vst.idx.msk $0xffff, v37;
	v37 =	vld [tilespmem:s30+$0xA0];
	v48 =	vshll.u32 v50, v1;
	v50 =	vmul.f32 $8.000000000e+00, v52  }
0x27b: {  	v36 =	vadd.s32 v20, v36;
	[tilespmem:v54+s15+$0x0] =	vst.idx.msk $0xffff, v55;
	v55 =	vadd.s32 v27, v53;
	v63 =	vmul.f32 $8.000000000e+00, v56;
	v54 =	vld [tilespmem:s30+$0xFFFFFEA0]  }
0x27c: {  	v38 =	vshll.u32 v38, v1;
	v62 =	vld [tilespmem:s29+$0x130];
	v61 =	vmul.f32 $8.000000000e+00, v59;
	v59 =	vadd.s32 v11, v39;
	[tilespmem:v45+s15+$0x0] =	vst.idx.msk $0xffff, v50  }
0x27d: {  	v35 =	vadd.s32 v28, v35;
	[tilespmem:v46+s15+$0x0] =	vst.idx.msk $0xffff, v63;
	v63 =	vmul.f32 $8.000000000e+00, v60;
	v46 =	vadd.s32 v11, v34;
	v50 =	vld [tilespmem:s30+$0x1B0]  }
0x27e: {  	v43 =	vshll.u32 v43, v1;
	v42 =	vshll.u32 v42, v1;
	v52 =	vld [tilespmem:s29+$0xFFFFFE30];
	[tilespmem:v51+s15+$0x0] =	vst.idx.msk $0xffff, v61;
	v60 =	vmul.f32 $8.000000000e+00, v58  }
0x27f: {  	v41 =	vadd.s32 v20, v41;
	v57 =	vshll.u32 v40, v1;
	v56 =	vld [tilespmem:s29+$0xFFFFFF30];
	[tilespmem:v44+s15+$0x0] =	vst.idx.msk $0xffff, v63;
	v37 =	vmul.f32 $8.000000000e+00, v37  }
0x280: {  	s17 =	simm.s32 $0x1D;
	v49 =	vadd.s32 v4, v49;
	v53 =	vadd.s32 v28, v53;
	v44 =	vld [tilespmem:s29+$0x30];
	[tilespmem:v55+s15+$0x0] =	vst.idx.msk $0xffff, v60;
	v61 =	vmul.f32 $8.000000000e+00, v54  }
0x281: {  	s18 =	simm.s32 $0xF;
	v51 =	vadd.s32 v12, v39;
	v63 =	vmov s17;
	v62 =	vmul.f32 $8.000000000e+00, v62;
	v54 =	vld [tilespmem:s30+$0xFFFFFFB0];
	[tilespmem:v59+s15+$0x0] =	vst.idx.msk $0xffff, v37  }
0x282: {  	v58 =	vshrl.u32 v63, $0x3;
	v60 =	vmov s18;
	[tilespmem:v46+s15+$0x0] =	vst.idx.msk $0xffff, v61;
	v46 =	vld [tilespmem:s30+$0xB0];
	v59 =	vmul.f32 $8.000000000e+00, v50  }
0x283: {  	v45 =	vshrl.u32 v60, $0x3;
	[tilespmem:v36+s15+$0x0] =	vst.idx.msk $0xffff, v62;
	v62 =	vshll.u32 v58, v1;
	v61 =	vmul.f32 $8.000000000e+00, v52;
	v37 =	vld [tilespmem:s30+$0xFFFFFEB0]  }
0x284: {  	v45 =	vshll.u32 v45, v1;
	v55 =	vld [tilespmem:s29+$0x140];
	v39 =	vbroadcast v62, $0x0;
	v63 =	vmul.f32 $8.000000000e+00, v56;
	[tilespmem:v35+s15+$0x0] =	vst.idx.msk $0xffff, v59  }
0x285: {  	v34 =	vadd.s32 v12, v34;
	v40 =	vbroadcast v45, $0x0;
	[tilespmem:v33+s15+$0x0] =	vst.idx.msk $0xffff, v61;
	v56 =	vmul.f32 $8.000000000e+00, v44;
	v36 =	vld [tilespmem:s30+$0x1C0]  }
0x286: {  	v44 =	vbroadcast v43, $0x0;
	v35 =	vld [tilespmem:s29+$0xFFFFFE40];
	[tilespmem:v41+s15+$0x0] =	vst.idx.msk $0xffff, v63;
	v41 =	vadd.s32 v21, v39;
	v58 =	vmul.f32 $8.000000000e+00, v54  }
0x287: {  	v45 =	vbroadcast v57, $0x0;
	v61 =	vadd.s32 v29, v40;
	v59 =	vld [tilespmem:s29+$0xFFFFFF40];
	[tilespmem:v49+s15+$0x0] =	vst.idx.msk $0xffff, v56;
	v60 =	vmul.f32 $8.000000000e+00, v46  }
0x288: {  	v62 =	vadd.s32 v5, v44;
	v49 =	vbroadcast v42, $0x0;
	v63 =	vld [tilespmem:s29+$0x40];
	[tilespmem:v53+s15+$0x0] =	vst.idx.msk $0xffff, v58;
	v37 =	vmul.f32 $8.000000000e+00, v37  }
0x289: {  	v47 =	vbroadcast v47, $0x0;
	v57 =	vadd.s32 v21, v45;
	v58 =	vmul.f32 $8.000000000e+00, v55;
	v53 =	vld [tilespmem:s30+$0xFFFFFFC0];
	[tilespmem:v51+s15+$0x0] =	vst.idx.msk $0xffff, v60  }
0x28a: {  	v55 =	vbroadcast v48, $0x0;
	v51 =	vadd.s32 v5, v49;
	[tilespmem:v34+s15+$0x0] =	vst.idx.msk $0xffff, v37;
	v34 =	vld [tilespmem:s30+$0xC0];
	v36 =	vmul.f32 $8.000000000e+00, v36  }
0x28b: {  	s0 =	simm.s32 $0x20;
	v33 =	vbroadcast v38, $0x0;
	v38 =	vadd.s32 v29, v47;
	v35 =	vmul.f32 $8.000000000e+00, v35;
	[tilespmem:v41+s15+$0x0] =	vst.idx.msk $0xffff, v58;
	v37 =	vld [tilespmem:s30+$0xFFFFFEC0]  }
0x28c: {  	v50 =	vadd.s32 v13, v55;
	v41 =	vmov s0;
	v59 =	vmul.f32 $8.000000000e+00, v59;
	v48 =	vld [tilespmem:s29+$0x150];
	[tilespmem:v61+s15+$0x0] =	vst.idx.msk $0xffff, v36  }
0x28d: {  	s21 =	simm.s32 $0x12;
	v46 =	vadd.s32 v13, v33;
	v41 =	vshrl.u32 v41, $0x3;
	[tilespmem:v62+s15+$0x0] =	vst.idx.msk $0xffff, v35;
	v36 =	vmul.f32 $8.000000000e+00, v63;
	v52 =	vld [tilespmem:s30+$0x1D0]  }
0x28e: {  	v35 =	vmov s21;
	v62 =	vadd.s32 v22, v39;
	v60 =	vld [tilespmem:s29+$0xFFFFFE50];
	[tilespmem:v57+s15+$0x0] =	vst.idx.msk $0xffff, v59;
	v53 =	vmul.f32 $8.000000000e+00, v53  }
0x28f: {  	s22 =	simm.s32 $0x16;
	v41 =	vshll.u32 v41, v1;
	v63 =	vld [tilespmem:s29+$0xFFFFFF50];
	[tilespmem:v51+s15+$0x0] =	vst.idx.msk $0xffff, v36;
	v34 =	vmul.f32 $8.000000000e+00, v34;
	v51 =	vadd.s32 v30, v40  }
0x290: {  	v61 =	vmov s22;
	v57 =	vadd.s32 v6, v44;
	[tilespmem:v38+s15+$0x0] =	vst.idx.msk $0xffff, v53;
	v58 =	vld [tilespmem:s29+$0x50];
	v37 =	vmul.f32 $8.000000000e+00, v37  }
0x291: {  	v35 =	vshrl.u32 v35, $0x3;
	v53 =	vadd.s32 v22, v45;
	v48 =	vmul.f32 $8.000000000e+00, v48;
	v59 =	vld [tilespmem:s30+$0xFFFFFFD0];
	[tilespmem:v50+s15+$0x0] =	vst.idx.msk $0xffff, v34  }
0x292: {  	v42 =	vshrl.u32 v61, $0x3;
	v50 =	vadd.s32 v6, v49;
	[tilespmem:v46+s15+$0x0] =	vst.idx.msk $0xffff, v37;
	v37 =	vld [tilespmem:s30+$0xD0];
	v46 =	vmul.f32 $8.000000000e+00, v52  }
0x293: {  	s17 =	simm.s32 $0x1A;
	v35 =	vshll.u32 v35, v1;
	[tilespmem:v62+s15+$0x0] =	vst.idx.msk $0xffff, v48;
	v48 =	vadd.s32 v30, v47;
	v52 =	vmul.f32 $8.000000000e+00, v60;
	v43 =	vld [tilespmem:s30+$0xFFFFFED0]  }
0x294: {  	s18 =	simm.s32 $0x24;
	v36 =	vmov s17;
	v54 =	vmul.f32 $8.000000000e+00, v63;
	v56 =	vld [tilespmem:s29+$0x160];
	v60 =	vadd.s32 v14, v55;
	[tilespmem:v51+s15+$0x0] =	vst.idx.msk $0xffff, v46  }
0x295: {  	s21 =	simm.s32 $0x28;
	v38 =	vmov s18;
	[tilespmem:v57+s15+$0x0] =	vst.idx.msk $0xffff, v52;
	v46 =	vmul.f32 $8.000000000e+00, v58;
	v51 =	vadd.s32 v14, v33;
	v57 =	vld [tilespmem:s30+$0x1E0]  }
0x296: {  	v34 =	vmov s21;
	[tilespmem:v53+s15+$0x0] =	vst.idx.msk $0xffff, v54;
	v53 =	vadd.s32 v23, v39;
	v54 =	vmul.f32 $8.000000000e+00, v59;
	v58 =	vld [tilespmem:s29+$0xFFFFFE60]  }
0x297: {  	v59 =	vshrl.u32 v38, $0x3;
	v61 =	vld [tilespmem:s29+$0xFFFFFF60];
	[tilespmem:v50+s15+$0x0] =	vst.idx.msk $0xffff, v46;
	v37 =	vmul.f32 $8.000000000e+00, v37;
	v46 =	vadd.s32 v31, v40  }
0x298: {  	v52 =	vshrl.u32 v34, $0x3;
	v34 =	vadd.s32 v7, v44;
	[tilespmem:v48+s15+$0x0] =	vst.idx.msk $0xffff, v54;
	v50 =	vld [tilespmem:s29+$0x60];
	v38 =	vmul.f32 $8.000000000e+00, v43  }
0x299: {  	v36 =	vshrl.u32 v36, $0x3;
	v48 =	vadd.s32 v23, v45;
	v43 =	vmul.f32 $8.000000000e+00, v56;
	v56 =	vld [tilespmem:s30+$0xFFFFFFE0];
	[tilespmem:v60+s15+$0x0] =	vst.idx.msk $0xffff, v37  }
0x29a: {  	v37 =	vshll.u32 v42, v1;
	v60 =	vadd.s32 v7, v49;
	[tilespmem:v51+s15+$0x0] =	vst.idx.msk $0xffff, v38;
	v51 =	vld [tilespmem:s30+$0xE0];
	v42 =	vmul.f32 $8.000000000e+00, v57  }
0x29b: {  	v63 =	vadd.s32 v15, v55;
	[tilespmem:v53+s15+$0x0] =	vst.idx.msk $0xffff, v43;
	v57 =	vmul.f32 $8.000000000e+00, v58;
	v53 =	vld [tilespmem:s30+$0xFFFFFEE0];
	v58 =	vadd.s32 v31, v47  }
0x29c: {  	v44 =	vadd.s32 v8, v44;
	v38 =	vshll.u32 v36, v1;
	v61 =	vmul.f32 $8.000000000e+00, v61;
	v62 =	vld [tilespmem:s29+$0x170];
	[tilespmem:v46+s15+$0x0] =	vst.idx.msk $0xffff, v42  }
0x29d: {  	v36 =	vbroadcast v41, $0x0;
	v41 =	vadd.s32 v15, v33;
	[tilespmem:v34+s15+$0x0] =	vst.idx.msk $0xffff, v57;
	v46 =	vmul.f32 $8.000000000e+00, v50;
	v42 =	vld [tilespmem:s30+$0x1F0]  }
0x29e: {  	v54 =	vshll.u32 v59, v1;
	[tilespmem:v48+s15+$0x0] =	vst.idx.msk $0xffff, v61;
	v48 =	vadd.s32 v24, v39;
	v56 =	vmul.f32 $8.000000000e+00, v56;
	v43 =	vld [tilespmem:s29+$0xFFFFFE70]  }
0x29f: {  	v40 =	vadd.s32 v32, v40;
	v49 =	vadd.s32 v8, v49;
	v50 =	vld [tilespmem:s29+$0xFFFFFF70];
	[tilespmem:v60+s15+$0x0] =	vst.idx.msk $0xffff, v46;
	v61 =	vmul.f32 $8.000000000e+00, v51  }
0x2a0: {  	s22 =	simm.s32 $0x2C;
	v39 =	vadd.s32 v32, v47;
	v34 =	vadd.s32 v16, v55;
	v51 =	vld [tilespmem:s29+$0x70];
	v46 =	vmul.f32 $8.000000000e+00, v53;
	[tilespmem:v58+s15+$0x0] =	vst.idx.msk $0xffff, v56  }
0x2a1: {  	s1 =	simm.s32 $0x30;
	s17 =	simm.s32 $0x1E;
	v47 =	vadd.s32 v24, v45;
	v55 =	vmov s22;
	v53 =	vmul.f32 $8.000000000e+00, v62;
	v45 =	vld [tilespmem:s30+$0xFFFFFFF0];
	[tilespmem:v63+s15+$0x0] =	vst.idx.msk $0xffff, v61  }
.LBB2_9:
0x2a2: {  	p0 =	slt.u32 s1, $0x70;
	v55 =	vshrl.u32 v55, $0x3;
	v56 =	vmov s17;
	[tilespmem:v41+s15+$0x0] =	vst.idx.msk $0xffff, v46;
	v46 =	vld [tilespmem:s30+$0xF0];
	v42 =	vmul.f32 $8.000000000e+00, v42  }
0x2a3: {  	v41 =	vshll.u32 v55, v1;
	v43 =	vmul.f32 $8.000000000e+00, v43;
	[tilespmem:v48+s15+$0x0] =	vst.idx.msk $0xffff, v53;
	v48 =	vshrl.u32 v56, $0x3;
	v53 =	vld [tilespmem:s30+$0xFFFFFEF0];
	s30 =	smov.u32 s29;
	s29 =	sadd.s32 $0x400, s29  }
0x2a4: {  	v55 =	vld [tilespmem:s29+$0x100];
	v41 =	vbroadcast v41, $0x0;
	v50 =	vmul.f32 $8.000000000e+00, v50;
	v48 =	vshll.u32 v48, v1;
	[tilespmem:v40+s15+$0x0] =	vst.idx.msk $0xffff, v42  }
0x2a5: {  	v33 =	vadd.s32 v16, v33;
	[tilespmem:v44+s15+$0x0] =	vst.idx.msk $0xffff, v43;
	v43 =	vmul.f32 $8.000000000e+00, v51;
	v44 =	vld [tilespmem:s30+$0x180];
	v40 =	vbroadcast v48, $0x0  }
0x2a6: {  	v51 =	vshll.u32 v52, v1;
	v48 =	vld [tilespmem:s29+$0xFFFFFE00];
	v52 =	vadd.s32 v17, v41;
	[tilespmem:v47+s15+$0x0] =	vst.idx.msk $0xffff, v50;
	v45 =	vmul.f32 $8.000000000e+00, v45  }
0x2a7: {  	v42 =	vbroadcast v54, $0x0;
	v47 =	vld [tilespmem:s29+$0xFFFFFF00];
	[tilespmem:v49+s15+$0x0] =	vst.idx.msk $0xffff, v43;
	v49 =	vadd.s32 v25, v40;
	v46 =	vmul.f32 $8.000000000e+00, v46  }
0x2a8: {  	v50 =	vadd.s32 v0, v36;
	v43 =	vbroadcast v51, $0x0;
	v54 =	vld [tilespmem:s29+$0x0];
	v51 =	vmul.f32 $8.000000000e+00, v53;
	[tilespmem:v39+s15+$0x0] =	vst.idx.msk $0xffff, v45  }
0x2a9: {  	v37 =	vbroadcast v37, $0x0;
	v39 =	vadd.s32 v17, v42;
	v45 =	vmul.f32 $8.000000000e+00, v55;
	v53 =	vld [tilespmem:s30+$0xFFFFFF80];
	[tilespmem:v34+s15+$0x0] =	vst.idx.msk $0xffff, v46  }
0x2aa: {  	v46 =	vadd.s32 v0, v43;
	v34 =	vbroadcast v38, $0x0;
	v55 =	vld [tilespmem:s30+$0x80];
	v38 =	vmul.f32 $8.000000000e+00, v44;
	[tilespmem:v33+s15+$0x0] =	vst.idx.msk $0xffff, v51  }
0x2ab: {  	s17 =	sadd.s32 $0x3, s31;
	v33 =	vbroadcast v35, $0x0;
	v35 =	vadd.s32 v25, v37;
	v44 =	vmul.f32 $8.000000000e+00, v48;
	[tilespmem:v52+s15+$0x0] =	vst.idx.msk $0xffff, v45;
	v45 =	vld [tilespmem:s30+$0xFFFFFE80]  }
0x2ac: {  	v51 =	vmov s17;
	s17 =	sadd.s32 $0x7, s31;
	v52 =	vadd.s32 v9, v34;
	v47 =	vmul.f32 $8.000000000e+00, v47;
	v48 =	vld [tilespmem:s29+$0x110];
	[tilespmem:v49+s15+$0x0] =	vst.idx.msk $0xffff, v38  }
0x2ad: {  	v49 =	vmov s17;
	s17 =	sadd.s32 $0xB, s31;
	[tilespmem:v50+s15+$0x0] =	vst.idx.msk $0xffff, v44;
	v38 =	vmul.f32 $8.000000000e+00, v54;
	v44 =	vadd.s32 v9, v33;
	v50 =	vld [tilespmem:s30+$0x190]  }
0x2ae: {  	s18 =	sadd.s32 $0x1, s0;
	v54 =	vld [tilespmem:s29+$0xFFFFFE10];
	[tilespmem:v39+s15+$0x0] =	vst.idx.msk $0xffff, v47;
	v39 =	vadd.s32 v18, v41;
	v47 =	vmul.f32 $8.000000000e+00, v53;
	v53 =	vmov s17  }
0x2af: {  	v56 =	vmov s18;
	s17 =	sadd.s32 $0x5, s0;
	v57 =	vld [tilespmem:s29+$0xFFFFFF10];
	[tilespmem:v46+s15+$0x0] =	vst.idx.msk $0xffff, v38;
	v38 =	vmul.f32 $8.000000000e+00, v55;
	v46 =	vadd.s32 v26, v40  }
0x2b0: {  	v55 =	vadd.s32 v2, v36;
	v58 =	vmov s17;
	s17 =	sadd.s32 $0x9, s0;
	v59 =	vld [tilespmem:s29+$0x10];
	v45 =	vmul.f32 $8.000000000e+00, v45;
	[tilespmem:v35+s15+$0x0] =	vst.idx.msk $0xffff, v47  }
0x2b1: {  	v35 =	vadd.s32 v18, v42;
	v47 =	vmov s17;
	v48 =	vmul.f32 $8.000000000e+00, v48;
	v60 =	vld [tilespmem:s30+$0xFFFFFF90];
	[tilespmem:v52+s15+$0x0] =	vst.idx.msk $0xffff, v38  }
0x2b2: {  	v38 =	vadd.s32 v2, v43;
	[tilespmem:v44+s15+$0x0] =	vst.idx.msk $0xffff, v45;
	v44 =	vshrl.u32 v51, $0x3;
	v45 =	vld [tilespmem:s30+$0x90];
	v50 =	vmul.f32 $8.000000000e+00, v50  }
0x2b3: {  	v49 =	vshrl.u32 v49, $0x3;
	v51 =	vmul.f32 $8.000000000e+00, v54;
	[tilespmem:v39+s15+$0x0] =	vst.idx.msk $0xffff, v48;
	v39 =	vld [tilespmem:s30+$0xFFFFFE90];
	v48 =	vadd.s32 v26, v37  }
0x2b4: {  	v53 =	vshrl.u32 v53, $0x3;
	v52 =	vmul.f32 $8.000000000e+00, v57;
	v54 =	vld [tilespmem:s29+$0x120];
	v57 =	vadd.s32 v10, v34;
	[tilespmem:v46+s15+$0x0] =	vst.idx.msk $0xffff, v50  }
0x2b5: {  	v46 =	vshrl.u32 v56, $0x3;
	[tilespmem:v55+s15+$0x0] =	vst.idx.msk $0xffff, v51;
	v50 =	vmul.f32 $8.000000000e+00, v59;
	v51 =	vadd.s32 v10, v33;
	v55 =	vld [tilespmem:s30+$0x1A0]  }
0x2b6: {  	v56 =	vld [tilespmem:s29+$0xFFFFFE20];
	[tilespmem:v35+s15+$0x0] =	vst.idx.msk $0xffff, v52;
	v35 =	vshrl.u32 v58, $0x3;
	v52 =	vadd.s32 v19, v41;
	v58 =	vmul.f32 $8.000000000e+00, v60  }
0x2b7: {  	v59 =	vld [tilespmem:s29+$0xFFFFFF20];
	[tilespmem:v38+s15+$0x0] =	vst.idx.msk $0xffff, v50;
	v38 =	vshrl.u32 v47, $0x3;
	v45 =	vmul.f32 $8.000000000e+00, v45;
	v47 =	vadd.s32 v27, v40  }
0x2b8: {  	v61 =	vshll.u32 v44, v1;
	v50 =	vadd.s32 v3, v36;
	v60 =	vld [tilespmem:s29+$0x20];
	v39 =	vmul.f32 $8.000000000e+00, v39;
	[tilespmem:v48+s15+$0x0] =	vst.idx.msk $0xffff, v58  }
0x2b9: {  	v44 =	vadd.s32 v19, v42;
	v58 =	vshll.u32 v49, v1;
	v48 =	vmul.f32 $8.000000000e+00, v54;
	v54 =	vld [tilespmem:s30+$0xFFFFFFA0];
	[tilespmem:v57+s15+$0x0] =	vst.idx.msk $0xffff, v45  }
0x2ba: {  	v45 =	vadd.s32 v3, v43;
	[tilespmem:v51+s15+$0x0] =	vst.idx.msk $0xffff, v39;
	v39 =	vld [tilespmem:s30+$0xA0];
	v51 =	vshll.u32 v53, v1;
	v49 =	vmul.f32 $8.000000000e+00, v55  }
0x2bb: {  	v46 =	vshll.u32 v46, v1;
	v53 =	vmul.f32 $8.000000000e+00, v56;
	[tilespmem:v52+s15+$0x0] =	vst.idx.msk $0xffff, v48;
	v48 =	vld [tilespmem:s30+$0xFFFFFEA0];
	v52 =	vadd.s32 v27, v37  }
0x2bc: {  	v35 =	vshll.u32 v35, v1;
	v57 =	vadd.s32 v11, v34;
	v55 =	vmul.f32 $8.000000000e+00, v59;
	v56 =	vld [tilespmem:s29+$0x130];
	[tilespmem:v47+s15+$0x0] =	vst.idx.msk $0xffff, v49  }
0x2bd: {  	v38 =	vshll.u32 v38, v1;
	v49 =	vadd.s32 v11, v33;
	[tilespmem:v50+s15+$0x0] =	vst.idx.msk $0xffff, v53;
	v47 =	vmul.f32 $8.000000000e+00, v60;
	v50 =	vld [tilespmem:s30+$0x1B0]  }
0x2be: {  	v41 =	vadd.s32 v20, v41;
	v36 =	vadd.s32 v4, v36;
	v53 =	vld [tilespmem:s29+$0xFFFFFE30];
	[tilespmem:v44+s15+$0x0] =	vst.idx.msk $0xffff, v55;
	v44 =	vmul.f32 $8.000000000e+00, v54  }
0x2bf: {  	v40 =	vadd.s32 v28, v40;
	v37 =	vadd.s32 v28, v37;
	v54 =	vld [tilespmem:s29+$0xFFFFFF30];
	[tilespmem:v45+s15+$0x0] =	vst.idx.msk $0xffff, v47;
	v39 =	vmul.f32 $8.000000000e+00, v39  }
0x2c0: {  	s17 =	sadd.s32 $0xD, s0;
	v42 =	vadd.s32 v20, v42;
	v45 =	vld [tilespmem:s29+$0x30];
	v47 =	vmul.f32 $8.000000000e+00, v48;
	[tilespmem:v52+s15+$0x0] =	vst.idx.msk $0xffff, v44;
	v48 =	vadd.s32 v12, v34  }
0x2c1: {  	v43 =	vadd.s32 v4, v43;
	v44 =	vmov s17;
	s17 =	sadd.s32 $0xF, s31;
	s31 =	smov.u32 s0;
	s0 =	smov.u32 s1;
	v34 =	vmul.f32 $8.000000000e+00, v56;
	v52 =	vld [tilespmem:s30+$0xFFFFFFB0];
	[tilespmem:v57+s15+$0x0] =	vst.idx.msk $0xffff, v39  }
0x2c2: {  	v39 =	vshrl.u32 v44, $0x3;
	[tilespmem:v49+s15+$0x0] =	vst.idx.msk $0xffff, v47;
	v47 =	vld [tilespmem:s30+$0xB0];
	v44 =	vmul.f32 $8.000000000e+00, v50;
	v49 =	vmov s17  }
0x2c3: {  	v50 =	vmul.f32 $8.000000000e+00, v53;
	[tilespmem:v41+s15+$0x0] =	vst.idx.msk $0xffff, v34;
	v34 =	vshll.u32 v39, v1;
	v39 =	vld [tilespmem:s30+$0xFFFFFEB0];
	v41 =	vshrl.u32 v49, $0x3  }
0x2c4: {  	v49 =	vmul.f32 $8.000000000e+00, v54;
	v53 =	vld [tilespmem:s29+$0x140];
	v34 =	vbroadcast v34, $0x0;
	[tilespmem:v40+s15+$0x0] =	vst.idx.msk $0xffff, v44;
	v40 =	vshll.u32 v41, v1  }
0x2c5: {  	v33 =	vadd.s32 v12, v33;
	[tilespmem:v36+s15+$0x0] =	vst.idx.msk $0xffff, v50;
	v36 =	vmul.f32 $8.000000000e+00, v45;
	v41 =	vld [tilespmem:s30+$0x1C0];
	v40 =	vbroadcast v40, $0x0  }
0x2c6: {  	v44 =	vbroadcast v46, $0x0;
	v50 =	vld [tilespmem:s29+$0xFFFFFE40];
	[tilespmem:v42+s15+$0x0] =	vst.idx.msk $0xffff, v49;
	v42 =	vadd.s32 v21, v34;
	v46 =	vmul.f32 $8.000000000e+00, v52  }
0x2c7: {  	v45 =	vbroadcast v35, $0x0;
	v52 =	vld [tilespmem:s29+$0xFFFFFF40];
	[tilespmem:v43+s15+$0x0] =	vst.idx.msk $0xffff, v36;
	v35 =	vmul.f32 $8.000000000e+00, v47;
	v36 =	vadd.s32 v29, v40  }
0x2c8: {  	v49 =	vbroadcast v38, $0x0;
	v43 =	vadd.s32 v5, v44;
	v47 =	vld [tilespmem:s29+$0x40];
	v38 =	vmul.f32 $8.000000000e+00, v39;
	[tilespmem:v37+s15+$0x0] =	vst.idx.msk $0xffff, v46  }
0x2c9: {  	v37 =	vadd.s32 v21, v45;
	v39 =	vbroadcast v58, $0x0;
	v53 =	vmul.f32 $8.000000000e+00, v53;
	v54 =	vld [tilespmem:s30+$0xFFFFFFC0];
	[tilespmem:v48+s15+$0x0] =	vst.idx.msk $0xffff, v35  }
0x2ca: {  	v46 =	vbroadcast v51, $0x0;
	v35 =	vadd.s32 v5, v49;
	[tilespmem:v33+s15+$0x0] =	vst.idx.msk $0xffff, v38;
	v38 =	vld [tilespmem:s30+$0xC0];
	v41 =	vmul.f32 $8.000000000e+00, v41  }
0x2cb: {  	v33 =	vbroadcast v61, $0x0;
	v48 =	vmul.f32 $8.000000000e+00, v50;
	[tilespmem:v42+s15+$0x0] =	vst.idx.msk $0xffff, v53;
	v42 =	vld [tilespmem:s30+$0xFFFFFEC0];
	v50 =	vadd.s32 v29, v39  }
0x2cc: {  	s17 =	sadd.s32 $0x2, s31;
	v51 =	vmov s1;
	v55 =	vadd.s32 v13, v46;
	v52 =	vmul.f32 $8.000000000e+00, v52;
	v53 =	vld [tilespmem:s29+$0x150];
	[tilespmem:v36+s15+$0x0] =	vst.idx.msk $0xffff, v41  }
0x2cd: {  	v36 =	vmov s17;
	s17 =	sadd.s32 $0x6, s31;
	[tilespmem:v43+s15+$0x0] =	vst.idx.msk $0xffff, v48;
	v41 =	vmul.f32 $8.000000000e+00, v47;
	v43 =	vadd.s32 v13, v33;
	v47 =	vld [tilespmem:s30+$0x1D0]  }
0x2ce: {  	v48 =	vld [tilespmem:s29+$0xFFFFFE50];
	[tilespmem:v37+s15+$0x0] =	vst.idx.msk $0xffff, v52;
	v37 =	vmov s17;
	s17 =	sadd.s32 $0xA, s31;
	v52 =	vadd.s32 v22, v34;
	v54 =	vmul.f32 $8.000000000e+00, v54  }
0x2cf: {  	v56 =	vld [tilespmem:s29+$0xFFFFFF50];
	[tilespmem:v35+s15+$0x0] =	vst.idx.msk $0xffff, v41;
	v35 =	vmov s17;
	v38 =	vmul.f32 $8.000000000e+00, v38;
	v41 =	vadd.s32 v30, v40  }
0x2d0: {  	v57 =	vadd.s32 v6, v44;
	v51 =	vshrl.u32 v51, $0x3;
	s17 =	sadd.s32 $0x4, s1;
	v58 =	vld [tilespmem:s29+$0x50];
	v42 =	vmul.f32 $8.000000000e+00, v42;
	[tilespmem:v50+s15+$0x0] =	vst.idx.msk $0xffff, v54  }
0x2d1: {  	v50 =	vmov s17;
	s17 =	sadd.s32 $0x8, s1;
	v54 =	vadd.s32 v22, v45;
	v53 =	vmul.f32 $8.000000000e+00, v53;
	v59 =	vld [tilespmem:s30+$0xFFFFFFD0];
	[tilespmem:v55+s15+$0x0] =	vst.idx.msk $0xffff, v38  }
0x2d2: {  	v38 =	vmov s17;
	v55 =	vadd.s32 v6, v49;
	[tilespmem:v43+s15+$0x0] =	vst.idx.msk $0xffff, v42;
	v42 =	vld [tilespmem:s30+$0xD0];
	v43 =	vmul.f32 $8.000000000e+00, v47  }
0x2d3: {  	v36 =	vshrl.u32 v36, $0x3;
	v47 =	vmul.f32 $8.000000000e+00, v48;
	[tilespmem:v52+s15+$0x0] =	vst.idx.msk $0xffff, v53;
	v48 =	vld [tilespmem:s30+$0xFFFFFED0];
	v53 =	vadd.s32 v30, v39  }
0x2d4: {  	v60 =	vadd.s32 v14, v46;
	v37 =	vshrl.u32 v37, $0x3;
	v52 =	vmul.f32 $8.000000000e+00, v56;
	v56 =	vld [tilespmem:s29+$0x160];
	[tilespmem:v41+s15+$0x0] =	vst.idx.msk $0xffff, v43  }
0x2d5: {  	v43 =	vshrl.u32 v35, $0x3;
	[tilespmem:v57+s15+$0x0] =	vst.idx.msk $0xffff, v47;
	v41 =	vmul.f32 $8.000000000e+00, v58;
	v47 =	vadd.s32 v14, v33;
	v57 =	vld [tilespmem:s30+$0x1E0]  }
0x2d6: {  	v51 =	vshll.u32 v51, v1;
	v58 =	vld [tilespmem:s29+$0xFFFFFE60];
	[tilespmem:v54+s15+$0x0] =	vst.idx.msk $0xffff, v52;
	v54 =	vadd.s32 v23, v34;
	v35 =	vmul.f32 $8.000000000e+00, v59  }
0x2d7: {  	v50 =	vshrl.u32 v50, $0x3;
	v59 =	vld [tilespmem:s29+$0xFFFFFF60];
	[tilespmem:v55+s15+$0x0] =	vst.idx.msk $0xffff, v41;
	v41 =	vmul.f32 $8.000000000e+00, v42;
	v42 =	vadd.s32 v31, v40  }
0x2d8: {  	v52 =	vshrl.u32 v38, $0x3;
	v55 =	vadd.s32 v7, v44;
	v61 =	vld [tilespmem:s29+$0x60];
	v38 =	vmul.f32 $8.000000000e+00, v48;
	[tilespmem:v53+s15+$0x0] =	vst.idx.msk $0xffff, v35  }
0x2d9: {  	v35 =	vshll.u32 v36, v1;
	v48 =	vadd.s32 v23, v45;
	v36 =	vmul.f32 $8.000000000e+00, v56;
	v53 =	vld [tilespmem:s30+$0xFFFFFFE0];
	[tilespmem:v60+s15+$0x0] =	vst.idx.msk $0xffff, v41  }
0x2da: {  	v37 =	vshll.u32 v37, v1;
	v56 =	vadd.s32 v7, v49;
	[tilespmem:v47+s15+$0x0] =	vst.idx.msk $0xffff, v38;
	v47 =	vld [tilespmem:s30+$0xE0];
	v41 =	vmul.f32 $8.000000000e+00, v57  }
0x2db: {  	v60 =	vadd.s32 v31, v39;
	v38 =	vshll.u32 v43, v1;
	v57 =	vmul.f32 $8.000000000e+00, v58;
	[tilespmem:v54+s15+$0x0] =	vst.idx.msk $0xffff, v36;
	v58 =	vld [tilespmem:s30+$0xFFFFFEE0]  }
0x2dc: {  	v62 =	vadd.s32 v15, v46;
	v36 =	vbroadcast v51, $0x0;
	v51 =	vmul.f32 $8.000000000e+00, v59;
	v59 =	vld [tilespmem:s29+$0x170];
	[tilespmem:v42+s15+$0x0] =	vst.idx.msk $0xffff, v41  }
.Ltmp4:
0x2dd: {  	v54 =	vshll.u32 v50, v1;
	v41 =	vadd.s32 v15, v33;
	[tilespmem:v55+s15+$0x0] =	vst.idx.msk $0xffff, v57;
	v55 =	vmul.f32 $8.000000000e+00, v61;
	v42 =	vld [tilespmem:s30+$0x1F0];
	(pc) =	sbr.rel @p0 .LBB2_9-.Ltmp4, $4  }
0x2de: {  	v39 =	vadd.s32 v32, v39;
	v43 =	vld [tilespmem:s29+$0xFFFFFE70];
	[tilespmem:v48+s15+$0x0] =	vst.idx.msk $0xffff, v51;
	v48 =	vadd.s32 v24, v34;
	v53 =	vmul.f32 $8.000000000e+00, v53  }
0x2df: {  	v40 =	vadd.s32 v32, v40;
	v34 =	vadd.s32 v16, v46;
	v50 =	vld [tilespmem:s29+$0xFFFFFF70];
	[tilespmem:v56+s15+$0x0] =	vst.idx.msk $0xffff, v55;
	v56 =	vmul.f32 $8.000000000e+00, v47  }
0x2e0: {  	s17 =	sadd.s32 $0xC, s1;
	v44 =	vadd.s32 v8, v44;
	v47 =	vadd.s32 v24, v45;
	v51 =	vld [tilespmem:s29+$0x70];
	v46 =	vmul.f32 $8.000000000e+00, v58;
	[tilespmem:v60+s15+$0x0] =	vst.idx.msk $0xffff, v53  }
0x2e1: {  	s1 =	sadd.s32 $0x10, s1;
	v49 =	vadd.s32 v8, v49;
	v55 =	vmov s17;
	s17 =	sadd.s32 $0xE, s31;
	v53 =	vmul.f32 $8.000000000e+00, v59;
	v45 =	vld [tilespmem:s30+$0xFFFFFFF0];
	[tilespmem:v62+s15+$0x0] =	vst.idx.msk $0xffff, v56  }
0x2e2: {  	v55 =	vshrl.u32 v55, $0x3  }
0x2e3: {  	s1 =	sadd.s32 $0x400, s29;
	v55 =	vshll.u32 v55, v1  }
0x2e4: {  	v56 =	vld [tilespmem:s1+$0x100];
	v55 =	vbroadcast v55, $0x0  }
0x2e5: {  	v52 =	vshll.u32 v52, v1;
	v54 =	vbroadcast v54, $0x0;
	v57 =	vld [tilespmem:s1+$0xFFFFFF00]  }
0x2e6: {  	v59 =	vld [tilespmem:s1+$0x0];
	v52 =	vbroadcast v52, $0x0;
	v58 =	vadd.s32 v17, v55  }
0x2e7: {  	v60 =	vld [tilespmem:s1+$0xFFFFFE00];
	v61 =	vadd.s32 v17, v54  }
0x2e8: {  	v62 =	vadd.s32 v0, v52  }
0x2e9: {  	v63 =	vadd.s32 v0, v36;
	v56 =	vmul.f32 $8.000000000e+00, v56  }
0x2ea: {  	v57 =	vmul.f32 $8.000000000e+00, v57  }
0x2eb: {  	[tilespmem:v58+s15+$0x0] =	vst.idx.msk $0xffff, v56;
	v56 =	vmul.f32 $8.000000000e+00, v59  }
0x2ec: {  	v60 =	vmul.f32 $8.000000000e+00, v60;
	[tilespmem:v61+s15+$0x0] =	vst.idx.msk $0xffff, v57;
	v59 =	vld [tilespmem:s1+$0x110]  }
0x2ed: {  	v57 =	vld [tilespmem:s1+$0xFFFFFF10];
	[tilespmem:v62+s15+$0x0] =	vst.idx.msk $0xffff, v56  }
0x2ee: {  	[tilespmem:v63+s15+$0x0] =	vst.idx.msk $0xffff, v60;
	v56 =	vadd.s32 v18, v55;
	v58 =	vld [tilespmem:s1+$0x10]  }
0x2ef: {  	v61 =	vadd.s32 v18, v54;
	v60 =	vld [tilespmem:s1+$0xFFFFFE10]  }
0x2f0: {  	v62 =	vadd.s32 v2, v52  }
0x2f1: {  	v63 =	vadd.s32 v2, v36;
	v59 =	vmul.f32 $8.000000000e+00, v59  }
0x2f2: {  	v57 =	vmul.f32 $8.000000000e+00, v57  }
0x2f3: {  	[tilespmem:v56+s15+$0x0] =	vst.idx.msk $0xffff, v59;
	v56 =	vmul.f32 $8.000000000e+00, v58  }
0x2f4: {  	v60 =	vmul.f32 $8.000000000e+00, v60;
	[tilespmem:v61+s15+$0x0] =	vst.idx.msk $0xffff, v57;
	v59 =	vld [tilespmem:s1+$0x120]  }
0x2f5: {  	v57 =	vld [tilespmem:s1+$0xFFFFFF20];
	[tilespmem:v62+s15+$0x0] =	vst.idx.msk $0xffff, v56  }
0x2f6: {  	[tilespmem:v63+s15+$0x0] =	vst.idx.msk $0xffff, v60;
	v56 =	vadd.s32 v19, v55;
	v58 =	vld [tilespmem:s1+$0x20]  }
0x2f7: {  	v61 =	vadd.s32 v19, v54;
	v60 =	vld [tilespmem:s1+$0xFFFFFE20]  }
0x2f8: {  	v62 =	vadd.s32 v3, v52  }
0x2f9: {  	v63 =	vadd.s32 v3, v36;
	v59 =	vmul.f32 $8.000000000e+00, v59  }
0x2fa: {  	v57 =	vmul.f32 $8.000000000e+00, v57  }
0x2fb: {  	[tilespmem:v56+s15+$0x0] =	vst.idx.msk $0xffff, v59;
	v56 =	vmul.f32 $8.000000000e+00, v58  }
0x2fc: {  	v60 =	vmul.f32 $8.000000000e+00, v60;
	[tilespmem:v61+s15+$0x0] =	vst.idx.msk $0xffff, v57;
	v59 =	vld [tilespmem:s1+$0x130]  }
0x2fd: {  	v57 =	vld [tilespmem:s1+$0xFFFFFF30];
	[tilespmem:v62+s15+$0x0] =	vst.idx.msk $0xffff, v56  }
0x2fe: {  	v55 =	vadd.s32 v20, v55;
	[tilespmem:v63+s15+$0x0] =	vst.idx.msk $0xffff, v60;
	v56 =	vld [tilespmem:s1+$0x30]  }
0x2ff: {  	s22 =	sadd.s32 $0x5, s0;
	v54 =	vadd.s32 v20, v54;
	v60 =	vld [tilespmem:s1+$0xFFFFFE30]  }
0x300: {  	v36 =	vadd.s32 v4, v36;
	v52 =	vadd.s32 v4, v52;
	v61 =	vmov s22;
	s22 =	sadd.s32 $0xD, s0  }
0x301: {  	s21 =	sadd.s32 $0x9, s0;
	v63 =	vmov s22;
	v61 =	vshrl.u32 v61, $0x3;
	v59 =	vmul.f32 $8.000000000e+00, v59  }
0x302: {  	v63 =	vshrl.u32 v63, $0x3;
	v62 =	vmov s21;
	v57 =	vmul.f32 $8.000000000e+00, v57  }
0x303: {  	v62 =	vshrl.u32 v62, $0x3;
	[tilespmem:v55+s15+$0x0] =	vst.idx.msk $0xffff, v59;
	v55 =	vshll.u32 v63, v1;
	v56 =	vmul.f32 $8.000000000e+00, v56  }
0x304: {  	v60 =	vmul.f32 $8.000000000e+00, v60;
	[tilespmem:v54+s15+$0x0] =	vst.idx.msk $0xffff, v57;
	v59 =	vshll.u32 v61, v1;
	v61 =	vld [tilespmem:s1+$0x140];
	v55 =	vbroadcast v55, $0x0  }
0x305: {  	s18 =	sadd.s32 $0x1, s0;
	v62 =	vshll.u32 v62, v1;
	[tilespmem:v52+s15+$0x0] =	vst.idx.msk $0xffff, v56  }
0x306: {  	v58 =	vmov s18;
	[tilespmem:v36+s15+$0x0] =	vst.idx.msk $0xffff, v60;
	v56 =	vbroadcast v62, $0x0;
	v36 =	vadd.s32 v21, v55;
	v54 =	vld [tilespmem:s1+$0x40]  }
0x307: {  	v63 =	vshrl.u32 v58, $0x3;
	v58 =	vld [tilespmem:s1+$0xFFFFFF40];
	v59 =	vbroadcast v59, $0x0  }
0x308: {  	v57 =	vld [tilespmem:s1+$0xFFFFFE40];
	v63 =	vshll.u32 v63, v1;
	v62 =	vadd.s32 v5, v56  }
0x309: {  	v52 =	vbroadcast v63, $0x0;
	v60 =	vadd.s32 v21, v59;
	v61 =	vmul.f32 $8.000000000e+00, v61;
	_ =	sdelay $0x1  }
0x30a: {  	v63 =	vadd.s32 v5, v52;
	[tilespmem:v36+s15+$0x0] =	vst.idx.msk $0xffff, v61;
	v36 =	vmul.f32 $8.000000000e+00, v54  }
0x30b: {  	v58 =	vmul.f32 $8.000000000e+00, v58  }
0x30c: {  	v61 =	vmul.f32 $8.000000000e+00, v57;
	v57 =	vld [tilespmem:s1+$0x150];
	[tilespmem:v62+s15+$0x0] =	vst.idx.msk $0xffff, v36;
	v36 =	vmov s17  }
0x30d: {  	[tilespmem:v60+s15+$0x0] =	vst.idx.msk $0xffff, v58;
	v60 =	vld [tilespmem:s1+$0x50];
	v36 =	vshrl.u32 v36, $0x3  }
0x30e: {  	[tilespmem:v48+s15+$0x0] =	vst.idx.msk $0xffff, v53;
	v50 =	vmul.f32 $8.000000000e+00, v50;
	v54 =	vadd.s32 v22, v55;
	v58 =	vld [tilespmem:s1+$0xFFFFFF50];
	v36 =	vshll.u32 v36, v1  }
0x30f: {  	v51 =	vmul.f32 $8.000000000e+00, v51;
	v53 =	vadd.s32 v6, v56;
	[tilespmem:v63+s15+$0x0] =	vst.idx.msk $0xffff, v61;
	v63 =	vld [tilespmem:s29+$0x180];
	v48 =	vbroadcast v36, $0x0  }
0x310: {  	[tilespmem:v47+s15+$0x0] =	vst.idx.msk $0xffff, v50;
	v62 =	vadd.s32 v22, v59;
	v61 =	vld [tilespmem:s1+$0xFFFFFE50]  }
0x311: {  	[tilespmem:v49+s15+$0x0] =	vst.idx.msk $0xffff, v51;
	v47 =	vmul.f32 $8.000000000e+00, v57;
	v51 =	vadd.s32 v25, v48  }
0x312: {  	v36 =	vadd.s32 v6, v52;
	v60 =	vmul.f32 $8.000000000e+00, v60  }
0x313: {  	v50 =	vmul.f32 $8.000000000e+00, v58;
	[tilespmem:v54+s15+$0x0] =	vst.idx.msk $0xffff, v47  }
0x314: {  	v47 =	vmul.f32 $8.000000000e+00, v63;
	v58 =	vld [tilespmem:s1+$0x160];
	[tilespmem:v53+s15+$0x0] =	vst.idx.msk $0xffff, v60  }
0x315: {  	v61 =	vmul.f32 $8.000000000e+00, v61;
	[tilespmem:v62+s15+$0x0] =	vst.idx.msk $0xffff, v50;
	v54 =	vld [tilespmem:s1+$0x60]  }
0x316: {  	v50 =	vld [tilespmem:s1+$0xFFFFFF60];
	[tilespmem:v51+s15+$0x0] =	vst.idx.msk $0xffff, v47  }
0x317: {  	v43 =	vmul.f32 $8.000000000e+00, v43;
	[tilespmem:v36+s15+$0x0] =	vst.idx.msk $0xffff, v61;
	v36 =	vbroadcast v38, $0x0;
	v47 =	vadd.s32 v7, v56;
	v38 =	vld [tilespmem:s29+$0x190]  }
0x318: {  	v57 =	vld [tilespmem:s29+$0x80];
	v53 =	vadd.s32 v23, v55  }
0x319: {  	v42 =	vmul.f32 $8.000000000e+00, v42;
	v37 =	vbroadcast v37, $0x0;
	[tilespmem:v44+s15+$0x0] =	vst.idx.msk $0xffff, v43;
	v44 =	vadd.s32 v23, v59;
	v43 =	vld [tilespmem:s1+$0xFFFFFE60]  }
0x31a: {  	[tilespmem:v41+s15+$0x0] =	vst.idx.msk $0xffff, v46;
	v60 =	vld [tilespmem:s29+$0xFFFFFE80];
	v61 =	vbroadcast v35, $0x0;
	v35 =	vmul.f32 $8.000000000e+00, v54  }
0x31b: {  	[tilespmem:v40+s15+$0x0] =	vst.idx.msk $0xffff, v42;
	v49 =	vld [tilespmem:s29+$0xFFFFFF80];
	v51 =	vadd.s32 v7, v52;
	v58 =	vmul.f32 $8.000000000e+00, v58;
	v63 =	vmul.f32 $8.000000000e+00, v50  }
0x31c: {  	[tilespmem:v47+s15+$0x0] =	vst.idx.msk $0xffff, v35;
	v47 =	vmul.f32 $8.000000000e+00, v38;
	v38 =	vadd.s32 v24, v55;
	v55 =	vadd.s32 v24, v59;
	v59 =	vld [tilespmem:s30+$0xF0]  }
0x31d: {  	s21 =	sadd.s32 $0x6, s0;
	[tilespmem:v53+s15+$0x0] =	vst.idx.msk $0xffff, v58  }
0x31e: {  	v46 =	vadd.s32 v25, v37;
	v40 =	vmov s21;
	v43 =	vmul.f32 $8.000000000e+00, v43;
	[tilespmem:v44+s15+$0x0] =	vst.idx.msk $0xffff, v63;
	v58 =	vld [tilespmem:s1+$0x170]  }
0x31f: {  	v41 =	vmul.f32 $8.000000000e+00, v57;
	v50 =	vadd.s32 v9, v36;
	v57 =	vmul.f32 $8.000000000e+00, v60;
	v60 =	vld [tilespmem:s1+$0xFFFFFF70]  }
0x320: {  	v45 =	vmul.f32 $8.000000000e+00, v45;
	v40 =	vshrl.u32 v40, $0x3;
	[tilespmem:v51+s15+$0x0] =	vst.idx.msk $0xffff, v43;
	v43 =	vld [tilespmem:s1+$0x70]  }
0x321: {  	v42 =	vadd.s32 v26, v37;
	v49 =	vmul.f32 $8.000000000e+00, v49;
	s18 =	sadd.s32 $0x2, s0;
	v40 =	vshll.u32 v40, v1;
	v51 =	vld [tilespmem:s1+$0xFFFFFE70];
	[tilespmem:$0x1FFE0] =	vst v59  }
0x322: {  	v56 =	vadd.s32 v8, v56;
	v54 =	vadd.s32 v9, v61;
	v53 =	vmov s18;
	s18 =	sadd.s32 $0xE, s0;
	[tilespmem:v39+s15+$0x0] =	vst.idx.msk $0xffff, v45  }
0x323: {  	v44 =	vadd.s32 v26, v48;
	v63 =	vmov s18;
	v62 =	vmul.f32 $8.000000000e+00, v58;
	[tilespmem:v46+s15+$0x0] =	vst.idx.msk $0xffff, v49  }
0x324: {  	s22 =	sadd.s32 $0xA, s0;
	v35 =	vshrl.u32 v63, $0x3;
	v60 =	vmul.f32 $8.000000000e+00, v60;
	v45 =	vadd.s32 v10, v36;
	[tilespmem:v50+s15+$0x0] =	vst.idx.msk $0xffff, v41;
	v58 =	vld [tilespmem:s29+$0xFFFFFF90]  }
0x325: {  	v39 =	vmov s22;
	v46 =	vadd.s32 v8, v52;
	[tilespmem:v38+s15+$0x0] =	vst.idx.msk $0xffff, v62;
	v62 =	vshll.u32 v35, v1;
	v52 =	vld [tilespmem:s29+$0x90]  }
0x326: {  	v63 =	vmul.f32 $8.000000000e+00, v43;
	[tilespmem:v55+s15+$0x0] =	vst.idx.msk $0xffff, v60;
	v39 =	vshrl.u32 v39, $0x3;
	v49 =	vld [tilespmem:s1+$0x180];
	v38 =	vbroadcast v62, $0x0  }
0x327: {  	v60 =	vshrl.u32 v53, $0x3;
	[tilespmem:v54+s15+$0x0] =	vst.idx.msk $0xffff, v57;
	v53 =	vld [tilespmem:s1+$0xFFFFFF80];
	v62 =	vshll.u32 v39, v1;
	v39 =	vbroadcast v40, $0x0  }
0x328: {  	v35 =	vmul.f32 $8.000000000e+00, v51;
	[tilespmem:v44+s15+$0x0] =	vst.idx.msk $0xffff, v47;
	v43 =	vadd.s32 v25, v38  }
0x329: {  	v55 =	vld [tilespmem:s29+$0xFFFFFE90];
	[tilespmem:v56+s15+$0x0] =	vst.idx.msk $0xffff, v63;
	v54 =	vadd.s32 v25, v39;
	v58 =	vmul.f32 $8.000000000e+00, v58  }
0x32a: {  	v63 =	vshll.u32 v60, v1;
	v40 =	vbroadcast v62, $0x0;
	[tilespmem:v46+s15+$0x0] =	vst.idx.msk $0xffff, v35;
	v35 =	vld [tilespmem:s1+$0x80];
	v60 =	vmul.f32 $8.000000000e+00, v52  }
0x32b: {  	v50 =	vadd.s32 v10, v61;
	v41 =	vbroadcast v63, $0x0;
	v51 =	vld [tilespmem:s1+$0xFFFFFE80];
	v62 =	vmul.f32 $8.000000000e+00, v49;
	[tilespmem:v42+s15+$0x0] =	vst.idx.msk $0xffff, v58  }
0x32c: {  	v47 =	vadd.s32 v9, v40;
	v52 =	vld [tilespmem:s29+$0x1A0];
	v63 =	vmul.f32 $8.000000000e+00, v53;
	[tilespmem:v45+s15+$0x0] =	vst.idx.msk $0xffff, v60  }
0x32d: {  	v49 =	vadd.s32 v9, v41;
	[tilespmem:v43+s15+$0x0] =	vst.idx.msk $0xffff, v62;
	v56 =	vld [tilespmem:s29+$0xFFFFFFA0]  }
0x32e: {  	v53 =	vadd.s32 v27, v48;
	v57 =	vld [tilespmem:s29+$0xA0];
	[tilespmem:v54+s15+$0x0] =	vst.idx.msk $0xffff, v63;
	v54 =	vmul.f32 $8.000000000e+00, v55  }
0x32f: {  	v46 =	vadd.s32 v27, v37;
	v58 =	vld [tilespmem:s1+$0x190];
	v35 =	vmul.f32 $8.000000000e+00, v35  }
0x330: {  	v59 =	vld [tilespmem:s30+$0xFFFFFEF0];
	v55 =	vadd.s32 v11, v36;
	v51 =	vmul.f32 $8.000000000e+00, v51;
	[tilespmem:v50+s15+$0x0] =	vst.idx.msk $0xffff, v54  }
0x331: {  	v60 =	vld [tilespmem:s1+$0xFFFFFF90];
	[tilespmem:v47+s15+$0x0] =	vst.idx.msk $0xffff, v35;
	v35 =	vmul.f32 $8.000000000e+00, v52;
	v52 =	vadd.s32 v26, v38  }
0x332: {  	s30 =	sadd.s32 $0xB, s31;
	[tilespmem:v49+s15+$0x0] =	vst.idx.msk $0xffff, v51;
	v49 =	vld [tilespmem:s1+$0x90];
	v50 =	vmul.f32 $8.000000000e+00, v56  }
0x333: {  	v44 =	vmov s30;
	v54 =	vld [tilespmem:s1+$0xFFFFFE90];
	v56 =	vadd.s32 v26, v39;
	[tilespmem:v53+s15+$0x0] =	vst.idx.msk $0xffff, v35;
	v42 =	vmul.f32 $8.000000000e+00, v57  }
0x334: {  	v44 =	vshrl.u32 v44, $0x3;
	v57 =	vadd.s32 v10, v40;
	[tilespmem:v46+s15+$0x0] =	vst.idx.msk $0xffff, v50;
	v46 =	vmul.f32 $8.000000000e+00, v58  }
0x335: {  	v44 =	vshll.u32 v44, v1;
	v62 =	vld [tilespmem:s29+$0xFFFFFEA0];
	v50 =	vadd.s32 v10, v41;
	[tilespmem:v55+s15+$0x0] =	vst.idx.msk $0xffff, v42  }
0x336: {  	v44 =	vbroadcast v44, $0x0;
	v35 =	vld [tilespmem:s29+$0x1B0];
	v60 =	vmul.f32 $8.000000000e+00, v60;
	[tilespmem:v52+s15+$0x0] =	vst.idx.msk $0xffff, v46  }
0x337: {  	s21 =	sadd.s32 $0x3, s31;
	v48 =	vadd.s32 v28, v48;
	v42 =	vadd.s32 v11, v61;
	v49 =	vmul.f32 $8.000000000e+00, v49;
	v52 =	vld [tilespmem:$0x1FFE0]  }
0x338: {  	s22 =	sadd.s32 $0x7, s31;
	s30 =	sadd.s32 $0xB, s0;
	v45 =	vmov s21;
	[tilespmem:v56+s15+$0x0] =	vst.idx.msk $0xffff, v60;
	v56 =	vmul.f32 $8.000000000e+00, v59;
	v59 =	vld [tilespmem:s1+$0x1A0];
	v54 =	vmul.f32 $8.000000000e+00, v54  }
0x339: {  	v37 =	vadd.s32 v28, v37;
	v43 =	vmov s22;
	v63 =	vmov s30;
	[tilespmem:v57+s15+$0x0] =	vst.idx.msk $0xffff, v49;
	v57 =	vld [tilespmem:s1+$0xFFFFFFA0]  }
0x33a: {  	v45 =	vshrl.u32 v45, $0x3;
	v55 =	vld [tilespmem:s29+$0xFFFFFFB0];
	v60 =	vmul.f32 $8.000000000e+00, v62;
	[tilespmem:v50+s15+$0x0] =	vst.idx.msk $0xffff, v54;
	v50 =	vadd.s32 v27, v38  }
0x33b: {  	v43 =	vshrl.u32 v43, $0x3;
	v35 =	vmul.f32 $8.000000000e+00, v35;
	v49 =	vadd.s32 v27, v39  }
0x33c: {  	s18 =	sadd.s32 $0xF, s31;
	v36 =	vadd.s32 v12, v36;
	v46 =	vadd.s32 v16, v33;
	[tilespmem:v42+s15+$0x0] =	vst.idx.msk $0xffff, v60;
	v42 =	vld [tilespmem:s1+$0xFFFFFEA0];
	v33 =	vmul.f32 $8.000000000e+00, v52  }
0x33d: {  	v45 =	vshll.u32 v45, v1;
	v47 =	vmov s18;
	v54 =	vld [tilespmem:s1+$0xA0];
	[tilespmem:v48+s15+$0x0] =	vst.idx.msk $0xffff, v35;
	v60 =	vmul.f32 $8.000000000e+00, v59  }
0x33e: {  	v62 =	vshrl.u32 v47, $0x3;
	v48 =	vadd.s32 v11, v41;
	v52 =	vld [tilespmem:s29+$0xB0];
	v57 =	vmul.f32 $8.000000000e+00, v57;
	[tilespmem:v34+s15+$0x0] =	vst.idx.msk $0xffff, v33  }
0x33f: {  	s21 =	sadd.s32 $0x3, s0;
	s22 =	sadd.s32 $0x7, s0;
	v34 =	vshll.u32 v43, v1;
	v43 =	vld [tilespmem:s29+$0xFFFFFEB0];
	v33 =	vmul.f32 $8.000000000e+00, v55;
	v55 =	vadd.s32 v11, v40;
	[tilespmem:v50+s15+$0x0] =	vst.idx.msk $0xffff, v60  }
0x340: {  	s31 =	sadd.s32 $0xF, s0;
	v51 =	vmov s21;
	v53 =	vmov s22;
	v35 =	vshll.u32 v62, v1;
	v62 =	vld [tilespmem:s1+$0x1B0];
	[tilespmem:v49+s15+$0x0] =	vst.idx.msk $0xffff, v57  }
0x341: {  	v58 =	vmov s31;
	v39 =	vadd.s32 v28, v39;
	v42 =	vmul.f32 $8.000000000e+00, v42;
	[tilespmem:v37+s15+$0x0] =	vst.idx.msk $0xffff, v33;
	v37 =	vld [tilespmem:s29+$0x1C0]  }
0x342: {  	v38 =	vadd.s32 v28, v38;
	[tilespmem:v46+s15+$0x0] =	vst.idx.msk $0xffff, v56;
	v47 =	vmul.f32 $8.000000000e+00, v54;
	v50 =	vadd.s32 v12, v61;
	v60 =	vld [tilespmem:s1+$0xFFFFFFB0]  }
0x343: {  	v41 =	vadd.s32 v12, v41;
	v57 =	vbroadcast v34, $0x0;
	v33 =	vbroadcast v35, $0x0;
	v35 =	vld [tilespmem:s29+$0xFFFFFFC0];
	[tilespmem:v48+s15+$0x0] =	vst.idx.msk $0xffff, v42  }
0x344: {  	v56 =	vshrl.u32 v51, $0x3;
	v34 =	vbroadcast v45, $0x0;
	v52 =	vmul.f32 $8.000000000e+00, v52;
	v46 =	vld [tilespmem:s1+$0xFFFFFEB0];
	[tilespmem:v55+s15+$0x0] =	vst.idx.msk $0xffff, v47  }
0x345: {  	v40 =	vadd.s32 v12, v40;
	v45 =	vadd.s32 v29, v57;
	v43 =	vmul.f32 $8.000000000e+00, v43;
	v42 =	vld [tilespmem:s1+$0xB0]  }
0x346: {  	v59 =	vshrl.u32 v63, $0x3;
	v48 =	vadd.s32 v13, v34;
	v49 =	vadd.s32 v29, v33;
	[tilespmem:v36+s15+$0x0] =	vst.idx.msk $0xffff, v52  }
0x347: {  	v47 =	vadd.s32 v13, v44;
	v61 =	vmul.f32 $8.000000000e+00, v62;
	v62 =	vshrl.u32 v58, $0x3;
	[tilespmem:v50+s15+$0x0] =	vst.idx.msk $0xffff, v43;
	v43 =	vld [tilespmem:s29+$0xC0]  }
0x348: {  	v37 =	vmul.f32 $8.000000000e+00, v37;
	v50 =	vshrl.u32 v53, $0x3;
	v58 =	vmul.f32 $8.000000000e+00, v60  }
0x349: {  	v60 =	vshll.u32 v62, v1;
	v35 =	vmul.f32 $8.000000000e+00, v35;
	v54 =	vld [tilespmem:s29+$0xFFFFFEC0];
	[tilespmem:v38+s15+$0x0] =	vst.idx.msk $0xffff, v61;
	v46 =	vmul.f32 $8.000000000e+00, v46  }
0x34a: {  	v62 =	vshll.u32 v50, v1;
	v36 =	vbroadcast v60, $0x0;
	v63 =	vld [tilespmem:s1+$0x1C0];
	[tilespmem:v39+s15+$0x0] =	vst.idx.msk $0xffff, v58;
	v61 =	vmul.f32 $8.000000000e+00, v42  }
0x34b: {  	v58 =	vshll.u32 v59, v1;
	v59 =	vshll.u32 v56, v1;
	v52 =	vld [tilespmem:s1+$0xFFFFFFC0];
	v42 =	vbroadcast v62, $0x0;
	[tilespmem:v41+s15+$0x0] =	vst.idx.msk $0xffff, v46  }
0x34c: {  	v60 =	vadd.s32 v29, v36;
	v38 =	vbroadcast v59, $0x0;
	[tilespmem:v40+s15+$0x0] =	vst.idx.msk $0xffff, v61;
	v61 =	vmul.f32 $8.000000000e+00, v43;
	v43 =	vld [tilespmem:s1+$0xFFFFFEC0]  }
0x34d: {  	[tilespmem:v49+s15+$0x0] =	vst.idx.msk $0xffff, v37;
	v41 =	vbroadcast v58, $0x0;
	v46 =	vadd.s32 v29, v42;
	v40 =	vld [tilespmem:s1+$0xC0]  }
0x34e: {  	v49 =	vld [tilespmem:s29+$0x1D0];
	[tilespmem:v45+s15+$0x0] =	vst.idx.msk $0xffff, v35;
	v56 =	vadd.s32 v13, v38;
	v62 =	vmul.f32 $8.000000000e+00, v54  }
0x34f: {  	v45 =	vld [tilespmem:s29+$0xFFFFFFD0];
	v35 =	vadd.s32 v13, v41;
	v63 =	vmul.f32 $8.000000000e+00, v63;
	[tilespmem:v47+s15+$0x0] =	vst.idx.msk $0xffff, v61  }
0x350: {  	v50 =	vadd.s32 v30, v33;
	[tilespmem:v48+s15+$0x0] =	vst.idx.msk $0xffff, v62;
	v59 =	vmul.f32 $8.000000000e+00, v52;
	v58 =	vld [tilespmem:s29+$0xD0]  }
0x351: {  	v53 =	vadd.s32 v30, v57;
	v52 =	vld [tilespmem:s29+$0xFFFFFED0];
	[tilespmem:v60+s15+$0x0] =	vst.idx.msk $0xffff, v63;
	v43 =	vmul.f32 $8.000000000e+00, v43  }
0x352: {  	v39 =	vadd.s32 v14, v44;
	v61 =	vld [tilespmem:s1+$0x1D0];
	[tilespmem:v46+s15+$0x0] =	vst.idx.msk $0xffff, v59;
	v60 =	vmul.f32 $8.000000000e+00, v40  }
0x353: {  	v62 =	vmul.f32 $8.000000000e+00, v49;
	v63 =	vadd.s32 v14, v34;
	v51 =	vld [tilespmem:s1+$0xFFFFFFD0];
	[tilespmem:v56+s15+$0x0] =	vst.idx.msk $0xffff, v43  }
0x354: {  	v37 =	vadd.s32 v30, v36;
	v55 =	vmul.f32 $8.000000000e+00, v45;
	[tilespmem:v35+s15+$0x0] =	vst.idx.msk $0xffff, v60;
	v46 =	vld [tilespmem:s1+$0xFFFFFED0]  }
0x355: {  	v47 =	vadd.s32 v30, v42;
	[tilespmem:v50+s15+$0x0] =	vst.idx.msk $0xffff, v62;
	v58 =	vmul.f32 $8.000000000e+00, v58;
	v56 =	vld [tilespmem:s1+$0xD0]  }
0x356: {  	v62 =	vadd.s32 v14, v38;
	v59 =	vld [tilespmem:s29+$0x1E0];
	[tilespmem:v53+s15+$0x0] =	vst.idx.msk $0xffff, v55;
	v60 =	vmul.f32 $8.000000000e+00, v52  }
0x357: {  	v35 =	vadd.s32 v14, v41;
	v52 =	vld [tilespmem:s29+$0xFFFFFFE0];
	v61 =	vmul.f32 $8.000000000e+00, v61;
	[tilespmem:v39+s15+$0x0] =	vst.idx.msk $0xffff, v58  }
0x358: {  	v45 =	vadd.s32 v31, v33;
	[tilespmem:v63+s15+$0x0] =	vst.idx.msk $0xffff, v60;
	v49 =	vld [tilespmem:s29+$0xE0];
	v63 =	vmul.f32 $8.000000000e+00, v51  }
0x359: {  	v53 =	vadd.s32 v31, v57;
	v51 =	vld [tilespmem:s29+$0xFFFFFEE0];
	[tilespmem:v37+s15+$0x0] =	vst.idx.msk $0xffff, v61;
	v46 =	vmul.f32 $8.000000000e+00, v46  }
0x35a: {  	v39 =	vadd.s32 v15, v44;
	v58 =	vld [tilespmem:s1+$0x1E0];
	[tilespmem:v47+s15+$0x0] =	vst.idx.msk $0xffff, v63;
	v56 =	vmul.f32 $8.000000000e+00, v56  }
0x35b: {  	v59 =	vmul.f32 $8.000000000e+00, v59;
	v60 =	vadd.s32 v15, v34;
	v50 =	vld [tilespmem:s1+$0xFFFFFFE0];
	[tilespmem:v62+s15+$0x0] =	vst.idx.msk $0xffff, v46  }
0x35c: {  	v37 =	vadd.s32 v31, v36;
	v61 =	vmul.f32 $8.000000000e+00, v52;
	[tilespmem:v35+s15+$0x0] =	vst.idx.msk $0xffff, v56;
	v46 =	vld [tilespmem:s1+$0xFFFFFEE0]  }
0x35d: {  	[tilespmem:v45+s15+$0x0] =	vst.idx.msk $0xffff, v59;
	v47 =	vadd.s32 v31, v42;
	v63 =	vmul.f32 $8.000000000e+00, v49;
	v62 =	vld [tilespmem:s1+$0xE0]  }
0x35e: {  	v59 =	vadd.s32 v15, v38;
	[tilespmem:v53+s15+$0x0] =	vst.idx.msk $0xffff, v61;
	v49 =	vld [tilespmem:s29+$0x1F0];
	v51 =	vmul.f32 $8.000000000e+00, v51  }
0x35f: {  	v35 =	vadd.s32 v15, v41;
	v56 =	vld [tilespmem:s29+$0xFFFFFFF0];
	v58 =	vmul.f32 $8.000000000e+00, v58;
	[tilespmem:v39+s15+$0x0] =	vst.idx.msk $0xffff, v63  }
0x360: {  	v33 =	vadd.s32 v32, v33;
	[tilespmem:v60+s15+$0x0] =	vst.idx.msk $0xffff, v51;
	v45 =	vld [tilespmem:s29+$0xF0];
	v60 =	vmul.f32 $8.000000000e+00, v50  }
0x361: {  	v61 =	vadd.s32 v32, v57;
	v51 =	vld [tilespmem:s29+$0xFFFFFEF0];
	[tilespmem:v37+s15+$0x0] =	vst.idx.msk $0xffff, v58;
	v54 =	vmul.f32 $8.000000000e+00, v46  }
0x362: {  	v63 =	vadd.s32 v16, v44;
	v53 =	vld [tilespmem:s1+$0x1F0];
	[tilespmem:v47+s15+$0x0] =	vst.idx.msk $0xffff, v60;
	v62 =	vmul.f32 $8.000000000e+00, v62  }
0x363: {  	v34 =	vadd.s32 v16, v34;
	v55 =	vmul.f32 $8.000000000e+00, v49;
	v47 =	vld [tilespmem:s1+$0xFFFFFFF0];
	[tilespmem:v59+s15+$0x0] =	vst.idx.msk $0xffff, v54  }
0x364: {  	v36 =	vadd.s32 v32, v36;
	v56 =	vmul.f32 $8.000000000e+00, v56;
	[tilespmem:v35+s15+$0x0] =	vst.idx.msk $0xffff, v62;
	v43 =	vld [tilespmem:s1+$0xFFFFFEF0]  }
0x365: {  	v42 =	vadd.s32 v32, v42;
	[tilespmem:v33+s15+$0x0] =	vst.idx.msk $0xffff, v55;
	v57 =	vmul.f32 $8.000000000e+00, v45;
	v37 =	vld [tilespmem:s1+$0xF0]  }
0x366: {  	v38 =	vadd.s32 v16, v38;
	[tilespmem:v61+s15+$0x0] =	vst.idx.msk $0xffff, v56;
	v58 =	vmul.f32 $8.000000000e+00, v51  }
0x367: {  	v59 =	vadd.s32 v16, v41;
	v60 =	vmul.f32 $8.000000000e+00, v53;
	[tilespmem:v63+s15+$0x0] =	vst.idx.msk $0xffff, v57  }
0x368: {  	s17 =	sadd.s32 s6, s28;
	[tilespmem:v34+s15+$0x0] =	vst.idx.msk $0xffff, v58;
	v61 =	vmul.f32 $8.000000000e+00, v47  }
0x369: {  	s0 =	sshll.u32 s17, $0x7;
	s18 =	sshll.u32 s17, $0xA;
	[tilespmem:v36+s15+$0x0] =	vst.idx.msk $0xffff, v60;
	v63 =	vmul.f32 $8.000000000e+00, v43  }
0x36a: {  	s0 =	sand.u32 $0xF80, s0;
	s1 =	sand.u32 $0xFFF8000, s18;
	[tilespmem:v42+s15+$0x0] =	vst.idx.msk $0xffff, v61;
	v62 =	vmul.f32 $8.000000000e+00, v37  }
0x36b: {  	s0 =	sor.u32 s0, s1;
	[tilespmem:v38+s15+$0x0] =	vst.idx.msk $0xffff, v63  }
0x36c: {  	s1 =	sadd.s32 s2, s0;
	[tilespmem:v59+s15+$0x0] =	vst.idx.msk $0xffff, v62  }
0x36d: {  	[hbm4b:s1+s3] =	stream.linear.scatter [tilespmem:s15], [sflag:$0x4], $0x80, $0x38;
	[tilespmem:$0xE800] =	vst v63  }
0x36e: {  	s22 =	simm.s32 $0xC688;
	s21 =	sadd.s32 $0x10, s1  }
0x36f: {  	[hbm4b:s21+s3] =	stream.linear.scatter [tilespmem:s22], [sflag:$0x4], $0x80, $0x38;
	[tilespmem:$0xE800] =	vst v63  }
0x370: {  	s29 =	simm.s32 $0xC710;
	s28 =	sadd.s32 $0x20, s1  }
0x371: {  	[hbm4b:s28+s3] =	stream.linear.scatter [tilespmem:s29], [sflag:$0x4], $0x80, $0x38;
	[tilespmem:$0xE800] =	vst v63  }
0x372: {  	s31 =	simm.s32 $0xC798;
	s30 =	sadd.s32 $0x30, s1  }
0x373: {  	[hbm4b:s30+s3] =	stream.linear.scatter [tilespmem:s31], [sflag:$0x4], $0x80, $0x38;
	[tilespmem:$0xE800] =	vst v63  }
0x374: {  	s18 =	sadd.s32 $0x40, s1;
	s21 =	simm.s32 $0xC820  }
0x375: {  	[hbm4b:s18+s3] =	stream.linear.scatter [tilespmem:s21], [sflag:$0x4], $0x80, $0x38;
	[tilespmem:$0xE800] =	vst v63  }
0x376: {  	s22 =	sadd.s32 $0x50, s1;
	s28 =	simm.s32 $0xC8A8  }
0x377: {  	[hbm4b:s22+s3] =	stream.linear.scatter [tilespmem:s28], [sflag:$0x4], $0x80, $0x38;
	[tilespmem:$0xE800] =	vst v63  }
0x378: {  	s29 =	sadd.s32 $0x60, s1;
	s30 =	simm.s32 $0xC930  }
0x379: {  	[hbm4b:s29+s3] =	stream.linear.scatter [tilespmem:s30], [sflag:$0x4], $0x80, $0x38;
	[tilespmem:$0xE800] =	vst v63  }
0x37a: {  	s1 =	sadd.s32 $0x70, s1;
	s31 =	simm.s32 $0xC9B8  }
0x37b: {  	[hbm4b:s1+s3] =	stream.linear.scatter [tilespmem:s31], [sflag:$0x4], $0x80, $0x38;
	[tilespmem:$0xE800] =	vst v63  }
0x37c: {  	s18 =	simm.s32 $0xCA40;
	s1 =	sadd.s32 s0, s7  }
0x37d: {  	[hbm4b:s1+s3] =	stream.linear.scatter [tilespmem:s18], [sflag:$0x4], $0x80, $0x38;
	[tilespmem:$0xE800] =	vst v63  }
0x37e: {  	s22 =	simm.s32 $0xCAC8;
	s21 =	sadd.s32 $0x10, s1  }
0x37f: {  	[hbm4b:s21+s3] =	stream.linear.scatter [tilespmem:s22], [sflag:$0x4], $0x80, $0x38;
	[tilespmem:$0xE800] =	vst v63  }
0x380: {  	s29 =	simm.s32 $0xCB50;
	s28 =	sadd.s32 $0x20, s1  }
0x381: {  	[hbm4b:s28+s3] =	stream.linear.scatter [tilespmem:s29], [sflag:$0x4], $0x80, $0x38;
	[tilespmem:$0xE800] =	vst v63  }
0x382: {  	s31 =	simm.s32 $0xCBD8;
	s30 =	sadd.s32 $0x30, s1  }
0x383: {  	[hbm4b:s30+s3] =	stream.linear.scatter [tilespmem:s31], [sflag:$0x4], $0x80, $0x38;
	[tilespmem:$0xE800] =	vst v63  }
0x384: {  	s18 =	sadd.s32 $0x40, s1;
	s21 =	simm.s32 $0xCC60  }
0x385: {  	[hbm4b:s18+s3] =	stream.linear.scatter [tilespmem:s21], [sflag:$0x4], $0x80, $0x38;
	[tilespmem:$0xE800] =	vst v63  }
0x386: {  	s22 =	sadd.s32 $0x50, s1;
	s28 =	simm.s32 $0xCCE8  }
0x387: {  	[hbm4b:s22+s3] =	stream.linear.scatter [tilespmem:s28], [sflag:$0x4], $0x80, $0x38;
	[tilespmem:$0xE800] =	vst v63  }
0x388: {  	s29 =	sadd.s32 $0x60, s1;
	s30 =	simm.s32 $0xCD70  }
0x389: {  	[hbm4b:s29+s3] =	stream.linear.scatter [tilespmem:s30], [sflag:$0x4], $0x80, $0x38;
	[tilespmem:$0xE800] =	vst v63  }
0x38a: {  	s1 =	sadd.s32 $0x70, s1;
	s31 =	simm.s32 $0xCDF8  }
0x38b: {  	[hbm4b:s1+s3] =	stream.linear.scatter [tilespmem:s31], [sflag:$0x4], $0x80, $0x38;
	[tilespmem:$0xE800] =	vst v63  }
0x38c: {  	s18 =	simm.s32 $0xCE80;
	s1 =	sadd.s32 s0, s8  }
0x38d: {  	[hbm4b:s1+s3] =	stream.linear.scatter [tilespmem:s18], [sflag:$0x4], $0x80, $0x38;
	[tilespmem:$0xE800] =	vst v63  }
0x38e: {  	s22 =	simm.s32 $0xCF08;
	s21 =	sadd.s32 $0x10, s1  }
0x38f: {  	[hbm4b:s21+s3] =	stream.linear.scatter [tilespmem:s22], [sflag:$0x4], $0x80, $0x38;
	[tilespmem:$0xE800] =	vst v63  }
0x390: {  	s29 =	simm.s32 $0xCF90;
	s28 =	sadd.s32 $0x20, s1  }
0x391: {  	[hbm4b:s28+s3] =	stream.linear.scatter [tilespmem:s29], [sflag:$0x4], $0x80, $0x38;
	[tilespmem:$0xE800] =	vst v63  }
0x392: {  	s31 =	simm.s32 $0xD018;
	s30 =	sadd.s32 $0x30, s1  }
0x393: {  	[hbm4b:s30+s3] =	stream.linear.scatter [tilespmem:s31], [sflag:$0x4], $0x80, $0x38;
	[tilespmem:$0xE800] =	vst v63  }
0x394: {  	s18 =	sadd.s32 $0x40, s1;
	s21 =	simm.s32 $0xD0A0  }
0x395: {  	[hbm4b:s18+s3] =	stream.linear.scatter [tilespmem:s21], [sflag:$0x4], $0x80, $0x38;
	[tilespmem:$0xE800] =	vst v63  }
0x396: {  	s22 =	sadd.s32 $0x50, s1;
	s28 =	simm.s32 $0xD128  }
0x397: {  	[hbm4b:s22+s3] =	stream.linear.scatter [tilespmem:s28], [sflag:$0x4], $0x80, $0x38;
	[tilespmem:$0xE800] =	vst v63  }
0x398: {  	s29 =	sadd.s32 $0x60, s1;
	s30 =	simm.s32 $0xD1B0  }
0x399: {  	[hbm4b:s29+s3] =	stream.linear.scatter [tilespmem:s30], [sflag:$0x4], $0x80, $0x38;
	[tilespmem:$0xE800] =	vst v63  }
0x39a: {  	s1 =	sadd.s32 $0x70, s1;
	s31 =	simm.s32 $0xD238  }
0x39b: {  	[hbm4b:s1+s3] =	stream.linear.scatter [tilespmem:s31], [sflag:$0x4], $0x80, $0x38;
	[tilespmem:$0xE800] =	vst v63  }
0x39c: {  	s18 =	simm.s32 $0xD2C0;
	s1 =	sadd.s32 s0, s9  }
0x39d: {  	[hbm4b:s1+s3] =	stream.linear.scatter [tilespmem:s18], [sflag:$0x4], $0x80, $0x38;
	[tilespmem:$0xE800] =	vst v63  }
0x39e: {  	s22 =	simm.s32 $0xD348;
	s21 =	sadd.s32 $0x10, s1  }
0x39f: {  	[hbm4b:s21+s3] =	stream.linear.scatter [tilespmem:s22], [sflag:$0x4], $0x80, $0x38;
	[tilespmem:$0xE800] =	vst v63  }
0x3a0: {  	s29 =	simm.s32 $0xD3D0;
	s28 =	sadd.s32 $0x20, s1  }
0x3a1: {  	[hbm4b:s28+s3] =	stream.linear.scatter [tilespmem:s29], [sflag:$0x4], $0x80, $0x38;
	[tilespmem:$0xE800] =	vst v63  }
0x3a2: {  	s31 =	simm.s32 $0xD458;
	s30 =	sadd.s32 $0x30, s1  }
0x3a3: {  	[hbm4b:s30+s3] =	stream.linear.scatter [tilespmem:s31], [sflag:$0x4], $0x80, $0x38;
	[tilespmem:$0xE800] =	vst v63  }
0x3a4: {  	s18 =	sadd.s32 $0x40, s1;
	s21 =	simm.s32 $0xD4E0  }
0x3a5: {  	[hbm4b:s18+s3] =	stream.linear.scatter [tilespmem:s21], [sflag:$0x4], $0x80, $0x38;
	[tilespmem:$0xE800] =	vst v63  }
0x3a6: {  	s22 =	sadd.s32 $0x50, s1;
	s28 =	simm.s32 $0xD568  }
0x3a7: {  	[hbm4b:s22+s3] =	stream.linear.scatter [tilespmem:s28], [sflag:$0x4], $0x80, $0x38;
	[tilespmem:$0xE800] =	vst v63  }
0x3a8: {  	s29 =	sadd.s32 $0x60, s1;
	s30 =	simm.s32 $0xD5F0  }
0x3a9: {  	[hbm4b:s29+s3] =	stream.linear.scatter [tilespmem:s30], [sflag:$0x4], $0x80, $0x38;
	[tilespmem:$0xE800] =	vst v63  }
0x3aa: {  	s1 =	sadd.s32 $0x70, s1;
	s31 =	simm.s32 $0xD678  }
0x3ab: {  	[hbm4b:s1+s3] =	stream.linear.scatter [tilespmem:s31], [sflag:$0x4], $0x80, $0x38;
	[tilespmem:$0xE800] =	vst v63  }
0x3ac: {  	s18 =	simm.s32 $0xD700;
	s1 =	sadd.s32 s0, s10  }
0x3ad: {  	[hbm4b:s1+s3] =	stream.linear.scatter [tilespmem:s18], [sflag:$0x4], $0x80, $0x38;
	[tilespmem:$0xE800] =	vst v63  }
0x3ae: {  	s22 =	simm.s32 $0xD788;
	s21 =	sadd.s32 $0x10, s1  }
0x3af: {  	[hbm4b:s21+s3] =	stream.linear.scatter [tilespmem:s22], [sflag:$0x4], $0x80, $0x38;
	[tilespmem:$0xE800] =	vst v63  }
0x3b0: {  	s29 =	simm.s32 $0xD810;
	s28 =	sadd.s32 $0x20, s1  }
0x3b1: {  	[hbm4b:s28+s3] =	stream.linear.scatter [tilespmem:s29], [sflag:$0x4], $0x80, $0x38;
	[tilespmem:$0xE800] =	vst v63  }
0x3b2: {  	s31 =	simm.s32 $0xD898;
	s30 =	sadd.s32 $0x30, s1  }
0x3b3: {  	[hbm4b:s30+s3] =	stream.linear.scatter [tilespmem:s31], [sflag:$0x4], $0x80, $0x38;
	[tilespmem:$0xE800] =	vst v63  }
0x3b4: {  	s18 =	sadd.s32 $0x40, s1;
	s21 =	simm.s32 $0xD920  }
0x3b5: {  	[hbm4b:s18+s3] =	stream.linear.scatter [tilespmem:s21], [sflag:$0x4], $0x80, $0x38;
	[tilespmem:$0xE800] =	vst v63  }
0x3b6: {  	s22 =	sadd.s32 $0x50, s1;
	s28 =	simm.s32 $0xD9A8  }
0x3b7: {  	[hbm4b:s22+s3] =	stream.linear.scatter [tilespmem:s28], [sflag:$0x4], $0x80, $0x38;
	[tilespmem:$0xE800] =	vst v63  }
0x3b8: {  	s29 =	sadd.s32 $0x60, s1;
	s30 =	simm.s32 $0xDA30  }
0x3b9: {  	[hbm4b:s29+s3] =	stream.linear.scatter [tilespmem:s30], [sflag:$0x4], $0x80, $0x38;
	[tilespmem:$0xE800] =	vst v63  }
0x3ba: {  	s1 =	sadd.s32 $0x70, s1;
	s31 =	simm.s32 $0xDAB8  }
0x3bb: {  	[hbm4b:s1+s3] =	stream.linear.scatter [tilespmem:s31], [sflag:$0x4], $0x80, $0x38;
	[tilespmem:$0xE800] =	vst v63  }
0x3bc: {  	s18 =	simm.s32 $0xDB40;
	s1 =	sadd.s32 s0, s11  }
0x3bd: {  	[hbm4b:s1+s3] =	stream.linear.scatter [tilespmem:s18], [sflag:$0x4], $0x80, $0x38;
	[tilespmem:$0xE800] =	vst v63  }
0x3be: {  	s22 =	simm.s32 $0xDBC8;
	s21 =	sadd.s32 $0x10, s1  }
0x3bf: {  	[hbm4b:s21+s3] =	stream.linear.scatter [tilespmem:s22], [sflag:$0x4], $0x80, $0x38;
	[tilespmem:$0xE800] =	vst v63  }
0x3c0: {  	s29 =	simm.s32 $0xDC50;
	s28 =	sadd.s32 $0x20, s1  }
0x3c1: {  	[hbm4b:s28+s3] =	stream.linear.scatter [tilespmem:s29], [sflag:$0x4], $0x80, $0x38;
	[tilespmem:$0xE800] =	vst v63  }
0x3c2: {  	s31 =	simm.s32 $0xDCD8;
	s30 =	sadd.s32 $0x30, s1  }
0x3c3: {  	[hbm4b:s30+s3] =	stream.linear.scatter [tilespmem:s31], [sflag:$0x4], $0x80, $0x38;
	[tilespmem:$0xE800] =	vst v63  }
0x3c4: {  	s21 =	sadd.s32 $0x40, s1;
	s22 =	simm.s32 $0xDD60  }
0x3c5: {  	[hbm4b:s21+s3] =	stream.linear.scatter [tilespmem:s22], [sflag:$0x4], $0x80, $0x38;
	[tilespmem:$0xE800] =	vst v63  }
0x3c6: {  	s28 =	sadd.s32 $0x50, s1;
	s29 =	simm.s32 $0xDDE8  }
0x3c7: {  	[hbm4b:s28+s3] =	stream.linear.scatter [tilespmem:s29], [sflag:$0x4], $0x80, $0x38;
	[tilespmem:$0xE800] =	vst v63  }
0x3c8: {  	s30 =	sadd.s32 $0x60, s1;
	s31 =	simm.s32 $0xDE70  }
0x3c9: {  	[hbm4b:s30+s3] =	stream.linear.scatter [tilespmem:s31], [sflag:$0x4], $0x80, $0x38;
	[tilespmem:$0xE800] =	vst v63  }
0x3ca: {  	s1 =	sadd.s32 $0x70, s1;
	s21 =	simm.s32 $0xDEF8  }
0x3cb: {  	[hbm4b:s1+s3] =	stream.linear.scatter [tilespmem:s21], [sflag:$0x4], $0x80, $0x38;
	[tilespmem:$0xE800] =	vst v63  }
0x3cc: {  	s22 =	simm.s32 $0xDF80;
	s1 =	sadd.s32 s0, s12  }
0x3cd: {  	[hbm4b:s1+s3] =	stream.linear.scatter [tilespmem:s22], [sflag:$0x4], $0x80, $0x38;
	[tilespmem:$0xE800] =	vst v63  }
0x3ce: {  	s29 =	simm.s32 $0xE008;
	s28 =	sadd.s32 $0x10, s1  }
0x3cf: {  	[hbm4b:s28+s3] =	stream.linear.scatter [tilespmem:s29], [sflag:$0x4], $0x80, $0x38;
	[tilespmem:$0xE800] =	vst v63  }
0x3d0: {  	s31 =	simm.s32 $0xE090;
	s30 =	sadd.s32 $0x20, s1  }
0x3d1: {  	[hbm4b:s30+s3] =	stream.linear.scatter [tilespmem:s31], [sflag:$0x4], $0x80, $0x38;
	[tilespmem:$0xE800] =	vst v63  }
0x3d2: {  	s21 =	sadd.s32 $0x30, s1;
	s22 =	simm.s32 $0xE118  }
0x3d3: {  	[hbm4b:s21+s3] =	stream.linear.scatter [tilespmem:s22], [sflag:$0x4], $0x80, $0x38;
	[tilespmem:$0xE800] =	vst v63  }
0x3d4: {  	s28 =	sadd.s32 $0x40, s1;
	s29 =	simm.s32 $0xE1A0  }
0x3d5: {  	[hbm4b:s28+s3] =	stream.linear.scatter [tilespmem:s29], [sflag:$0x4], $0x80, $0x38;
	[tilespmem:$0xE800] =	vst v63  }
0x3d6: {  	s30 =	sadd.s32 $0x50, s1;
	s31 =	simm.s32 $0xE228  }
0x3d7: {  	[hbm4b:s30+s3] =	stream.linear.scatter [tilespmem:s31], [sflag:$0x4], $0x80, $0x38;
	[tilespmem:$0xE800] =	vst v63  }
0x3d8: {  	s21 =	sadd.s32 $0x60, s1;
	s22 =	simm.s32 $0xE2B0  }
0x3d9: {  	[hbm4b:s21+s3] =	stream.linear.scatter [tilespmem:s22], [sflag:$0x4], $0x80, $0x38;
	[tilespmem:$0xE800] =	vst v63  }
0x3da: {  	s1 =	sadd.s32 $0x70, s1;
	s28 =	simm.s32 $0xE338  }
0x3db: {  	[hbm4b:s1+s3] =	stream.linear.scatter [tilespmem:s28], [sflag:$0x4], $0x80, $0x38;
	[tilespmem:$0xE800] =	vst v63  }
0x3dc: {  	s0 =	sadd.s32 s0, s13;
	s29 =	simm.s32 $0xE3C0  }
0x3dd: {  	[hbm4b:s0+s3] =	stream.linear.scatter [tilespmem:s29], [sflag:$0x4], $0x80, $0x38;
	[tilespmem:$0xE800] =	vst v63  }
0x3de: {  	s30 =	sadd.s32 $0x10, s0;
	s31 =	simm.s32 $0xE448  }
0x3df: {  	[hbm4b:s30+s3] =	stream.linear.scatter [tilespmem:s31], [sflag:$0x4], $0x80, $0x38;
	[tilespmem:$0xE800] =	vst v63  }
0x3e0: {  	s18 =	simm.s32 $0xE4D0;
	s17 =	sadd.s32 $0x20, s0  }
0x3e1: {  	[hbm4b:s17+s3] =	stream.linear.scatter [tilespmem:s18], [sflag:$0x4], $0x80, $0x38;
	[tilespmem:$0xE800] =	vst v63  }
0x3e2: {  	s21 =	sadd.s32 $0x30, s0;
	s22 =	simm.s32 $0xE558  }
0x3e3: {  	[hbm4b:s21+s3] =	stream.linear.scatter [tilespmem:s22], [sflag:$0x4], $0x80, $0x38;
	[tilespmem:$0xE800] =	vst v63  }
0x3e4: {  	s26 =	sadd.s32 $0x1, s26;
	s28 =	sadd.s32 $0x40, s0;
	s29 =	simm.s32 $0xE5E0  }
0x3e5: {  	[hbm4b:s28+s3] =	stream.linear.scatter [tilespmem:s29], [sflag:$0x4], $0x80, $0x38;
	[tilespmem:$0xE800] =	vst v63  }
0x3e6: {  	p0 =	sne.s32 s26, $0x64;
	s30 =	sadd.s32 $0x50, s0  }
0x3e7: {  	[hbm4b:s30+s3] =	stream.linear.scatter [tilespmem:s23], [sflag:$0x4], $0x80, $0x38;
	[tilespmem:$0xE800] =	vst v63  }
.Ltmp5:
0x3e8: {  	_ = 	snop;
	(pc) =	sbr.rel @p0 .LBB2_2-.Ltmp5, $4  }
0x3e9: {  	s31 =	sadd.s32 $0x60, s0  }
0x3ea: {  	[hbm4b:s31+s3] =	stream.linear.scatter [tilespmem:s24], [sflag:$0x4], $0x80, $0x38;
	[tilespmem:$0xE800] =	vst v63  }
0x3eb: {  	s0 =	sadd.s32 $0x70, s0  }
0x3ec: {  	[hbm4b:s0+s3] =	stream.linear.scatter [tilespmem:s25], [sflag:$0x4], $0x80, $0x38;
	[tilespmem:$0xE800] =	vst v63  }
0x3ed: {  	s0 =	simm.s32 $0x3  }
0x3ee: {  	_ =	swait.ge [sflag:s0], $0x400  }
0x3ef: {  	[sflag:s0] =	ssyncset.done $0x0  }
0x3f0: {  	[sflag:s0] =	ssyncadd.s32 $0xFFFFFC00  }
0x3f1: {  	_ =	swait.ge [sflag:s0], $0x400  }
0x3f2: {  	[sflag:s0] =	ssyncset.done $0x0  }
0x3f3: {  	[sflag:s0] =	ssyncadd.s32 $0xFFFFFC00  }
0x3f4: {  	_ =	swait.ge [sflag:s0], $0x400  }
0x3f5: {  	[sflag:s0] =	ssyncset.done $0x0  }
0x3f6: {  	[sflag:s0] =	ssyncadd.s32 $0xFFFFFC00  }
0x3f7: {  	_ =	swait.ge [sflag:s0], $0x400  }
0x3f8: {  	[sflag:s0] =	ssyncset.done $0x0  }
0x3f9: {  	[sflag:s0] =	ssyncadd.s32 $0xFFFFFC00  }
0x3fa: {  	_ =	swait.ge [sflag:s0], $0x400  }
0x3fb: {  	[sflag:s0] =	ssyncset.done $0x0  }
0x3fc: {  	[sflag:s0] =	ssyncadd.s32 $0xFFFFFC00  }
0x3fd: {  	_ =	swait.ge [sflag:s0], $0x400  }
0x3fe: {  	[sflag:s0] =	ssyncset.done $0x0  }
0x3ff: {  	[sflag:s0] =	ssyncadd.s32 $0xFFFFFC00  }
0x400: {  	_ =	swait.ge [sflag:s0], $0x400  }
0x401: {  	[sflag:s0] =	ssyncset.done $0x0  }
0x402: {  	[sflag:s0] =	ssyncadd.s32 $0xFFFFFC00  }
0x403: {  	_ =	swait.ge [sflag:s0], $0x400  }
0x404: {  	[sflag:s0] =	ssyncset.done $0x0  }
0x405: {  	[sflag:s0] =	ssyncadd.s32 $0xFFFFFC00  }
0x406: {  	_ =	swait.ge [sflag:s14], $0x400  }
0x407: {  	[sflag:s14] =	ssyncset.done $0x0  }
0x408: {  	[sflag:s14] =	ssyncadd.s32 $0xFFFFFC00  }
0x409: {  	_ =	swait.ge [sflag:s14], $0x400  }
0x40a: {  	[sflag:s14] =	ssyncset.done $0x0  }
0x40b: {  	[sflag:s14] =	ssyncadd.s32 $0xFFFFFC00  }
0x40c: {  	_ =	swait.ge [sflag:s14], $0x400  }
0x40d: {  	[sflag:s14] =	ssyncset.done $0x0  }
0x40e: {  	[sflag:s14] =	ssyncadd.s32 $0xFFFFFC00  }
0x40f: {  	_ =	swait.ge [sflag:s14], $0x400  }
0x410: {  	[sflag:s14] =	ssyncset.done $0x0  }
0x411: {  	[sflag:s14] =	ssyncadd.s32 $0xFFFFFC00  }
0x412: {  	_ =	swait.ge [sflag:s14], $0x400  }
0x413: {  	[sflag:s14] =	ssyncset.done $0x0  }
0x414: {  	[sflag:s14] =	ssyncadd.s32 $0xFFFFFC00  }
0x415: {  	_ =	swait.ge [sflag:s14], $0x400  }
0x416: {  	[sflag:s14] =	ssyncset.done $0x0  }
0x417: {  	[sflag:s14] =	ssyncadd.s32 $0xFFFFFC00  }
0x418: {  	_ =	swait.ge [sflag:s14], $0x400  }
0x419: {  	[sflag:s14] =	ssyncset.done $0x0  }
0x41a: {  	[sflag:s14] =	ssyncadd.s32 $0xFFFFFC00  }
0x41b: {  	_ =	swait.ge [sflag:s14], $0x400  }
0x41c: {  	s1 =	rddreg [dreg:$0x5]  }
0x41d: {  	s31 =	rddreg [dreg:$0x4];
	s1 =	sadd.s32 $0x1, s1  }
0x41e: {  	p0 =	sne.s32 s1, s31  }
.Ltmp6:
0x41f: {  	_ = 	snop;
	(pc) =	sbr.rel @p0 .LBB2_1-.Ltmp6, $3  }
0x420: {  	_ =	sdelay $0x1  }
0x421: {  	[sflag:s14] =	ssyncset.done $0x0  }
0x422: {  	[sflag:s14] =	ssyncadd.s32 $0xFFFFFC00  }
0x423: {  	_ =	sfence.sel $0x180000  }
0x424: {  	[bflag:$0x0] =	sbarrier.arrive $0xFFFF  }
0x425: {  	_ =	strace $0x90000047  }
0x426: {  	s0 =	stileid.u32;
	[bflag:$0x2] =	sbarrier.arrive $0xFFFF  }
0x427: {  	p0 =	sne.s32 s0, $0x0;
	s0 =	rddreg [dreg:$0x2]  }
0x428: {  	s0 =	sadd.s32 @!p0 $0x100000, s0  }
0x429: {  	[sflag:s0] =	ssyncadd.tile.s32 @!p0 $0x1;
	_ =	shalt  }
.Lfunc_end2:
_tile_overlayer_lowered:
.L_overlay_start_2:
0x42a: {  	(tag) =	ssettag $0x2  }
0x42b: {  	s0 =	rddreg [dreg:$0x0];
	s2 =	stileid.u32  }
0x42c: {  	s1 =	rddreg [dreg:$0x1];
	p0 =	sne.s32 s2, $0x0  }
0x42d: {  	s3 =	rddreg [dreg:$0x2];
	[bflag:$0x3] =	sbarrier.arrive $0xFFFF;
	s2 =	simm.s32 @!p0 $0x1C05  }
0x42e: {  	[timem:s3], [sflag:s2] =	dma.local @!p0 [hbm:s0], s1  }
0x42f: {  	s0 =	simm.s32 @!p0 $0x5  }
0x430: {  	_ =	swait.ge @!p0 [sflag:s0], s1  }
0x431: {  	s1 =	ssub.s32 @!p0 $0x0, s1;
	[sflag:s0] =	ssyncset.done @!p0 $0x0  }
0x432: {  	[sflag:s0] =	ssyncadd.s32 @!p0 s1  }
0x433: {  	[bflag:$0x3] =	sbarrier.arrive $0xFFFF  }
0x434: {  	_ =	shalt  }

</sc_bundles>
